<compile_context>
chip_gen: v7x
topology: tpu7x:2x2x1
jax: 0.10.2.dev20260603
libtpu: 0.0.44.dev20260713+nightly
codegen_flags: <defaults>
</compile_context>

<pallas_src>
import functools

import jax
import jax.numpy as jnp
from jax import lax
from jax.experimental import pallas as pl
from jax.experimental.pallas import tpu as pltpu
from jax.experimental.pallas import tpu_sc as plsc

NC = 2
NS = 16
K = 128


def _segment_sum_sc(edges, t0, t1):
    C = edges.shape[-3]
    per_core = edges.ndim == 5
    n_rows, d2 = t0.shape
    step = -(-(n_rows + 1) // (8 * NS)) * 8
    rows_pad = step * NS
    mesh = plsc.VectorSubcoreMesh(core_axis_name="c", subcore_axis_name="s")

    @functools.partial(
        pl.kernel,
        out_type=jax.ShapeDtypeStruct((NC, rows_pad, d2), jnp.float32),
        mesh=mesh,
        scratch_types=[
            pltpu.VMEM((4, 2, K), jnp.int32),
            pltpu.VMEM((3, K, d2), jnp.float32),
            pltpu.VMEM_SHARED((rows_pad, d2), jnp.float32),
            pltpu.SemaphoreType.DMA,
            pltpu.SemaphoreType.DMA((3,)),
            pltpu.SemaphoreType.DMA,
            pltpu.SemaphoreType.DMA,
        ],
    )
    def seg_kernel(e_h, t0_h, t1_h, z_h, out_h,
                   idx, rows, agg, sem_i, sem_g, sem_s, sem_z):
        c = lax.axis_index("c")
        s = lax.axis_index("s")

        def eslice(j):
            return e_h.at[c, s, j] if per_core else e_h.at[s, j]

        def issue_idx(j, ip):
            pltpu.async_copy(eslice(j), idx.at[ip], sem_i)

        def wait_idx():
            pltpu.make_async_copy(eslice(0), idx.at[0], sem_i).wait()

        def issue_gather(ip, p):
            @pl.when(c == 0)
            def _():
                pltpu.async_copy(t0_h.at[idx.at[ip, 0]], rows.at[p],
                                 sem_g.at[p])

            @pl.when(c == 1)
            def _():
                pltpu.async_copy(t1_h.at[idx.at[ip, 0]], rows.at[p],
                                 sem_g.at[p])

        def wait_gather(p):
            pltpu.make_async_copy(
                t0_h.at[idx.at[0, 0]], rows.at[p], sem_g.at[p]).wait()

        def issue_scatter(ip, p):
            pltpu.async_copy(rows.at[p], agg.at[idx.at[ip, 1]], sem_s,
                             add=True)

        def wait_scatter():
            pltpu.make_async_copy(
                rows.at[0], agg.at[idx.at[0, 1]], sem_s).wait()

        issue_idx(0, 0)
        zero_dma = pltpu.async_copy(
            z_h, agg.at[pl.ds(s * step, step)], sem_z)
        wait_idx()
        issue_idx(1, 1)
        issue_gather(0, 0)
        wait_idx()
        issue_idx(2, 2)
        issue_gather(1, 1)
        wait_idx()
        issue_idx(3, 3)
        issue_gather(2, 2)
        zero_dma.wait()
        plsc.subcore_barrier()
        wait_gather(0)
        issue_scatter(0, 0)

        def body(j, carry):
            wait_gather(lax.rem(j, 3))
            wait_scatter()
            issue_scatter(lax.rem(j, 4), lax.rem(j, 3))
            wait_idx()
            issue_gather(lax.rem(j + 2, 4), lax.rem(j + 2, 3))
            issue_idx(j + 3, lax.rem(j + 3, 4))
            return carry

        lax.fori_loop(1, C - 3, body, 0)

        wait_gather((C - 3) % 3)
        wait_scatter()
        issue_scatter((C - 3) % 4, (C - 3) % 3)
        wait_idx()
        issue_gather((C - 1) % 4, (C - 1) % 3)
        wait_gather((C - 2) % 3)
        wait_scatter()
        issue_scatter((C - 2) % 4, (C - 2) % 3)
        wait_gather((C - 1) % 3)
        wait_scatter()
        issue_scatter((C - 1) % 4, (C - 1) % 3)
        wait_scatter()

        plsc.subcore_barrier()
        pltpu.sync_copy(agg.at[pl.ds(s * step, step)],
                        out_h.at[c, pl.ds(s * step, step)])

    zeros = jnp.zeros((step, d2), jnp.float32)
    return seg_kernel(edges, t0, t1, zeros)


def _chunk_edges(src, dst, n_rows, n_workers):
    n_edges = src.shape[0]
    epw = -(-n_edges // (n_workers * K)) * K
    e_pad = epw * n_workers
    c_chunks = epw // K
    pad = e_pad - n_edges
    cyc = jnp.arange(pad, dtype=jnp.int32) % 96
    src = jnp.concatenate([src, cyc])
    dst = jnp.concatenate([dst, n_rows + cyc])
    return jnp.stack(
        [src.reshape(n_workers, c_chunks, K),
         dst.reshape(n_workers, c_chunks, K)], axis=2)


def _dotT(a, w):
    return lax.dot_general(a, w, (((1,), (1,)), ((), ())),
                           preferred_element_type=jnp.float32)


def _conv_first(agg, x, wrel, b, wroot, bn=1000):
    n_rows = x.shape[0]
    h_dim = wrel.shape[0]
    d2 = agg.shape[2]

    def body(agg_ref, x_ref, wrel_ref, b_ref, wroot_ref, o0_ref, o1_ref):
        a = agg_ref[0] + agg_ref[1]
        h = _dotT(a, wrel_ref[...]) + _dotT(x_ref[...], wroot_ref[...])
        h = jnp.maximum(h + b_ref[...], 0.0)
        o0_ref[...] = h[:, : h_dim // 2]
        o1_ref[...] = h[:, h_dim // 2:]

    return pl.pallas_call(
        body,
        grid=(n_rows // bn,),
        in_specs=[
            pl.BlockSpec((2, bn, d2), lambda i: (0, i, 0)),
            pl.BlockSpec((bn, x.shape[1]), lambda i: (i, 0)),
            pl.BlockSpec(wrel.shape, lambda i: (0, 0)),
            pl.BlockSpec((1, h_dim), lambda i: (0, 0)),
            pl.BlockSpec(wroot.shape, lambda i: (0, 0)),
        ],
        out_specs=[pl.BlockSpec((bn, h_dim // 2), lambda i: (i, 0)),
                   pl.BlockSpec((bn, h_dim // 2), lambda i: (i, 0))],
        out_shape=[jax.ShapeDtypeStruct((n_rows, h_dim // 2), jnp.float32),
                   jax.ShapeDtypeStruct((n_rows, h_dim // 2), jnp.float32)],
    )(agg, x, wrel, b.reshape(1, -1), wroot)


def _conv_mid(agg, hp0, hp1, wrel, b, wroot, bn=1000):
    n_rows = hp0.shape[0]
    h_dim = wrel.shape[0]
    d2 = agg.shape[2]

    def body(agg_ref, hp0_ref, hp1_ref, wrel_ref, b_ref, wroot_ref,
             o0_ref, o1_ref):
        a = jnp.concatenate([agg_ref[0], agg_ref[1]], axis=-1)
        xp = jnp.concatenate([hp0_ref[...], hp1_ref[...]], axis=-1)
        h = _dotT(a, wrel_ref[...]) + _dotT(xp, wroot_ref[...])
        h = jnp.maximum(h + b_ref[...], 0.0)
        o0_ref[...] = h[:, : h_dim // 2]
        o1_ref[...] = h[:, h_dim // 2:]

    return pl.pallas_call(
        body,
        grid=(n_rows // bn,),
        in_specs=[
            pl.BlockSpec((2, bn, d2), lambda i: (0, i, 0)),
            pl.BlockSpec((bn, hp0.shape[1]), lambda i: (i, 0)),
            pl.BlockSpec((bn, hp1.shape[1]), lambda i: (i, 0)),
            pl.BlockSpec(wrel.shape, lambda i: (0, 0)),
            pl.BlockSpec((1, h_dim), lambda i: (0, 0)),
            pl.BlockSpec(wroot.shape, lambda i: (0, 0)),
        ],
        out_specs=[pl.BlockSpec((bn, h_dim // 2), lambda i: (i, 0)),
                   pl.BlockSpec((bn, h_dim // 2), lambda i: (i, 0))],
        out_shape=[jax.ShapeDtypeStruct((n_rows, h_dim // 2), jnp.float32),
                   jax.ShapeDtypeStruct((n_rows, h_dim // 2), jnp.float32)],
    )(agg, hp0, hp1, wrel, b.reshape(1, -1), wroot)


def _conv_last(agg, hp0, hp1, wrel, b, wroot, wlin, blin, bn=1000):
    n_rows = hp0.shape[0]
    h_dim = wrel.shape[0]
    d2 = agg.shape[2]
    o_dim = wlin.shape[0]

    def body(agg_ref, hp0_ref, hp1_ref, wrel_ref, b_ref, wroot_ref,
             wlin_ref, blin_ref, out_ref):
        a = jnp.concatenate([agg_ref[0], agg_ref[1]], axis=-1)
        xp = jnp.concatenate([hp0_ref[...], hp1_ref[...]], axis=-1)
        h = _dotT(a, wrel_ref[...]) + _dotT(xp, wroot_ref[...])
        h = jnp.maximum(h + b_ref[...], 0.0)
        out_ref[...] = _dotT(h, wlin_ref[...]) + blin_ref[...]

    return pl.pallas_call(
        body,
        grid=(n_rows // bn,),
        in_specs=[
            pl.BlockSpec((2, bn, d2), lambda i: (0, i, 0)),
            pl.BlockSpec((bn, hp0.shape[1]), lambda i: (i, 0)),
            pl.BlockSpec((bn, hp1.shape[1]), lambda i: (i, 0)),
            pl.BlockSpec(wrel.shape, lambda i: (0, 0)),
            pl.BlockSpec((1, h_dim), lambda i: (0, 0)),
            pl.BlockSpec(wroot.shape, lambda i: (0, 0)),
            pl.BlockSpec(wlin.shape, lambda i: (0, 0)),
            pl.BlockSpec((1, o_dim), lambda i: (0, 0)),
        ],
        out_specs=pl.BlockSpec((bn, o_dim), lambda i: (i, 0)),
        out_shape=jax.ShapeDtypeStruct((n_rows, o_dim), jnp.float32),
    )(agg, hp0, hp1, wrel, b.reshape(1, -1), wroot, wlin,
      blin.reshape(1, -1))


def kernel(x, edge_index, W1_rel, b1, W1_root, W2_rel, b2, W2_root,
           W3_rel, b3, W3_root, W_lin, b_lin):
    n_rows, _ = x.shape
    src = edge_index[0]
    dst = edge_index[1]

    e1 = _chunk_edges(src, dst, n_rows, NC * NS)
    e1 = e1.reshape(NC, NS, -1, 2, K)
    e2 = _chunk_edges(src, dst, n_rows, NS)

    agg1 = _segment_sum_sc(e1, x, x)
    h1a, h1b = _conv_first(agg1, x, W1_rel, b1, W1_root)

    agg2 = _segment_sum_sc(e2, h1a, h1b)
    h2a, h2b = _conv_mid(agg2, h1a, h1b, W2_rel, b2, W2_root)

    agg3 = _segment_sum_sc(e2, h2a, h2b)
    return _conv_last(agg3, h2a, h2b, W3_rel, b3, W3_root, W_lin, b_lin)

# --- scband reference (transcript-rebuilt; emitter-appended) ---
"""Pipeline reference for scband-gcn-20770461843605 (READ-ONLY COPY).

The authoritative reference and input builder live on the scoring server;
editing this copy changes nothing except your own understanding.
"""

import jax, jax.numpy as jnp
import numpy as np

N = 10000
E = 320000
F = 128
H = 256
O = 16


def setup_inputs(seed: int = 0) -> dict:
    key = jax.random.key(seed)
    ks = jax.random.split(key, 14)
    x = jax.random.normal(ks[0], (N, F), dtype=jnp.float32)
    edge_index = jax.random.randint(ks[1], (2, E), 0, N, dtype=jnp.int32)
    def lin(k, out_d, in_d):
        s = 1.0 / np.sqrt(in_d)
        return jax.random.uniform(k, (out_d, in_d), jnp.float32, -s, s)
    def bias(k, out_d, in_d):
        s = 1.0 / np.sqrt(in_d)
        return jax.random.uniform(k, (out_d,), jnp.float32, -s, s)
    return {
        'x': x,
        'edge_index': edge_index,
        'W1_rel': lin(ks[2], H, F), 'b1': bias(ks[3], H, F), 'W1_root': lin(ks[4], H, F),
        'W2_rel': lin(ks[5], H, H), 'b2': bias(ks[6], H, H), 'W2_root': lin(ks[7], H, H),
        'W3_rel': lin(ks[8], H, H), 'b3': bias(ks[9], H, H), 'W3_root': lin(ks[10], H, H),
        'W_lin': lin(ks[11], O, H), 'b_lin': bias(ks[12], O, H),
    }


def _graph_conv(x, edge_index, W_rel, b, W_root):
    # PyG GraphConv (aggr='add'): out_i = lin_rel(sum_{j in N(i)} x_j) + lin_root(x_i)
    src = edge_index[0]
    dst = edge_index[1]
    msgs = jnp.take(x, src, axis=0)
    agg = jax.ops.segment_sum(msgs, dst, num_segments=N)
    return agg @ W_rel.T + b + x @ W_root.T


def reference(x, edge_index, W1_rel, b1, W1_root, W2_rel, b2, W2_root, W3_rel, b3, W3_root, W_lin, b_lin):
    h = _graph_conv(x, edge_index, W1_rel, b1, W1_root)
    h = jax.nn.relu(h)
    h = _graph_conv(h, edge_index, W2_rel, b2, W2_root)
    h = jax.nn.relu(h)
    h = _graph_conv(h, edge_index, W3_rel, b3, W3_root)
    h = jax.nn.relu(h)
    out = h @ W_lin.T + b_lin
    return out

if __name__ == "__main__":
    import jax
    _d = setup_inputs()
    print(jax.jit(kernel)(*tuple(_d.values())))

</pallas_src>

<mosaic_0001>
#map = affine_map<(d0, d1) -> (0, 0, 0, 0, 0)>
#map1 = affine_map<(d0, d1) -> (0, 0)>
#map2 = affine_map<(d0, d1) -> (0, 0, 0)>
module attributes {stable_mosaic.version = 14 : i64} {
  func.func @seg_kernel(%arg0: i32, %arg1: i32, %arg2: memref<2x16x79x2x128xi32, #tpu.memory_space<hbm>>, %arg3: memref<10000x128xf32, #tpu.memory_space<hbm>>, %arg4: memref<10000x128xf32, #tpu.memory_space<hbm>>, %arg5: memref<632x128xf32, #tpu.memory_space<hbm>>, %arg6: memref<2x10112x128xf32, #tpu.memory_space<hbm>>, %arg7: memref<4x2x128xi32, #tpu.memory_space<vmem>>, %arg8: memref<3x128x128xf32, #tpu.memory_space<vmem>>, %arg9: memref<10112x128xf32, #tpu.memory_space<vmem_shared>>, %arg10: memref<!tpu.dma_semaphore, #tpu.memory_space<semaphore_mem>>, %arg11: memref<3x!tpu.dma_semaphore, #tpu.memory_space<semaphore_mem>>, %arg12: memref<!tpu.dma_semaphore, #tpu.memory_space<semaphore_mem>>, %arg13: memref<!tpu.dma_semaphore, #tpu.memory_space<semaphore_mem>>) attributes {dimension_semantics = [#tpu.dimension_semantics<core_parallel>, #tpu.dimension_semantics<subcore_parallel>], iteration_bounds = array<i64: 2, 16>, scalar_prefetch = 0 : i64, scratch_operands = 7 : i64, tpu.core_type = #tpu.core_type<sc_vector_subcore>, window_params = [{transform_indices = #map}, {transform_indices = #map1}, {transform_indices = #map1}, {transform_indices = #map1}, {transform_indices = #map2}]} {
    %dma_start3A = arith.constant 0 : i32
    %dma_start3A_0 = arith.constant 0 : i32
    %dma_start3A_1 = arith.constant 0 : i32
    %dma_start3A_2 = arith.constant 0 : i32
    %dma_start3A_3 = tpu.memref_slice %arg7[%dma_start3A_0, %dma_start3A_1, %dma_start3A_2] : memref<4x2x128xi32, #tpu.memory_space<vmem>> -> memref<1x2x128xi32, #tpu.memory_space<vmem>>
    %dma_start3A_4 = tpu.memref_squeeze %dma_start3A_3 : memref<1x2x128xi32, #tpu.memory_space<vmem>> -> memref<2x128xi32, #tpu.memory_space<vmem>>
    %dma_start3A_5 = arith.constant 0 : i32
    %dma_start3A_6 = arith.constant 0 : i32
    %dma_start3A_7 = tpu.memref_slice %arg2[%arg0, %arg1, %dma_start3A, %dma_start3A_5, %dma_start3A_6] : memref<2x16x79x2x128xi32, #tpu.memory_space<hbm>> -> memref<1x1x1x2x128xi32, #tpu.memory_space<hbm>>
    %dma_start3A_8 = tpu.memref_squeeze %dma_start3A_7 : memref<1x1x1x2x128xi32, #tpu.memory_space<hbm>> -> memref<2x128xi32, #tpu.memory_space<hbm>>
    %dma_start3A_9 = arith.constant 0 : i32
    %dma_start3A_10 = arith.constant 0 : i32
    %dma_start3A_11 = tpu.memref_slice %arg7[%dma_start3A_0, %dma_start3A_9, %dma_start3A_10] : memref<4x2x128xi32, #tpu.memory_space<vmem>> -> memref<1x2x128xi32, #tpu.memory_space<vmem>>
    %dma_start3A_12 = tpu.memref_squeeze %dma_start3A_11 : memref<1x2x128xi32, #tpu.memory_space<vmem>> -> memref<2x128xi32, #tpu.memory_space<vmem>>
    %dma_start3A_13 = arith.constant 0 : i32
    %dma_start3A_14 = arith.constant 0 : i32
    %dma_start3A_15 = tpu.memref_slice %arg2[%arg0, %arg1, %dma_start3A, %dma_start3A_13, %dma_start3A_14] : memref<2x16x79x2x128xi32, #tpu.memory_space<hbm>> -> memref<1x1x1x2x128xi32, #tpu.memory_space<hbm>>
    %dma_start3A_16 = tpu.memref_squeeze %dma_start3A_15 : memref<1x1x1x2x128xi32, #tpu.memory_space<hbm>> -> memref<2x128xi32, #tpu.memory_space<hbm>>
    tpu.enqueue_dma source(%dma_start3A_16 : memref<2x128xi32, #tpu.memory_space<hbm>>) target(%dma_start3A_12 : memref<2x128xi32, #tpu.memory_space<vmem>>) target_semaphore(%arg10 : memref<!tpu.dma_semaphore, #tpu.memory_space<semaphore_mem>>)
    %mul3A = arith.constant 632 : i32
    %mul3A_17 = arith.muli %arg1, %mul3A : i32
    %dma_start3A_18 = arith.constant 0 : i32
    %dma_start3A_19 = tpu.memref_slice %arg9[%mul3A_17, %dma_start3A_18] : memref<10112x128xf32, #tpu.memory_space<vmem_shared>> -> memref<632x128xf32, #tpu.memory_space<vmem_shared>>
    tpu.enqueue_dma source(%arg5 : memref<632x128xf32, #tpu.memory_space<hbm>>) target(%dma_start3A_19 : memref<632x128xf32, #tpu.memory_space<vmem_shared>>) target_semaphore(%arg13 : memref<!tpu.dma_semaphore, #tpu.memory_space<semaphore_mem>>)
    %dma_wait3A = arith.constant 0 : i32
    %dma_wait3A_20 = arith.constant 0 : i32
    %dma_wait3A_21 = arith.constant 0 : i32
    %dma_wait3A_22 = arith.constant 0 : i32
    %dma_wait3A_23 = tpu.memref_slice %arg7[%dma_wait3A_20, %dma_wait3A_21, %dma_wait3A_22] : memref<4x2x128xi32, #tpu.memory_space<vmem>> -> memref<1x2x128xi32, #tpu.memory_space<vmem>>
    %dma_wait3A_24 = tpu.memref_squeeze %dma_wait3A_23 : memref<1x2x128xi32, #tpu.memory_space<vmem>> -> memref<2x128xi32, #tpu.memory_space<vmem>>
    %dma_wait3A_25 = arith.constant 0 : i32
    %dma_wait3A_26 = arith.constant 0 : i32
    %dma_wait3A_27 = tpu.memref_slice %arg2[%arg0, %arg1, %dma_wait3A, %dma_wait3A_25, %dma_wait3A_26] : memref<2x16x79x2x128xi32, #tpu.memory_space<hbm>> -> memref<1x1x1x2x128xi32, #tpu.memory_space<hbm>>
    %dma_wait3A_28 = tpu.memref_squeeze %dma_wait3A_27 : memref<1x1x1x2x128xi32, #tpu.memory_space<hbm>> -> memref<2x128xi32, #tpu.memory_space<hbm>>
    %dma_wait3A_29 = arith.constant 0 : i32
    %dma_wait3A_30 = arith.constant 0 : i32
    %dma_wait3A_31 = tpu.memref_slice %arg7[%dma_wait3A_20, %dma_wait3A_29, %dma_wait3A_30] : memref<4x2x128xi32, #tpu.memory_space<vmem>> -> memref<1x2x128xi32, #tpu.memory_space<vmem>>
    %dma_wait3A_32 = tpu.memref_squeeze %dma_wait3A_31 : memref<1x2x128xi32, #tpu.memory_space<vmem>> -> memref<2x128xi32, #tpu.memory_space<vmem>>
    %dma_wait3A_33 = arith.constant 0 : i32
    %dma_wait3A_34 = arith.constant 0 : i32
    %dma_wait3A_35 = tpu.memref_slice %arg2[%arg0, %arg1, %dma_wait3A, %dma_wait3A_33, %dma_wait3A_34] : memref<2x16x79x2x128xi32, #tpu.memory_space<hbm>> -> memref<1x1x1x2x128xi32, #tpu.memory_space<hbm>>
    %dma_wait3A_36 = tpu.memref_squeeze %dma_wait3A_35 : memref<1x1x1x2x128xi32, #tpu.memory_space<hbm>> -> memref<2x128xi32, #tpu.memory_space<hbm>>
    tpu.wait_dma2 semaphore(%arg10 : memref<!tpu.dma_semaphore, #tpu.memory_space<semaphore_mem>>) src(%dma_wait3A_36 : memref<2x128xi32, #tpu.memory_space<hbm>>) dst(%dma_wait3A_32 : memref<2x128xi32, #tpu.memory_space<vmem>>)
    %dma_start3A_37 = arith.constant 1 : i32
    %dma_start3A_38 = arith.constant 1 : i32
    %dma_start3A_39 = arith.constant 0 : i32
    %dma_start3A_40 = arith.constant 0 : i32
    %dma_start3A_41 = tpu.memref_slice %arg7[%dma_start3A_38, %dma_start3A_39, %dma_start3A_40] : memref<4x2x128xi32, #tpu.memory_space<vmem>> -> memref<1x2x128xi32, #tpu.memory_space<vmem>>
    %dma_start3A_42 = tpu.memref_squeeze %dma_start3A_41 : memref<1x2x128xi32, #tpu.memory_space<vmem>> -> memref<2x128xi32, #tpu.memory_space<vmem>>
    %dma_start3A_43 = arith.constant 0 : i32
    %dma_start3A_44 = arith.constant 0 : i32
    %dma_start3A_45 = tpu.memref_slice %arg2[%arg0, %arg1, %dma_start3A_37, %dma_start3A_43, %dma_start3A_44] : memref<2x16x79x2x128xi32, #tpu.memory_space<hbm>> -> memref<1x1x1x2x128xi32, #tpu.memory_space<hbm>>
    %dma_start3A_46 = tpu.memref_squeeze %dma_start3A_45 : memref<1x1x1x2x128xi32, #tpu.memory_space<hbm>> -> memref<2x128xi32, #tpu.memory_space<hbm>>
    %dma_start3A_47 = arith.constant 0 : i32
    %dma_start3A_48 = arith.constant 0 : i32
    %dma_start3A_49 = tpu.memref_slice %arg7[%dma_start3A_38, %dma_start3A_47, %dma_start3A_48] : memref<4x2x128xi32, #tpu.memory_space<vmem>> -> memref<1x2x128xi32, #tpu.memory_space<vmem>>
    %dma_start3A_50 = tpu.memref_squeeze %dma_start3A_49 : memref<1x2x128xi32, #tpu.memory_space<vmem>> -> memref<2x128xi32, #tpu.memory_space<vmem>>
    %dma_start3A_51 = arith.constant 0 : i32
    %dma_start3A_52 = arith.constant 0 : i32
    %dma_start3A_53 = tpu.memref_slice %arg2[%arg0, %arg1, %dma_start3A_37, %dma_start3A_51, %dma_start3A_52] : memref<2x16x79x2x128xi32, #tpu.memory_space<hbm>> -> memref<1x1x1x2x128xi32, #tpu.memory_space<hbm>>
    %dma_start3A_54 = tpu.memref_squeeze %dma_start3A_53 : memref<1x1x1x2x128xi32, #tpu.memory_space<hbm>> -> memref<2x128xi32, #tpu.memory_space<hbm>>
    tpu.enqueue_dma source(%dma_start3A_54 : memref<2x128xi32, #tpu.memory_space<hbm>>) target(%dma_start3A_50 : memref<2x128xi32, #tpu.memory_space<vmem>>) target_semaphore(%arg10 : memref<!tpu.dma_semaphore, #tpu.memory_space<semaphore_mem>>)
    %eq3A = arith.constant 0 : i32
    %eq3A_55 = arith.cmpi eq, %arg0, %eq3A : i32
    %convert_element_type3A = arith.extui %eq3A_55 : i1 to i32
    %cond3A = arith.constant 0 : i32
    %cond3A_56 = arith.cmpi ne, %convert_element_type3A, %cond3A : i32
    scf.if %cond3A_56 {
      %dma_start3A_362 = arith.constant 0 : i32
      %dma_start3A_363 = arith.constant 0 : i32
      %dma_start3A_364 = arith.constant 0 : i32
      %dma_start3A_365 = arith.constant 0 : i32
      %dma_start3A_366 = arith.constant 0 : i32
      %dma_start3A_367 = arith.constant 0 : i32
      %dma_start3A_368 = tpu.memref_slice %arg8[%dma_start3A_364, %dma_start3A_366, %dma_start3A_367] : memref<3x128x128xf32, #tpu.memory_space<vmem>> -> memref<1x128x128xf32, #tpu.memory_space<vmem>>
      %dma_start3A_369 = tpu.memref_squeeze %dma_start3A_368 : memref<1x128x128xf32, #tpu.memory_space<vmem>> -> memref<128x128xf32, #tpu.memory_space<vmem>>
      %dma_start3A_370 = arith.constant 0 : i32
      %dma_start3A_371 = tpu.memref_slice %arg7[%dma_start3A_362, %dma_start3A_363, %dma_start3A_370] : memref<4x2x128xi32, #tpu.memory_space<vmem>> -> memref<1x1x128xi32, #tpu.memory_space<vmem>>
      %dma_start3A_372 = tpu.memref_squeeze %dma_start3A_371 : memref<1x1x128xi32, #tpu.memory_space<vmem>> -> memref<128xi32, #tpu.memory_space<vmem>>
      %dma_start3A_373 = arith.constant 0 : i32
      %dma_start3A_374 = arith.constant 0 : i32
      %dma_start3A_375 = tpu.memref_slice %arg3[%dma_start3A_373, %dma_start3A_374] : memref<10000x128xf32, #tpu.memory_space<hbm>> -> memref<10000x128xf32, #tpu.memory_space<hbm>>
      %dma_start3A_376 = tpu.memref_slice %arg11[%dma_start3A_365] : memref<3x!tpu.dma_semaphore, #tpu.memory_space<semaphore_mem>> -> memref<1x!tpu.dma_semaphore, #tpu.memory_space<semaphore_mem>>
      %dma_start3A_377 = tpu.memref_squeeze %dma_start3A_376 : memref<1x!tpu.dma_semaphore, #tpu.memory_space<semaphore_mem>> -> memref<!tpu.dma_semaphore, #tpu.memory_space<semaphore_mem>>
      tpu.enqueue_indirect_dma source(%dma_start3A_375 : memref<10000x128xf32, #tpu.memory_space<hbm>>) target(%dma_start3A_369 : memref<128x128xf32, #tpu.memory_space<vmem>>) offsets(%dma_start3A_372 : memref<128xi32, #tpu.memory_space<vmem>>) semaphore(%dma_start3A_377 : memref<!tpu.dma_semaphore, #tpu.memory_space<semaphore_mem>>)
    } else {
    }
    %eq3A_57 = arith.constant 1 : i32
    %eq3A_58 = arith.cmpi eq, %arg0, %eq3A_57 : i32
    %convert_element_type3A_59 = arith.extui %eq3A_58 : i1 to i32
    %cond3A_60 = arith.constant 0 : i32
    %cond3A_61 = arith.cmpi ne, %convert_element_type3A_59, %cond3A_60 : i32
    scf.if %cond3A_61 {
      %dma_start3A_362 = arith.constant 0 : i32
      %dma_start3A_363 = arith.constant 0 : i32
      %dma_start3A_364 = arith.constant 0 : i32
      %dma_start3A_365 = arith.constant 0 : i32
      %dma_start3A_366 = arith.constant 0 : i32
      %dma_start3A_367 = arith.constant 0 : i32
      %dma_start3A_368 = tpu.memref_slice %arg8[%dma_start3A_364, %dma_start3A_366, %dma_start3A_367] : memref<3x128x128xf32, #tpu.memory_space<vmem>> -> memref<1x128x128xf32, #tpu.memory_space<vmem>>
      %dma_start3A_369 = tpu.memref_squeeze %dma_start3A_368 : memref<1x128x128xf32, #tpu.memory_space<vmem>> -> memref<128x128xf32, #tpu.memory_space<vmem>>
      %dma_start3A_370 = arith.constant 0 : i32
      %dma_start3A_371 = tpu.memref_slice %arg7[%dma_start3A_362, %dma_start3A_363, %dma_start3A_370] : memref<4x2x128xi32, #tpu.memory_space<vmem>> -> memref<1x1x128xi32, #tpu.memory_space<vmem>>
      %dma_start3A_372 = tpu.memref_squeeze %dma_start3A_371 : memref<1x1x128xi32, #tpu.memory_space<vmem>> -> memref<128xi32, #tpu.memory_space<vmem>>
      %dma_start3A_373 = arith.constant 0 : i32
      %dma_start3A_374 = arith.constant 0 : i32
      %dma_start3A_375 = tpu.memref_slice %arg4[%dma_start3A_373, %dma_start3A_374] : memref<10000x128xf32, #tpu.memory_space<hbm>> -> memref<10000x128xf32, #tpu.memory_space<hbm>>
      %dma_start3A_376 = tpu.memref_slice %arg11[%dma_start3A_365] : memref<3x!tpu.dma_semaphore, #tpu.memory_space<semaphore_mem>> -> memref<1x!tpu.dma_semaphore, #tpu.memory_space<semaphore_mem>>
      %dma_start3A_377 = tpu.memref_squeeze %dma_start3A_376 : memref<1x!tpu.dma_semaphore, #tpu.memory_space<semaphore_mem>> -> memref<!tpu.dma_semaphore, #tpu.memory_space<semaphore_mem>>
      tpu.enqueue_indirect_dma source(%dma_start3A_375 : memref<10000x128xf32, #tpu.memory_space<hbm>>) target(%dma_start3A_369 : memref<128x128xf32, #tpu.memory_space<vmem>>) offsets(%dma_start3A_372 : memref<128xi32, #tpu.memory_space<vmem>>) semaphore(%dma_start3A_377 : memref<!tpu.dma_semaphore, #tpu.memory_space<semaphore_mem>>)
    } else {
    }
    %dma_wait3A_62 = arith.constant 0 : i32
    %dma_wait3A_63 = arith.constant 0 : i32
    %dma_wait3A_64 = arith.constant 0 : i32
    %dma_wait3A_65 = arith.constant 0 : i32
    %dma_wait3A_66 = tpu.memref_slice %arg7[%dma_wait3A_63, %dma_wait3A_64, %dma_wait3A_65] : memref<4x2x128xi32, #tpu.memory_space<vmem>> -> memref<1x2x128xi32, #tpu.memory_space<vmem>>
    %dma_wait3A_67 = tpu.memref_squeeze %dma_wait3A_66 : memref<1x2x128xi32, #tpu.memory_space<vmem>> -> memref<2x128xi32, #tpu.memory_space<vmem>>
    %dma_wait3A_68 = arith.constant 0 : i32
    %dma_wait3A_69 = arith.constant 0 : i32
    %dma_wait3A_70 = tpu.memref_slice %arg2[%arg0, %arg1, %dma_wait3A_62, %dma_wait3A_68, %dma_wait3A_69] : memref<2x16x79x2x128xi32, #tpu.memory_space<hbm>> -> memref<1x1x1x2x128xi32, #tpu.memory_space<hbm>>
    %dma_wait3A_71 = tpu.memref_squeeze %dma_wait3A_70 : memref<1x1x1x2x128xi32, #tpu.memory_space<hbm>> -> memref<2x128xi32, #tpu.memory_space<hbm>>
    %dma_wait3A_72 = arith.constant 0 : i32
    %dma_wait3A_73 = arith.constant 0 : i32
    %dma_wait3A_74 = tpu.memref_slice %arg7[%dma_wait3A_63, %dma_wait3A_72, %dma_wait3A_73] : memref<4x2x128xi32, #tpu.memory_space<vmem>> -> memref<1x2x128xi32, #tpu.memory_space<vmem>>
    %dma_wait3A_75 = tpu.memref_squeeze %dma_wait3A_74 : memref<1x2x128xi32, #tpu.memory_space<vmem>> -> memref<2x128xi32, #tpu.memory_space<vmem>>
    %dma_wait3A_76 = arith.constant 0 : i32
    %dma_wait3A_77 = arith.constant 0 : i32
    %dma_wait3A_78 = tpu.memref_slice %arg2[%arg0, %arg1, %dma_wait3A_62, %dma_wait3A_76, %dma_wait3A_77] : memref<2x16x79x2x128xi32, #tpu.memory_space<hbm>> -> memref<1x1x1x2x128xi32, #tpu.memory_space<hbm>>
    %dma_wait3A_79 = tpu.memref_squeeze %dma_wait3A_78 : memref<1x1x1x2x128xi32, #tpu.memory_space<hbm>> -> memref<2x128xi32, #tpu.memory_space<hbm>>
    tpu.wait_dma2 semaphore(%arg10 : memref<!tpu.dma_semaphore, #tpu.memory_space<semaphore_mem>>) src(%dma_wait3A_79 : memref<2x128xi32, #tpu.memory_space<hbm>>) dst(%dma_wait3A_75 : memref<2x128xi32, #tpu.memory_space<vmem>>)
    %dma_start3A_80 = arith.constant 2 : i32
    %dma_start3A_81 = arith.constant 2 : i32
    %dma_start3A_82 = arith.constant 0 : i32
    %dma_start3A_83 = arith.constant 0 : i32
    %dma_start3A_84 = tpu.memref_slice %arg7[%dma_start3A_81, %dma_start3A_82, %dma_start3A_83] : memref<4x2x128xi32, #tpu.memory_space<vmem>> -> memref<1x2x128xi32, #tpu.memory_space<vmem>>
    %dma_start3A_85 = tpu.memref_squeeze %dma_start3A_84 : memref<1x2x128xi32, #tpu.memory_space<vmem>> -> memref<2x128xi32, #tpu.memory_space<vmem>>
    %dma_start3A_86 = arith.constant 0 : i32
    %dma_start3A_87 = arith.constant 0 : i32
    %dma_start3A_88 = tpu.memref_slice %arg2[%arg0, %arg1, %dma_start3A_80, %dma_start3A_86, %dma_start3A_87] : memref<2x16x79x2x128xi32, #tpu.memory_space<hbm>> -> memref<1x1x1x2x128xi32, #tpu.memory_space<hbm>>
    %dma_start3A_89 = tpu.memref_squeeze %dma_start3A_88 : memref<1x1x1x2x128xi32, #tpu.memory_space<hbm>> -> memref<2x128xi32, #tpu.memory_space<hbm>>
    %dma_start3A_90 = arith.constant 0 : i32
    %dma_start3A_91 = arith.constant 0 : i32
    %dma_start3A_92 = tpu.memref_slice %arg7[%dma_start3A_81, %dma_start3A_90, %dma_start3A_91] : memref<4x2x128xi32, #tpu.memory_space<vmem>> -> memref<1x2x128xi32, #tpu.memory_space<vmem>>
    %dma_start3A_93 = tpu.memref_squeeze %dma_start3A_92 : memref<1x2x128xi32, #tpu.memory_space<vmem>> -> memref<2x128xi32, #tpu.memory_space<vmem>>
    %dma_start3A_94 = arith.constant 0 : i32
    %dma_start3A_95 = arith.constant 0 : i32
    %dma_start3A_96 = tpu.memref_slice %arg2[%arg0, %arg1, %dma_start3A_80, %dma_start3A_94, %dma_start3A_95] : memref<2x16x79x2x128xi32, #tpu.memory_space<hbm>> -> memref<1x1x1x2x128xi32, #tpu.memory_space<hbm>>
    %dma_start3A_97 = tpu.memref_squeeze %dma_start3A_96 : memref<1x1x1x2x128xi32, #tpu.memory_space<hbm>> -> memref<2x128xi32, #tpu.memory_space<hbm>>
    tpu.enqueue_dma source(%dma_start3A_97 : memref<2x128xi32, #tpu.memory_space<hbm>>) target(%dma_start3A_93 : memref<2x128xi32, #tpu.memory_space<vmem>>) target_semaphore(%arg10 : memref<!tpu.dma_semaphore, #tpu.memory_space<semaphore_mem>>)
    %eq3A_98 = arith.constant 0 : i32
    %eq3A_99 = arith.cmpi eq, %arg0, %eq3A_98 : i32
    %convert_element_type3A_100 = arith.extui %eq3A_99 : i1 to i32
    %cond3A_101 = arith.constant 0 : i32
    %cond3A_102 = arith.cmpi ne, %convert_element_type3A_100, %cond3A_101 : i32
    scf.if %cond3A_102 {
      %dma_start3A_362 = arith.constant 1 : i32
      %dma_start3A_363 = arith.constant 0 : i32
      %dma_start3A_364 = arith.constant 1 : i32
      %dma_start3A_365 = arith.constant 1 : i32
      %dma_start3A_366 = arith.constant 0 : i32
      %dma_start3A_367 = arith.constant 0 : i32
      %dma_start3A_368 = tpu.memref_slice %arg8[%dma_start3A_364, %dma_start3A_366, %dma_start3A_367] : memref<3x128x128xf32, #tpu.memory_space<vmem>> -> memref<1x128x128xf32, #tpu.memory_space<vmem>>
      %dma_start3A_369 = tpu.memref_squeeze %dma_start3A_368 : memref<1x128x128xf32, #tpu.memory_space<vmem>> -> memref<128x128xf32, #tpu.memory_space<vmem>>
      %dma_start3A_370 = arith.constant 0 : i32
      %dma_start3A_371 = tpu.memref_slice %arg7[%dma_start3A_362, %dma_start3A_363, %dma_start3A_370] : memref<4x2x128xi32, #tpu.memory_space<vmem>> -> memref<1x1x128xi32, #tpu.memory_space<vmem>>
      %dma_start3A_372 = tpu.memref_squeeze %dma_start3A_371 : memref<1x1x128xi32, #tpu.memory_space<vmem>> -> memref<128xi32, #tpu.memory_space<vmem>>
      %dma_start3A_373 = arith.constant 0 : i32
      %dma_start3A_374 = arith.constant 0 : i32
      %dma_start3A_375 = tpu.memref_slice %arg3[%dma_start3A_373, %dma_start3A_374] : memref<10000x128xf32, #tpu.memory_space<hbm>> -> memref<10000x128xf32, #tpu.memory_space<hbm>>
      %dma_start3A_376 = tpu.memref_slice %arg11[%dma_start3A_365] : memref<3x!tpu.dma_semaphore, #tpu.memory_space<semaphore_mem>> -> memref<1x!tpu.dma_semaphore, #tpu.memory_space<semaphore_mem>>
      %dma_start3A_377 = tpu.memref_squeeze %dma_start3A_376 : memref<1x!tpu.dma_semaphore, #tpu.memory_space<semaphore_mem>> -> memref<!tpu.dma_semaphore, #tpu.memory_space<semaphore_mem>>
      tpu.enqueue_indirect_dma source(%dma_start3A_375 : memref<10000x128xf32, #tpu.memory_space<hbm>>) target(%dma_start3A_369 : memref<128x128xf32, #tpu.memory_space<vmem>>) offsets(%dma_start3A_372 : memref<128xi32, #tpu.memory_space<vmem>>) semaphore(%dma_start3A_377 : memref<!tpu.dma_semaphore, #tpu.memory_space<semaphore_mem>>)
    } else {
    }
    %eq3A_103 = arith.constant 1 : i32
    %eq3A_104 = arith.cmpi eq, %arg0, %eq3A_103 : i32
    %convert_element_type3A_105 = arith.extui %eq3A_104 : i1 to i32
    %cond3A_106 = arith.constant 0 : i32
    %cond3A_107 = arith.cmpi ne, %convert_element_type3A_105, %cond3A_106 : i32
    scf.if %cond3A_107 {
      %dma_start3A_362 = arith.constant 1 : i32
      %dma_start3A_363 = arith.constant 0 : i32
      %dma_start3A_364 = arith.constant 1 : i32
      %dma_start3A_365 = arith.constant 1 : i32
      %dma_start3A_366 = arith.constant 0 : i32
      %dma_start3A_367 = arith.constant 0 : i32
      %dma_start3A_368 = tpu.memref_slice %arg8[%dma_start3A_364, %dma_start3A_366, %dma_start3A_367] : memref<3x128x128xf32, #tpu.memory_space<vmem>> -> memref<1x128x128xf32, #tpu.memory_space<vmem>>
      %dma_start3A_369 = tpu.memref_squeeze %dma_start3A_368 : memref<1x128x128xf32, #tpu.memory_space<vmem>> -> memref<128x128xf32, #tpu.memory_space<vmem>>
      %dma_start3A_370 = arith.constant 0 : i32
      %dma_start3A_371 = tpu.memref_slice %arg7[%dma_start3A_362, %dma_start3A_363, %dma_start3A_370] : memref<4x2x128xi32, #tpu.memory_space<vmem>> -> memref<1x1x128xi32, #tpu.memory_space<vmem>>
      %dma_start3A_372 = tpu.memref_squeeze %dma_start3A_371 : memref<1x1x128xi32, #tpu.memory_space<vmem>> -> memref<128xi32, #tpu.memory_space<vmem>>
      %dma_start3A_373 = arith.constant 0 : i32
      %dma_start3A_374 = arith.constant 0 : i32
      %dma_start3A_375 = tpu.memref_slice %arg4[%dma_start3A_373, %dma_start3A_374] : memref<10000x128xf32, #tpu.memory_space<hbm>> -> memref<10000x128xf32, #tpu.memory_space<hbm>>
      %dma_start3A_376 = tpu.memref_slice %arg11[%dma_start3A_365] : memref<3x!tpu.dma_semaphore, #tpu.memory_space<semaphore_mem>> -> memref<1x!tpu.dma_semaphore, #tpu.memory_space<semaphore_mem>>
      %dma_start3A_377 = tpu.memref_squeeze %dma_start3A_376 : memref<1x!tpu.dma_semaphore, #tpu.memory_space<semaphore_mem>> -> memref<!tpu.dma_semaphore, #tpu.memory_space<semaphore_mem>>
      tpu.enqueue_indirect_dma source(%dma_start3A_375 : memref<10000x128xf32, #tpu.memory_space<hbm>>) target(%dma_start3A_369 : memref<128x128xf32, #tpu.memory_space<vmem>>) offsets(%dma_start3A_372 : memref<128xi32, #tpu.memory_space<vmem>>) semaphore(%dma_start3A_377 : memref<!tpu.dma_semaphore, #tpu.memory_space<semaphore_mem>>)
    } else {
    }
    %dma_wait3A_108 = arith.constant 0 : i32
    %dma_wait3A_109 = arith.constant 0 : i32
    %dma_wait3A_110 = arith.constant 0 : i32
    %dma_wait3A_111 = arith.constant 0 : i32
    %dma_wait3A_112 = tpu.memref_slice %arg7[%dma_wait3A_109, %dma_wait3A_110, %dma_wait3A_111] : memref<4x2x128xi32, #tpu.memory_space<vmem>> -> memref<1x2x128xi32, #tpu.memory_space<vmem>>
    %dma_wait3A_113 = tpu.memref_squeeze %dma_wait3A_112 : memref<1x2x128xi32, #tpu.memory_space<vmem>> -> memref<2x128xi32, #tpu.memory_space<vmem>>
    %dma_wait3A_114 = arith.constant 0 : i32
    %dma_wait3A_115 = arith.constant 0 : i32
    %dma_wait3A_116 = tpu.memref_slice %arg2[%arg0, %arg1, %dma_wait3A_108, %dma_wait3A_114, %dma_wait3A_115] : memref<2x16x79x2x128xi32, #tpu.memory_space<hbm>> -> memref<1x1x1x2x128xi32, #tpu.memory_space<hbm>>
    %dma_wait3A_117 = tpu.memref_squeeze %dma_wait3A_116 : memref<1x1x1x2x128xi32, #tpu.memory_space<hbm>> -> memref<2x128xi32, #tpu.memory_space<hbm>>
    %dma_wait3A_118 = arith.constant 0 : i32
    %dma_wait3A_119 = arith.constant 0 : i32
    %dma_wait3A_120 = tpu.memref_slice %arg7[%dma_wait3A_109, %dma_wait3A_118, %dma_wait3A_119] : memref<4x2x128xi32, #tpu.memory_space<vmem>> -> memref<1x2x128xi32, #tpu.memory_space<vmem>>
    %dma_wait3A_121 = tpu.memref_squeeze %dma_wait3A_120 : memref<1x2x128xi32, #tpu.memory_space<vmem>> -> memref<2x128xi32, #tpu.memory_space<vmem>>
    %dma_wait3A_122 = arith.constant 0 : i32
    %dma_wait3A_123 = arith.constant 0 : i32
    %dma_wait3A_124 = tpu.memref_slice %arg2[%arg0, %arg1, %dma_wait3A_108, %dma_wait3A_122, %dma_wait3A_123] : memref<2x16x79x2x128xi32, #tpu.memory_space<hbm>> -> memref<1x1x1x2x128xi32, #tpu.memory_space<hbm>>
    %dma_wait3A_125 = tpu.memref_squeeze %dma_wait3A_124 : memref<1x1x1x2x128xi32, #tpu.memory_space<hbm>> -> memref<2x128xi32, #tpu.memory_space<hbm>>
    tpu.wait_dma2 semaphore(%arg10 : memref<!tpu.dma_semaphore, #tpu.memory_space<semaphore_mem>>) src(%dma_wait3A_125 : memref<2x128xi32, #tpu.memory_space<hbm>>) dst(%dma_wait3A_121 : memref<2x128xi32, #tpu.memory_space<vmem>>)
    %dma_start3A_126 = arith.constant 3 : i32
    %dma_start3A_127 = arith.constant 3 : i32
    %dma_start3A_128 = arith.constant 0 : i32
    %dma_start3A_129 = arith.constant 0 : i32
    %dma_start3A_130 = tpu.memref_slice %arg7[%dma_start3A_127, %dma_start3A_128, %dma_start3A_129] : memref<4x2x128xi32, #tpu.memory_space<vmem>> -> memref<1x2x128xi32, #tpu.memory_space<vmem>>
    %dma_start3A_131 = tpu.memref_squeeze %dma_start3A_130 : memref<1x2x128xi32, #tpu.memory_space<vmem>> -> memref<2x128xi32, #tpu.memory_space<vmem>>
    %dma_start3A_132 = arith.constant 0 : i32
    %dma_start3A_133 = arith.constant 0 : i32
    %dma_start3A_134 = tpu.memref_slice %arg2[%arg0, %arg1, %dma_start3A_126, %dma_start3A_132, %dma_start3A_133] : memref<2x16x79x2x128xi32, #tpu.memory_space<hbm>> -> memref<1x1x1x2x128xi32, #tpu.memory_space<hbm>>
    %dma_start3A_135 = tpu.memref_squeeze %dma_start3A_134 : memref<1x1x1x2x128xi32, #tpu.memory_space<hbm>> -> memref<2x128xi32, #tpu.memory_space<hbm>>
    %dma_start3A_136 = arith.constant 0 : i32
    %dma_start3A_137 = arith.constant 0 : i32
    %dma_start3A_138 = tpu.memref_slice %arg7[%dma_start3A_127, %dma_start3A_136, %dma_start3A_137] : memref<4x2x128xi32, #tpu.memory_space<vmem>> -> memref<1x2x128xi32, #tpu.memory_space<vmem>>
    %dma_start3A_139 = tpu.memref_squeeze %dma_start3A_138 : memref<1x2x128xi32, #tpu.memory_space<vmem>> -> memref<2x128xi32, #tpu.memory_space<vmem>>
    %dma_start3A_140 = arith.constant 0 : i32
    %dma_start3A_141 = arith.constant 0 : i32
    %dma_start3A_142 = tpu.memref_slice %arg2[%arg0, %arg1, %dma_start3A_126, %dma_start3A_140, %dma_start3A_141] : memref<2x16x79x2x128xi32, #tpu.memory_space<hbm>> -> memref<1x1x1x2x128xi32, #tpu.memory_space<hbm>>
    %dma_start3A_143 = tpu.memref_squeeze %dma_start3A_142 : memref<1x1x1x2x128xi32, #tpu.memory_space<hbm>> -> memref<2x128xi32, #tpu.memory_space<hbm>>
    tpu.enqueue_dma source(%dma_start3A_143 : memref<2x128xi32, #tpu.memory_space<hbm>>) target(%dma_start3A_139 : memref<2x128xi32, #tpu.memory_space<vmem>>) target_semaphore(%arg10 : memref<!tpu.dma_semaphore, #tpu.memory_space<semaphore_mem>>)
    %eq3A_144 = arith.constant 0 : i32
    %eq3A_145 = arith.cmpi eq, %arg0, %eq3A_144 : i32
    %convert_element_type3A_146 = arith.extui %eq3A_145 : i1 to i32
    %cond3A_147 = arith.constant 0 : i32
    %cond3A_148 = arith.cmpi ne, %convert_element_type3A_146, %cond3A_147 : i32
    scf.if %cond3A_148 {
      %dma_start3A_362 = arith.constant 2 : i32
      %dma_start3A_363 = arith.constant 0 : i32
      %dma_start3A_364 = arith.constant 2 : i32
      %dma_start3A_365 = arith.constant 2 : i32
      %dma_start3A_366 = arith.constant 0 : i32
      %dma_start3A_367 = arith.constant 0 : i32
      %dma_start3A_368 = tpu.memref_slice %arg8[%dma_start3A_364, %dma_start3A_366, %dma_start3A_367] : memref<3x128x128xf32, #tpu.memory_space<vmem>> -> memref<1x128x128xf32, #tpu.memory_space<vmem>>
      %dma_start3A_369 = tpu.memref_squeeze %dma_start3A_368 : memref<1x128x128xf32, #tpu.memory_space<vmem>> -> memref<128x128xf32, #tpu.memory_space<vmem>>
      %dma_start3A_370 = arith.constant 0 : i32
      %dma_start3A_371 = tpu.memref_slice %arg7[%dma_start3A_362, %dma_start3A_363, %dma_start3A_370] : memref<4x2x128xi32, #tpu.memory_space<vmem>> -> memref<1x1x128xi32, #tpu.memory_space<vmem>>
      %dma_start3A_372 = tpu.memref_squeeze %dma_start3A_371 : memref<1x1x128xi32, #tpu.memory_space<vmem>> -> memref<128xi32, #tpu.memory_space<vmem>>
      %dma_start3A_373 = arith.constant 0 : i32
      %dma_start3A_374 = arith.constant 0 : i32
      %dma_start3A_375 = tpu.memref_slice %arg3[%dma_start3A_373, %dma_start3A_374] : memref<10000x128xf32, #tpu.memory_space<hbm>> -> memref<10000x128xf32, #tpu.memory_space<hbm>>
      %dma_start3A_376 = tpu.memref_slice %arg11[%dma_start3A_365] : memref<3x!tpu.dma_semaphore, #tpu.memory_space<semaphore_mem>> -> memref<1x!tpu.dma_semaphore, #tpu.memory_space<semaphore_mem>>
      %dma_start3A_377 = tpu.memref_squeeze %dma_start3A_376 : memref<1x!tpu.dma_semaphore, #tpu.memory_space<semaphore_mem>> -> memref<!tpu.dma_semaphore, #tpu.memory_space<semaphore_mem>>
      tpu.enqueue_indirect_dma source(%dma_start3A_375 : memref<10000x128xf32, #tpu.memory_space<hbm>>) target(%dma_start3A_369 : memref<128x128xf32, #tpu.memory_space<vmem>>) offsets(%dma_start3A_372 : memref<128xi32, #tpu.memory_space<vmem>>) semaphore(%dma_start3A_377 : memref<!tpu.dma_semaphore, #tpu.memory_space<semaphore_mem>>)
    } else {
    }
    %eq3A_149 = arith.constant 1 : i32
    %eq3A_150 = arith.cmpi eq, %arg0, %eq3A_149 : i32
    %convert_element_type3A_151 = arith.extui %eq3A_150 : i1 to i32
    %cond3A_152 = arith.constant 0 : i32
    %cond3A_153 = arith.cmpi ne, %convert_element_type3A_151, %cond3A_152 : i32
    scf.if %cond3A_153 {
      %dma_start3A_362 = arith.constant 2 : i32
      %dma_start3A_363 = arith.constant 0 : i32
      %dma_start3A_364 = arith.constant 2 : i32
      %dma_start3A_365 = arith.constant 2 : i32
      %dma_start3A_366 = arith.constant 0 : i32
      %dma_start3A_367 = arith.constant 0 : i32
      %dma_start3A_368 = tpu.memref_slice %arg8[%dma_start3A_364, %dma_start3A_366, %dma_start3A_367] : memref<3x128x128xf32, #tpu.memory_space<vmem>> -> memref<1x128x128xf32, #tpu.memory_space<vmem>>
      %dma_start3A_369 = tpu.memref_squeeze %dma_start3A_368 : memref<1x128x128xf32, #tpu.memory_space<vmem>> -> memref<128x128xf32, #tpu.memory_space<vmem>>
      %dma_start3A_370 = arith.constant 0 : i32
      %dma_start3A_371 = tpu.memref_slice %arg7[%dma_start3A_362, %dma_start3A_363, %dma_start3A_370] : memref<4x2x128xi32, #tpu.memory_space<vmem>> -> memref<1x1x128xi32, #tpu.memory_space<vmem>>
      %dma_start3A_372 = tpu.memref_squeeze %dma_start3A_371 : memref<1x1x128xi32, #tpu.memory_space<vmem>> -> memref<128xi32, #tpu.memory_space<vmem>>
      %dma_start3A_373 = arith.constant 0 : i32
      %dma_start3A_374 = arith.constant 0 : i32
      %dma_start3A_375 = tpu.memref_slice %arg4[%dma_start3A_373, %dma_start3A_374] : memref<10000x128xf32, #tpu.memory_space<hbm>> -> memref<10000x128xf32, #tpu.memory_space<hbm>>
      %dma_start3A_376 = tpu.memref_slice %arg11[%dma_start3A_365] : memref<3x!tpu.dma_semaphore, #tpu.memory_space<semaphore_mem>> -> memref<1x!tpu.dma_semaphore, #tpu.memory_space<semaphore_mem>>
      %dma_start3A_377 = tpu.memref_squeeze %dma_start3A_376 : memref<1x!tpu.dma_semaphore, #tpu.memory_space<semaphore_mem>> -> memref<!tpu.dma_semaphore, #tpu.memory_space<semaphore_mem>>
      tpu.enqueue_indirect_dma source(%dma_start3A_375 : memref<10000x128xf32, #tpu.memory_space<hbm>>) target(%dma_start3A_369 : memref<128x128xf32, #tpu.memory_space<vmem>>) offsets(%dma_start3A_372 : memref<128xi32, #tpu.memory_space<vmem>>) semaphore(%dma_start3A_377 : memref<!tpu.dma_semaphore, #tpu.memory_space<semaphore_mem>>)
    } else {
    }
    %dma_wait3A_154 = arith.constant 0 : i32
    %dma_wait3A_155 = tpu.memref_slice %arg9[%mul3A_17, %dma_wait3A_154] : memref<10112x128xf32, #tpu.memory_space<vmem_shared>> -> memref<632x128xf32, #tpu.memory_space<vmem_shared>>
    tpu.wait_dma2 semaphore(%arg13 : memref<!tpu.dma_semaphore, #tpu.memory_space<semaphore_mem>>) src(%arg5 : memref<632x128xf32, #tpu.memory_space<hbm>>) dst(%dma_wait3A_155 : memref<632x128xf32, #tpu.memory_space<vmem_shared>>)
    %barrier3A = arith.constant 0 : index
    tpu.barrier barrier_id(%barrier3A)
    %dma_wait3A_156 = arith.constant 0 : i32
    %dma_wait3A_157 = arith.constant 0 : i32
    %dma_wait3A_158 = arith.constant 0 : i32
    %dma_wait3A_159 = arith.constant 0 : i32
    %dma_wait3A_160 = arith.constant 0 : i32
    %dma_wait3A_161 = arith.constant 0 : i32
    %dma_wait3A_162 = tpu.memref_slice %arg8[%dma_wait3A_158, %dma_wait3A_160, %dma_wait3A_161] : memref<3x128x128xf32, #tpu.memory_space<vmem>> -> memref<1x128x128xf32, #tpu.memory_space<vmem>>
    %dma_wait3A_163 = tpu.memref_squeeze %dma_wait3A_162 : memref<1x128x128xf32, #tpu.memory_space<vmem>> -> memref<128x128xf32, #tpu.memory_space<vmem>>
    %dma_wait3A_164 = arith.constant 0 : i32
    %dma_wait3A_165 = tpu.memref_slice %arg7[%dma_wait3A_156, %dma_wait3A_157, %dma_wait3A_164] : memref<4x2x128xi32, #tpu.memory_space<vmem>> -> memref<1x1x128xi32, #tpu.memory_space<vmem>>
    %dma_wait3A_166 = tpu.memref_squeeze %dma_wait3A_165 : memref<1x1x128xi32, #tpu.memory_space<vmem>> -> memref<128xi32, #tpu.memory_space<vmem>>
    %dma_wait3A_167 = arith.constant 0 : i32
    %dma_wait3A_168 = arith.constant 0 : i32
    %dma_wait3A_169 = tpu.memref_slice %arg3[%dma_wait3A_167, %dma_wait3A_168] : memref<10000x128xf32, #tpu.memory_space<hbm>> -> memref<10000x128xf32, #tpu.memory_space<hbm>>
    %dma_wait3A_170 = tpu.memref_slice %arg11[%dma_wait3A_159] : memref<3x!tpu.dma_semaphore, #tpu.memory_space<semaphore_mem>> -> memref<1x!tpu.dma_semaphore, #tpu.memory_space<semaphore_mem>>
    %dma_wait3A_171 = tpu.memref_squeeze %dma_wait3A_170 : memref<1x!tpu.dma_semaphore, #tpu.memory_space<semaphore_mem>> -> memref<!tpu.dma_semaphore, #tpu.memory_space<semaphore_mem>>
    tpu.wait_indirect_dma semaphore(%dma_wait3A_171 : memref<!tpu.dma_semaphore, #tpu.memory_space<semaphore_mem>>) src(%dma_wait3A_169 : memref<10000x128xf32, #tpu.memory_space<hbm>>) dst(%dma_wait3A_163 : memref<128x128xf32, #tpu.memory_space<vmem>>)
    %dma_start3A_172 = arith.constant 0 : i32
    %dma_start3A_173 = arith.constant 0 : i32
    %dma_start3A_174 = arith.constant 1 : i32
    %dma_start3A_175 = arith.constant 0 : i32
    %dma_start3A_176 = arith.constant 0 : i32
    %dma_start3A_177 = tpu.memref_slice %arg8[%dma_start3A_172, %dma_start3A_175, %dma_start3A_176] : memref<3x128x128xf32, #tpu.memory_space<vmem>> -> memref<1x128x128xf32, #tpu.memory_space<vmem>>
    %dma_start3A_178 = tpu.memref_squeeze %dma_start3A_177 : memref<1x128x128xf32, #tpu.memory_space<vmem>> -> memref<128x128xf32, #tpu.memory_space<vmem>>
    %dma_start3A_179 = arith.constant 0 : i32
    %dma_start3A_180 = tpu.memref_slice %arg7[%dma_start3A_173, %dma_start3A_174, %dma_start3A_179] : memref<4x2x128xi32, #tpu.memory_space<vmem>> -> memref<1x1x128xi32, #tpu.memory_space<vmem>>
    %dma_start3A_181 = tpu.memref_squeeze %dma_start3A_180 : memref<1x1x128xi32, #tpu.memory_space<vmem>> -> memref<128xi32, #tpu.memory_space<vmem>>
    %dma_start3A_182 = arith.constant 0 : i32
    %dma_start3A_183 = arith.constant 0 : i32
    %dma_start3A_184 = tpu.memref_slice %arg9[%dma_start3A_182, %dma_start3A_183] : memref<10112x128xf32, #tpu.memory_space<vmem_shared>> -> memref<10112x128xf32, #tpu.memory_space<vmem_shared>>
    tpu.enqueue_indirect_dma source(%dma_start3A_178 : memref<128x128xf32, #tpu.memory_space<vmem>>) target(%dma_start3A_184 : memref<10112x128xf32, #tpu.memory_space<vmem_shared>>) offsets(%dma_start3A_181 : memref<128xi32, #tpu.memory_space<vmem>>) semaphore(%arg12 : memref<!tpu.dma_semaphore, #tpu.memory_space<semaphore_mem>>) {add = true}
    %scan3A = arith.constant 0 : i32
    %scan3A_185 = arith.constant 1 : i32
    %scan3A_186 = arith.constant 75 : i32
    %scan3A_187 = arith.addi %scan3A_185, %scan3A_186 : i32
    %scan3A_188 = arith.constant 1 : i32
    scf.for %scan3A_362 = %scan3A_185 to %scan3A_187 step %scan3A_188  : i32 {
      %rem3A = arith.constant 3 : i32
      %rem3A_363 = arith.remsi %scan3A_362, %rem3A : i32
      %dma_wait3A_364 = arith.constant 0 : i32
      %dma_wait3A_365 = arith.constant 0 : i32
      %dma_wait3A_366 = arith.constant 0 : i32
      %dma_wait3A_367 = arith.constant 0 : i32
      %dma_wait3A_368 = tpu.memref_slice %arg8[%rem3A_363, %dma_wait3A_366, %dma_wait3A_367] : memref<3x128x128xf32, #tpu.memory_space<vmem>> -> memref<1x128x128xf32, #tpu.memory_space<vmem>>
      %dma_wait3A_369 = tpu.memref_squeeze %dma_wait3A_368 : memref<1x128x128xf32, #tpu.memory_space<vmem>> -> memref<128x128xf32, #tpu.memory_space<vmem>>
      %dma_wait3A_370 = arith.constant 0 : i32
      %dma_wait3A_371 = tpu.memref_slice %arg7[%dma_wait3A_364, %dma_wait3A_365, %dma_wait3A_370] : memref<4x2x128xi32, #tpu.memory_space<vmem>> -> memref<1x1x128xi32, #tpu.memory_space<vmem>>
      %dma_wait3A_372 = tpu.memref_squeeze %dma_wait3A_371 : memref<1x1x128xi32, #tpu.memory_space<vmem>> -> memref<128xi32, #tpu.memory_space<vmem>>
      %dma_wait3A_373 = arith.constant 0 : i32
      %dma_wait3A_374 = arith.constant 0 : i32
      %dma_wait3A_375 = tpu.memref_slice %arg3[%dma_wait3A_373, %dma_wait3A_374] : memref<10000x128xf32, #tpu.memory_space<hbm>> -> memref<10000x128xf32, #tpu.memory_space<hbm>>
      %dma_wait3A_376 = tpu.memref_slice %arg11[%rem3A_363] : memref<3x!tpu.dma_semaphore, #tpu.memory_space<semaphore_mem>> -> memref<1x!tpu.dma_semaphore, #tpu.memory_space<semaphore_mem>>
      %dma_wait3A_377 = tpu.memref_squeeze %dma_wait3A_376 : memref<1x!tpu.dma_semaphore, #tpu.memory_space<semaphore_mem>> -> memref<!tpu.dma_semaphore, #tpu.memory_space<semaphore_mem>>
      tpu.wait_indirect_dma semaphore(%dma_wait3A_377 : memref<!tpu.dma_semaphore, #tpu.memory_space<semaphore_mem>>) src(%dma_wait3A_375 : memref<10000x128xf32, #tpu.memory_space<hbm>>) dst(%dma_wait3A_369 : memref<128x128xf32, #tpu.memory_space<vmem>>)
      %dma_wait3A_378 = arith.constant 0 : i32
      %dma_wait3A_379 = arith.constant 0 : i32
      %dma_wait3A_380 = arith.constant 1 : i32
      %dma_wait3A_381 = arith.constant 0 : i32
      %dma_wait3A_382 = arith.constant 0 : i32
      %dma_wait3A_383 = tpu.memref_slice %arg8[%dma_wait3A_378, %dma_wait3A_381, %dma_wait3A_382] : memref<3x128x128xf32, #tpu.memory_space<vmem>> -> memref<1x128x128xf32, #tpu.memory_space<vmem>>
      %dma_wait3A_384 = tpu.memref_squeeze %dma_wait3A_383 : memref<1x128x128xf32, #tpu.memory_space<vmem>> -> memref<128x128xf32, #tpu.memory_space<vmem>>
      %dma_wait3A_385 = arith.constant 0 : i32
      %dma_wait3A_386 = tpu.memref_slice %arg7[%dma_wait3A_379, %dma_wait3A_380, %dma_wait3A_385] : memref<4x2x128xi32, #tpu.memory_space<vmem>> -> memref<1x1x128xi32, #tpu.memory_space<vmem>>
      %dma_wait3A_387 = tpu.memref_squeeze %dma_wait3A_386 : memref<1x1x128xi32, #tpu.memory_space<vmem>> -> memref<128xi32, #tpu.memory_space<vmem>>
      %dma_wait3A_388 = arith.constant 0 : i32
      %dma_wait3A_389 = arith.constant 0 : i32
      %dma_wait3A_390 = tpu.memref_slice %arg9[%dma_wait3A_388, %dma_wait3A_389] : memref<10112x128xf32, #tpu.memory_space<vmem_shared>> -> memref<10112x128xf32, #tpu.memory_space<vmem_shared>>
      tpu.wait_indirect_dma semaphore(%arg12 : memref<!tpu.dma_semaphore, #tpu.memory_space<semaphore_mem>>) src(%dma_wait3A_384 : memref<128x128xf32, #tpu.memory_space<vmem>>) dst(%dma_wait3A_390 : memref<10112x128xf32, #tpu.memory_space<vmem_shared>>)
      %rem3A_391 = arith.constant 4 : i32
      %rem3A_392 = arith.remsi %scan3A_362, %rem3A_391 : i32
      %rem3A_393 = arith.constant 3 : i32
      %rem3A_394 = arith.remsi %scan3A_362, %rem3A_393 : i32
      %dma_start3A_395 = arith.constant 1 : i32
      %dma_start3A_396 = arith.constant 0 : i32
      %dma_start3A_397 = arith.constant 0 : i32
      %dma_start3A_398 = tpu.memref_slice %arg8[%rem3A_394, %dma_start3A_396, %dma_start3A_397] : memref<3x128x128xf32, #tpu.memory_space<vmem>> -> memref<1x128x128xf32, #tpu.memory_space<vmem>>
      %dma_start3A_399 = tpu.memref_squeeze %dma_start3A_398 : memref<1x128x128xf32, #tpu.memory_space<vmem>> -> memref<128x128xf32, #tpu.memory_space<vmem>>
      %dma_start3A_400 = arith.constant 0 : i32
      %dma_start3A_401 = tpu.memref_slice %arg7[%rem3A_392, %dma_start3A_395, %dma_start3A_400] : memref<4x2x128xi32, #tpu.memory_space<vmem>> -> memref<1x1x128xi32, #tpu.memory_space<vmem>>
      %dma_start3A_402 = tpu.memref_squeeze %dma_start3A_401 : memref<1x1x128xi32, #tpu.memory_space<vmem>> -> memref<128xi32, #tpu.memory_space<vmem>>
      %dma_start3A_403 = arith.constant 0 : i32
      %dma_start3A_404 = arith.constant 0 : i32
      %dma_start3A_405 = tpu.memref_slice %arg9[%dma_start3A_403, %dma_start3A_404] : memref<10112x128xf32, #tpu.memory_space<vmem_shared>> -> memref<10112x128xf32, #tpu.memory_space<vmem_shared>>
      tpu.enqueue_indirect_dma source(%dma_start3A_399 : memref<128x128xf32, #tpu.memory_space<vmem>>) target(%dma_start3A_405 : memref<10112x128xf32, #tpu.memory_space<vmem_shared>>) offsets(%dma_start3A_402 : memref<128xi32, #tpu.memory_space<vmem>>) semaphore(%arg12 : memref<!tpu.dma_semaphore, #tpu.memory_space<semaphore_mem>>) {add = true}
      %dma_wait3A_406 = arith.constant 0 : i32
      %dma_wait3A_407 = arith.constant 0 : i32
      %dma_wait3A_408 = arith.constant 0 : i32
      %dma_wait3A_409 = arith.constant 0 : i32
      %dma_wait3A_410 = tpu.memref_slice %arg7[%dma_wait3A_407, %dma_wait3A_408, %dma_wait3A_409] : memref<4x2x128xi32, #tpu.memory_space<vmem>> -> memref<1x2x128xi32, #tpu.memory_space<vmem>>
      %dma_wait3A_411 = tpu.memref_squeeze %dma_wait3A_410 : memref<1x2x128xi32, #tpu.memory_space<vmem>> -> memref<2x128xi32, #tpu.memory_space<vmem>>
      %dma_wait3A_412 = arith.constant 0 : i32
      %dma_wait3A_413 = arith.constant 0 : i32
      %dma_wait3A_414 = tpu.memref_slice %arg2[%arg0, %arg1, %dma_wait3A_406, %dma_wait3A_412, %dma_wait3A_413] : memref<2x16x79x2x128xi32, #tpu.memory_space<hbm>> -> memref<1x1x1x2x128xi32, #tpu.memory_space<hbm>>
      %dma_wait3A_415 = tpu.memref_squeeze %dma_wait3A_414 : memref<1x1x1x2x128xi32, #tpu.memory_space<hbm>> -> memref<2x128xi32, #tpu.memory_space<hbm>>
      %dma_wait3A_416 = arith.constant 0 : i32
      %dma_wait3A_417 = arith.constant 0 : i32
      %dma_wait3A_418 = tpu.memref_slice %arg7[%dma_wait3A_407, %dma_wait3A_416, %dma_wait3A_417] : memref<4x2x128xi32, #tpu.memory_space<vmem>> -> memref<1x2x128xi32, #tpu.memory_space<vmem>>
      %dma_wait3A_419 = tpu.memref_squeeze %dma_wait3A_418 : memref<1x2x128xi32, #tpu.memory_space<vmem>> -> memref<2x128xi32, #tpu.memory_space<vmem>>
      %dma_wait3A_420 = arith.constant 0 : i32
      %dma_wait3A_421 = arith.constant 0 : i32
      %dma_wait3A_422 = tpu.memref_slice %arg2[%arg0, %arg1, %dma_wait3A_406, %dma_wait3A_420, %dma_wait3A_421] : memref<2x16x79x2x128xi32, #tpu.memory_space<hbm>> -> memref<1x1x1x2x128xi32, #tpu.memory_space<hbm>>
      %dma_wait3A_423 = tpu.memref_squeeze %dma_wait3A_422 : memref<1x1x1x2x128xi32, #tpu.memory_space<hbm>> -> memref<2x128xi32, #tpu.memory_space<hbm>>
      tpu.wait_dma2 semaphore(%arg10 : memref<!tpu.dma_semaphore, #tpu.memory_space<semaphore_mem>>) src(%dma_wait3A_423 : memref<2x128xi32, #tpu.memory_space<hbm>>) dst(%dma_wait3A_419 : memref<2x128xi32, #tpu.memory_space<vmem>>)
      %add3A = arith.constant 2 : i32
      %add3A_424 = arith.addi %scan3A_362, %add3A : i32
      %rem3A_425 = arith.constant 4 : i32
      %rem3A_426 = arith.remsi %add3A_424, %rem3A_425 : i32
      %add3A_427 = arith.constant 2 : i32
      %add3A_428 = arith.addi %scan3A_362, %add3A_427 : i32
      %rem3A_429 = arith.constant 3 : i32
      %rem3A_430 = arith.remsi %add3A_428, %rem3A_429 : i32
      %eq3A_431 = arith.constant 0 : i32
      %eq3A_432 = arith.cmpi eq, %arg0, %eq3A_431 : i32
      %convert_element_type3A_433 = arith.extui %eq3A_432 : i1 to i32
      %cond3A_434 = arith.constant 0 : i32
      %cond3A_435 = arith.cmpi ne, %convert_element_type3A_433, %cond3A_434 : i32
      scf.if %cond3A_435 {
        %dma_start3A_463 = arith.constant 0 : i32
        %dma_start3A_464 = arith.constant 0 : i32
        %dma_start3A_465 = arith.constant 0 : i32
        %dma_start3A_466 = tpu.memref_slice %arg8[%rem3A_430, %dma_start3A_464, %dma_start3A_465] : memref<3x128x128xf32, #tpu.memory_space<vmem>> -> memref<1x128x128xf32, #tpu.memory_space<vmem>>
        %dma_start3A_467 = tpu.memref_squeeze %dma_start3A_466 : memref<1x128x128xf32, #tpu.memory_space<vmem>> -> memref<128x128xf32, #tpu.memory_space<vmem>>
        %dma_start3A_468 = arith.constant 0 : i32
        %dma_start3A_469 = tpu.memref_slice %arg7[%rem3A_426, %dma_start3A_463, %dma_start3A_468] : memref<4x2x128xi32, #tpu.memory_space<vmem>> -> memref<1x1x128xi32, #tpu.memory_space<vmem>>
        %dma_start3A_470 = tpu.memref_squeeze %dma_start3A_469 : memref<1x1x128xi32, #tpu.memory_space<vmem>> -> memref<128xi32, #tpu.memory_space<vmem>>
        %dma_start3A_471 = arith.constant 0 : i32
        %dma_start3A_472 = arith.constant 0 : i32
        %dma_start3A_473 = tpu.memref_slice %arg3[%dma_start3A_471, %dma_start3A_472] : memref<10000x128xf32, #tpu.memory_space<hbm>> -> memref<10000x128xf32, #tpu.memory_space<hbm>>
        %dma_start3A_474 = tpu.memref_slice %arg11[%rem3A_430] : memref<3x!tpu.dma_semaphore, #tpu.memory_space<semaphore_mem>> -> memref<1x!tpu.dma_semaphore, #tpu.memory_space<semaphore_mem>>
        %dma_start3A_475 = tpu.memref_squeeze %dma_start3A_474 : memref<1x!tpu.dma_semaphore, #tpu.memory_space<semaphore_mem>> -> memref<!tpu.dma_semaphore, #tpu.memory_space<semaphore_mem>>
        tpu.enqueue_indirect_dma source(%dma_start3A_473 : memref<10000x128xf32, #tpu.memory_space<hbm>>) target(%dma_start3A_467 : memref<128x128xf32, #tpu.memory_space<vmem>>) offsets(%dma_start3A_470 : memref<128xi32, #tpu.memory_space<vmem>>) semaphore(%dma_start3A_475 : memref<!tpu.dma_semaphore, #tpu.memory_space<semaphore_mem>>)
      } else {
      }
      %eq3A_436 = arith.constant 1 : i32
      %eq3A_437 = arith.cmpi eq, %arg0, %eq3A_436 : i32
      %convert_element_type3A_438 = arith.extui %eq3A_437 : i1 to i32
      %cond3A_439 = arith.constant 0 : i32
      %cond3A_440 = arith.cmpi ne, %convert_element_type3A_438, %cond3A_439 : i32
      scf.if %cond3A_440 {
        %dma_start3A_463 = arith.constant 0 : i32
        %dma_start3A_464 = arith.constant 0 : i32
        %dma_start3A_465 = arith.constant 0 : i32
        %dma_start3A_466 = tpu.memref_slice %arg8[%rem3A_430, %dma_start3A_464, %dma_start3A_465] : memref<3x128x128xf32, #tpu.memory_space<vmem>> -> memref<1x128x128xf32, #tpu.memory_space<vmem>>
        %dma_start3A_467 = tpu.memref_squeeze %dma_start3A_466 : memref<1x128x128xf32, #tpu.memory_space<vmem>> -> memref<128x128xf32, #tpu.memory_space<vmem>>
        %dma_start3A_468 = arith.constant 0 : i32
        %dma_start3A_469 = tpu.memref_slice %arg7[%rem3A_426, %dma_start3A_463, %dma_start3A_468] : memref<4x2x128xi32, #tpu.memory_space<vmem>> -> memref<1x1x128xi32, #tpu.memory_space<vmem>>
        %dma_start3A_470 = tpu.memref_squeeze %dma_start3A_469 : memref<1x1x128xi32, #tpu.memory_space<vmem>> -> memref<128xi32, #tpu.memory_space<vmem>>
        %dma_start3A_471 = arith.constant 0 : i32
        %dma_start3A_472 = arith.constant 0 : i32
        %dma_start3A_473 = tpu.memref_slice %arg4[%dma_start3A_471, %dma_start3A_472] : memref<10000x128xf32, #tpu.memory_space<hbm>> -> memref<10000x128xf32, #tpu.memory_space<hbm>>
        %dma_start3A_474 = tpu.memref_slice %arg11[%rem3A_430] : memref<3x!tpu.dma_semaphore, #tpu.memory_space<semaphore_mem>> -> memref<1x!tpu.dma_semaphore, #tpu.memory_space<semaphore_mem>>
        %dma_start3A_475 = tpu.memref_squeeze %dma_start3A_474 : memref<1x!tpu.dma_semaphore, #tpu.memory_space<semaphore_mem>> -> memref<!tpu.dma_semaphore, #tpu.memory_space<semaphore_mem>>
        tpu.enqueue_indirect_dma source(%dma_start3A_473 : memref<10000x128xf32, #tpu.memory_space<hbm>>) target(%dma_start3A_467 : memref<128x128xf32, #tpu.memory_space<vmem>>) offsets(%dma_start3A_470 : memref<128xi32, #tpu.memory_space<vmem>>) semaphore(%dma_start3A_475 : memref<!tpu.dma_semaphore, #tpu.memory_space<semaphore_mem>>)
      } else {
      }
      %add3A_441 = arith.constant 3 : i32
      %add3A_442 = arith.addi %scan3A_362, %add3A_441 : i32
      %add3A_443 = arith.constant 3 : i32
      %add3A_444 = arith.addi %scan3A_362, %add3A_443 : i32
      %rem3A_445 = arith.constant 4 : i32
      %rem3A_446 = arith.remsi %add3A_444, %rem3A_445 : i32
      %dma_start3A_447 = arith.constant 0 : i32
      %dma_start3A_448 = arith.constant 0 : i32
      %dma_start3A_449 = tpu.memref_slice %arg7[%rem3A_446, %dma_start3A_447, %dma_start3A_448] : memref<4x2x128xi32, #tpu.memory_space<vmem>> -> memref<1x2x128xi32, #tpu.memory_space<vmem>>
      %dma_start3A_450 = tpu.memref_squeeze %dma_start3A_449 : memref<1x2x128xi32, #tpu.memory_space<vmem>> -> memref<2x128xi32, #tpu.memory_space<vmem>>
      %dma_start3A_451 = arith.constant 0 : i32
      %dma_start3A_452 = arith.constant 0 : i32
      %dma_start3A_453 = tpu.memref_slice %arg2[%arg0, %arg1, %add3A_442, %dma_start3A_451, %dma_start3A_452] : memref<2x16x79x2x128xi32, #tpu.memory_space<hbm>> -> memref<1x1x1x2x128xi32, #tpu.memory_space<hbm>>
      %dma_start3A_454 = tpu.memref_squeeze %dma_start3A_453 : memref<1x1x1x2x128xi32, #tpu.memory_space<hbm>> -> memref<2x128xi32, #tpu.memory_space<hbm>>
      %dma_start3A_455 = arith.constant 0 : i32
      %dma_start3A_456 = arith.constant 0 : i32
      %dma_start3A_457 = tpu.memref_slice %arg7[%rem3A_446, %dma_start3A_455, %dma_start3A_456] : memref<4x2x128xi32, #tpu.memory_space<vmem>> -> memref<1x2x128xi32, #tpu.memory_space<vmem>>
      %dma_start3A_458 = tpu.memref_squeeze %dma_start3A_457 : memref<1x2x128xi32, #tpu.memory_space<vmem>> -> memref<2x128xi32, #tpu.memory_space<vmem>>
      %dma_start3A_459 = arith.constant 0 : i32
      %dma_start3A_460 = arith.constant 0 : i32
      %dma_start3A_461 = tpu.memref_slice %arg2[%arg0, %arg1, %add3A_442, %dma_start3A_459, %dma_start3A_460] : memref<2x16x79x2x128xi32, #tpu.memory_space<hbm>> -> memref<1x1x1x2x128xi32, #tpu.memory_space<hbm>>
      %dma_start3A_462 = tpu.memref_squeeze %dma_start3A_461 : memref<1x1x1x2x128xi32, #tpu.memory_space<hbm>> -> memref<2x128xi32, #tpu.memory_space<hbm>>
      tpu.enqueue_dma source(%dma_start3A_462 : memref<2x128xi32, #tpu.memory_space<hbm>>) target(%dma_start3A_458 : memref<2x128xi32, #tpu.memory_space<vmem>>) target_semaphore(%arg10 : memref<!tpu.dma_semaphore, #tpu.memory_space<semaphore_mem>>)
    }
    %scan3A_189 = arith.constant 75 : i32
    %dma_wait3A_190 = arith.constant 0 : i32
    %dma_wait3A_191 = arith.constant 0 : i32
    %dma_wait3A_192 = arith.constant 1 : i32
    %dma_wait3A_193 = arith.constant 1 : i32
    %dma_wait3A_194 = arith.constant 0 : i32
    %dma_wait3A_195 = arith.constant 0 : i32
    %dma_wait3A_196 = tpu.memref_slice %arg8[%dma_wait3A_192, %dma_wait3A_194, %dma_wait3A_195] : memref<3x128x128xf32, #tpu.memory_space<vmem>> -> memref<1x128x128xf32, #tpu.memory_space<vmem>>
    %dma_wait3A_197 = tpu.memref_squeeze %dma_wait3A_196 : memref<1x128x128xf32, #tpu.memory_space<vmem>> -> memref<128x128xf32, #tpu.memory_space<vmem>>
    %dma_wait3A_198 = arith.constant 0 : i32
    %dma_wait3A_199 = tpu.memref_slice %arg7[%dma_wait3A_190, %dma_wait3A_191, %dma_wait3A_198] : memref<4x2x128xi32, #tpu.memory_space<vmem>> -> memref<1x1x128xi32, #tpu.memory_space<vmem>>
    %dma_wait3A_200 = tpu.memref_squeeze %dma_wait3A_199 : memref<1x1x128xi32, #tpu.memory_space<vmem>> -> memref<128xi32, #tpu.memory_space<vmem>>
    %dma_wait3A_201 = arith.constant 0 : i32
    %dma_wait3A_202 = arith.constant 0 : i32
    %dma_wait3A_203 = tpu.memref_slice %arg3[%dma_wait3A_201, %dma_wait3A_202] : memref<10000x128xf32, #tpu.memory_space<hbm>> -> memref<10000x128xf32, #tpu.memory_space<hbm>>
    %dma_wait3A_204 = tpu.memref_slice %arg11[%dma_wait3A_193] : memref<3x!tpu.dma_semaphore, #tpu.memory_space<semaphore_mem>> -> memref<1x!tpu.dma_semaphore, #tpu.memory_space<semaphore_mem>>
    %dma_wait3A_205 = tpu.memref_squeeze %dma_wait3A_204 : memref<1x!tpu.dma_semaphore, #tpu.memory_space<semaphore_mem>> -> memref<!tpu.dma_semaphore, #tpu.memory_space<semaphore_mem>>
    tpu.wait_indirect_dma semaphore(%dma_wait3A_205 : memref<!tpu.dma_semaphore, #tpu.memory_space<semaphore_mem>>) src(%dma_wait3A_203 : memref<10000x128xf32, #tpu.memory_space<hbm>>) dst(%dma_wait3A_197 : memref<128x128xf32, #tpu.memory_space<vmem>>)
    %dma_wait3A_206 = arith.constant 0 : i32
    %dma_wait3A_207 = arith.constant 0 : i32
    %dma_wait3A_208 = arith.constant 1 : i32
    %dma_wait3A_209 = arith.constant 0 : i32
    %dma_wait3A_210 = arith.constant 0 : i32
    %dma_wait3A_211 = tpu.memref_slice %arg8[%dma_wait3A_206, %dma_wait3A_209, %dma_wait3A_210] : memref<3x128x128xf32, #tpu.memory_space<vmem>> -> memref<1x128x128xf32, #tpu.memory_space<vmem>>
    %dma_wait3A_212 = tpu.memref_squeeze %dma_wait3A_211 : memref<1x128x128xf32, #tpu.memory_space<vmem>> -> memref<128x128xf32, #tpu.memory_space<vmem>>
    %dma_wait3A_213 = arith.constant 0 : i32
    %dma_wait3A_214 = tpu.memref_slice %arg7[%dma_wait3A_207, %dma_wait3A_208, %dma_wait3A_213] : memref<4x2x128xi32, #tpu.memory_space<vmem>> -> memref<1x1x128xi32, #tpu.memory_space<vmem>>
    %dma_wait3A_215 = tpu.memref_squeeze %dma_wait3A_214 : memref<1x1x128xi32, #tpu.memory_space<vmem>> -> memref<128xi32, #tpu.memory_space<vmem>>
    %dma_wait3A_216 = arith.constant 0 : i32
    %dma_wait3A_217 = arith.constant 0 : i32
    %dma_wait3A_218 = tpu.memref_slice %arg9[%dma_wait3A_216, %dma_wait3A_217] : memref<10112x128xf32, #tpu.memory_space<vmem_shared>> -> memref<10112x128xf32, #tpu.memory_space<vmem_shared>>
    tpu.wait_indirect_dma semaphore(%arg12 : memref<!tpu.dma_semaphore, #tpu.memory_space<semaphore_mem>>) src(%dma_wait3A_212 : memref<128x128xf32, #tpu.memory_space<vmem>>) dst(%dma_wait3A_218 : memref<10112x128xf32, #tpu.memory_space<vmem_shared>>)
    %dma_start3A_219 = arith.constant 1 : i32
    %dma_start3A_220 = arith.constant 0 : i32
    %dma_start3A_221 = arith.constant 1 : i32
    %dma_start3A_222 = arith.constant 0 : i32
    %dma_start3A_223 = arith.constant 0 : i32
    %dma_start3A_224 = tpu.memref_slice %arg8[%dma_start3A_219, %dma_start3A_222, %dma_start3A_223] : memref<3x128x128xf32, #tpu.memory_space<vmem>> -> memref<1x128x128xf32, #tpu.memory_space<vmem>>
    %dma_start3A_225 = tpu.memref_squeeze %dma_start3A_224 : memref<1x128x128xf32, #tpu.memory_space<vmem>> -> memref<128x128xf32, #tpu.memory_space<vmem>>
    %dma_start3A_226 = arith.constant 0 : i32
    %dma_start3A_227 = tpu.memref_slice %arg7[%dma_start3A_220, %dma_start3A_221, %dma_start3A_226] : memref<4x2x128xi32, #tpu.memory_space<vmem>> -> memref<1x1x128xi32, #tpu.memory_space<vmem>>
    %dma_start3A_228 = tpu.memref_squeeze %dma_start3A_227 : memref<1x1x128xi32, #tpu.memory_space<vmem>> -> memref<128xi32, #tpu.memory_space<vmem>>
    %dma_start3A_229 = arith.constant 0 : i32
    %dma_start3A_230 = arith.constant 0 : i32
    %dma_start3A_231 = tpu.memref_slice %arg9[%dma_start3A_229, %dma_start3A_230] : memref<10112x128xf32, #tpu.memory_space<vmem_shared>> -> memref<10112x128xf32, #tpu.memory_space<vmem_shared>>
    tpu.enqueue_indirect_dma source(%dma_start3A_225 : memref<128x128xf32, #tpu.memory_space<vmem>>) target(%dma_start3A_231 : memref<10112x128xf32, #tpu.memory_space<vmem_shared>>) offsets(%dma_start3A_228 : memref<128xi32, #tpu.memory_space<vmem>>) semaphore(%arg12 : memref<!tpu.dma_semaphore, #tpu.memory_space<semaphore_mem>>) {add = true}
    %dma_wait3A_232 = arith.constant 0 : i32
    %dma_wait3A_233 = arith.constant 0 : i32
    %dma_wait3A_234 = arith.constant 0 : i32
    %dma_wait3A_235 = arith.constant 0 : i32
    %dma_wait3A_236 = tpu.memref_slice %arg7[%dma_wait3A_233, %dma_wait3A_234, %dma_wait3A_235] : memref<4x2x128xi32, #tpu.memory_space<vmem>> -> memref<1x2x128xi32, #tpu.memory_space<vmem>>
    %dma_wait3A_237 = tpu.memref_squeeze %dma_wait3A_236 : memref<1x2x128xi32, #tpu.memory_space<vmem>> -> memref<2x128xi32, #tpu.memory_space<vmem>>
    %dma_wait3A_238 = arith.constant 0 : i32
    %dma_wait3A_239 = arith.constant 0 : i32
    %dma_wait3A_240 = tpu.memref_slice %arg2[%arg0, %arg1, %dma_wait3A_232, %dma_wait3A_238, %dma_wait3A_239] : memref<2x16x79x2x128xi32, #tpu.memory_space<hbm>> -> memref<1x1x1x2x128xi32, #tpu.memory_space<hbm>>
    %dma_wait3A_241 = tpu.memref_squeeze %dma_wait3A_240 : memref<1x1x1x2x128xi32, #tpu.memory_space<hbm>> -> memref<2x128xi32, #tpu.memory_space<hbm>>
    %dma_wait3A_242 = arith.constant 0 : i32
    %dma_wait3A_243 = arith.constant 0 : i32
    %dma_wait3A_244 = tpu.memref_slice %arg7[%dma_wait3A_233, %dma_wait3A_242, %dma_wait3A_243] : memref<4x2x128xi32, #tpu.memory_space<vmem>> -> memref<1x2x128xi32, #tpu.memory_space<vmem>>
    %dma_wait3A_245 = tpu.memref_squeeze %dma_wait3A_244 : memref<1x2x128xi32, #tpu.memory_space<vmem>> -> memref<2x128xi32, #tpu.memory_space<vmem>>
    %dma_wait3A_246 = arith.constant 0 : i32
    %dma_wait3A_247 = arith.constant 0 : i32
    %dma_wait3A_248 = tpu.memref_slice %arg2[%arg0, %arg1, %dma_wait3A_232, %dma_wait3A_246, %dma_wait3A_247] : memref<2x16x79x2x128xi32, #tpu.memory_space<hbm>> -> memref<1x1x1x2x128xi32, #tpu.memory_space<hbm>>
    %dma_wait3A_249 = tpu.memref_squeeze %dma_wait3A_248 : memref<1x1x1x2x128xi32, #tpu.memory_space<hbm>> -> memref<2x128xi32, #tpu.memory_space<hbm>>
    tpu.wait_dma2 semaphore(%arg10 : memref<!tpu.dma_semaphore, #tpu.memory_space<semaphore_mem>>) src(%dma_wait3A_249 : memref<2x128xi32, #tpu.memory_space<hbm>>) dst(%dma_wait3A_245 : memref<2x128xi32, #tpu.memory_space<vmem>>)
    %eq3A_250 = arith.constant 0 : i32
    %eq3A_251 = arith.cmpi eq, %arg0, %eq3A_250 : i32
    %convert_element_type3A_252 = arith.extui %eq3A_251 : i1 to i32
    %cond3A_253 = arith.constant 0 : i32
    %cond3A_254 = arith.cmpi ne, %convert_element_type3A_252, %cond3A_253 : i32
    scf.if %cond3A_254 {
      %dma_start3A_362 = arith.constant 2 : i32
      %dma_start3A_363 = arith.constant 0 : i32
      %dma_start3A_364 = arith.constant 0 : i32
      %dma_start3A_365 = arith.constant 0 : i32
      %dma_start3A_366 = arith.constant 0 : i32
      %dma_start3A_367 = arith.constant 0 : i32
      %dma_start3A_368 = tpu.memref_slice %arg8[%dma_start3A_364, %dma_start3A_366, %dma_start3A_367] : memref<3x128x128xf32, #tpu.memory_space<vmem>> -> memref<1x128x128xf32, #tpu.memory_space<vmem>>
      %dma_start3A_369 = tpu.memref_squeeze %dma_start3A_368 : memref<1x128x128xf32, #tpu.memory_space<vmem>> -> memref<128x128xf32, #tpu.memory_space<vmem>>
      %dma_start3A_370 = arith.constant 0 : i32
      %dma_start3A_371 = tpu.memref_slice %arg7[%dma_start3A_362, %dma_start3A_363, %dma_start3A_370] : memref<4x2x128xi32, #tpu.memory_space<vmem>> -> memref<1x1x128xi32, #tpu.memory_space<vmem>>
      %dma_start3A_372 = tpu.memref_squeeze %dma_start3A_371 : memref<1x1x128xi32, #tpu.memory_space<vmem>> -> memref<128xi32, #tpu.memory_space<vmem>>
      %dma_start3A_373 = arith.constant 0 : i32
      %dma_start3A_374 = arith.constant 0 : i32
      %dma_start3A_375 = tpu.memref_slice %arg3[%dma_start3A_373, %dma_start3A_374] : memref<10000x128xf32, #tpu.memory_space<hbm>> -> memref<10000x128xf32, #tpu.memory_space<hbm>>
      %dma_start3A_376 = tpu.memref_slice %arg11[%dma_start3A_365] : memref<3x!tpu.dma_semaphore, #tpu.memory_space<semaphore_mem>> -> memref<1x!tpu.dma_semaphore, #tpu.memory_space<semaphore_mem>>
      %dma_start3A_377 = tpu.memref_squeeze %dma_start3A_376 : memref<1x!tpu.dma_semaphore, #tpu.memory_space<semaphore_mem>> -> memref<!tpu.dma_semaphore, #tpu.memory_space<semaphore_mem>>
      tpu.enqueue_indirect_dma source(%dma_start3A_375 : memref<10000x128xf32, #tpu.memory_space<hbm>>) target(%dma_start3A_369 : memref<128x128xf32, #tpu.memory_space<vmem>>) offsets(%dma_start3A_372 : memref<128xi32, #tpu.memory_space<vmem>>) semaphore(%dma_start3A_377 : memref<!tpu.dma_semaphore, #tpu.memory_space<semaphore_mem>>)
    } else {
    }
    %eq3A_255 = arith.constant 1 : i32
    %eq3A_256 = arith.cmpi eq, %arg0, %eq3A_255 : i32
    %convert_element_type3A_257 = arith.extui %eq3A_256 : i1 to i32
    %cond3A_258 = arith.constant 0 : i32
    %cond3A_259 = arith.cmpi ne, %convert_element_type3A_257, %cond3A_258 : i32
    scf.if %cond3A_259 {
      %dma_start3A_362 = arith.constant 2 : i32
      %dma_start3A_363 = arith.constant 0 : i32
      %dma_start3A_364 = arith.constant 0 : i32
      %dma_start3A_365 = arith.constant 0 : i32
      %dma_start3A_366 = arith.constant 0 : i32
      %dma_start3A_367 = arith.constant 0 : i32
      %dma_start3A_368 = tpu.memref_slice %arg8[%dma_start3A_364, %dma_start3A_366, %dma_start3A_367] : memref<3x128x128xf32, #tpu.memory_space<vmem>> -> memref<1x128x128xf32, #tpu.memory_space<vmem>>
      %dma_start3A_369 = tpu.memref_squeeze %dma_start3A_368 : memref<1x128x128xf32, #tpu.memory_space<vmem>> -> memref<128x128xf32, #tpu.memory_space<vmem>>
      %dma_start3A_370 = arith.constant 0 : i32
      %dma_start3A_371 = tpu.memref_slice %arg7[%dma_start3A_362, %dma_start3A_363, %dma_start3A_370] : memref<4x2x128xi32, #tpu.memory_space<vmem>> -> memref<1x1x128xi32, #tpu.memory_space<vmem>>
      %dma_start3A_372 = tpu.memref_squeeze %dma_start3A_371 : memref<1x1x128xi32, #tpu.memory_space<vmem>> -> memref<128xi32, #tpu.memory_space<vmem>>
      %dma_start3A_373 = arith.constant 0 : i32
      %dma_start3A_374 = arith.constant 0 : i32
      %dma_start3A_375 = tpu.memref_slice %arg4[%dma_start3A_373, %dma_start3A_374] : memref<10000x128xf32, #tpu.memory_space<hbm>> -> memref<10000x128xf32, #tpu.memory_space<hbm>>
      %dma_start3A_376 = tpu.memref_slice %arg11[%dma_start3A_365] : memref<3x!tpu.dma_semaphore, #tpu.memory_space<semaphore_mem>> -> memref<1x!tpu.dma_semaphore, #tpu.memory_space<semaphore_mem>>
      %dma_start3A_377 = tpu.memref_squeeze %dma_start3A_376 : memref<1x!tpu.dma_semaphore, #tpu.memory_space<semaphore_mem>> -> memref<!tpu.dma_semaphore, #tpu.memory_space<semaphore_mem>>
      tpu.enqueue_indirect_dma source(%dma_start3A_375 : memref<10000x128xf32, #tpu.memory_space<hbm>>) target(%dma_start3A_369 : memref<128x128xf32, #tpu.memory_space<vmem>>) offsets(%dma_start3A_372 : memref<128xi32, #tpu.memory_space<vmem>>) semaphore(%dma_start3A_377 : memref<!tpu.dma_semaphore, #tpu.memory_space<semaphore_mem>>)
    } else {
    }
    %dma_wait3A_260 = arith.constant 0 : i32
    %dma_wait3A_261 = arith.constant 0 : i32
    %dma_wait3A_262 = arith.constant 2 : i32
    %dma_wait3A_263 = arith.constant 2 : i32
    %dma_wait3A_264 = arith.constant 0 : i32
    %dma_wait3A_265 = arith.constant 0 : i32
    %dma_wait3A_266 = tpu.memref_slice %arg8[%dma_wait3A_262, %dma_wait3A_264, %dma_wait3A_265] : memref<3x128x128xf32, #tpu.memory_space<vmem>> -> memref<1x128x128xf32, #tpu.memory_space<vmem>>
    %dma_wait3A_267 = tpu.memref_squeeze %dma_wait3A_266 : memref<1x128x128xf32, #tpu.memory_space<vmem>> -> memref<128x128xf32, #tpu.memory_space<vmem>>
    %dma_wait3A_268 = arith.constant 0 : i32
    %dma_wait3A_269 = tpu.memref_slice %arg7[%dma_wait3A_260, %dma_wait3A_261, %dma_wait3A_268] : memref<4x2x128xi32, #tpu.memory_space<vmem>> -> memref<1x1x128xi32, #tpu.memory_space<vmem>>
    %dma_wait3A_270 = tpu.memref_squeeze %dma_wait3A_269 : memref<1x1x128xi32, #tpu.memory_space<vmem>> -> memref<128xi32, #tpu.memory_space<vmem>>
    %dma_wait3A_271 = arith.constant 0 : i32
    %dma_wait3A_272 = arith.constant 0 : i32
    %dma_wait3A_273 = tpu.memref_slice %arg3[%dma_wait3A_271, %dma_wait3A_272] : memref<10000x128xf32, #tpu.memory_space<hbm>> -> memref<10000x128xf32, #tpu.memory_space<hbm>>
    %dma_wait3A_274 = tpu.memref_slice %arg11[%dma_wait3A_263] : memref<3x!tpu.dma_semaphore, #tpu.memory_space<semaphore_mem>> -> memref<1x!tpu.dma_semaphore, #tpu.memory_space<semaphore_mem>>
    %dma_wait3A_275 = tpu.memref_squeeze %dma_wait3A_274 : memref<1x!tpu.dma_semaphore, #tpu.memory_space<semaphore_mem>> -> memref<!tpu.dma_semaphore, #tpu.memory_space<semaphore_mem>>
    tpu.wait_indirect_dma semaphore(%dma_wait3A_275 : memref<!tpu.dma_semaphore, #tpu.memory_space<semaphore_mem>>) src(%dma_wait3A_273 : memref<10000x128xf32, #tpu.memory_space<hbm>>) dst(%dma_wait3A_267 : memref<128x128xf32, #tpu.memory_space<vmem>>)
    %dma_wait3A_276 = arith.constant 0 : i32
    %dma_wait3A_277 = arith.constant 0 : i32
    %dma_wait3A_278 = arith.constant 1 : i32
    %dma_wait3A_279 = arith.constant 0 : i32
    %dma_wait3A_280 = arith.constant 0 : i32
    %dma_wait3A_281 = tpu.memref_slice %arg8[%dma_wait3A_276, %dma_wait3A_279, %dma_wait3A_280] : memref<3x128x128xf32, #tpu.memory_space<vmem>> -> memref<1x128x128xf32, #tpu.memory_space<vmem>>
    %dma_wait3A_282 = tpu.memref_squeeze %dma_wait3A_281 : memref<1x128x128xf32, #tpu.memory_space<vmem>> -> memref<128x128xf32, #tpu.memory_space<vmem>>
    %dma_wait3A_283 = arith.constant 0 : i32
    %dma_wait3A_284 = tpu.memref_slice %arg7[%dma_wait3A_277, %dma_wait3A_278, %dma_wait3A_283] : memref<4x2x128xi32, #tpu.memory_space<vmem>> -> memref<1x1x128xi32, #tpu.memory_space<vmem>>
    %dma_wait3A_285 = tpu.memref_squeeze %dma_wait3A_284 : memref<1x1x128xi32, #tpu.memory_space<vmem>> -> memref<128xi32, #tpu.memory_space<vmem>>
    %dma_wait3A_286 = arith.constant 0 : i32
    %dma_wait3A_287 = arith.constant 0 : i32
    %dma_wait3A_288 = tpu.memref_slice %arg9[%dma_wait3A_286, %dma_wait3A_287] : memref<10112x128xf32, #tpu.memory_space<vmem_shared>> -> memref<10112x128xf32, #tpu.memory_space<vmem_shared>>
    tpu.wait_indirect_dma semaphore(%arg12 : memref<!tpu.dma_semaphore, #tpu.memory_space<semaphore_mem>>) src(%dma_wait3A_282 : memref<128x128xf32, #tpu.memory_space<vmem>>) dst(%dma_wait3A_288 : memref<10112x128xf32, #tpu.memory_space<vmem_shared>>)
    %dma_start3A_289 = arith.constant 2 : i32
    %dma_start3A_290 = arith.constant 1 : i32
    %dma_start3A_291 = arith.constant 1 : i32
    %dma_start3A_292 = arith.constant 0 : i32
    %dma_start3A_293 = arith.constant 0 : i32
    %dma_start3A_294 = tpu.memref_slice %arg8[%dma_start3A_289, %dma_start3A_292, %dma_start3A_293] : memref<3x128x128xf32, #tpu.memory_space<vmem>> -> memref<1x128x128xf32, #tpu.memory_space<vmem>>
    %dma_start3A_295 = tpu.memref_squeeze %dma_start3A_294 : memref<1x128x128xf32, #tpu.memory_space<vmem>> -> memref<128x128xf32, #tpu.memory_space<vmem>>
    %dma_start3A_296 = arith.constant 0 : i32
    %dma_start3A_297 = tpu.memref_slice %arg7[%dma_start3A_290, %dma_start3A_291, %dma_start3A_296] : memref<4x2x128xi32, #tpu.memory_space<vmem>> -> memref<1x1x128xi32, #tpu.memory_space<vmem>>
    %dma_start3A_298 = tpu.memref_squeeze %dma_start3A_297 : memref<1x1x128xi32, #tpu.memory_space<vmem>> -> memref<128xi32, #tpu.memory_space<vmem>>
    %dma_start3A_299 = arith.constant 0 : i32
    %dma_start3A_300 = arith.constant 0 : i32
    %dma_start3A_301 = tpu.memref_slice %arg9[%dma_start3A_299, %dma_start3A_300] : memref<10112x128xf32, #tpu.memory_space<vmem_shared>> -> memref<10112x128xf32, #tpu.memory_space<vmem_shared>>
    tpu.enqueue_indirect_dma source(%dma_start3A_295 : memref<128x128xf32, #tpu.memory_space<vmem>>) target(%dma_start3A_301 : memref<10112x128xf32, #tpu.memory_space<vmem_shared>>) offsets(%dma_start3A_298 : memref<128xi32, #tpu.memory_space<vmem>>) semaphore(%arg12 : memref<!tpu.dma_semaphore, #tpu.memory_space<semaphore_mem>>) {add = true}
    %dma_wait3A_302 = arith.constant 0 : i32
    %dma_wait3A_303 = arith.constant 0 : i32
    %dma_wait3A_304 = arith.constant 0 : i32
    %dma_wait3A_305 = arith.constant 0 : i32
    %dma_wait3A_306 = arith.constant 0 : i32
    %dma_wait3A_307 = arith.constant 0 : i32
    %dma_wait3A_308 = tpu.memref_slice %arg8[%dma_wait3A_304, %dma_wait3A_306, %dma_wait3A_307] : memref<3x128x128xf32, #tpu.memory_space<vmem>> -> memref<1x128x128xf32, #tpu.memory_space<vmem>>
    %dma_wait3A_309 = tpu.memref_squeeze %dma_wait3A_308 : memref<1x128x128xf32, #tpu.memory_space<vmem>> -> memref<128x128xf32, #tpu.memory_space<vmem>>
    %dma_wait3A_310 = arith.constant 0 : i32
    %dma_wait3A_311 = tpu.memref_slice %arg7[%dma_wait3A_302, %dma_wait3A_303, %dma_wait3A_310] : memref<4x2x128xi32, #tpu.memory_space<vmem>> -> memref<1x1x128xi32, #tpu.memory_space<vmem>>
    %dma_wait3A_312 = tpu.memref_squeeze %dma_wait3A_311 : memref<1x1x128xi32, #tpu.memory_space<vmem>> -> memref<128xi32, #tpu.memory_space<vmem>>
    %dma_wait3A_313 = arith.constant 0 : i32
    %dma_wait3A_314 = arith.constant 0 : i32
    %dma_wait3A_315 = tpu.memref_slice %arg3[%dma_wait3A_313, %dma_wait3A_314] : memref<10000x128xf32, #tpu.memory_space<hbm>> -> memref<10000x128xf32, #tpu.memory_space<hbm>>
    %dma_wait3A_316 = tpu.memref_slice %arg11[%dma_wait3A_305] : memref<3x!tpu.dma_semaphore, #tpu.memory_space<semaphore_mem>> -> memref<1x!tpu.dma_semaphore, #tpu.memory_space<semaphore_mem>>
    %dma_wait3A_317 = tpu.memref_squeeze %dma_wait3A_316 : memref<1x!tpu.dma_semaphore, #tpu.memory_space<semaphore_mem>> -> memref<!tpu.dma_semaphore, #tpu.memory_space<semaphore_mem>>
    tpu.wait_indirect_dma semaphore(%dma_wait3A_317 : memref<!tpu.dma_semaphore, #tpu.memory_space<semaphore_mem>>) src(%dma_wait3A_315 : memref<10000x128xf32, #tpu.memory_space<hbm>>) dst(%dma_wait3A_309 : memref<128x128xf32, #tpu.memory_space<vmem>>)
    %dma_wait3A_318 = arith.constant 0 : i32
    %dma_wait3A_319 = arith.constant 0 : i32
    %dma_wait3A_320 = arith.constant 1 : i32
    %dma_wait3A_321 = arith.constant 0 : i32
    %dma_wait3A_322 = arith.constant 0 : i32
    %dma_wait3A_323 = tpu.memref_slice %arg8[%dma_wait3A_318, %dma_wait3A_321, %dma_wait3A_322] : memref<3x128x128xf32, #tpu.memory_space<vmem>> -> memref<1x128x128xf32, #tpu.memory_space<vmem>>
    %dma_wait3A_324 = tpu.memref_squeeze %dma_wait3A_323 : memref<1x128x128xf32, #tpu.memory_space<vmem>> -> memref<128x128xf32, #tpu.memory_space<vmem>>
    %dma_wait3A_325 = arith.constant 0 : i32
    %dma_wait3A_326 = tpu.memref_slice %arg7[%dma_wait3A_319, %dma_wait3A_320, %dma_wait3A_325] : memref<4x2x128xi32, #tpu.memory_space<vmem>> -> memref<1x1x128xi32, #tpu.memory_space<vmem>>
    %dma_wait3A_327 = tpu.memref_squeeze %dma_wait3A_326 : memref<1x1x128xi32, #tpu.memory_space<vmem>> -> memref<128xi32, #tpu.memory_space<vmem>>
    %dma_wait3A_328 = arith.constant 0 : i32
    %dma_wait3A_329 = arith.constant 0 : i32
    %dma_wait3A_330 = tpu.memref_slice %arg9[%dma_wait3A_328, %dma_wait3A_329] : memref<10112x128xf32, #tpu.memory_space<vmem_shared>> -> memref<10112x128xf32, #tpu.memory_space<vmem_shared>>
    tpu.wait_indirect_dma semaphore(%arg12 : memref<!tpu.dma_semaphore, #tpu.memory_space<semaphore_mem>>) src(%dma_wait3A_324 : memref<128x128xf32, #tpu.memory_space<vmem>>) dst(%dma_wait3A_330 : memref<10112x128xf32, #tpu.memory_space<vmem_shared>>)
    %dma_start3A_331 = arith.constant 0 : i32
    %dma_start3A_332 = arith.constant 2 : i32
    %dma_start3A_333 = arith.constant 1 : i32
    %dma_start3A_334 = arith.constant 0 : i32
    %dma_start3A_335 = arith.constant 0 : i32
    %dma_start3A_336 = tpu.memref_slice %arg8[%dma_start3A_331, %dma_start3A_334, %dma_start3A_335] : memref<3x128x128xf32, #tpu.memory_space<vmem>> -> memref<1x128x128xf32, #tpu.memory_space<vmem>>
    %dma_start3A_337 = tpu.memref_squeeze %dma_start3A_336 : memref<1x128x128xf32, #tpu.memory_space<vmem>> -> memref<128x128xf32, #tpu.memory_space<vmem>>
    %dma_start3A_338 = arith.constant 0 : i32
    %dma_start3A_339 = tpu.memref_slice %arg7[%dma_start3A_332, %dma_start3A_333, %dma_start3A_338] : memref<4x2x128xi32, #tpu.memory_space<vmem>> -> memref<1x1x128xi32, #tpu.memory_space<vmem>>
    %dma_start3A_340 = tpu.memref_squeeze %dma_start3A_339 : memref<1x1x128xi32, #tpu.memory_space<vmem>> -> memref<128xi32, #tpu.memory_space<vmem>>
    %dma_start3A_341 = arith.constant 0 : i32
    %dma_start3A_342 = arith.constant 0 : i32
    %dma_start3A_343 = tpu.memref_slice %arg9[%dma_start3A_341, %dma_start3A_342] : memref<10112x128xf32, #tpu.memory_space<vmem_shared>> -> memref<10112x128xf32, #tpu.memory_space<vmem_shared>>
    tpu.enqueue_indirect_dma source(%dma_start3A_337 : memref<128x128xf32, #tpu.memory_space<vmem>>) target(%dma_start3A_343 : memref<10112x128xf32, #tpu.memory_space<vmem_shared>>) offsets(%dma_start3A_340 : memref<128xi32, #tpu.memory_space<vmem>>) semaphore(%arg12 : memref<!tpu.dma_semaphore, #tpu.memory_space<semaphore_mem>>) {add = true}
    %dma_wait3A_344 = arith.constant 0 : i32
    %dma_wait3A_345 = arith.constant 0 : i32
    %dma_wait3A_346 = arith.constant 1 : i32
    %dma_wait3A_347 = arith.constant 0 : i32
    %dma_wait3A_348 = arith.constant 0 : i32
    %dma_wait3A_349 = tpu.memref_slice %arg8[%dma_wait3A_344, %dma_wait3A_347, %dma_wait3A_348] : memref<3x128x128xf32, #tpu.memory_space<vmem>> -> memref<1x128x128xf32, #tpu.memory_space<vmem>>
    %dma_wait3A_350 = tpu.memref_squeeze %dma_wait3A_349 : memref<1x128x128xf32, #tpu.memory_space<vmem>> -> memref<128x128xf32, #tpu.memory_space<vmem>>
    %dma_wait3A_351 = arith.constant 0 : i32
    %dma_wait3A_352 = tpu.memref_slice %arg7[%dma_wait3A_345, %dma_wait3A_346, %dma_wait3A_351] : memref<4x2x128xi32, #tpu.memory_space<vmem>> -> memref<1x1x128xi32, #tpu.memory_space<vmem>>
    %dma_wait3A_353 = tpu.memref_squeeze %dma_wait3A_352 : memref<1x1x128xi32, #tpu.memory_space<vmem>> -> memref<128xi32, #tpu.memory_space<vmem>>
    %dma_wait3A_354 = arith.constant 0 : i32
    %dma_wait3A_355 = arith.constant 0 : i32
    %dma_wait3A_356 = tpu.memref_slice %arg9[%dma_wait3A_354, %dma_wait3A_355] : memref<10112x128xf32, #tpu.memory_space<vmem_shared>> -> memref<10112x128xf32, #tpu.memory_space<vmem_shared>>
    tpu.wait_indirect_dma semaphore(%arg12 : memref<!tpu.dma_semaphore, #tpu.memory_space<semaphore_mem>>) src(%dma_wait3A_350 : memref<128x128xf32, #tpu.memory_space<vmem>>) dst(%dma_wait3A_356 : memref<10112x128xf32, #tpu.memory_space<vmem_shared>>)
    %barrier3A_357 = arith.constant 0 : index
    tpu.barrier barrier_id(%barrier3A_357)
    %mul3A_358 = arith.constant 632 : i32
    %mul3A_359 = arith.muli %arg1, %mul3A_358 : i32
    %mul3A_360 = arith.constant 632 : i32
    %mul3A_361 = arith.muli %arg1, %mul3A_360 : i32
    "tpu.region"() ({
      %run_scoped3A = tpu.sem_alloc : memref<!tpu.dma_semaphore, #tpu.memory_space<semaphore_mem>>
      %dma_start3A_362 = arith.constant 0 : i32
      %dma_start3A_363 = tpu.memref_slice %arg6[%arg0, %mul3A_361, %dma_start3A_362] : memref<2x10112x128xf32, #tpu.memory_space<hbm>> -> memref<1x632x128xf32, #tpu.memory_space<hbm>>
      %dma_start3A_364 = tpu.memref_squeeze %dma_start3A_363 : memref<1x632x128xf32, #tpu.memory_space<hbm>> -> memref<632x128xf32, #tpu.memory_space<hbm>>
      %dma_start3A_365 = arith.constant 0 : i32
      %dma_start3A_366 = tpu.memref_slice %arg9[%mul3A_359, %dma_start3A_365] : memref<10112x128xf32, #tpu.memory_space<vmem_shared>> -> memref<632x128xf32, #tpu.memory_space<vmem_shared>>
      tpu.enqueue_dma source(%dma_start3A_366 : memref<632x128xf32, #tpu.memory_space<vmem_shared>>) target(%dma_start3A_364 : memref<632x128xf32, #tpu.memory_space<hbm>>) target_semaphore(%run_scoped3A : memref<!tpu.dma_semaphore, #tpu.memory_space<semaphore_mem>>)
      %dma_wait3A_367 = arith.constant 0 : i32
      %dma_wait3A_368 = tpu.memref_slice %arg6[%arg0, %mul3A_361, %dma_wait3A_367] : memref<2x10112x128xf32, #tpu.memory_space<hbm>> -> memref<1x632x128xf32, #tpu.memory_space<hbm>>
      %dma_wait3A_369 = tpu.memref_squeeze %dma_wait3A_368 : memref<1x632x128xf32, #tpu.memory_space<hbm>> -> memref<632x128xf32, #tpu.memory_space<hbm>>
      %dma_wait3A_370 = arith.constant 0 : i32
      %dma_wait3A_371 = tpu.memref_slice %arg9[%mul3A_359, %dma_wait3A_370] : memref<10112x128xf32, #tpu.memory_space<vmem_shared>> -> memref<632x128xf32, #tpu.memory_space<vmem_shared>>
      tpu.wait_dma2 semaphore(%run_scoped3A : memref<!tpu.dma_semaphore, #tpu.memory_space<semaphore_mem>>) src(%dma_wait3A_371 : memref<632x128xf32, #tpu.memory_space<vmem_shared>>) dst(%dma_wait3A_369 : memref<632x128xf32, #tpu.memory_space<hbm>>)
      tpu.yield
    }) : () -> ()
    return
  }
}

#map = affine_map<(d0, d1) -> (0, 0, 0, 0)>
#map1 = affine_map<(d0, d1) -> (0, 0)>
#map2 = affine_map<(d0, d1) -> (0, 0, 0)>
module attributes {stable_mosaic.version = 14 : i64} {
  func.func @seg_kernel(%arg0: i32, %arg1: i32, %arg2: memref<16x157x2x128xi32, #tpu.memory_space<hbm>>, %arg3: memref<10000x128xf32, #tpu.memory_space<hbm>>, %arg4: memref<10000x128xf32, #tpu.memory_space<hbm>>, %arg5: memref<632x128xf32, #tpu.memory_space<hbm>>, %arg6: memref<2x10112x128xf32, #tpu.memory_space<hbm>>, %arg7: memref<4x2x128xi32, #tpu.memory_space<vmem>>, %arg8: memref<3x128x128xf32, #tpu.memory_space<vmem>>, %arg9: memref<10112x128xf32, #tpu.memory_space<vmem_shared>>, %arg10: memref<!tpu.dma_semaphore, #tpu.memory_space<semaphore_mem>>, %arg11: memref<3x!tpu.dma_semaphore, #tpu.memory_space<semaphore_mem>>, %arg12: memref<!tpu.dma_semaphore, #tpu.memory_space<semaphore_mem>>, %arg13: memref<!tpu.dma_semaphore, #tpu.memory_space<semaphore_mem>>) attributes {dimension_semantics = [#tpu.dimension_semantics<core_parallel>, #tpu.dimension_semantics<subcore_parallel>], iteration_bounds = array<i64: 2, 16>, scalar_prefetch = 0 : i64, scratch_operands = 7 : i64, tpu.core_type = #tpu.core_type<sc_vector_subcore>, window_params = [{transform_indices = #map}, {transform_indices = #map1}, {transform_indices = #map1}, {transform_indices = #map1}, {transform_indices = #map2}]} {
    %dma_start3A = arith.constant 0 : i32
    %dma_start3A_0 = arith.constant 0 : i32
    %dma_start3A_1 = arith.constant 0 : i32
    %dma_start3A_2 = arith.constant 0 : i32
    %dma_start3A_3 = tpu.memref_slice %arg7[%dma_start3A_0, %dma_start3A_1, %dma_start3A_2] : memref<4x2x128xi32, #tpu.memory_space<vmem>> -> memref<1x2x128xi32, #tpu.memory_space<vmem>>
    %dma_start3A_4 = tpu.memref_squeeze %dma_start3A_3 : memref<1x2x128xi32, #tpu.memory_space<vmem>> -> memref<2x128xi32, #tpu.memory_space<vmem>>
    %dma_start3A_5 = arith.constant 0 : i32
    %dma_start3A_6 = arith.constant 0 : i32
    %dma_start3A_7 = tpu.memref_slice %arg2[%arg1, %dma_start3A, %dma_start3A_5, %dma_start3A_6] : memref<16x157x2x128xi32, #tpu.memory_space<hbm>> -> memref<1x1x2x128xi32, #tpu.memory_space<hbm>>
    %dma_start3A_8 = tpu.memref_squeeze %dma_start3A_7 : memref<1x1x2x128xi32, #tpu.memory_space<hbm>> -> memref<2x128xi32, #tpu.memory_space<hbm>>
    %dma_start3A_9 = arith.constant 0 : i32
    %dma_start3A_10 = arith.constant 0 : i32
    %dma_start3A_11 = tpu.memref_slice %arg7[%dma_start3A_0, %dma_start3A_9, %dma_start3A_10] : memref<4x2x128xi32, #tpu.memory_space<vmem>> -> memref<1x2x128xi32, #tpu.memory_space<vmem>>
    %dma_start3A_12 = tpu.memref_squeeze %dma_start3A_11 : memref<1x2x128xi32, #tpu.memory_space<vmem>> -> memref<2x128xi32, #tpu.memory_space<vmem>>
    %dma_start3A_13 = arith.constant 0 : i32
    %dma_start3A_14 = arith.constant 0 : i32
    %dma_start3A_15 = tpu.memref_slice %arg2[%arg1, %dma_start3A, %dma_start3A_13, %dma_start3A_14] : memref<16x157x2x128xi32, #tpu.memory_space<hbm>> -> memref<1x1x2x128xi32, #tpu.memory_space<hbm>>
    %dma_start3A_16 = tpu.memref_squeeze %dma_start3A_15 : memref<1x1x2x128xi32, #tpu.memory_space<hbm>> -> memref<2x128xi32, #tpu.memory_space<hbm>>
    tpu.enqueue_dma source(%dma_start3A_16 : memref<2x128xi32, #tpu.memory_space<hbm>>) target(%dma_start3A_12 : memref<2x128xi32, #tpu.memory_space<vmem>>) target_semaphore(%arg10 : memref<!tpu.dma_semaphore, #tpu.memory_space<semaphore_mem>>)
    %mul3A = arith.constant 632 : i32
    %mul3A_17 = arith.muli %arg1, %mul3A : i32
    %dma_start3A_18 = arith.constant 0 : i32
    %dma_start3A_19 = tpu.memref_slice %arg9[%mul3A_17, %dma_start3A_18] : memref<10112x128xf32, #tpu.memory_space<vmem_shared>> -> memref<632x128xf32, #tpu.memory_space<vmem_shared>>
    tpu.enqueue_dma source(%arg5 : memref<632x128xf32, #tpu.memory_space<hbm>>) target(%dma_start3A_19 : memref<632x128xf32, #tpu.memory_space<vmem_shared>>) target_semaphore(%arg13 : memref<!tpu.dma_semaphore, #tpu.memory_space<semaphore_mem>>)
    %dma_wait3A = arith.constant 0 : i32
    %dma_wait3A_20 = arith.constant 0 : i32
    %dma_wait3A_21 = arith.constant 0 : i32
    %dma_wait3A_22 = arith.constant 0 : i32
    %dma_wait3A_23 = tpu.memref_slice %arg7[%dma_wait3A_20, %dma_wait3A_21, %dma_wait3A_22] : memref<4x2x128xi32, #tpu.memory_space<vmem>> -> memref<1x2x128xi32, #tpu.memory_space<vmem>>
    %dma_wait3A_24 = tpu.memref_squeeze %dma_wait3A_23 : memref<1x2x128xi32, #tpu.memory_space<vmem>> -> memref<2x128xi32, #tpu.memory_space<vmem>>
    %dma_wait3A_25 = arith.constant 0 : i32
    %dma_wait3A_26 = arith.constant 0 : i32
    %dma_wait3A_27 = tpu.memref_slice %arg2[%arg1, %dma_wait3A, %dma_wait3A_25, %dma_wait3A_26] : memref<16x157x2x128xi32, #tpu.memory_space<hbm>> -> memref<1x1x2x128xi32, #tpu.memory_space<hbm>>
    %dma_wait3A_28 = tpu.memref_squeeze %dma_wait3A_27 : memref<1x1x2x128xi32, #tpu.memory_space<hbm>> -> memref<2x128xi32, #tpu.memory_space<hbm>>
    %dma_wait3A_29 = arith.constant 0 : i32
    %dma_wait3A_30 = arith.constant 0 : i32
    %dma_wait3A_31 = tpu.memref_slice %arg7[%dma_wait3A_20, %dma_wait3A_29, %dma_wait3A_30] : memref<4x2x128xi32, #tpu.memory_space<vmem>> -> memref<1x2x128xi32, #tpu.memory_space<vmem>>
    %dma_wait3A_32 = tpu.memref_squeeze %dma_wait3A_31 : memref<1x2x128xi32, #tpu.memory_space<vmem>> -> memref<2x128xi32, #tpu.memory_space<vmem>>
    %dma_wait3A_33 = arith.constant 0 : i32
    %dma_wait3A_34 = arith.constant 0 : i32
    %dma_wait3A_35 = tpu.memref_slice %arg2[%arg1, %dma_wait3A, %dma_wait3A_33, %dma_wait3A_34] : memref<16x157x2x128xi32, #tpu.memory_space<hbm>> -> memref<1x1x2x128xi32, #tpu.memory_space<hbm>>
    %dma_wait3A_36 = tpu.memref_squeeze %dma_wait3A_35 : memref<1x1x2x128xi32, #tpu.memory_space<hbm>> -> memref<2x128xi32, #tpu.memory_space<hbm>>
    tpu.wait_dma2 semaphore(%arg10 : memref<!tpu.dma_semaphore, #tpu.memory_space<semaphore_mem>>) src(%dma_wait3A_36 : memref<2x128xi32, #tpu.memory_space<hbm>>) dst(%dma_wait3A_32 : memref<2x128xi32, #tpu.memory_space<vmem>>)
    %dma_start3A_37 = arith.constant 1 : i32
    %dma_start3A_38 = arith.constant 1 : i32
    %dma_start3A_39 = arith.constant 0 : i32
    %dma_start3A_40 = arith.constant 0 : i32
    %dma_start3A_41 = tpu.memref_slice %arg7[%dma_start3A_38, %dma_start3A_39, %dma_start3A_40] : memref<4x2x128xi32, #tpu.memory_space<vmem>> -> memref<1x2x128xi32, #tpu.memory_space<vmem>>
    %dma_start3A_42 = tpu.memref_squeeze %dma_start3A_41 : memref<1x2x128xi32, #tpu.memory_space<vmem>> -> memref<2x128xi32, #tpu.memory_space<vmem>>
    %dma_start3A_43 = arith.constant 0 : i32
    %dma_start3A_44 = arith.constant 0 : i32
    %dma_start3A_45 = tpu.memref_slice %arg2[%arg1, %dma_start3A_37, %dma_start3A_43, %dma_start3A_44] : memref<16x157x2x128xi32, #tpu.memory_space<hbm>> -> memref<1x1x2x128xi32, #tpu.memory_space<hbm>>
    %dma_start3A_46 = tpu.memref_squeeze %dma_start3A_45 : memref<1x1x2x128xi32, #tpu.memory_space<hbm>> -> memref<2x128xi32, #tpu.memory_space<hbm>>
    %dma_start3A_47 = arith.constant 0 : i32
    %dma_start3A_48 = arith.constant 0 : i32
    %dma_start3A_49 = tpu.memref_slice %arg7[%dma_start3A_38, %dma_start3A_47, %dma_start3A_48] : memref<4x2x128xi32, #tpu.memory_space<vmem>> -> memref<1x2x128xi32, #tpu.memory_space<vmem>>
    %dma_start3A_50 = tpu.memref_squeeze %dma_start3A_49 : memref<1x2x128xi32, #tpu.memory_space<vmem>> -> memref<2x128xi32, #tpu.memory_space<vmem>>
    %dma_start3A_51 = arith.constant 0 : i32
    %dma_start3A_52 = arith.constant 0 : i32
    %dma_start3A_53 = tpu.memref_slice %arg2[%arg1, %dma_start3A_37, %dma_start3A_51, %dma_start3A_52] : memref<16x157x2x128xi32, #tpu.memory_space<hbm>> -> memref<1x1x2x128xi32, #tpu.memory_space<hbm>>
    %dma_start3A_54 = tpu.memref_squeeze %dma_start3A_53 : memref<1x1x2x128xi32, #tpu.memory_space<hbm>> -> memref<2x128xi32, #tpu.memory_space<hbm>>
    tpu.enqueue_dma source(%dma_start3A_54 : memref<2x128xi32, #tpu.memory_space<hbm>>) target(%dma_start3A_50 : memref<2x128xi32, #tpu.memory_space<vmem>>) target_semaphore(%arg10 : memref<!tpu.dma_semaphore, #tpu.memory_space<semaphore_mem>>)
    %eq3A = arith.constant 0 : i32
    %eq3A_55 = arith.cmpi eq, %arg0, %eq3A : i32
    %convert_element_type3A = arith.extui %eq3A_55 : i1 to i32
    %cond3A = arith.constant 0 : i32
    %cond3A_56 = arith.cmpi ne, %convert_element_type3A, %cond3A : i32
    scf.if %cond3A_56 {
      %dma_start3A_362 = arith.constant 0 : i32
      %dma_start3A_363 = arith.constant 0 : i32
      %dma_start3A_364 = arith.constant 0 : i32
      %dma_start3A_365 = arith.constant 0 : i32
      %dma_start3A_366 = arith.constant 0 : i32
      %dma_start3A_367 = arith.constant 0 : i32
      %dma_start3A_368 = tpu.memref_slice %arg8[%dma_start3A_364, %dma_start3A_366, %dma_start3A_367] : memref<3x128x128xf32, #tpu.memory_space<vmem>> -> memref<1x128x128xf32, #tpu.memory_space<vmem>>
      %dma_start3A_369 = tpu.memref_squeeze %dma_start3A_368 : memref<1x128x128xf32, #tpu.memory_space<vmem>> -> memref<128x128xf32, #tpu.memory_space<vmem>>
      %dma_start3A_370 = arith.constant 0 : i32
      %dma_start3A_371 = tpu.memref_slice %arg7[%dma_start3A_362, %dma_start3A_363, %dma_start3A_370] : memref<4x2x128xi32, #tpu.memory_space<vmem>> -> memref<1x1x128xi32, #tpu.memory_space<vmem>>
      %dma_start3A_372 = tpu.memref_squeeze %dma_start3A_371 : memref<1x1x128xi32, #tpu.memory_space<vmem>> -> memref<128xi32, #tpu.memory_space<vmem>>
      %dma_start3A_373 = arith.constant 0 : i32
      %dma_start3A_374 = arith.constant 0 : i32
      %dma_start3A_375 = tpu.memref_slice %arg3[%dma_start3A_373, %dma_start3A_374] : memref<10000x128xf32, #tpu.memory_space<hbm>> -> memref<10000x128xf32, #tpu.memory_space<hbm>>
      %dma_start3A_376 = tpu.memref_slice %arg11[%dma_start3A_365] : memref<3x!tpu.dma_semaphore, #tpu.memory_space<semaphore_mem>> -> memref<1x!tpu.dma_semaphore, #tpu.memory_space<semaphore_mem>>
      %dma_start3A_377 = tpu.memref_squeeze %dma_start3A_376 : memref<1x!tpu.dma_semaphore, #tpu.memory_space<semaphore_mem>> -> memref<!tpu.dma_semaphore, #tpu.memory_space<semaphore_mem>>
      tpu.enqueue_indirect_dma source(%dma_start3A_375 : memref<10000x128xf32, #tpu.memory_space<hbm>>) target(%dma_start3A_369 : memref<128x128xf32, #tpu.memory_space<vmem>>) offsets(%dma_start3A_372 : memref<128xi32, #tpu.memory_space<vmem>>) semaphore(%dma_start3A_377 : memref<!tpu.dma_semaphore, #tpu.memory_space<semaphore_mem>>)
    } else {
    }
    %eq3A_57 = arith.constant 1 : i32
    %eq3A_58 = arith.cmpi eq, %arg0, %eq3A_57 : i32
    %convert_element_type3A_59 = arith.extui %eq3A_58 : i1 to i32
    %cond3A_60 = arith.constant 0 : i32
    %cond3A_61 = arith.cmpi ne, %convert_element_type3A_59, %cond3A_60 : i32
    scf.if %cond3A_61 {
      %dma_start3A_362 = arith.constant 0 : i32
      %dma_start3A_363 = arith.constant 0 : i32
      %dma_start3A_364 = arith.constant 0 : i32
      %dma_start3A_365 = arith.constant 0 : i32
      %dma_start3A_366 = arith.constant 0 : i32
      %dma_start3A_367 = arith.constant 0 : i32
      %dma_start3A_368 = tpu.memref_slice %arg8[%dma_start3A_364, %dma_start3A_366, %dma_start3A_367] : memref<3x128x128xf32, #tpu.memory_space<vmem>> -> memref<1x128x128xf32, #tpu.memory_space<vmem>>
      %dma_start3A_369 = tpu.memref_squeeze %dma_start3A_368 : memref<1x128x128xf32, #tpu.memory_space<vmem>> -> memref<128x128xf32, #tpu.memory_space<vmem>>
      %dma_start3A_370 = arith.constant 0 : i32
      %dma_start3A_371 = tpu.memref_slice %arg7[%dma_start3A_362, %dma_start3A_363, %dma_start3A_370] : memref<4x2x128xi32, #tpu.memory_space<vmem>> -> memref<1x1x128xi32, #tpu.memory_space<vmem>>
      %dma_start3A_372 = tpu.memref_squeeze %dma_start3A_371 : memref<1x1x128xi32, #tpu.memory_space<vmem>> -> memref<128xi32, #tpu.memory_space<vmem>>
      %dma_start3A_373 = arith.constant 0 : i32
      %dma_start3A_374 = arith.constant 0 : i32
      %dma_start3A_375 = tpu.memref_slice %arg4[%dma_start3A_373, %dma_start3A_374] : memref<10000x128xf32, #tpu.memory_space<hbm>> -> memref<10000x128xf32, #tpu.memory_space<hbm>>
      %dma_start3A_376 = tpu.memref_slice %arg11[%dma_start3A_365] : memref<3x!tpu.dma_semaphore, #tpu.memory_space<semaphore_mem>> -> memref<1x!tpu.dma_semaphore, #tpu.memory_space<semaphore_mem>>
      %dma_start3A_377 = tpu.memref_squeeze %dma_start3A_376 : memref<1x!tpu.dma_semaphore, #tpu.memory_space<semaphore_mem>> -> memref<!tpu.dma_semaphore, #tpu.memory_space<semaphore_mem>>
      tpu.enqueue_indirect_dma source(%dma_start3A_375 : memref<10000x128xf32, #tpu.memory_space<hbm>>) target(%dma_start3A_369 : memref<128x128xf32, #tpu.memory_space<vmem>>) offsets(%dma_start3A_372 : memref<128xi32, #tpu.memory_space<vmem>>) semaphore(%dma_start3A_377 : memref<!tpu.dma_semaphore, #tpu.memory_space<semaphore_mem>>)
    } else {
    }
    %dma_wait3A_62 = arith.constant 0 : i32
    %dma_wait3A_63 = arith.constant 0 : i32
    %dma_wait3A_64 = arith.constant 0 : i32
    %dma_wait3A_65 = arith.constant 0 : i32
    %dma_wait3A_66 = tpu.memref_slice %arg7[%dma_wait3A_63, %dma_wait3A_64, %dma_wait3A_65] : memref<4x2x128xi32, #tpu.memory_space<vmem>> -> memref<1x2x128xi32, #tpu.memory_space<vmem>>
    %dma_wait3A_67 = tpu.memref_squeeze %dma_wait3A_66 : memref<1x2x128xi32, #tpu.memory_space<vmem>> -> memref<2x128xi32, #tpu.memory_space<vmem>>
    %dma_wait3A_68 = arith.constant 0 : i32
    %dma_wait3A_69 = arith.constant 0 : i32
    %dma_wait3A_70 = tpu.memref_slice %arg2[%arg1, %dma_wait3A_62, %dma_wait3A_68, %dma_wait3A_69] : memref<16x157x2x128xi32, #tpu.memory_space<hbm>> -> memref<1x1x2x128xi32, #tpu.memory_space<hbm>>
    %dma_wait3A_71 = tpu.memref_squeeze %dma_wait3A_70 : memref<1x1x2x128xi32, #tpu.memory_space<hbm>> -> memref<2x128xi32, #tpu.memory_space<hbm>>
    %dma_wait3A_72 = arith.constant 0 : i32
    %dma_wait3A_73 = arith.constant 0 : i32
    %dma_wait3A_74 = tpu.memref_slice %arg7[%dma_wait3A_63, %dma_wait3A_72, %dma_wait3A_73] : memref<4x2x128xi32, #tpu.memory_space<vmem>> -> memref<1x2x128xi32, #tpu.memory_space<vmem>>
    %dma_wait3A_75 = tpu.memref_squeeze %dma_wait3A_74 : memref<1x2x128xi32, #tpu.memory_space<vmem>> -> memref<2x128xi32, #tpu.memory_space<vmem>>
    %dma_wait3A_76 = arith.constant 0 : i32
    %dma_wait3A_77 = arith.constant 0 : i32
    %dma_wait3A_78 = tpu.memref_slice %arg2[%arg1, %dma_wait3A_62, %dma_wait3A_76, %dma_wait3A_77] : memref<16x157x2x128xi32, #tpu.memory_space<hbm>> -> memref<1x1x2x128xi32, #tpu.memory_space<hbm>>
    %dma_wait3A_79 = tpu.memref_squeeze %dma_wait3A_78 : memref<1x1x2x128xi32, #tpu.memory_space<hbm>> -> memref<2x128xi32, #tpu.memory_space<hbm>>
    tpu.wait_dma2 semaphore(%arg10 : memref<!tpu.dma_semaphore, #tpu.memory_space<semaphore_mem>>) src(%dma_wait3A_79 : memref<2x128xi32, #tpu.memory_space<hbm>>) dst(%dma_wait3A_75 : memref<2x128xi32, #tpu.memory_space<vmem>>)
    %dma_start3A_80 = arith.constant 2 : i32
    %dma_start3A_81 = arith.constant 2 : i32
    %dma_start3A_82 = arith.constant 0 : i32
    %dma_start3A_83 = arith.constant 0 : i32
    %dma_start3A_84 = tpu.memref_slice %arg7[%dma_start3A_81, %dma_start3A_82, %dma_start3A_83] : memref<4x2x128xi32, #tpu.memory_space<vmem>> -> memref<1x2x128xi32, #tpu.memory_space<vmem>>
    %dma_start3A_85 = tpu.memref_squeeze %dma_start3A_84 : memref<1x2x128xi32, #tpu.memory_space<vmem>> -> memref<2x128xi32, #tpu.memory_space<vmem>>
    %dma_start3A_86 = arith.constant 0 : i32
    %dma_start3A_87 = arith.constant 0 : i32
    %dma_start3A_88 = tpu.memref_slice %arg2[%arg1, %dma_start3A_80, %dma_start3A_86, %dma_start3A_87] : memref<16x157x2x128xi32, #tpu.memory_space<hbm>> -> memref<1x1x2x128xi32, #tpu.memory_space<hbm>>
    %dma_start3A_89 = tpu.memref_squeeze %dma_start3A_88 : memref<1x1x2x128xi32, #tpu.memory_space<hbm>> -> memref<2x128xi32, #tpu.memory_space<hbm>>
    %dma_start3A_90 = arith.constant 0 : i32
    %dma_start3A_91 = arith.constant 0 : i32
    %dma_start3A_92 = tpu.memref_slice %arg7[%dma_start3A_81, %dma_start3A_90, %dma_start3A_91] : memref<4x2x128xi32, #tpu.memory_space<vmem>> -> memref<1x2x128xi32, #tpu.memory_space<vmem>>
    %dma_start3A_93 = tpu.memref_squeeze %dma_start3A_92 : memref<1x2x128xi32, #tpu.memory_space<vmem>> -> memref<2x128xi32, #tpu.memory_space<vmem>>
    %dma_start3A_94 = arith.constant 0 : i32
    %dma_start3A_95 = arith.constant 0 : i32
    %dma_start3A_96 = tpu.memref_slice %arg2[%arg1, %dma_start3A_80, %dma_start3A_94, %dma_start3A_95] : memref<16x157x2x128xi32, #tpu.memory_space<hbm>> -> memref<1x1x2x128xi32, #tpu.memory_space<hbm>>
    %dma_start3A_97 = tpu.memref_squeeze %dma_start3A_96 : memref<1x1x2x128xi32, #tpu.memory_space<hbm>> -> memref<2x128xi32, #tpu.memory_space<hbm>>
    tpu.enqueue_dma source(%dma_start3A_97 : memref<2x128xi32, #tpu.memory_space<hbm>>) target(%dma_start3A_93 : memref<2x128xi32, #tpu.memory_space<vmem>>) target_semaphore(%arg10 : memref<!tpu.dma_semaphore, #tpu.memory_space<semaphore_mem>>)
    %eq3A_98 = arith.constant 0 : i32
    %eq3A_99 = arith.cmpi eq, %arg0, %eq3A_98 : i32
    %convert_element_type3A_100 = arith.extui %eq3A_99 : i1 to i32
    %cond3A_101 = arith.constant 0 : i32
    %cond3A_102 = arith.cmpi ne, %convert_element_type3A_100, %cond3A_101 : i32
    scf.if %cond3A_102 {
      %dma_start3A_362 = arith.constant 1 : i32
      %dma_start3A_363 = arith.constant 0 : i32
      %dma_start3A_364 = arith.constant 1 : i32
      %dma_start3A_365 = arith.constant 1 : i32
      %dma_start3A_366 = arith.constant 0 : i32
      %dma_start3A_367 = arith.constant 0 : i32
      %dma_start3A_368 = tpu.memref_slice %arg8[%dma_start3A_364, %dma_start3A_366, %dma_start3A_367] : memref<3x128x128xf32, #tpu.memory_space<vmem>> -> memref<1x128x128xf32, #tpu.memory_space<vmem>>
      %dma_start3A_369 = tpu.memref_squeeze %dma_start3A_368 : memref<1x128x128xf32, #tpu.memory_space<vmem>> -> memref<128x128xf32, #tpu.memory_space<vmem>>
      %dma_start3A_370 = arith.constant 0 : i32
      %dma_start3A_371 = tpu.memref_slice %arg7[%dma_start3A_362, %dma_start3A_363, %dma_start3A_370] : memref<4x2x128xi32, #tpu.memory_space<vmem>> -> memref<1x1x128xi32, #tpu.memory_space<vmem>>
      %dma_start3A_372 = tpu.memref_squeeze %dma_start3A_371 : memref<1x1x128xi32, #tpu.memory_space<vmem>> -> memref<128xi32, #tpu.memory_space<vmem>>
      %dma_start3A_373 = arith.constant 0 : i32
      %dma_start3A_374 = arith.constant 0 : i32
      %dma_start3A_375 = tpu.memref_slice %arg3[%dma_start3A_373, %dma_start3A_374] : memref<10000x128xf32, #tpu.memory_space<hbm>> -> memref<10000x128xf32, #tpu.memory_space<hbm>>
      %dma_start3A_376 = tpu.memref_slice %arg11[%dma_start3A_365] : memref<3x!tpu.dma_semaphore, #tpu.memory_space<semaphore_mem>> -> memref<1x!tpu.dma_semaphore, #tpu.memory_space<semaphore_mem>>
      %dma_start3A_377 = tpu.memref_squeeze %dma_start3A_376 : memref<1x!tpu.dma_semaphore, #tpu.memory_space<semaphore_mem>> -> memref<!tpu.dma_semaphore, #tpu.memory_space<semaphore_mem>>
      tpu.enqueue_indirect_dma source(%dma_start3A_375 : memref<10000x128xf32, #tpu.memory_space<hbm>>) target(%dma_start3A_369 : memref<128x128xf32, #tpu.memory_space<vmem>>) offsets(%dma_start3A_372 : memref<128xi32, #tpu.memory_space<vmem>>) semaphore(%dma_start3A_377 : memref<!tpu.dma_semaphore, #tpu.memory_space<semaphore_mem>>)
    } else {
    }
    %eq3A_103 = arith.constant 1 : i32
    %eq3A_104 = arith.cmpi eq, %arg0, %eq3A_103 : i32
    %convert_element_type3A_105 = arith.extui %eq3A_104 : i1 to i32
    %cond3A_106 = arith.constant 0 : i32
    %cond3A_107 = arith.cmpi ne, %convert_element_type3A_105, %cond3A_106 : i32
    scf.if %cond3A_107 {
      %dma_start3A_362 = arith.constant 1 : i32
      %dma_start3A_363 = arith.constant 0 : i32
      %dma_start3A_364 = arith.constant 1 : i32
      %dma_start3A_365 = arith.constant 1 : i32
      %dma_start3A_366 = arith.constant 0 : i32
      %dma_start3A_367 = arith.constant 0 : i32
      %dma_start3A_368 = tpu.memref_slice %arg8[%dma_start3A_364, %dma_start3A_366, %dma_start3A_367] : memref<3x128x128xf32, #tpu.memory_space<vmem>> -> memref<1x128x128xf32, #tpu.memory_space<vmem>>
      %dma_start3A_369 = tpu.memref_squeeze %dma_start3A_368 : memref<1x128x128xf32, #tpu.memory_space<vmem>> -> memref<128x128xf32, #tpu.memory_space<vmem>>
      %dma_start3A_370 = arith.constant 0 : i32
      %dma_start3A_371 = tpu.memref_slice %arg7[%dma_start3A_362, %dma_start3A_363, %dma_start3A_370] : memref<4x2x128xi32, #tpu.memory_space<vmem>> -> memref<1x1x128xi32, #tpu.memory_space<vmem>>
      %dma_start3A_372 = tpu.memref_squeeze %dma_start3A_371 : memref<1x1x128xi32, #tpu.memory_space<vmem>> -> memref<128xi32, #tpu.memory_space<vmem>>
      %dma_start3A_373 = arith.constant 0 : i32
      %dma_start3A_374 = arith.constant 0 : i32
      %dma_start3A_375 = tpu.memref_slice %arg4[%dma_start3A_373, %dma_start3A_374] : memref<10000x128xf32, #tpu.memory_space<hbm>> -> memref<10000x128xf32, #tpu.memory_space<hbm>>
      %dma_start3A_376 = tpu.memref_slice %arg11[%dma_start3A_365] : memref<3x!tpu.dma_semaphore, #tpu.memory_space<semaphore_mem>> -> memref<1x!tpu.dma_semaphore, #tpu.memory_space<semaphore_mem>>
      %dma_start3A_377 = tpu.memref_squeeze %dma_start3A_376 : memref<1x!tpu.dma_semaphore, #tpu.memory_space<semaphore_mem>> -> memref<!tpu.dma_semaphore, #tpu.memory_space<semaphore_mem>>
      tpu.enqueue_indirect_dma source(%dma_start3A_375 : memref<10000x128xf32, #tpu.memory_space<hbm>>) target(%dma_start3A_369 : memref<128x128xf32, #tpu.memory_space<vmem>>) offsets(%dma_start3A_372 : memref<128xi32, #tpu.memory_space<vmem>>) semaphore(%dma_start3A_377 : memref<!tpu.dma_semaphore, #tpu.memory_space<semaphore_mem>>)
    } else {
    }
    %dma_wait3A_108 = arith.constant 0 : i32
    %dma_wait3A_109 = arith.constant 0 : i32
    %dma_wait3A_110 = arith.constant 0 : i32
    %dma_wait3A_111 = arith.constant 0 : i32
    %dma_wait3A_112 = tpu.memref_slice %arg7[%dma_wait3A_109, %dma_wait3A_110, %dma_wait3A_111] : memref<4x2x128xi32, #tpu.memory_space<vmem>> -> memref<1x2x128xi32, #tpu.memory_space<vmem>>
    %dma_wait3A_113 = tpu.memref_squeeze %dma_wait3A_112 : memref<1x2x128xi32, #tpu.memory_space<vmem>> -> memref<2x128xi32, #tpu.memory_space<vmem>>
    %dma_wait3A_114 = arith.constant 0 : i32
    %dma_wait3A_115 = arith.constant 0 : i32
    %dma_wait3A_116 = tpu.memref_slice %arg2[%arg1, %dma_wait3A_108, %dma_wait3A_114, %dma_wait3A_115] : memref<16x157x2x128xi32, #tpu.memory_space<hbm>> -> memref<1x1x2x128xi32, #tpu.memory_space<hbm>>
    %dma_wait3A_117 = tpu.memref_squeeze %dma_wait3A_116 : memref<1x1x2x128xi32, #tpu.memory_space<hbm>> -> memref<2x128xi32, #tpu.memory_space<hbm>>
    %dma_wait3A_118 = arith.constant 0 : i32
    %dma_wait3A_119 = arith.constant 0 : i32
    %dma_wait3A_120 = tpu.memref_slice %arg7[%dma_wait3A_109, %dma_wait3A_118, %dma_wait3A_119] : memref<4x2x128xi32, #tpu.memory_space<vmem>> -> memref<1x2x128xi32, #tpu.memory_space<vmem>>
    %dma_wait3A_121 = tpu.memref_squeeze %dma_wait3A_120 : memref<1x2x128xi32, #tpu.memory_space<vmem>> -> memref<2x128xi32, #tpu.memory_space<vmem>>
    %dma_wait3A_122 = arith.constant 0 : i32
    %dma_wait3A_123 = arith.constant 0 : i32
    %dma_wait3A_124 = tpu.memref_slice %arg2[%arg1, %dma_wait3A_108, %dma_wait3A_122, %dma_wait3A_123] : memref<16x157x2x128xi32, #tpu.memory_space<hbm>> -> memref<1x1x2x128xi32, #tpu.memory_space<hbm>>
    %dma_wait3A_125 = tpu.memref_squeeze %dma_wait3A_124 : memref<1x1x2x128xi32, #tpu.memory_space<hbm>> -> memref<2x128xi32, #tpu.memory_space<hbm>>
    tpu.wait_dma2 semaphore(%arg10 : memref<!tpu.dma_semaphore, #tpu.memory_space<semaphore_mem>>) src(%dma_wait3A_125 : memref<2x128xi32, #tpu.memory_space<hbm>>) dst(%dma_wait3A_121 : memref<2x128xi32, #tpu.memory_space<vmem>>)
    %dma_start3A_126 = arith.constant 3 : i32
    %dma_start3A_127 = arith.constant 3 : i32
    %dma_start3A_128 = arith.constant 0 : i32
    %dma_start3A_129 = arith.constant 0 : i32
    %dma_start3A_130 = tpu.memref_slice %arg7[%dma_start3A_127, %dma_start3A_128, %dma_start3A_129] : memref<4x2x128xi32, #tpu.memory_space<vmem>> -> memref<1x2x128xi32, #tpu.memory_space<vmem>>
    %dma_start3A_131 = tpu.memref_squeeze %dma_start3A_130 : memref<1x2x128xi32, #tpu.memory_space<vmem>> -> memref<2x128xi32, #tpu.memory_space<vmem>>
    %dma_start3A_132 = arith.constant 0 : i32
    %dma_start3A_133 = arith.constant 0 : i32
    %dma_start3A_134 = tpu.memref_slice %arg2[%arg1, %dma_start3A_126, %dma_start3A_132, %dma_start3A_133] : memref<16x157x2x128xi32, #tpu.memory_space<hbm>> -> memref<1x1x2x128xi32, #tpu.memory_space<hbm>>
    %dma_start3A_135 = tpu.memref_squeeze %dma_start3A_134 : memref<1x1x2x128xi32, #tpu.memory_space<hbm>> -> memref<2x128xi32, #tpu.memory_space<hbm>>
    %dma_start3A_136 = arith.constant 0 : i32
    %dma_start3A_137 = arith.constant 0 : i32
    %dma_start3A_138 = tpu.memref_slice %arg7[%dma_start3A_127, %dma_start3A_136, %dma_start3A_137] : memref<4x2x128xi32, #tpu.memory_space<vmem>> -> memref<1x2x128xi32, #tpu.memory_space<vmem>>
    %dma_start3A_139 = tpu.memref_squeeze %dma_start3A_138 : memref<1x2x128xi32, #tpu.memory_space<vmem>> -> memref<2x128xi32, #tpu.memory_space<vmem>>
    %dma_start3A_140 = arith.constant 0 : i32
    %dma_start3A_141 = arith.constant 0 : i32
    %dma_start3A_142 = tpu.memref_slice %arg2[%arg1, %dma_start3A_126, %dma_start3A_140, %dma_start3A_141] : memref<16x157x2x128xi32, #tpu.memory_space<hbm>> -> memref<1x1x2x128xi32, #tpu.memory_space<hbm>>
    %dma_start3A_143 = tpu.memref_squeeze %dma_start3A_142 : memref<1x1x2x128xi32, #tpu.memory_space<hbm>> -> memref<2x128xi32, #tpu.memory_space<hbm>>
    tpu.enqueue_dma source(%dma_start3A_143 : memref<2x128xi32, #tpu.memory_space<hbm>>) target(%dma_start3A_139 : memref<2x128xi32, #tpu.memory_space<vmem>>) target_semaphore(%arg10 : memref<!tpu.dma_semaphore, #tpu.memory_space<semaphore_mem>>)
    %eq3A_144 = arith.constant 0 : i32
    %eq3A_145 = arith.cmpi eq, %arg0, %eq3A_144 : i32
    %convert_element_type3A_146 = arith.extui %eq3A_145 : i1 to i32
    %cond3A_147 = arith.constant 0 : i32
    %cond3A_148 = arith.cmpi ne, %convert_element_type3A_146, %cond3A_147 : i32
    scf.if %cond3A_148 {
      %dma_start3A_362 = arith.constant 2 : i32
      %dma_start3A_363 = arith.constant 0 : i32
      %dma_start3A_364 = arith.constant 2 : i32
      %dma_start3A_365 = arith.constant 2 : i32
      %dma_start3A_366 = arith.constant 0 : i32
      %dma_start3A_367 = arith.constant 0 : i32
      %dma_start3A_368 = tpu.memref_slice %arg8[%dma_start3A_364, %dma_start3A_366, %dma_start3A_367] : memref<3x128x128xf32, #tpu.memory_space<vmem>> -> memref<1x128x128xf32, #tpu.memory_space<vmem>>
      %dma_start3A_369 = tpu.memref_squeeze %dma_start3A_368 : memref<1x128x128xf32, #tpu.memory_space<vmem>> -> memref<128x128xf32, #tpu.memory_space<vmem>>
      %dma_start3A_370 = arith.constant 0 : i32
      %dma_start3A_371 = tpu.memref_slice %arg7[%dma_start3A_362, %dma_start3A_363, %dma_start3A_370] : memref<4x2x128xi32, #tpu.memory_space<vmem>> -> memref<1x1x128xi32, #tpu.memory_space<vmem>>
      %dma_start3A_372 = tpu.memref_squeeze %dma_start3A_371 : memref<1x1x128xi32, #tpu.memory_space<vmem>> -> memref<128xi32, #tpu.memory_space<vmem>>
      %dma_start3A_373 = arith.constant 0 : i32
      %dma_start3A_374 = arith.constant 0 : i32
      %dma_start3A_375 = tpu.memref_slice %arg3[%dma_start3A_373, %dma_start3A_374] : memref<10000x128xf32, #tpu.memory_space<hbm>> -> memref<10000x128xf32, #tpu.memory_space<hbm>>
      %dma_start3A_376 = tpu.memref_slice %arg11[%dma_start3A_365] : memref<3x!tpu.dma_semaphore, #tpu.memory_space<semaphore_mem>> -> memref<1x!tpu.dma_semaphore, #tpu.memory_space<semaphore_mem>>
      %dma_start3A_377 = tpu.memref_squeeze %dma_start3A_376 : memref<1x!tpu.dma_semaphore, #tpu.memory_space<semaphore_mem>> -> memref<!tpu.dma_semaphore, #tpu.memory_space<semaphore_mem>>
      tpu.enqueue_indirect_dma source(%dma_start3A_375 : memref<10000x128xf32, #tpu.memory_space<hbm>>) target(%dma_start3A_369 : memref<128x128xf32, #tpu.memory_space<vmem>>) offsets(%dma_start3A_372 : memref<128xi32, #tpu.memory_space<vmem>>) semaphore(%dma_start3A_377 : memref<!tpu.dma_semaphore, #tpu.memory_space<semaphore_mem>>)
    } else {
    }
    %eq3A_149 = arith.constant 1 : i32
    %eq3A_150 = arith.cmpi eq, %arg0, %eq3A_149 : i32
    %convert_element_type3A_151 = arith.extui %eq3A_150 : i1 to i32
    %cond3A_152 = arith.constant 0 : i32
    %cond3A_153 = arith.cmpi ne, %convert_element_type3A_151, %cond3A_152 : i32
    scf.if %cond3A_153 {
      %dma_start3A_362 = arith.constant 2 : i32
      %dma_start3A_363 = arith.constant 0 : i32
      %dma_start3A_364 = arith.constant 2 : i32
      %dma_start3A_365 = arith.constant 2 : i32
      %dma_start3A_366 = arith.constant 0 : i32
      %dma_start3A_367 = arith.constant 0 : i32
      %dma_start3A_368 = tpu.memref_slice %arg8[%dma_start3A_364, %dma_start3A_366, %dma_start3A_367] : memref<3x128x128xf32, #tpu.memory_space<vmem>> -> memref<1x128x128xf32, #tpu.memory_space<vmem>>
      %dma_start3A_369 = tpu.memref_squeeze %dma_start3A_368 : memref<1x128x128xf32, #tpu.memory_space<vmem>> -> memref<128x128xf32, #tpu.memory_space<vmem>>
      %dma_start3A_370 = arith.constant 0 : i32
      %dma_start3A_371 = tpu.memref_slice %arg7[%dma_start3A_362, %dma_start3A_363, %dma_start3A_370] : memref<4x2x128xi32, #tpu.memory_space<vmem>> -> memref<1x1x128xi32, #tpu.memory_space<vmem>>
      %dma_start3A_372 = tpu.memref_squeeze %dma_start3A_371 : memref<1x1x128xi32, #tpu.memory_space<vmem>> -> memref<128xi32, #tpu.memory_space<vmem>>
      %dma_start3A_373 = arith.constant 0 : i32
      %dma_start3A_374 = arith.constant 0 : i32
      %dma_start3A_375 = tpu.memref_slice %arg4[%dma_start3A_373, %dma_start3A_374] : memref<10000x128xf32, #tpu.memory_space<hbm>> -> memref<10000x128xf32, #tpu.memory_space<hbm>>
      %dma_start3A_376 = tpu.memref_slice %arg11[%dma_start3A_365] : memref<3x!tpu.dma_semaphore, #tpu.memory_space<semaphore_mem>> -> memref<1x!tpu.dma_semaphore, #tpu.memory_space<semaphore_mem>>
      %dma_start3A_377 = tpu.memref_squeeze %dma_start3A_376 : memref<1x!tpu.dma_semaphore, #tpu.memory_space<semaphore_mem>> -> memref<!tpu.dma_semaphore, #tpu.memory_space<semaphore_mem>>
      tpu.enqueue_indirect_dma source(%dma_start3A_375 : memref<10000x128xf32, #tpu.memory_space<hbm>>) target(%dma_start3A_369 : memref<128x128xf32, #tpu.memory_space<vmem>>) offsets(%dma_start3A_372 : memref<128xi32, #tpu.memory_space<vmem>>) semaphore(%dma_start3A_377 : memref<!tpu.dma_semaphore, #tpu.memory_space<semaphore_mem>>)
    } else {
    }
    %dma_wait3A_154 = arith.constant 0 : i32
    %dma_wait3A_155 = tpu.memref_slice %arg9[%mul3A_17, %dma_wait3A_154] : memref<10112x128xf32, #tpu.memory_space<vmem_shared>> -> memref<632x128xf32, #tpu.memory_space<vmem_shared>>
    tpu.wait_dma2 semaphore(%arg13 : memref<!tpu.dma_semaphore, #tpu.memory_space<semaphore_mem>>) src(%arg5 : memref<632x128xf32, #tpu.memory_space<hbm>>) dst(%dma_wait3A_155 : memref<632x128xf32, #tpu.memory_space<vmem_shared>>)
    %barrier3A = arith.constant 0 : index
    tpu.barrier barrier_id(%barrier3A)
    %dma_wait3A_156 = arith.constant 0 : i32
    %dma_wait3A_157 = arith.constant 0 : i32
    %dma_wait3A_158 = arith.constant 0 : i32
    %dma_wait3A_159 = arith.constant 0 : i32
    %dma_wait3A_160 = arith.constant 0 : i32
    %dma_wait3A_161 = arith.constant 0 : i32
    %dma_wait3A_162 = tpu.memref_slice %arg8[%dma_wait3A_158, %dma_wait3A_160, %dma_wait3A_161] : memref<3x128x128xf32, #tpu.memory_space<vmem>> -> memref<1x128x128xf32, #tpu.memory_space<vmem>>
    %dma_wait3A_163 = tpu.memref_squeeze %dma_wait3A_162 : memref<1x128x128xf32, #tpu.memory_space<vmem>> -> memref<128x128xf32, #tpu.memory_space<vmem>>
    %dma_wait3A_164 = arith.constant 0 : i32
    %dma_wait3A_165 = tpu.memref_slice %arg7[%dma_wait3A_156, %dma_wait3A_157, %dma_wait3A_164] : memref<4x2x128xi32, #tpu.memory_space<vmem>> -> memref<1x1x128xi32, #tpu.memory_space<vmem>>
    %dma_wait3A_166 = tpu.memref_squeeze %dma_wait3A_165 : memref<1x1x128xi32, #tpu.memory_space<vmem>> -> memref<128xi32, #tpu.memory_space<vmem>>
    %dma_wait3A_167 = arith.constant 0 : i32
    %dma_wait3A_168 = arith.constant 0 : i32
    %dma_wait3A_169 = tpu.memref_slice %arg3[%dma_wait3A_167, %dma_wait3A_168] : memref<10000x128xf32, #tpu.memory_space<hbm>> -> memref<10000x128xf32, #tpu.memory_space<hbm>>
    %dma_wait3A_170 = tpu.memref_slice %arg11[%dma_wait3A_159] : memref<3x!tpu.dma_semaphore, #tpu.memory_space<semaphore_mem>> -> memref<1x!tpu.dma_semaphore, #tpu.memory_space<semaphore_mem>>
    %dma_wait3A_171 = tpu.memref_squeeze %dma_wait3A_170 : memref<1x!tpu.dma_semaphore, #tpu.memory_space<semaphore_mem>> -> memref<!tpu.dma_semaphore, #tpu.memory_space<semaphore_mem>>
    tpu.wait_indirect_dma semaphore(%dma_wait3A_171 : memref<!tpu.dma_semaphore, #tpu.memory_space<semaphore_mem>>) src(%dma_wait3A_169 : memref<10000x128xf32, #tpu.memory_space<hbm>>) dst(%dma_wait3A_163 : memref<128x128xf32, #tpu.memory_space<vmem>>)
    %dma_start3A_172 = arith.constant 0 : i32
    %dma_start3A_173 = arith.constant 0 : i32
    %dma_start3A_174 = arith.constant 1 : i32
    %dma_start3A_175 = arith.constant 0 : i32
    %dma_start3A_176 = arith.constant 0 : i32
    %dma_start3A_177 = tpu.memref_slice %arg8[%dma_start3A_172, %dma_start3A_175, %dma_start3A_176] : memref<3x128x128xf32, #tpu.memory_space<vmem>> -> memref<1x128x128xf32, #tpu.memory_space<vmem>>
    %dma_start3A_178 = tpu.memref_squeeze %dma_start3A_177 : memref<1x128x128xf32, #tpu.memory_space<vmem>> -> memref<128x128xf32, #tpu.memory_space<vmem>>
    %dma_start3A_179 = arith.constant 0 : i32
    %dma_start3A_180 = tpu.memref_slice %arg7[%dma_start3A_173, %dma_start3A_174, %dma_start3A_179] : memref<4x2x128xi32, #tpu.memory_space<vmem>> -> memref<1x1x128xi32, #tpu.memory_space<vmem>>
    %dma_start3A_181 = tpu.memref_squeeze %dma_start3A_180 : memref<1x1x128xi32, #tpu.memory_space<vmem>> -> memref<128xi32, #tpu.memory_space<vmem>>
    %dma_start3A_182 = arith.constant 0 : i32
    %dma_start3A_183 = arith.constant 0 : i32
    %dma_start3A_184 = tpu.memref_slice %arg9[%dma_start3A_182, %dma_start3A_183] : memref<10112x128xf32, #tpu.memory_space<vmem_shared>> -> memref<10112x128xf32, #tpu.memory_space<vmem_shared>>
    tpu.enqueue_indirect_dma source(%dma_start3A_178 : memref<128x128xf32, #tpu.memory_space<vmem>>) target(%dma_start3A_184 : memref<10112x128xf32, #tpu.memory_space<vmem_shared>>) offsets(%dma_start3A_181 : memref<128xi32, #tpu.memory_space<vmem>>) semaphore(%arg12 : memref<!tpu.dma_semaphore, #tpu.memory_space<semaphore_mem>>) {add = true}
    %scan3A = arith.constant 0 : i32
    %scan3A_185 = arith.constant 1 : i32
    %scan3A_186 = arith.constant 153 : i32
    %scan3A_187 = arith.addi %scan3A_185, %scan3A_186 : i32
    %scan3A_188 = arith.constant 1 : i32
    scf.for %scan3A_362 = %scan3A_185 to %scan3A_187 step %scan3A_188  : i32 {
      %rem3A = arith.constant 3 : i32
      %rem3A_363 = arith.remsi %scan3A_362, %rem3A : i32
      %dma_wait3A_364 = arith.constant 0 : i32
      %dma_wait3A_365 = arith.constant 0 : i32
      %dma_wait3A_366 = arith.constant 0 : i32
      %dma_wait3A_367 = arith.constant 0 : i32
      %dma_wait3A_368 = tpu.memref_slice %arg8[%rem3A_363, %dma_wait3A_366, %dma_wait3A_367] : memref<3x128x128xf32, #tpu.memory_space<vmem>> -> memref<1x128x128xf32, #tpu.memory_space<vmem>>
      %dma_wait3A_369 = tpu.memref_squeeze %dma_wait3A_368 : memref<1x128x128xf32, #tpu.memory_space<vmem>> -> memref<128x128xf32, #tpu.memory_space<vmem>>
      %dma_wait3A_370 = arith.constant 0 : i32
      %dma_wait3A_371 = tpu.memref_slice %arg7[%dma_wait3A_364, %dma_wait3A_365, %dma_wait3A_370] : memref<4x2x128xi32, #tpu.memory_space<vmem>> -> memref<1x1x128xi32, #tpu.memory_space<vmem>>
      %dma_wait3A_372 = tpu.memref_squeeze %dma_wait3A_371 : memref<1x1x128xi32, #tpu.memory_space<vmem>> -> memref<128xi32, #tpu.memory_space<vmem>>
      %dma_wait3A_373 = arith.constant 0 : i32
      %dma_wait3A_374 = arith.constant 0 : i32
      %dma_wait3A_375 = tpu.memref_slice %arg3[%dma_wait3A_373, %dma_wait3A_374] : memref<10000x128xf32, #tpu.memory_space<hbm>> -> memref<10000x128xf32, #tpu.memory_space<hbm>>
      %dma_wait3A_376 = tpu.memref_slice %arg11[%rem3A_363] : memref<3x!tpu.dma_semaphore, #tpu.memory_space<semaphore_mem>> -> memref<1x!tpu.dma_semaphore, #tpu.memory_space<semaphore_mem>>
      %dma_wait3A_377 = tpu.memref_squeeze %dma_wait3A_376 : memref<1x!tpu.dma_semaphore, #tpu.memory_space<semaphore_mem>> -> memref<!tpu.dma_semaphore, #tpu.memory_space<semaphore_mem>>
      tpu.wait_indirect_dma semaphore(%dma_wait3A_377 : memref<!tpu.dma_semaphore, #tpu.memory_space<semaphore_mem>>) src(%dma_wait3A_375 : memref<10000x128xf32, #tpu.memory_space<hbm>>) dst(%dma_wait3A_369 : memref<128x128xf32, #tpu.memory_space<vmem>>)
      %dma_wait3A_378 = arith.constant 0 : i32
      %dma_wait3A_379 = arith.constant 0 : i32
      %dma_wait3A_380 = arith.constant 1 : i32
      %dma_wait3A_381 = arith.constant 0 : i32
      %dma_wait3A_382 = arith.constant 0 : i32
      %dma_wait3A_383 = tpu.memref_slice %arg8[%dma_wait3A_378, %dma_wait3A_381, %dma_wait3A_382] : memref<3x128x128xf32, #tpu.memory_space<vmem>> -> memref<1x128x128xf32, #tpu.memory_space<vmem>>
      %dma_wait3A_384 = tpu.memref_squeeze %dma_wait3A_383 : memref<1x128x128xf32, #tpu.memory_space<vmem>> -> memref<128x128xf32, #tpu.memory_space<vmem>>
      %dma_wait3A_385 = arith.constant 0 : i32
      %dma_wait3A_386 = tpu.memref_slice %arg7[%dma_wait3A_379, %dma_wait3A_380, %dma_wait3A_385] : memref<4x2x128xi32, #tpu.memory_space<vmem>> -> memref<1x1x128xi32, #tpu.memory_space<vmem>>
      %dma_wait3A_387 = tpu.memref_squeeze %dma_wait3A_386 : memref<1x1x128xi32, #tpu.memory_space<vmem>> -> memref<128xi32, #tpu.memory_space<vmem>>
      %dma_wait3A_388 = arith.constant 0 : i32
      %dma_wait3A_389 = arith.constant 0 : i32
      %dma_wait3A_390 = tpu.memref_slice %arg9[%dma_wait3A_388, %dma_wait3A_389] : memref<10112x128xf32, #tpu.memory_space<vmem_shared>> -> memref<10112x128xf32, #tpu.memory_space<vmem_shared>>
      tpu.wait_indirect_dma semaphore(%arg12 : memref<!tpu.dma_semaphore, #tpu.memory_space<semaphore_mem>>) src(%dma_wait3A_384 : memref<128x128xf32, #tpu.memory_space<vmem>>) dst(%dma_wait3A_390 : memref<10112x128xf32, #tpu.memory_space<vmem_shared>>)
      %rem3A_391 = arith.constant 4 : i32
      %rem3A_392 = arith.remsi %scan3A_362, %rem3A_391 : i32
      %rem3A_393 = arith.constant 3 : i32
      %rem3A_394 = arith.remsi %scan3A_362, %rem3A_393 : i32
      %dma_start3A_395 = arith.constant 1 : i32
      %dma_start3A_396 = arith.constant 0 : i32
      %dma_start3A_397 = arith.constant 0 : i32
      %dma_start3A_398 = tpu.memref_slice %arg8[%rem3A_394, %dma_start3A_396, %dma_start3A_397] : memref<3x128x128xf32, #tpu.memory_space<vmem>> -> memref<1x128x128xf32, #tpu.memory_space<vmem>>
      %dma_start3A_399 = tpu.memref_squeeze %dma_start3A_398 : memref<1x128x128xf32, #tpu.memory_space<vmem>> -> memref<128x128xf32, #tpu.memory_space<vmem>>
      %dma_start3A_400 = arith.constant 0 : i32
      %dma_start3A_401 = tpu.memref_slice %arg7[%rem3A_392, %dma_start3A_395, %dma_start3A_400] : memref<4x2x128xi32, #tpu.memory_space<vmem>> -> memref<1x1x128xi32, #tpu.memory_space<vmem>>
      %dma_start3A_402 = tpu.memref_squeeze %dma_start3A_401 : memref<1x1x128xi32, #tpu.memory_space<vmem>> -> memref<128xi32, #tpu.memory_space<vmem>>
      %dma_start3A_403 = arith.constant 0 : i32
      %dma_start3A_404 = arith.constant 0 : i32
      %dma_start3A_405 = tpu.memref_slice %arg9[%dma_start3A_403, %dma_start3A_404] : memref<10112x128xf32, #tpu.memory_space<vmem_shared>> -> memref<10112x128xf32, #tpu.memory_space<vmem_shared>>
      tpu.enqueue_indirect_dma source(%dma_start3A_399 : memref<128x128xf32, #tpu.memory_space<vmem>>) target(%dma_start3A_405 : memref<10112x128xf32, #tpu.memory_space<vmem_shared>>) offsets(%dma_start3A_402 : memref<128xi32, #tpu.memory_space<vmem>>) semaphore(%arg12 : memref<!tpu.dma_semaphore, #tpu.memory_space<semaphore_mem>>) {add = true}
      %dma_wait3A_406 = arith.constant 0 : i32
      %dma_wait3A_407 = arith.constant 0 : i32
      %dma_wait3A_408 = arith.constant 0 : i32
      %dma_wait3A_409 = arith.constant 0 : i32
      %dma_wait3A_410 = tpu.memref_slice %arg7[%dma_wait3A_407, %dma_wait3A_408, %dma_wait3A_409] : memref<4x2x128xi32, #tpu.memory_space<vmem>> -> memref<1x2x128xi32, #tpu.memory_space<vmem>>
      %dma_wait3A_411 = tpu.memref_squeeze %dma_wait3A_410 : memref<1x2x128xi32, #tpu.memory_space<vmem>> -> memref<2x128xi32, #tpu.memory_space<vmem>>
      %dma_wait3A_412 = arith.constant 0 : i32
      %dma_wait3A_413 = arith.constant 0 : i32
      %dma_wait3A_414 = tpu.memref_slice %arg2[%arg1, %dma_wait3A_406, %dma_wait3A_412, %dma_wait3A_413] : memref<16x157x2x128xi32, #tpu.memory_space<hbm>> -> memref<1x1x2x128xi32, #tpu.memory_space<hbm>>
      %dma_wait3A_415 = tpu.memref_squeeze %dma_wait3A_414 : memref<1x1x2x128xi32, #tpu.memory_space<hbm>> -> memref<2x128xi32, #tpu.memory_space<hbm>>
      %dma_wait3A_416 = arith.constant 0 : i32
      %dma_wait3A_417 = arith.constant 0 : i32
      %dma_wait3A_418 = tpu.memref_slice %arg7[%dma_wait3A_407, %dma_wait3A_416, %dma_wait3A_417] : memref<4x2x128xi32, #tpu.memory_space<vmem>> -> memref<1x2x128xi32, #tpu.memory_space<vmem>>
      %dma_wait3A_419 = tpu.memref_squeeze %dma_wait3A_418 : memref<1x2x128xi32, #tpu.memory_space<vmem>> -> memref<2x128xi32, #tpu.memory_space<vmem>>
      %dma_wait3A_420 = arith.constant 0 : i32
      %dma_wait3A_421 = arith.constant 0 : i32
      %dma_wait3A_422 = tpu.memref_slice %arg2[%arg1, %dma_wait3A_406, %dma_wait3A_420, %dma_wait3A_421] : memref<16x157x2x128xi32, #tpu.memory_space<hbm>> -> memref<1x1x2x128xi32, #tpu.memory_space<hbm>>
      %dma_wait3A_423 = tpu.memref_squeeze %dma_wait3A_422 : memref<1x1x2x128xi32, #tpu.memory_space<hbm>> -> memref<2x128xi32, #tpu.memory_space<hbm>>
      tpu.wait_dma2 semaphore(%arg10 : memref<!tpu.dma_semaphore, #tpu.memory_space<semaphore_mem>>) src(%dma_wait3A_423 : memref<2x128xi32, #tpu.memory_space<hbm>>) dst(%dma_wait3A_419 : memref<2x128xi32, #tpu.memory_space<vmem>>)
      %add3A = arith.constant 2 : i32
      %add3A_424 = arith.addi %scan3A_362, %add3A : i32
      %rem3A_425 = arith.constant 4 : i32
      %rem3A_426 = arith.remsi %add3A_424, %rem3A_425 : i32
      %add3A_427 = arith.constant 2 : i32
      %add3A_428 = arith.addi %scan3A_362, %add3A_427 : i32
      %rem3A_429 = arith.constant 3 : i32
      %rem3A_430 = arith.remsi %add3A_428, %rem3A_429 : i32
      %eq3A_431 = arith.constant 0 : i32
      %eq3A_432 = arith.cmpi eq, %arg0, %eq3A_431 : i32
      %convert_element_type3A_433 = arith.extui %eq3A_432 : i1 to i32
      %cond3A_434 = arith.constant 0 : i32
      %cond3A_435 = arith.cmpi ne, %convert_element_type3A_433, %cond3A_434 : i32
      scf.if %cond3A_435 {
        %dma_start3A_463 = arith.constant 0 : i32
        %dma_start3A_464 = arith.constant 0 : i32
        %dma_start3A_465 = arith.constant 0 : i32
        %dma_start3A_466 = tpu.memref_slice %arg8[%rem3A_430, %dma_start3A_464, %dma_start3A_465] : memref<3x128x128xf32, #tpu.memory_space<vmem>> -> memref<1x128x128xf32, #tpu.memory_space<vmem>>
        %dma_start3A_467 = tpu.memref_squeeze %dma_start3A_466 : memref<1x128x128xf32, #tpu.memory_space<vmem>> -> memref<128x128xf32, #tpu.memory_space<vmem>>
        %dma_start3A_468 = arith.constant 0 : i32
        %dma_start3A_469 = tpu.memref_slice %arg7[%rem3A_426, %dma_start3A_463, %dma_start3A_468] : memref<4x2x128xi32, #tpu.memory_space<vmem>> -> memref<1x1x128xi32, #tpu.memory_space<vmem>>
        %dma_start3A_470 = tpu.memref_squeeze %dma_start3A_469 : memref<1x1x128xi32, #tpu.memory_space<vmem>> -> memref<128xi32, #tpu.memory_space<vmem>>
        %dma_start3A_471 = arith.constant 0 : i32
        %dma_start3A_472 = arith.constant 0 : i32
        %dma_start3A_473 = tpu.memref_slice %arg3[%dma_start3A_471, %dma_start3A_472] : memref<10000x128xf32, #tpu.memory_space<hbm>> -> memref<10000x128xf32, #tpu.memory_space<hbm>>
        %dma_start3A_474 = tpu.memref_slice %arg11[%rem3A_430] : memref<3x!tpu.dma_semaphore, #tpu.memory_space<semaphore_mem>> -> memref<1x!tpu.dma_semaphore, #tpu.memory_space<semaphore_mem>>
        %dma_start3A_475 = tpu.memref_squeeze %dma_start3A_474 : memref<1x!tpu.dma_semaphore, #tpu.memory_space<semaphore_mem>> -> memref<!tpu.dma_semaphore, #tpu.memory_space<semaphore_mem>>
        tpu.enqueue_indirect_dma source(%dma_start3A_473 : memref<10000x128xf32, #tpu.memory_space<hbm>>) target(%dma_start3A_467 : memref<128x128xf32, #tpu.memory_space<vmem>>) offsets(%dma_start3A_470 : memref<128xi32, #tpu.memory_space<vmem>>) semaphore(%dma_start3A_475 : memref<!tpu.dma_semaphore, #tpu.memory_space<semaphore_mem>>)
      } else {
      }
      %eq3A_436 = arith.constant 1 : i32
      %eq3A_437 = arith.cmpi eq, %arg0, %eq3A_436 : i32
      %convert_element_type3A_438 = arith.extui %eq3A_437 : i1 to i32
      %cond3A_439 = arith.constant 0 : i32
      %cond3A_440 = arith.cmpi ne, %convert_element_type3A_438, %cond3A_439 : i32
      scf.if %cond3A_440 {
        %dma_start3A_463 = arith.constant 0 : i32
        %dma_start3A_464 = arith.constant 0 : i32
        %dma_start3A_465 = arith.constant 0 : i32
        %dma_start3A_466 = tpu.memref_slice %arg8[%rem3A_430, %dma_start3A_464, %dma_start3A_465] : memref<3x128x128xf32, #tpu.memory_space<vmem>> -> memref<1x128x128xf32, #tpu.memory_space<vmem>>
        %dma_start3A_467 = tpu.memref_squeeze %dma_start3A_466 : memref<1x128x128xf32, #tpu.memory_space<vmem>> -> memref<128x128xf32, #tpu.memory_space<vmem>>
        %dma_start3A_468 = arith.constant 0 : i32
        %dma_start3A_469 = tpu.memref_slice %arg7[%rem3A_426, %dma_start3A_463, %dma_start3A_468] : memref<4x2x128xi32, #tpu.memory_space<vmem>> -> memref<1x1x128xi32, #tpu.memory_space<vmem>>
        %dma_start3A_470 = tpu.memref_squeeze %dma_start3A_469 : memref<1x1x128xi32, #tpu.memory_space<vmem>> -> memref<128xi32, #tpu.memory_space<vmem>>
        %dma_start3A_471 = arith.constant 0 : i32
        %dma_start3A_472 = arith.constant 0 : i32
        %dma_start3A_473 = tpu.memref_slice %arg4[%dma_start3A_471, %dma_start3A_472] : memref<10000x128xf32, #tpu.memory_space<hbm>> -> memref<10000x128xf32, #tpu.memory_space<hbm>>
        %dma_start3A_474 = tpu.memref_slice %arg11[%rem3A_430] : memref<3x!tpu.dma_semaphore, #tpu.memory_space<semaphore_mem>> -> memref<1x!tpu.dma_semaphore, #tpu.memory_space<semaphore_mem>>
        %dma_start3A_475 = tpu.memref_squeeze %dma_start3A_474 : memref<1x!tpu.dma_semaphore, #tpu.memory_space<semaphore_mem>> -> memref<!tpu.dma_semaphore, #tpu.memory_space<semaphore_mem>>
        tpu.enqueue_indirect_dma source(%dma_start3A_473 : memref<10000x128xf32, #tpu.memory_space<hbm>>) target(%dma_start3A_467 : memref<128x128xf32, #tpu.memory_space<vmem>>) offsets(%dma_start3A_470 : memref<128xi32, #tpu.memory_space<vmem>>) semaphore(%dma_start3A_475 : memref<!tpu.dma_semaphore, #tpu.memory_space<semaphore_mem>>)
      } else {
      }
      %add3A_441 = arith.constant 3 : i32
      %add3A_442 = arith.addi %scan3A_362, %add3A_441 : i32
      %add3A_443 = arith.constant 3 : i32
      %add3A_444 = arith.addi %scan3A_362, %add3A_443 : i32
      %rem3A_445 = arith.constant 4 : i32
      %rem3A_446 = arith.remsi %add3A_444, %rem3A_445 : i32
      %dma_start3A_447 = arith.constant 0 : i32
      %dma_start3A_448 = arith.constant 0 : i32
      %dma_start3A_449 = tpu.memref_slice %arg7[%rem3A_446, %dma_start3A_447, %dma_start3A_448] : memref<4x2x128xi32, #tpu.memory_space<vmem>> -> memref<1x2x128xi32, #tpu.memory_space<vmem>>
      %dma_start3A_450 = tpu.memref_squeeze %dma_start3A_449 : memref<1x2x128xi32, #tpu.memory_space<vmem>> -> memref<2x128xi32, #tpu.memory_space<vmem>>
      %dma_start3A_451 = arith.constant 0 : i32
      %dma_start3A_452 = arith.constant 0 : i32
      %dma_start3A_453 = tpu.memref_slice %arg2[%arg1, %add3A_442, %dma_start3A_451, %dma_start3A_452] : memref<16x157x2x128xi32, #tpu.memory_space<hbm>> -> memref<1x1x2x128xi32, #tpu.memory_space<hbm>>
      %dma_start3A_454 = tpu.memref_squeeze %dma_start3A_453 : memref<1x1x2x128xi32, #tpu.memory_space<hbm>> -> memref<2x128xi32, #tpu.memory_space<hbm>>
      %dma_start3A_455 = arith.constant 0 : i32
      %dma_start3A_456 = arith.constant 0 : i32
      %dma_start3A_457 = tpu.memref_slice %arg7[%rem3A_446, %dma_start3A_455, %dma_start3A_456] : memref<4x2x128xi32, #tpu.memory_space<vmem>> -> memref<1x2x128xi32, #tpu.memory_space<vmem>>
      %dma_start3A_458 = tpu.memref_squeeze %dma_start3A_457 : memref<1x2x128xi32, #tpu.memory_space<vmem>> -> memref<2x128xi32, #tpu.memory_space<vmem>>
      %dma_start3A_459 = arith.constant 0 : i32
      %dma_start3A_460 = arith.constant 0 : i32
      %dma_start3A_461 = tpu.memref_slice %arg2[%arg1, %add3A_442, %dma_start3A_459, %dma_start3A_460] : memref<16x157x2x128xi32, #tpu.memory_space<hbm>> -> memref<1x1x2x128xi32, #tpu.memory_space<hbm>>
      %dma_start3A_462 = tpu.memref_squeeze %dma_start3A_461 : memref<1x1x2x128xi32, #tpu.memory_space<hbm>> -> memref<2x128xi32, #tpu.memory_space<hbm>>
      tpu.enqueue_dma source(%dma_start3A_462 : memref<2x128xi32, #tpu.memory_space<hbm>>) target(%dma_start3A_458 : memref<2x128xi32, #tpu.memory_space<vmem>>) target_semaphore(%arg10 : memref<!tpu.dma_semaphore, #tpu.memory_space<semaphore_mem>>)
    }
    %scan3A_189 = arith.constant 153 : i32
    %dma_wait3A_190 = arith.constant 0 : i32
    %dma_wait3A_191 = arith.constant 0 : i32
    %dma_wait3A_192 = arith.constant 1 : i32
    %dma_wait3A_193 = arith.constant 1 : i32
    %dma_wait3A_194 = arith.constant 0 : i32
    %dma_wait3A_195 = arith.constant 0 : i32
    %dma_wait3A_196 = tpu.memref_slice %arg8[%dma_wait3A_192, %dma_wait3A_194, %dma_wait3A_195] : memref<3x128x128xf32, #tpu.memory_space<vmem>> -> memref<1x128x128xf32, #tpu.memory_space<vmem>>
    %dma_wait3A_197 = tpu.memref_squeeze %dma_wait3A_196 : memref<1x128x128xf32, #tpu.memory_space<vmem>> -> memref<128x128xf32, #tpu.memory_space<vmem>>
    %dma_wait3A_198 = arith.constant 0 : i32
    %dma_wait3A_199 = tpu.memref_slice %arg7[%dma_wait3A_190, %dma_wait3A_191, %dma_wait3A_198] : memref<4x2x128xi32, #tpu.memory_space<vmem>> -> memref<1x1x128xi32, #tpu.memory_space<vmem>>
    %dma_wait3A_200 = tpu.memref_squeeze %dma_wait3A_199 : memref<1x1x128xi32, #tpu.memory_space<vmem>> -> memref<128xi32, #tpu.memory_space<vmem>>
    %dma_wait3A_201 = arith.constant 0 : i32
    %dma_wait3A_202 = arith.constant 0 : i32
    %dma_wait3A_203 = tpu.memref_slice %arg3[%dma_wait3A_201, %dma_wait3A_202] : memref<10000x128xf32, #tpu.memory_space<hbm>> -> memref<10000x128xf32, #tpu.memory_space<hbm>>
    %dma_wait3A_204 = tpu.memref_slice %arg11[%dma_wait3A_193] : memref<3x!tpu.dma_semaphore, #tpu.memory_space<semaphore_mem>> -> memref<1x!tpu.dma_semaphore, #tpu.memory_space<semaphore_mem>>
    %dma_wait3A_205 = tpu.memref_squeeze %dma_wait3A_204 : memref<1x!tpu.dma_semaphore, #tpu.memory_space<semaphore_mem>> -> memref<!tpu.dma_semaphore, #tpu.memory_space<semaphore_mem>>
    tpu.wait_indirect_dma semaphore(%dma_wait3A_205 : memref<!tpu.dma_semaphore, #tpu.memory_space<semaphore_mem>>) src(%dma_wait3A_203 : memref<10000x128xf32, #tpu.memory_space<hbm>>) dst(%dma_wait3A_197 : memref<128x128xf32, #tpu.memory_space<vmem>>)
    %dma_wait3A_206 = arith.constant 0 : i32
    %dma_wait3A_207 = arith.constant 0 : i32
    %dma_wait3A_208 = arith.constant 1 : i32
    %dma_wait3A_209 = arith.constant 0 : i32
    %dma_wait3A_210 = arith.constant 0 : i32
    %dma_wait3A_211 = tpu.memref_slice %arg8[%dma_wait3A_206, %dma_wait3A_209, %dma_wait3A_210] : memref<3x128x128xf32, #tpu.memory_space<vmem>> -> memref<1x128x128xf32, #tpu.memory_space<vmem>>
    %dma_wait3A_212 = tpu.memref_squeeze %dma_wait3A_211 : memref<1x128x128xf32, #tpu.memory_space<vmem>> -> memref<128x128xf32, #tpu.memory_space<vmem>>
    %dma_wait3A_213 = arith.constant 0 : i32
    %dma_wait3A_214 = tpu.memref_slice %arg7[%dma_wait3A_207, %dma_wait3A_208, %dma_wait3A_213] : memref<4x2x128xi32, #tpu.memory_space<vmem>> -> memref<1x1x128xi32, #tpu.memory_space<vmem>>
    %dma_wait3A_215 = tpu.memref_squeeze %dma_wait3A_214 : memref<1x1x128xi32, #tpu.memory_space<vmem>> -> memref<128xi32, #tpu.memory_space<vmem>>
    %dma_wait3A_216 = arith.constant 0 : i32
    %dma_wait3A_217 = arith.constant 0 : i32
    %dma_wait3A_218 = tpu.memref_slice %arg9[%dma_wait3A_216, %dma_wait3A_217] : memref<10112x128xf32, #tpu.memory_space<vmem_shared>> -> memref<10112x128xf32, #tpu.memory_space<vmem_shared>>
    tpu.wait_indirect_dma semaphore(%arg12 : memref<!tpu.dma_semaphore, #tpu.memory_space<semaphore_mem>>) src(%dma_wait3A_212 : memref<128x128xf32, #tpu.memory_space<vmem>>) dst(%dma_wait3A_218 : memref<10112x128xf32, #tpu.memory_space<vmem_shared>>)
    %dma_start3A_219 = arith.constant 1 : i32
    %dma_start3A_220 = arith.constant 2 : i32
    %dma_start3A_221 = arith.constant 1 : i32
    %dma_start3A_222 = arith.constant 0 : i32
    %dma_start3A_223 = arith.constant 0 : i32
    %dma_start3A_224 = tpu.memref_slice %arg8[%dma_start3A_219, %dma_start3A_222, %dma_start3A_223] : memref<3x128x128xf32, #tpu.memory_space<vmem>> -> memref<1x128x128xf32, #tpu.memory_space<vmem>>
    %dma_start3A_225 = tpu.memref_squeeze %dma_start3A_224 : memref<1x128x128xf32, #tpu.memory_space<vmem>> -> memref<128x128xf32, #tpu.memory_space<vmem>>
    %dma_start3A_226 = arith.constant 0 : i32
    %dma_start3A_227 = tpu.memref_slice %arg7[%dma_start3A_220, %dma_start3A_221, %dma_start3A_226] : memref<4x2x128xi32, #tpu.memory_space<vmem>> -> memref<1x1x128xi32, #tpu.memory_space<vmem>>
    %dma_start3A_228 = tpu.memref_squeeze %dma_start3A_227 : memref<1x1x128xi32, #tpu.memory_space<vmem>> -> memref<128xi32, #tpu.memory_space<vmem>>
    %dma_start3A_229 = arith.constant 0 : i32
    %dma_start3A_230 = arith.constant 0 : i32
    %dma_start3A_231 = tpu.memref_slice %arg9[%dma_start3A_229, %dma_start3A_230] : memref<10112x128xf32, #tpu.memory_space<vmem_shared>> -> memref<10112x128xf32, #tpu.memory_space<vmem_shared>>
    tpu.enqueue_indirect_dma source(%dma_start3A_225 : memref<128x128xf32, #tpu.memory_space<vmem>>) target(%dma_start3A_231 : memref<10112x128xf32, #tpu.memory_space<vmem_shared>>) offsets(%dma_start3A_228 : memref<128xi32, #tpu.memory_space<vmem>>) semaphore(%arg12 : memref<!tpu.dma_semaphore, #tpu.memory_space<semaphore_mem>>) {add = true}
    %dma_wait3A_232 = arith.constant 0 : i32
    %dma_wait3A_233 = arith.constant 0 : i32
    %dma_wait3A_234 = arith.constant 0 : i32
    %dma_wait3A_235 = arith.constant 0 : i32
    %dma_wait3A_236 = tpu.memref_slice %arg7[%dma_wait3A_233, %dma_wait3A_234, %dma_wait3A_235] : memref<4x2x128xi32, #tpu.memory_space<vmem>> -> memref<1x2x128xi32, #tpu.memory_space<vmem>>
    %dma_wait3A_237 = tpu.memref_squeeze %dma_wait3A_236 : memref<1x2x128xi32, #tpu.memory_space<vmem>> -> memref<2x128xi32, #tpu.memory_space<vmem>>
    %dma_wait3A_238 = arith.constant 0 : i32
    %dma_wait3A_239 = arith.constant 0 : i32
    %dma_wait3A_240 = tpu.memref_slice %arg2[%arg1, %dma_wait3A_232, %dma_wait3A_238, %dma_wait3A_239] : memref<16x157x2x128xi32, #tpu.memory_space<hbm>> -> memref<1x1x2x128xi32, #tpu.memory_space<hbm>>
    %dma_wait3A_241 = tpu.memref_squeeze %dma_wait3A_240 : memref<1x1x2x128xi32, #tpu.memory_space<hbm>> -> memref<2x128xi32, #tpu.memory_space<hbm>>
    %dma_wait3A_242 = arith.constant 0 : i32
    %dma_wait3A_243 = arith.constant 0 : i32
    %dma_wait3A_244 = tpu.memref_slice %arg7[%dma_wait3A_233, %dma_wait3A_242, %dma_wait3A_243] : memref<4x2x128xi32, #tpu.memory_space<vmem>> -> memref<1x2x128xi32, #tpu.memory_space<vmem>>
    %dma_wait3A_245 = tpu.memref_squeeze %dma_wait3A_244 : memref<1x2x128xi32, #tpu.memory_space<vmem>> -> memref<2x128xi32, #tpu.memory_space<vmem>>
    %dma_wait3A_246 = arith.constant 0 : i32
    %dma_wait3A_247 = arith.constant 0 : i32
    %dma_wait3A_248 = tpu.memref_slice %arg2[%arg1, %dma_wait3A_232, %dma_wait3A_246, %dma_wait3A_247] : memref<16x157x2x128xi32, #tpu.memory_space<hbm>> -> memref<1x1x2x128xi32, #tpu.memory_space<hbm>>
    %dma_wait3A_249 = tpu.memref_squeeze %dma_wait3A_248 : memref<1x1x2x128xi32, #tpu.memory_space<hbm>> -> memref<2x128xi32, #tpu.memory_space<hbm>>
    tpu.wait_dma2 semaphore(%arg10 : memref<!tpu.dma_semaphore, #tpu.memory_space<semaphore_mem>>) src(%dma_wait3A_249 : memref<2x128xi32, #tpu.memory_space<hbm>>) dst(%dma_wait3A_245 : memref<2x128xi32, #tpu.memory_space<vmem>>)
    %eq3A_250 = arith.constant 0 : i32
    %eq3A_251 = arith.cmpi eq, %arg0, %eq3A_250 : i32
    %convert_element_type3A_252 = arith.extui %eq3A_251 : i1 to i32
    %cond3A_253 = arith.constant 0 : i32
    %cond3A_254 = arith.cmpi ne, %convert_element_type3A_252, %cond3A_253 : i32
    scf.if %cond3A_254 {
      %dma_start3A_362 = arith.constant 0 : i32
      %dma_start3A_363 = arith.constant 0 : i32
      %dma_start3A_364 = arith.constant 0 : i32
      %dma_start3A_365 = arith.constant 0 : i32
      %dma_start3A_366 = arith.constant 0 : i32
      %dma_start3A_367 = arith.constant 0 : i32
      %dma_start3A_368 = tpu.memref_slice %arg8[%dma_start3A_364, %dma_start3A_366, %dma_start3A_367] : memref<3x128x128xf32, #tpu.memory_space<vmem>> -> memref<1x128x128xf32, #tpu.memory_space<vmem>>
      %dma_start3A_369 = tpu.memref_squeeze %dma_start3A_368 : memref<1x128x128xf32, #tpu.memory_space<vmem>> -> memref<128x128xf32, #tpu.memory_space<vmem>>
      %dma_start3A_370 = arith.constant 0 : i32
      %dma_start3A_371 = tpu.memref_slice %arg7[%dma_start3A_362, %dma_start3A_363, %dma_start3A_370] : memref<4x2x128xi32, #tpu.memory_space<vmem>> -> memref<1x1x128xi32, #tpu.memory_space<vmem>>
      %dma_start3A_372 = tpu.memref_squeeze %dma_start3A_371 : memref<1x1x128xi32, #tpu.memory_space<vmem>> -> memref<128xi32, #tpu.memory_space<vmem>>
      %dma_start3A_373 = arith.constant 0 : i32
      %dma_start3A_374 = arith.constant 0 : i32
      %dma_start3A_375 = tpu.memref_slice %arg3[%dma_start3A_373, %dma_start3A_374] : memref<10000x128xf32, #tpu.memory_space<hbm>> -> memref<10000x128xf32, #tpu.memory_space<hbm>>
      %dma_start3A_376 = tpu.memref_slice %arg11[%dma_start3A_365] : memref<3x!tpu.dma_semaphore, #tpu.memory_space<semaphore_mem>> -> memref<1x!tpu.dma_semaphore, #tpu.memory_space<semaphore_mem>>
      %dma_start3A_377 = tpu.memref_squeeze %dma_start3A_376 : memref<1x!tpu.dma_semaphore, #tpu.memory_space<semaphore_mem>> -> memref<!tpu.dma_semaphore, #tpu.memory_space<semaphore_mem>>
      tpu.enqueue_indirect_dma source(%dma_start3A_375 : memref<10000x128xf32, #tpu.memory_space<hbm>>) target(%dma_start3A_369 : memref<128x128xf32, #tpu.memory_space<vmem>>) offsets(%dma_start3A_372 : memref<128xi32, #tpu.memory_space<vmem>>) semaphore(%dma_start3A_377 : memref<!tpu.dma_semaphore, #tpu.memory_space<semaphore_mem>>)
    } else {
    }
    %eq3A_255 = arith.constant 1 : i32
    %eq3A_256 = arith.cmpi eq, %arg0, %eq3A_255 : i32
    %convert_element_type3A_257 = arith.extui %eq3A_256 : i1 to i32
    %cond3A_258 = arith.constant 0 : i32
    %cond3A_259 = arith.cmpi ne, %convert_element_type3A_257, %cond3A_258 : i32
    scf.if %cond3A_259 {
      %dma_start3A_362 = arith.constant 0 : i32
      %dma_start3A_363 = arith.constant 0 : i32
      %dma_start3A_364 = arith.constant 0 : i32
      %dma_start3A_365 = arith.constant 0 : i32
      %dma_start3A_366 = arith.constant 0 : i32
      %dma_start3A_367 = arith.constant 0 : i32
      %dma_start3A_368 = tpu.memref_slice %arg8[%dma_start3A_364, %dma_start3A_366, %dma_start3A_367] : memref<3x128x128xf32, #tpu.memory_space<vmem>> -> memref<1x128x128xf32, #tpu.memory_space<vmem>>
      %dma_start3A_369 = tpu.memref_squeeze %dma_start3A_368 : memref<1x128x128xf32, #tpu.memory_space<vmem>> -> memref<128x128xf32, #tpu.memory_space<vmem>>
      %dma_start3A_370 = arith.constant 0 : i32
      %dma_start3A_371 = tpu.memref_slice %arg7[%dma_start3A_362, %dma_start3A_363, %dma_start3A_370] : memref<4x2x128xi32, #tpu.memory_space<vmem>> -> memref<1x1x128xi32, #tpu.memory_space<vmem>>
      %dma_start3A_372 = tpu.memref_squeeze %dma_start3A_371 : memref<1x1x128xi32, #tpu.memory_space<vmem>> -> memref<128xi32, #tpu.memory_space<vmem>>
      %dma_start3A_373 = arith.constant 0 : i32
      %dma_start3A_374 = arith.constant 0 : i32
      %dma_start3A_375 = tpu.memref_slice %arg4[%dma_start3A_373, %dma_start3A_374] : memref<10000x128xf32, #tpu.memory_space<hbm>> -> memref<10000x128xf32, #tpu.memory_space<hbm>>
      %dma_start3A_376 = tpu.memref_slice %arg11[%dma_start3A_365] : memref<3x!tpu.dma_semaphore, #tpu.memory_space<semaphore_mem>> -> memref<1x!tpu.dma_semaphore, #tpu.memory_space<semaphore_mem>>
      %dma_start3A_377 = tpu.memref_squeeze %dma_start3A_376 : memref<1x!tpu.dma_semaphore, #tpu.memory_space<semaphore_mem>> -> memref<!tpu.dma_semaphore, #tpu.memory_space<semaphore_mem>>
      tpu.enqueue_indirect_dma source(%dma_start3A_375 : memref<10000x128xf32, #tpu.memory_space<hbm>>) target(%dma_start3A_369 : memref<128x128xf32, #tpu.memory_space<vmem>>) offsets(%dma_start3A_372 : memref<128xi32, #tpu.memory_space<vmem>>) semaphore(%dma_start3A_377 : memref<!tpu.dma_semaphore, #tpu.memory_space<semaphore_mem>>)
    } else {
    }
    %dma_wait3A_260 = arith.constant 0 : i32
    %dma_wait3A_261 = arith.constant 0 : i32
    %dma_wait3A_262 = arith.constant 2 : i32
    %dma_wait3A_263 = arith.constant 2 : i32
    %dma_wait3A_264 = arith.constant 0 : i32
    %dma_wait3A_265 = arith.constant 0 : i32
    %dma_wait3A_266 = tpu.memref_slice %arg8[%dma_wait3A_262, %dma_wait3A_264, %dma_wait3A_265] : memref<3x128x128xf32, #tpu.memory_space<vmem>> -> memref<1x128x128xf32, #tpu.memory_space<vmem>>
    %dma_wait3A_267 = tpu.memref_squeeze %dma_wait3A_266 : memref<1x128x128xf32, #tpu.memory_space<vmem>> -> memref<128x128xf32, #tpu.memory_space<vmem>>
    %dma_wait3A_268 = arith.constant 0 : i32
    %dma_wait3A_269 = tpu.memref_slice %arg7[%dma_wait3A_260, %dma_wait3A_261, %dma_wait3A_268] : memref<4x2x128xi32, #tpu.memory_space<vmem>> -> memref<1x1x128xi32, #tpu.memory_space<vmem>>
    %dma_wait3A_270 = tpu.memref_squeeze %dma_wait3A_269 : memref<1x1x128xi32, #tpu.memory_space<vmem>> -> memref<128xi32, #tpu.memory_space<vmem>>
    %dma_wait3A_271 = arith.constant 0 : i32
    %dma_wait3A_272 = arith.constant 0 : i32
    %dma_wait3A_273 = tpu.memref_slice %arg3[%dma_wait3A_271, %dma_wait3A_272] : memref<10000x128xf32, #tpu.memory_space<hbm>> -> memref<10000x128xf32, #tpu.memory_space<hbm>>
    %dma_wait3A_274 = tpu.memref_slice %arg11[%dma_wait3A_263] : memref<3x!tpu.dma_semaphore, #tpu.memory_space<semaphore_mem>> -> memref<1x!tpu.dma_semaphore, #tpu.memory_space<semaphore_mem>>
    %dma_wait3A_275 = tpu.memref_squeeze %dma_wait3A_274 : memref<1x!tpu.dma_semaphore, #tpu.memory_space<semaphore_mem>> -> memref<!tpu.dma_semaphore, #tpu.memory_space<semaphore_mem>>
    tpu.wait_indirect_dma semaphore(%dma_wait3A_275 : memref<!tpu.dma_semaphore, #tpu.memory_space<semaphore_mem>>) src(%dma_wait3A_273 : memref<10000x128xf32, #tpu.memory_space<hbm>>) dst(%dma_wait3A_267 : memref<128x128xf32, #tpu.memory_space<vmem>>)
    %dma_wait3A_276 = arith.constant 0 : i32
    %dma_wait3A_277 = arith.constant 0 : i32
    %dma_wait3A_278 = arith.constant 1 : i32
    %dma_wait3A_279 = arith.constant 0 : i32
    %dma_wait3A_280 = arith.constant 0 : i32
    %dma_wait3A_281 = tpu.memref_slice %arg8[%dma_wait3A_276, %dma_wait3A_279, %dma_wait3A_280] : memref<3x128x128xf32, #tpu.memory_space<vmem>> -> memref<1x128x128xf32, #tpu.memory_space<vmem>>
    %dma_wait3A_282 = tpu.memref_squeeze %dma_wait3A_281 : memref<1x128x128xf32, #tpu.memory_space<vmem>> -> memref<128x128xf32, #tpu.memory_space<vmem>>
    %dma_wait3A_283 = arith.constant 0 : i32
    %dma_wait3A_284 = tpu.memref_slice %arg7[%dma_wait3A_277, %dma_wait3A_278, %dma_wait3A_283] : memref<4x2x128xi32, #tpu.memory_space<vmem>> -> memref<1x1x128xi32, #tpu.memory_space<vmem>>
    %dma_wait3A_285 = tpu.memref_squeeze %dma_wait3A_284 : memref<1x1x128xi32, #tpu.memory_space<vmem>> -> memref<128xi32, #tpu.memory_space<vmem>>
    %dma_wait3A_286 = arith.constant 0 : i32
    %dma_wait3A_287 = arith.constant 0 : i32
    %dma_wait3A_288 = tpu.memref_slice %arg9[%dma_wait3A_286, %dma_wait3A_287] : memref<10112x128xf32, #tpu.memory_space<vmem_shared>> -> memref<10112x128xf32, #tpu.memory_space<vmem_shared>>
    tpu.wait_indirect_dma semaphore(%arg12 : memref<!tpu.dma_semaphore, #tpu.memory_space<semaphore_mem>>) src(%dma_wait3A_282 : memref<128x128xf32, #tpu.memory_space<vmem>>) dst(%dma_wait3A_288 : memref<10112x128xf32, #tpu.memory_space<vmem_shared>>)
    %dma_start3A_289 = arith.constant 2 : i32
    %dma_start3A_290 = arith.constant 3 : i32
    %dma_start3A_291 = arith.constant 1 : i32
    %dma_start3A_292 = arith.constant 0 : i32
    %dma_start3A_293 = arith.constant 0 : i32
    %dma_start3A_294 = tpu.memref_slice %arg8[%dma_start3A_289, %dma_start3A_292, %dma_start3A_293] : memref<3x128x128xf32, #tpu.memory_space<vmem>> -> memref<1x128x128xf32, #tpu.memory_space<vmem>>
    %dma_start3A_295 = tpu.memref_squeeze %dma_start3A_294 : memref<1x128x128xf32, #tpu.memory_space<vmem>> -> memref<128x128xf32, #tpu.memory_space<vmem>>
    %dma_start3A_296 = arith.constant 0 : i32
    %dma_start3A_297 = tpu.memref_slice %arg7[%dma_start3A_290, %dma_start3A_291, %dma_start3A_296] : memref<4x2x128xi32, #tpu.memory_space<vmem>> -> memref<1x1x128xi32, #tpu.memory_space<vmem>>
    %dma_start3A_298 = tpu.memref_squeeze %dma_start3A_297 : memref<1x1x128xi32, #tpu.memory_space<vmem>> -> memref<128xi32, #tpu.memory_space<vmem>>
    %dma_start3A_299 = arith.constant 0 : i32
    %dma_start3A_300 = arith.constant 0 : i32
    %dma_start3A_301 = tpu.memref_slice %arg9[%dma_start3A_299, %dma_start3A_300] : memref<10112x128xf32, #tpu.memory_space<vmem_shared>> -> memref<10112x128xf32, #tpu.memory_space<vmem_shared>>
    tpu.enqueue_indirect_dma source(%dma_start3A_295 : memref<128x128xf32, #tpu.memory_space<vmem>>) target(%dma_start3A_301 : memref<10112x128xf32, #tpu.memory_space<vmem_shared>>) offsets(%dma_start3A_298 : memref<128xi32, #tpu.memory_space<vmem>>) semaphore(%arg12 : memref<!tpu.dma_semaphore, #tpu.memory_space<semaphore_mem>>) {add = true}
    %dma_wait3A_302 = arith.constant 0 : i32
    %dma_wait3A_303 = arith.constant 0 : i32
    %dma_wait3A_304 = arith.constant 0 : i32
    %dma_wait3A_305 = arith.constant 0 : i32
    %dma_wait3A_306 = arith.constant 0 : i32
    %dma_wait3A_307 = arith.constant 0 : i32
    %dma_wait3A_308 = tpu.memref_slice %arg8[%dma_wait3A_304, %dma_wait3A_306, %dma_wait3A_307] : memref<3x128x128xf32, #tpu.memory_space<vmem>> -> memref<1x128x128xf32, #tpu.memory_space<vmem>>
    %dma_wait3A_309 = tpu.memref_squeeze %dma_wait3A_308 : memref<1x128x128xf32, #tpu.memory_space<vmem>> -> memref<128x128xf32, #tpu.memory_space<vmem>>
    %dma_wait3A_310 = arith.constant 0 : i32
    %dma_wait3A_311 = tpu.memref_slice %arg7[%dma_wait3A_302, %dma_wait3A_303, %dma_wait3A_310] : memref<4x2x128xi32, #tpu.memory_space<vmem>> -> memref<1x1x128xi32, #tpu.memory_space<vmem>>
    %dma_wait3A_312 = tpu.memref_squeeze %dma_wait3A_311 : memref<1x1x128xi32, #tpu.memory_space<vmem>> -> memref<128xi32, #tpu.memory_space<vmem>>
    %dma_wait3A_313 = arith.constant 0 : i32
    %dma_wait3A_314 = arith.constant 0 : i32
    %dma_wait3A_315 = tpu.memref_slice %arg3[%dma_wait3A_313, %dma_wait3A_314] : memref<10000x128xf32, #tpu.memory_space<hbm>> -> memref<10000x128xf32, #tpu.memory_space<hbm>>
    %dma_wait3A_316 = tpu.memref_slice %arg11[%dma_wait3A_305] : memref<3x!tpu.dma_semaphore, #tpu.memory_space<semaphore_mem>> -> memref<1x!tpu.dma_semaphore, #tpu.memory_space<semaphore_mem>>
    %dma_wait3A_317 = tpu.memref_squeeze %dma_wait3A_316 : memref<1x!tpu.dma_semaphore, #tpu.memory_space<semaphore_mem>> -> memref<!tpu.dma_semaphore, #tpu.memory_space<semaphore_mem>>
    tpu.wait_indirect_dma semaphore(%dma_wait3A_317 : memref<!tpu.dma_semaphore, #tpu.memory_space<semaphore_mem>>) src(%dma_wait3A_315 : memref<10000x128xf32, #tpu.memory_space<hbm>>) dst(%dma_wait3A_309 : memref<128x128xf32, #tpu.memory_space<vmem>>)
    %dma_wait3A_318 = arith.constant 0 : i32
    %dma_wait3A_319 = arith.constant 0 : i32
    %dma_wait3A_320 = arith.constant 1 : i32
    %dma_wait3A_321 = arith.constant 0 : i32
    %dma_wait3A_322 = arith.constant 0 : i32
    %dma_wait3A_323 = tpu.memref_slice %arg8[%dma_wait3A_318, %dma_wait3A_321, %dma_wait3A_322] : memref<3x128x128xf32, #tpu.memory_space<vmem>> -> memref<1x128x128xf32, #tpu.memory_space<vmem>>
    %dma_wait3A_324 = tpu.memref_squeeze %dma_wait3A_323 : memref<1x128x128xf32, #tpu.memory_space<vmem>> -> memref<128x128xf32, #tpu.memory_space<vmem>>
    %dma_wait3A_325 = arith.constant 0 : i32
    %dma_wait3A_326 = tpu.memref_slice %arg7[%dma_wait3A_319, %dma_wait3A_320, %dma_wait3A_325] : memref<4x2x128xi32, #tpu.memory_space<vmem>> -> memref<1x1x128xi32, #tpu.memory_space<vmem>>
    %dma_wait3A_327 = tpu.memref_squeeze %dma_wait3A_326 : memref<1x1x128xi32, #tpu.memory_space<vmem>> -> memref<128xi32, #tpu.memory_space<vmem>>
    %dma_wait3A_328 = arith.constant 0 : i32
    %dma_wait3A_329 = arith.constant 0 : i32
    %dma_wait3A_330 = tpu.memref_slice %arg9[%dma_wait3A_328, %dma_wait3A_329] : memref<10112x128xf32, #tpu.memory_space<vmem_shared>> -> memref<10112x128xf32, #tpu.memory_space<vmem_shared>>
    tpu.wait_indirect_dma semaphore(%arg12 : memref<!tpu.dma_semaphore, #tpu.memory_space<semaphore_mem>>) src(%dma_wait3A_324 : memref<128x128xf32, #tpu.memory_space<vmem>>) dst(%dma_wait3A_330 : memref<10112x128xf32, #tpu.memory_space<vmem_shared>>)
    %dma_start3A_331 = arith.constant 0 : i32
    %dma_start3A_332 = arith.constant 0 : i32
    %dma_start3A_333 = arith.constant 1 : i32
    %dma_start3A_334 = arith.constant 0 : i32
    %dma_start3A_335 = arith.constant 0 : i32
    %dma_start3A_336 = tpu.memref_slice %arg8[%dma_start3A_331, %dma_start3A_334, %dma_start3A_335] : memref<3x128x128xf32, #tpu.memory_space<vmem>> -> memref<1x128x128xf32, #tpu.memory_space<vmem>>
    %dma_start3A_337 = tpu.memref_squeeze %dma_start3A_336 : memref<1x128x128xf32, #tpu.memory_space<vmem>> -> memref<128x128xf32, #tpu.memory_space<vmem>>
    %dma_start3A_338 = arith.constant 0 : i32
    %dma_start3A_339 = tpu.memref_slice %arg7[%dma_start3A_332, %dma_start3A_333, %dma_start3A_338] : memref<4x2x128xi32, #tpu.memory_space<vmem>> -> memref<1x1x128xi32, #tpu.memory_space<vmem>>
    %dma_start3A_340 = tpu.memref_squeeze %dma_start3A_339 : memref<1x1x128xi32, #tpu.memory_space<vmem>> -> memref<128xi32, #tpu.memory_space<vmem>>
    %dma_start3A_341 = arith.constant 0 : i32
    %dma_start3A_342 = arith.constant 0 : i32
    %dma_start3A_343 = tpu.memref_slice %arg9[%dma_start3A_341, %dma_start3A_342] : memref<10112x128xf32, #tpu.memory_space<vmem_shared>> -> memref<10112x128xf32, #tpu.memory_space<vmem_shared>>
    tpu.enqueue_indirect_dma source(%dma_start3A_337 : memref<128x128xf32, #tpu.memory_space<vmem>>) target(%dma_start3A_343 : memref<10112x128xf32, #tpu.memory_space<vmem_shared>>) offsets(%dma_start3A_340 : memref<128xi32, #tpu.memory_space<vmem>>) semaphore(%arg12 : memref<!tpu.dma_semaphore, #tpu.memory_space<semaphore_mem>>) {add = true}
    %dma_wait3A_344 = arith.constant 0 : i32
    %dma_wait3A_345 = arith.constant 0 : i32
    %dma_wait3A_346 = arith.constant 1 : i32
    %dma_wait3A_347 = arith.constant 0 : i32
    %dma_wait3A_348 = arith.constant 0 : i32
    %dma_wait3A_349 = tpu.memref_slice %arg8[%dma_wait3A_344, %dma_wait3A_347, %dma_wait3A_348] : memref<3x128x128xf32, #tpu.memory_space<vmem>> -> memref<1x128x128xf32, #tpu.memory_space<vmem>>
    %dma_wait3A_350 = tpu.memref_squeeze %dma_wait3A_349 : memref<1x128x128xf32, #tpu.memory_space<vmem>> -> memref<128x128xf32, #tpu.memory_space<vmem>>
    %dma_wait3A_351 = arith.constant 0 : i32
    %dma_wait3A_352 = tpu.memref_slice %arg7[%dma_wait3A_345, %dma_wait3A_346, %dma_wait3A_351] : memref<4x2x128xi32, #tpu.memory_space<vmem>> -> memref<1x1x128xi32, #tpu.memory_space<vmem>>
    %dma_wait3A_353 = tpu.memref_squeeze %dma_wait3A_352 : memref<1x1x128xi32, #tpu.memory_space<vmem>> -> memref<128xi32, #tpu.memory_space<vmem>>
    %dma_wait3A_354 = arith.constant 0 : i32
    %dma_wait3A_355 = arith.constant 0 : i32
    %dma_wait3A_356 = tpu.memref_slice %arg9[%dma_wait3A_354, %dma_wait3A_355] : memref<10112x128xf32, #tpu.memory_space<vmem_shared>> -> memref<10112x128xf32, #tpu.memory_space<vmem_shared>>
    tpu.wait_indirect_dma semaphore(%arg12 : memref<!tpu.dma_semaphore, #tpu.memory_space<semaphore_mem>>) src(%dma_wait3A_350 : memref<128x128xf32, #tpu.memory_space<vmem>>) dst(%dma_wait3A_356 : memref<10112x128xf32, #tpu.memory_space<vmem_shared>>)
    %barrier3A_357 = arith.constant 0 : index
    tpu.barrier barrier_id(%barrier3A_357)
    %mul3A_358 = arith.constant 632 : i32
    %mul3A_359 = arith.muli %arg1, %mul3A_358 : i32
    %mul3A_360 = arith.constant 632 : i32
    %mul3A_361 = arith.muli %arg1, %mul3A_360 : i32
    "tpu.region"() ({
      %run_scoped3A = tpu.sem_alloc : memref<!tpu.dma_semaphore, #tpu.memory_space<semaphore_mem>>
      %dma_start3A_362 = arith.constant 0 : i32
      %dma_start3A_363 = tpu.memref_slice %arg6[%arg0, %mul3A_361, %dma_start3A_362] : memref<2x10112x128xf32, #tpu.memory_space<hbm>> -> memref<1x632x128xf32, #tpu.memory_space<hbm>>
      %dma_start3A_364 = tpu.memref_squeeze %dma_start3A_363 : memref<1x632x128xf32, #tpu.memory_space<hbm>> -> memref<632x128xf32, #tpu.memory_space<hbm>>
      %dma_start3A_365 = arith.constant 0 : i32
      %dma_start3A_366 = tpu.memref_slice %arg9[%mul3A_359, %dma_start3A_365] : memref<10112x128xf32, #tpu.memory_space<vmem_shared>> -> memref<632x128xf32, #tpu.memory_space<vmem_shared>>
      tpu.enqueue_dma source(%dma_start3A_366 : memref<632x128xf32, #tpu.memory_space<vmem_shared>>) target(%dma_start3A_364 : memref<632x128xf32, #tpu.memory_space<hbm>>) target_semaphore(%run_scoped3A : memref<!tpu.dma_semaphore, #tpu.memory_space<semaphore_mem>>)
      %dma_wait3A_367 = arith.constant 0 : i32
      %dma_wait3A_368 = tpu.memref_slice %arg6[%arg0, %mul3A_361, %dma_wait3A_367] : memref<2x10112x128xf32, #tpu.memory_space<hbm>> -> memref<1x632x128xf32, #tpu.memory_space<hbm>>
      %dma_wait3A_369 = tpu.memref_squeeze %dma_wait3A_368 : memref<1x632x128xf32, #tpu.memory_space<hbm>> -> memref<632x128xf32, #tpu.memory_space<hbm>>
      %dma_wait3A_370 = arith.constant 0 : i32
      %dma_wait3A_371 = tpu.memref_slice %arg9[%mul3A_359, %dma_wait3A_370] : memref<10112x128xf32, #tpu.memory_space<vmem_shared>> -> memref<632x128xf32, #tpu.memory_space<vmem_shared>>
      tpu.wait_dma2 semaphore(%run_scoped3A : memref<!tpu.dma_semaphore, #tpu.memory_space<semaphore_mem>>) src(%dma_wait3A_371 : memref<632x128xf32, #tpu.memory_space<vmem_shared>>) dst(%dma_wait3A_369 : memref<632x128xf32, #tpu.memory_space<hbm>>)
      tpu.yield
    }) : () -> ()
    return
  }
}

#map = affine_map<(d0, d1) -> (0, 0, 0, 0)>
#map1 = affine_map<(d0, d1) -> (0, 0)>
#map2 = affine_map<(d0, d1) -> (0, 0, 0)>
module attributes {stable_mosaic.version = 14 : i64} {
  func.func @seg_kernel(%arg0: i32, %arg1: i32, %arg2: memref<16x157x2x128xi32, #tpu.memory_space<hbm>>, %arg3: memref<10000x128xf32, #tpu.memory_space<hbm>>, %arg4: memref<10000x128xf32, #tpu.memory_space<hbm>>, %arg5: memref<632x128xf32, #tpu.memory_space<hbm>>, %arg6: memref<2x10112x128xf32, #tpu.memory_space<hbm>>, %arg7: memref<4x2x128xi32, #tpu.memory_space<vmem>>, %arg8: memref<3x128x128xf32, #tpu.memory_space<vmem>>, %arg9: memref<10112x128xf32, #tpu.memory_space<vmem_shared>>, %arg10: memref<!tpu.dma_semaphore, #tpu.memory_space<semaphore_mem>>, %arg11: memref<3x!tpu.dma_semaphore, #tpu.memory_space<semaphore_mem>>, %arg12: memref<!tpu.dma_semaphore, #tpu.memory_space<semaphore_mem>>, %arg13: memref<!tpu.dma_semaphore, #tpu.memory_space<semaphore_mem>>) attributes {dimension_semantics = [#tpu.dimension_semantics<core_parallel>, #tpu.dimension_semantics<subcore_parallel>], iteration_bounds = array<i64: 2, 16>, scalar_prefetch = 0 : i64, scratch_operands = 7 : i64, tpu.core_type = #tpu.core_type<sc_vector_subcore>, window_params = [{transform_indices = #map}, {transform_indices = #map1}, {transform_indices = #map1}, {transform_indices = #map1}, {transform_indices = #map2}]} {
    %dma_start3A = arith.constant 0 : i32
    %dma_start3A_0 = arith.constant 0 : i32
    %dma_start3A_1 = arith.constant 0 : i32
    %dma_start3A_2 = arith.constant 0 : i32
    %dma_start3A_3 = tpu.memref_slice %arg7[%dma_start3A_0, %dma_start3A_1, %dma_start3A_2] : memref<4x2x128xi32, #tpu.memory_space<vmem>> -> memref<1x2x128xi32, #tpu.memory_space<vmem>>
    %dma_start3A_4 = tpu.memref_squeeze %dma_start3A_3 : memref<1x2x128xi32, #tpu.memory_space<vmem>> -> memref<2x128xi32, #tpu.memory_space<vmem>>
    %dma_start3A_5 = arith.constant 0 : i32
    %dma_start3A_6 = arith.constant 0 : i32
    %dma_start3A_7 = tpu.memref_slice %arg2[%arg1, %dma_start3A, %dma_start3A_5, %dma_start3A_6] : memref<16x157x2x128xi32, #tpu.memory_space<hbm>> -> memref<1x1x2x128xi32, #tpu.memory_space<hbm>>
    %dma_start3A_8 = tpu.memref_squeeze %dma_start3A_7 : memref<1x1x2x128xi32, #tpu.memory_space<hbm>> -> memref<2x128xi32, #tpu.memory_space<hbm>>
    %dma_start3A_9 = arith.constant 0 : i32
    %dma_start3A_10 = arith.constant 0 : i32
    %dma_start3A_11 = tpu.memref_slice %arg7[%dma_start3A_0, %dma_start3A_9, %dma_start3A_10] : memref<4x2x128xi32, #tpu.memory_space<vmem>> -> memref<1x2x128xi32, #tpu.memory_space<vmem>>
    %dma_start3A_12 = tpu.memref_squeeze %dma_start3A_11 : memref<1x2x128xi32, #tpu.memory_space<vmem>> -> memref<2x128xi32, #tpu.memory_space<vmem>>
    %dma_start3A_13 = arith.constant 0 : i32
    %dma_start3A_14 = arith.constant 0 : i32
    %dma_start3A_15 = tpu.memref_slice %arg2[%arg1, %dma_start3A, %dma_start3A_13, %dma_start3A_14] : memref<16x157x2x128xi32, #tpu.memory_space<hbm>> -> memref<1x1x2x128xi32, #tpu.memory_space<hbm>>
    %dma_start3A_16 = tpu.memref_squeeze %dma_start3A_15 : memref<1x1x2x128xi32, #tpu.memory_space<hbm>> -> memref<2x128xi32, #tpu.memory_space<hbm>>
    tpu.enqueue_dma source(%dma_start3A_16 : memref<2x128xi32, #tpu.memory_space<hbm>>) target(%dma_start3A_12 : memref<2x128xi32, #tpu.memory_space<vmem>>) target_semaphore(%arg10 : memref<!tpu.dma_semaphore, #tpu.memory_space<semaphore_mem>>)
    %mul3A = arith.constant 632 : i32
    %mul3A_17 = arith.muli %arg1, %mul3A : i32
    %dma_start3A_18 = arith.constant 0 : i32
    %dma_start3A_19 = tpu.memref_slice %arg9[%mul3A_17, %dma_start3A_18] : memref<10112x128xf32, #tpu.memory_space<vmem_shared>> -> memref<632x128xf32, #tpu.memory_space<vmem_shared>>
    tpu.enqueue_dma source(%arg5 : memref<632x128xf32, #tpu.memory_space<hbm>>) target(%dma_start3A_19 : memref<632x128xf32, #tpu.memory_space<vmem_shared>>) target_semaphore(%arg13 : memref<!tpu.dma_semaphore, #tpu.memory_space<semaphore_mem>>)
    %dma_wait3A = arith.constant 0 : i32
    %dma_wait3A_20 = arith.constant 0 : i32
    %dma_wait3A_21 = arith.constant 0 : i32
    %dma_wait3A_22 = arith.constant 0 : i32
    %dma_wait3A_23 = tpu.memref_slice %arg7[%dma_wait3A_20, %dma_wait3A_21, %dma_wait3A_22] : memref<4x2x128xi32, #tpu.memory_space<vmem>> -> memref<1x2x128xi32, #tpu.memory_space<vmem>>
    %dma_wait3A_24 = tpu.memref_squeeze %dma_wait3A_23 : memref<1x2x128xi32, #tpu.memory_space<vmem>> -> memref<2x128xi32, #tpu.memory_space<vmem>>
    %dma_wait3A_25 = arith.constant 0 : i32
    %dma_wait3A_26 = arith.constant 0 : i32
    %dma_wait3A_27 = tpu.memref_slice %arg2[%arg1, %dma_wait3A, %dma_wait3A_25, %dma_wait3A_26] : memref<16x157x2x128xi32, #tpu.memory_space<hbm>> -> memref<1x1x2x128xi32, #tpu.memory_space<hbm>>
    %dma_wait3A_28 = tpu.memref_squeeze %dma_wait3A_27 : memref<1x1x2x128xi32, #tpu.memory_space<hbm>> -> memref<2x128xi32, #tpu.memory_space<hbm>>
    %dma_wait3A_29 = arith.constant 0 : i32
    %dma_wait3A_30 = arith.constant 0 : i32
    %dma_wait3A_31 = tpu.memref_slice %arg7[%dma_wait3A_20, %dma_wait3A_29, %dma_wait3A_30] : memref<4x2x128xi32, #tpu.memory_space<vmem>> -> memref<1x2x128xi32, #tpu.memory_space<vmem>>
    %dma_wait3A_32 = tpu.memref_squeeze %dma_wait3A_31 : memref<1x2x128xi32, #tpu.memory_space<vmem>> -> memref<2x128xi32, #tpu.memory_space<vmem>>
    %dma_wait3A_33 = arith.constant 0 : i32
    %dma_wait3A_34 = arith.constant 0 : i32
    %dma_wait3A_35 = tpu.memref_slice %arg2[%arg1, %dma_wait3A, %dma_wait3A_33, %dma_wait3A_34] : memref<16x157x2x128xi32, #tpu.memory_space<hbm>> -> memref<1x1x2x128xi32, #tpu.memory_space<hbm>>
    %dma_wait3A_36 = tpu.memref_squeeze %dma_wait3A_35 : memref<1x1x2x128xi32, #tpu.memory_space<hbm>> -> memref<2x128xi32, #tpu.memory_space<hbm>>
    tpu.wait_dma2 semaphore(%arg10 : memref<!tpu.dma_semaphore, #tpu.memory_space<semaphore_mem>>) src(%dma_wait3A_36 : memref<2x128xi32, #tpu.memory_space<hbm>>) dst(%dma_wait3A_32 : memref<2x128xi32, #tpu.memory_space<vmem>>)
    %dma_start3A_37 = arith.constant 1 : i32
    %dma_start3A_38 = arith.constant 1 : i32
    %dma_start3A_39 = arith.constant 0 : i32
    %dma_start3A_40 = arith.constant 0 : i32
    %dma_start3A_41 = tpu.memref_slice %arg7[%dma_start3A_38, %dma_start3A_39, %dma_start3A_40] : memref<4x2x128xi32, #tpu.memory_space<vmem>> -> memref<1x2x128xi32, #tpu.memory_space<vmem>>
    %dma_start3A_42 = tpu.memref_squeeze %dma_start3A_41 : memref<1x2x128xi32, #tpu.memory_space<vmem>> -> memref<2x128xi32, #tpu.memory_space<vmem>>
    %dma_start3A_43 = arith.constant 0 : i32
    %dma_start3A_44 = arith.constant 0 : i32
    %dma_start3A_45 = tpu.memref_slice %arg2[%arg1, %dma_start3A_37, %dma_start3A_43, %dma_start3A_44] : memref<16x157x2x128xi32, #tpu.memory_space<hbm>> -> memref<1x1x2x128xi32, #tpu.memory_space<hbm>>
    %dma_start3A_46 = tpu.memref_squeeze %dma_start3A_45 : memref<1x1x2x128xi32, #tpu.memory_space<hbm>> -> memref<2x128xi32, #tpu.memory_space<hbm>>
    %dma_start3A_47 = arith.constant 0 : i32
    %dma_start3A_48 = arith.constant 0 : i32
    %dma_start3A_49 = tpu.memref_slice %arg7[%dma_start3A_38, %dma_start3A_47, %dma_start3A_48] : memref<4x2x128xi32, #tpu.memory_space<vmem>> -> memref<1x2x128xi32, #tpu.memory_space<vmem>>
    %dma_start3A_50 = tpu.memref_squeeze %dma_start3A_49 : memref<1x2x128xi32, #tpu.memory_space<vmem>> -> memref<2x128xi32, #tpu.memory_space<vmem>>
    %dma_start3A_51 = arith.constant 0 : i32
    %dma_start3A_52 = arith.constant 0 : i32
    %dma_start3A_53 = tpu.memref_slice %arg2[%arg1, %dma_start3A_37, %dma_start3A_51, %dma_start3A_52] : memref<16x157x2x128xi32, #tpu.memory_space<hbm>> -> memref<1x1x2x128xi32, #tpu.memory_space<hbm>>
    %dma_start3A_54 = tpu.memref_squeeze %dma_start3A_53 : memref<1x1x2x128xi32, #tpu.memory_space<hbm>> -> memref<2x128xi32, #tpu.memory_space<hbm>>
    tpu.enqueue_dma source(%dma_start3A_54 : memref<2x128xi32, #tpu.memory_space<hbm>>) target(%dma_start3A_50 : memref<2x128xi32, #tpu.memory_space<vmem>>) target_semaphore(%arg10 : memref<!tpu.dma_semaphore, #tpu.memory_space<semaphore_mem>>)
    %eq3A = arith.constant 0 : i32
    %eq3A_55 = arith.cmpi eq, %arg0, %eq3A : i32
    %convert_element_type3A = arith.extui %eq3A_55 : i1 to i32
    %cond3A = arith.constant 0 : i32
    %cond3A_56 = arith.cmpi ne, %convert_element_type3A, %cond3A : i32
    scf.if %cond3A_56 {
      %dma_start3A_362 = arith.constant 0 : i32
      %dma_start3A_363 = arith.constant 0 : i32
      %dma_start3A_364 = arith.constant 0 : i32
      %dma_start3A_365 = arith.constant 0 : i32
      %dma_start3A_366 = arith.constant 0 : i32
      %dma_start3A_367 = arith.constant 0 : i32
      %dma_start3A_368 = tpu.memref_slice %arg8[%dma_start3A_364, %dma_start3A_366, %dma_start3A_367] : memref<3x128x128xf32, #tpu.memory_space<vmem>> -> memref<1x128x128xf32, #tpu.memory_space<vmem>>
      %dma_start3A_369 = tpu.memref_squeeze %dma_start3A_368 : memref<1x128x128xf32, #tpu.memory_space<vmem>> -> memref<128x128xf32, #tpu.memory_space<vmem>>
      %dma_start3A_370 = arith.constant 0 : i32
      %dma_start3A_371 = tpu.memref_slice %arg7[%dma_start3A_362, %dma_start3A_363, %dma_start3A_370] : memref<4x2x128xi32, #tpu.memory_space<vmem>> -> memref<1x1x128xi32, #tpu.memory_space<vmem>>
      %dma_start3A_372 = tpu.memref_squeeze %dma_start3A_371 : memref<1x1x128xi32, #tpu.memory_space<vmem>> -> memref<128xi32, #tpu.memory_space<vmem>>
      %dma_start3A_373 = arith.constant 0 : i32
      %dma_start3A_374 = arith.constant 0 : i32
      %dma_start3A_375 = tpu.memref_slice %arg3[%dma_start3A_373, %dma_start3A_374] : memref<10000x128xf32, #tpu.memory_space<hbm>> -> memref<10000x128xf32, #tpu.memory_space<hbm>>
      %dma_start3A_376 = tpu.memref_slice %arg11[%dma_start3A_365] : memref<3x!tpu.dma_semaphore, #tpu.memory_space<semaphore_mem>> -> memref<1x!tpu.dma_semaphore, #tpu.memory_space<semaphore_mem>>
      %dma_start3A_377 = tpu.memref_squeeze %dma_start3A_376 : memref<1x!tpu.dma_semaphore, #tpu.memory_space<semaphore_mem>> -> memref<!tpu.dma_semaphore, #tpu.memory_space<semaphore_mem>>
      tpu.enqueue_indirect_dma source(%dma_start3A_375 : memref<10000x128xf32, #tpu.memory_space<hbm>>) target(%dma_start3A_369 : memref<128x128xf32, #tpu.memory_space<vmem>>) offsets(%dma_start3A_372 : memref<128xi32, #tpu.memory_space<vmem>>) semaphore(%dma_start3A_377 : memref<!tpu.dma_semaphore, #tpu.memory_space<semaphore_mem>>)
    } else {
    }
    %eq3A_57 = arith.constant 1 : i32
    %eq3A_58 = arith.cmpi eq, %arg0, %eq3A_57 : i32
    %convert_element_type3A_59 = arith.extui %eq3A_58 : i1 to i32
    %cond3A_60 = arith.constant 0 : i32
    %cond3A_61 = arith.cmpi ne, %convert_element_type3A_59, %cond3A_60 : i32
    scf.if %cond3A_61 {
      %dma_start3A_362 = arith.constant 0 : i32
      %dma_start3A_363 = arith.constant 0 : i32
      %dma_start3A_364 = arith.constant 0 : i32
      %dma_start3A_365 = arith.constant 0 : i32
      %dma_start3A_366 = arith.constant 0 : i32
      %dma_start3A_367 = arith.constant 0 : i32
      %dma_start3A_368 = tpu.memref_slice %arg8[%dma_start3A_364, %dma_start3A_366, %dma_start3A_367] : memref<3x128x128xf32, #tpu.memory_space<vmem>> -> memref<1x128x128xf32, #tpu.memory_space<vmem>>
      %dma_start3A_369 = tpu.memref_squeeze %dma_start3A_368 : memref<1x128x128xf32, #tpu.memory_space<vmem>> -> memref<128x128xf32, #tpu.memory_space<vmem>>
      %dma_start3A_370 = arith.constant 0 : i32
      %dma_start3A_371 = tpu.memref_slice %arg7[%dma_start3A_362, %dma_start3A_363, %dma_start3A_370] : memref<4x2x128xi32, #tpu.memory_space<vmem>> -> memref<1x1x128xi32, #tpu.memory_space<vmem>>
      %dma_start3A_372 = tpu.memref_squeeze %dma_start3A_371 : memref<1x1x128xi32, #tpu.memory_space<vmem>> -> memref<128xi32, #tpu.memory_space<vmem>>
      %dma_start3A_373 = arith.constant 0 : i32
      %dma_start3A_374 = arith.constant 0 : i32
      %dma_start3A_375 = tpu.memref_slice %arg4[%dma_start3A_373, %dma_start3A_374] : memref<10000x128xf32, #tpu.memory_space<hbm>> -> memref<10000x128xf32, #tpu.memory_space<hbm>>
      %dma_start3A_376 = tpu.memref_slice %arg11[%dma_start3A_365] : memref<3x!tpu.dma_semaphore, #tpu.memory_space<semaphore_mem>> -> memref<1x!tpu.dma_semaphore, #tpu.memory_space<semaphore_mem>>
      %dma_start3A_377 = tpu.memref_squeeze %dma_start3A_376 : memref<1x!tpu.dma_semaphore, #tpu.memory_space<semaphore_mem>> -> memref<!tpu.dma_semaphore, #tpu.memory_space<semaphore_mem>>
      tpu.enqueue_indirect_dma source(%dma_start3A_375 : memref<10000x128xf32, #tpu.memory_space<hbm>>) target(%dma_start3A_369 : memref<128x128xf32, #tpu.memory_space<vmem>>) offsets(%dma_start3A_372 : memref<128xi32, #tpu.memory_space<vmem>>) semaphore(%dma_start3A_377 : memref<!tpu.dma_semaphore, #tpu.memory_space<semaphore_mem>>)
    } else {
    }
    %dma_wait3A_62 = arith.constant 0 : i32
    %dma_wait3A_63 = arith.constant 0 : i32
    %dma_wait3A_64 = arith.constant 0 : i32
    %dma_wait3A_65 = arith.constant 0 : i32
    %dma_wait3A_66 = tpu.memref_slice %arg7[%dma_wait3A_63, %dma_wait3A_64, %dma_wait3A_65] : memref<4x2x128xi32, #tpu.memory_space<vmem>> -> memref<1x2x128xi32, #tpu.memory_space<vmem>>
    %dma_wait3A_67 = tpu.memref_squeeze %dma_wait3A_66 : memref<1x2x128xi32, #tpu.memory_space<vmem>> -> memref<2x128xi32, #tpu.memory_space<vmem>>
    %dma_wait3A_68 = arith.constant 0 : i32
    %dma_wait3A_69 = arith.constant 0 : i32
    %dma_wait3A_70 = tpu.memref_slice %arg2[%arg1, %dma_wait3A_62, %dma_wait3A_68, %dma_wait3A_69] : memref<16x157x2x128xi32, #tpu.memory_space<hbm>> -> memref<1x1x2x128xi32, #tpu.memory_space<hbm>>
    %dma_wait3A_71 = tpu.memref_squeeze %dma_wait3A_70 : memref<1x1x2x128xi32, #tpu.memory_space<hbm>> -> memref<2x128xi32, #tpu.memory_space<hbm>>
    %dma_wait3A_72 = arith.constant 0 : i32
    %dma_wait3A_73 = arith.constant 0 : i32
    %dma_wait3A_74 = tpu.memref_slice %arg7[%dma_wait3A_63, %dma_wait3A_72, %dma_wait3A_73] : memref<4x2x128xi32, #tpu.memory_space<vmem>> -> memref<1x2x128xi32, #tpu.memory_space<vmem>>
    %dma_wait3A_75 = tpu.memref_squeeze %dma_wait3A_74 : memref<1x2x128xi32, #tpu.memory_space<vmem>> -> memref<2x128xi32, #tpu.memory_space<vmem>>
    %dma_wait3A_76 = arith.constant 0 : i32
    %dma_wait3A_77 = arith.constant 0 : i32
    %dma_wait3A_78 = tpu.memref_slice %arg2[%arg1, %dma_wait3A_62, %dma_wait3A_76, %dma_wait3A_77] : memref<16x157x2x128xi32, #tpu.memory_space<hbm>> -> memref<1x1x2x128xi32, #tpu.memory_space<hbm>>
    %dma_wait3A_79 = tpu.memref_squeeze %dma_wait3A_78 : memref<1x1x2x128xi32, #tpu.memory_space<hbm>> -> memref<2x128xi32, #tpu.memory_space<hbm>>
    tpu.wait_dma2 semaphore(%arg10 : memref<!tpu.dma_semaphore, #tpu.memory_space<semaphore_mem>>) src(%dma_wait3A_79 : memref<2x128xi32, #tpu.memory_space<hbm>>) dst(%dma_wait3A_75 : memref<2x128xi32, #tpu.memory_space<vmem>>)
    %dma_start3A_80 = arith.constant 2 : i32
    %dma_start3A_81 = arith.constant 2 : i32
    %dma_start3A_82 = arith.constant 0 : i32
    %dma_start3A_83 = arith.constant 0 : i32
    %dma_start3A_84 = tpu.memref_slice %arg7[%dma_start3A_81, %dma_start3A_82, %dma_start3A_83] : memref<4x2x128xi32, #tpu.memory_space<vmem>> -> memref<1x2x128xi32, #tpu.memory_space<vmem>>
    %dma_start3A_85 = tpu.memref_squeeze %dma_start3A_84 : memref<1x2x128xi32, #tpu.memory_space<vmem>> -> memref<2x128xi32, #tpu.memory_space<vmem>>
    %dma_start3A_86 = arith.constant 0 : i32
    %dma_start3A_87 = arith.constant 0 : i32
    %dma_start3A_88 = tpu.memref_slice %arg2[%arg1, %dma_start3A_80, %dma_start3A_86, %dma_start3A_87] : memref<16x157x2x128xi32, #tpu.memory_space<hbm>> -> memref<1x1x2x128xi32, #tpu.memory_space<hbm>>
    %dma_start3A_89 = tpu.memref_squeeze %dma_start3A_88 : memref<1x1x2x128xi32, #tpu.memory_space<hbm>> -> memref<2x128xi32, #tpu.memory_space<hbm>>
    %dma_start3A_90 = arith.constant 0 : i32
    %dma_start3A_91 = arith.constant 0 : i32
    %dma_start3A_92 = tpu.memref_slice %arg7[%dma_start3A_81, %dma_start3A_90, %dma_start3A_91] : memref<4x2x128xi32, #tpu.memory_space<vmem>> -> memref<1x2x128xi32, #tpu.memory_space<vmem>>
    %dma_start3A_93 = tpu.memref_squeeze %dma_start3A_92 : memref<1x2x128xi32, #tpu.memory_space<vmem>> -> memref<2x128xi32, #tpu.memory_space<vmem>>
    %dma_start3A_94 = arith.constant 0 : i32
    %dma_start3A_95 = arith.constant 0 : i32
    %dma_start3A_96 = tpu.memref_slice %arg2[%arg1, %dma_start3A_80, %dma_start3A_94, %dma_start3A_95] : memref<16x157x2x128xi32, #tpu.memory_space<hbm>> -> memref<1x1x2x128xi32, #tpu.memory_space<hbm>>
    %dma_start3A_97 = tpu.memref_squeeze %dma_start3A_96 : memref<1x1x2x128xi32, #tpu.memory_space<hbm>> -> memref<2x128xi32, #tpu.memory_space<hbm>>
    tpu.enqueue_dma source(%dma_start3A_97 : memref<2x128xi32, #tpu.memory_space<hbm>>) target(%dma_start3A_93 : memref<2x128xi32, #tpu.memory_space<vmem>>) target_semaphore(%arg10 : memref<!tpu.dma_semaphore, #tpu.memory_space<semaphore_mem>>)
    %eq3A_98 = arith.constant 0 : i32
    %eq3A_99 = arith.cmpi eq, %arg0, %eq3A_98 : i32
    %convert_element_type3A_100 = arith.extui %eq3A_99 : i1 to i32
    %cond3A_101 = arith.constant 0 : i32
    %cond3A_102 = arith.cmpi ne, %convert_element_type3A_100, %cond3A_101 : i32
    scf.if %cond3A_102 {
      %dma_start3A_362 = arith.constant 1 : i32
      %dma_start3A_363 = arith.constant 0 : i32
      %dma_start3A_364 = arith.constant 1 : i32
      %dma_start3A_365 = arith.constant 1 : i32
      %dma_start3A_366 = arith.constant 0 : i32
      %dma_start3A_367 = arith.constant 0 : i32
      %dma_start3A_368 = tpu.memref_slice %arg8[%dma_start3A_364, %dma_start3A_366, %dma_start3A_367] : memref<3x128x128xf32, #tpu.memory_space<vmem>> -> memref<1x128x128xf32, #tpu.memory_space<vmem>>
      %dma_start3A_369 = tpu.memref_squeeze %dma_start3A_368 : memref<1x128x128xf32, #tpu.memory_space<vmem>> -> memref<128x128xf32, #tpu.memory_space<vmem>>
      %dma_start3A_370 = arith.constant 0 : i32
      %dma_start3A_371 = tpu.memref_slice %arg7[%dma_start3A_362, %dma_start3A_363, %dma_start3A_370] : memref<4x2x128xi32, #tpu.memory_space<vmem>> -> memref<1x1x128xi32, #tpu.memory_space<vmem>>
      %dma_start3A_372 = tpu.memref_squeeze %dma_start3A_371 : memref<1x1x128xi32, #tpu.memory_space<vmem>> -> memref<128xi32, #tpu.memory_space<vmem>>
      %dma_start3A_373 = arith.constant 0 : i32
      %dma_start3A_374 = arith.constant 0 : i32
      %dma_start3A_375 = tpu.memref_slice %arg3[%dma_start3A_373, %dma_start3A_374] : memref<10000x128xf32, #tpu.memory_space<hbm>> -> memref<10000x128xf32, #tpu.memory_space<hbm>>
      %dma_start3A_376 = tpu.memref_slice %arg11[%dma_start3A_365] : memref<3x!tpu.dma_semaphore, #tpu.memory_space<semaphore_mem>> -> memref<1x!tpu.dma_semaphore, #tpu.memory_space<semaphore_mem>>
      %dma_start3A_377 = tpu.memref_squeeze %dma_start3A_376 : memref<1x!tpu.dma_semaphore, #tpu.memory_space<semaphore_mem>> -> memref<!tpu.dma_semaphore, #tpu.memory_space<semaphore_mem>>
      tpu.enqueue_indirect_dma source(%dma_start3A_375 : memref<10000x128xf32, #tpu.memory_space<hbm>>) target(%dma_start3A_369 : memref<128x128xf32, #tpu.memory_space<vmem>>) offsets(%dma_start3A_372 : memref<128xi32, #tpu.memory_space<vmem>>) semaphore(%dma_start3A_377 : memref<!tpu.dma_semaphore, #tpu.memory_space<semaphore_mem>>)
    } else {
    }
    %eq3A_103 = arith.constant 1 : i32
    %eq3A_104 = arith.cmpi eq, %arg0, %eq3A_103 : i32
    %convert_element_type3A_105 = arith.extui %eq3A_104 : i1 to i32
    %cond3A_106 = arith.constant 0 : i32
    %cond3A_107 = arith.cmpi ne, %convert_element_type3A_105, %cond3A_106 : i32
    scf.if %cond3A_107 {
      %dma_start3A_362 = arith.constant 1 : i32
      %dma_start3A_363 = arith.constant 0 : i32
      %dma_start3A_364 = arith.constant 1 : i32
      %dma_start3A_365 = arith.constant 1 : i32
      %dma_start3A_366 = arith.constant 0 : i32
      %dma_start3A_367 = arith.constant 0 : i32
      %dma_start3A_368 = tpu.memref_slice %arg8[%dma_start3A_364, %dma_start3A_366, %dma_start3A_367] : memref<3x128x128xf32, #tpu.memory_space<vmem>> -> memref<1x128x128xf32, #tpu.memory_space<vmem>>
      %dma_start3A_369 = tpu.memref_squeeze %dma_start3A_368 : memref<1x128x128xf32, #tpu.memory_space<vmem>> -> memref<128x128xf32, #tpu.memory_space<vmem>>
      %dma_start3A_370 = arith.constant 0 : i32
      %dma_start3A_371 = tpu.memref_slice %arg7[%dma_start3A_362, %dma_start3A_363, %dma_start3A_370] : memref<4x2x128xi32, #tpu.memory_space<vmem>> -> memref<1x1x128xi32, #tpu.memory_space<vmem>>
      %dma_start3A_372 = tpu.memref_squeeze %dma_start3A_371 : memref<1x1x128xi32, #tpu.memory_space<vmem>> -> memref<128xi32, #tpu.memory_space<vmem>>
      %dma_start3A_373 = arith.constant 0 : i32
      %dma_start3A_374 = arith.constant 0 : i32
      %dma_start3A_375 = tpu.memref_slice %arg4[%dma_start3A_373, %dma_start3A_374] : memref<10000x128xf32, #tpu.memory_space<hbm>> -> memref<10000x128xf32, #tpu.memory_space<hbm>>
      %dma_start3A_376 = tpu.memref_slice %arg11[%dma_start3A_365] : memref<3x!tpu.dma_semaphore, #tpu.memory_space<semaphore_mem>> -> memref<1x!tpu.dma_semaphore, #tpu.memory_space<semaphore_mem>>
      %dma_start3A_377 = tpu.memref_squeeze %dma_start3A_376 : memref<1x!tpu.dma_semaphore, #tpu.memory_space<semaphore_mem>> -> memref<!tpu.dma_semaphore, #tpu.memory_space<semaphore_mem>>
      tpu.enqueue_indirect_dma source(%dma_start3A_375 : memref<10000x128xf32, #tpu.memory_space<hbm>>) target(%dma_start3A_369 : memref<128x128xf32, #tpu.memory_space<vmem>>) offsets(%dma_start3A_372 : memref<128xi32, #tpu.memory_space<vmem>>) semaphore(%dma_start3A_377 : memref<!tpu.dma_semaphore, #tpu.memory_space<semaphore_mem>>)
    } else {
    }
    %dma_wait3A_108 = arith.constant 0 : i32
    %dma_wait3A_109 = arith.constant 0 : i32
    %dma_wait3A_110 = arith.constant 0 : i32
    %dma_wait3A_111 = arith.constant 0 : i32
    %dma_wait3A_112 = tpu.memref_slice %arg7[%dma_wait3A_109, %dma_wait3A_110, %dma_wait3A_111] : memref<4x2x128xi32, #tpu.memory_space<vmem>> -> memref<1x2x128xi32, #tpu.memory_space<vmem>>
    %dma_wait3A_113 = tpu.memref_squeeze %dma_wait3A_112 : memref<1x2x128xi32, #tpu.memory_space<vmem>> -> memref<2x128xi32, #tpu.memory_space<vmem>>
    %dma_wait3A_114 = arith.constant 0 : i32
    %dma_wait3A_115 = arith.constant 0 : i32
    %dma_wait3A_116 = tpu.memref_slice %arg2[%arg1, %dma_wait3A_108, %dma_wait3A_114, %dma_wait3A_115] : memref<16x157x2x128xi32, #tpu.memory_space<hbm>> -> memref<1x1x2x128xi32, #tpu.memory_space<hbm>>
    %dma_wait3A_117 = tpu.memref_squeeze %dma_wait3A_116 : memref<1x1x2x128xi32, #tpu.memory_space<hbm>> -> memref<2x128xi32, #tpu.memory_space<hbm>>
    %dma_wait3A_118 = arith.constant 0 : i32
    %dma_wait3A_119 = arith.constant 0 : i32
    %dma_wait3A_120 = tpu.memref_slice %arg7[%dma_wait3A_109, %dma_wait3A_118, %dma_wait3A_119] : memref<4x2x128xi32, #tpu.memory_space<vmem>> -> memref<1x2x128xi32, #tpu.memory_space<vmem>>
    %dma_wait3A_121 = tpu.memref_squeeze %dma_wait3A_120 : memref<1x2x128xi32, #tpu.memory_space<vmem>> -> memref<2x128xi32, #tpu.memory_space<vmem>>
    %dma_wait3A_122 = arith.constant 0 : i32
    %dma_wait3A_123 = arith.constant 0 : i32
    %dma_wait3A_124 = tpu.memref_slice %arg2[%arg1, %dma_wait3A_108, %dma_wait3A_122, %dma_wait3A_123] : memref<16x157x2x128xi32, #tpu.memory_space<hbm>> -> memref<1x1x2x128xi32, #tpu.memory_space<hbm>>
    %dma_wait3A_125 = tpu.memref_squeeze %dma_wait3A_124 : memref<1x1x2x128xi32, #tpu.memory_space<hbm>> -> memref<2x128xi32, #tpu.memory_space<hbm>>
    tpu.wait_dma2 semaphore(%arg10 : memref<!tpu.dma_semaphore, #tpu.memory_space<semaphore_mem>>) src(%dma_wait3A_125 : memref<2x128xi32, #tpu.memory_space<hbm>>) dst(%dma_wait3A_121 : memref<2x128xi32, #tpu.memory_space<vmem>>)
    %dma_start3A_126 = arith.constant 3 : i32
    %dma_start3A_127 = arith.constant 3 : i32
    %dma_start3A_128 = arith.constant 0 : i32
    %dma_start3A_129 = arith.constant 0 : i32
    %dma_start3A_130 = tpu.memref_slice %arg7[%dma_start3A_127, %dma_start3A_128, %dma_start3A_129] : memref<4x2x128xi32, #tpu.memory_space<vmem>> -> memref<1x2x128xi32, #tpu.memory_space<vmem>>
    %dma_start3A_131 = tpu.memref_squeeze %dma_start3A_130 : memref<1x2x128xi32, #tpu.memory_space<vmem>> -> memref<2x128xi32, #tpu.memory_space<vmem>>
    %dma_start3A_132 = arith.constant 0 : i32
    %dma_start3A_133 = arith.constant 0 : i32
    %dma_start3A_134 = tpu.memref_slice %arg2[%arg1, %dma_start3A_126, %dma_start3A_132, %dma_start3A_133] : memref<16x157x2x128xi32, #tpu.memory_space<hbm>> -> memref<1x1x2x128xi32, #tpu.memory_space<hbm>>
    %dma_start3A_135 = tpu.memref_squeeze %dma_start3A_134 : memref<1x1x2x128xi32, #tpu.memory_space<hbm>> -> memref<2x128xi32, #tpu.memory_space<hbm>>
    %dma_start3A_136 = arith.constant 0 : i32
    %dma_start3A_137 = arith.constant 0 : i32
    %dma_start3A_138 = tpu.memref_slice %arg7[%dma_start3A_127, %dma_start3A_136, %dma_start3A_137] : memref<4x2x128xi32, #tpu.memory_space<vmem>> -> memref<1x2x128xi32, #tpu.memory_space<vmem>>
    %dma_start3A_139 = tpu.memref_squeeze %dma_start3A_138 : memref<1x2x128xi32, #tpu.memory_space<vmem>> -> memref<2x128xi32, #tpu.memory_space<vmem>>
    %dma_start3A_140 = arith.constant 0 : i32
    %dma_start3A_141 = arith.constant 0 : i32
    %dma_start3A_142 = tpu.memref_slice %arg2[%arg1, %dma_start3A_126, %dma_start3A_140, %dma_start3A_141] : memref<16x157x2x128xi32, #tpu.memory_space<hbm>> -> memref<1x1x2x128xi32, #tpu.memory_space<hbm>>
    %dma_start3A_143 = tpu.memref_squeeze %dma_start3A_142 : memref<1x1x2x128xi32, #tpu.memory_space<hbm>> -> memref<2x128xi32, #tpu.memory_space<hbm>>
    tpu.enqueue_dma source(%dma_start3A_143 : memref<2x128xi32, #tpu.memory_space<hbm>>) target(%dma_start3A_139 : memref<2x128xi32, #tpu.memory_space<vmem>>) target_semaphore(%arg10 : memref<!tpu.dma_semaphore, #tpu.memory_space<semaphore_mem>>)
    %eq3A_144 = arith.constant 0 : i32
    %eq3A_145 = arith.cmpi eq, %arg0, %eq3A_144 : i32
    %convert_element_type3A_146 = arith.extui %eq3A_145 : i1 to i32
    %cond3A_147 = arith.constant 0 : i32
    %cond3A_148 = arith.cmpi ne, %convert_element_type3A_146, %cond3A_147 : i32
    scf.if %cond3A_148 {
      %dma_start3A_362 = arith.constant 2 : i32
      %dma_start3A_363 = arith.constant 0 : i32
      %dma_start3A_364 = arith.constant 2 : i32
      %dma_start3A_365 = arith.constant 2 : i32
      %dma_start3A_366 = arith.constant 0 : i32
      %dma_start3A_367 = arith.constant 0 : i32
      %dma_start3A_368 = tpu.memref_slice %arg8[%dma_start3A_364, %dma_start3A_366, %dma_start3A_367] : memref<3x128x128xf32, #tpu.memory_space<vmem>> -> memref<1x128x128xf32, #tpu.memory_space<vmem>>
      %dma_start3A_369 = tpu.memref_squeeze %dma_start3A_368 : memref<1x128x128xf32, #tpu.memory_space<vmem>> -> memref<128x128xf32, #tpu.memory_space<vmem>>
      %dma_start3A_370 = arith.constant 0 : i32
      %dma_start3A_371 = tpu.memref_slice %arg7[%dma_start3A_362, %dma_start3A_363, %dma_start3A_370] : memref<4x2x128xi32, #tpu.memory_space<vmem>> -> memref<1x1x128xi32, #tpu.memory_space<vmem>>
      %dma_start3A_372 = tpu.memref_squeeze %dma_start3A_371 : memref<1x1x128xi32, #tpu.memory_space<vmem>> -> memref<128xi32, #tpu.memory_space<vmem>>
      %dma_start3A_373 = arith.constant 0 : i32
      %dma_start3A_374 = arith.constant 0 : i32
      %dma_start3A_375 = tpu.memref_slice %arg3[%dma_start3A_373, %dma_start3A_374] : memref<10000x128xf32, #tpu.memory_space<hbm>> -> memref<10000x128xf32, #tpu.memory_space<hbm>>
      %dma_start3A_376 = tpu.memref_slice %arg11[%dma_start3A_365] : memref<3x!tpu.dma_semaphore, #tpu.memory_space<semaphore_mem>> -> memref<1x!tpu.dma_semaphore, #tpu.memory_space<semaphore_mem>>
      %dma_start3A_377 = tpu.memref_squeeze %dma_start3A_376 : memref<1x!tpu.dma_semaphore, #tpu.memory_space<semaphore_mem>> -> memref<!tpu.dma_semaphore, #tpu.memory_space<semaphore_mem>>
      tpu.enqueue_indirect_dma source(%dma_start3A_375 : memref<10000x128xf32, #tpu.memory_space<hbm>>) target(%dma_start3A_369 : memref<128x128xf32, #tpu.memory_space<vmem>>) offsets(%dma_start3A_372 : memref<128xi32, #tpu.memory_space<vmem>>) semaphore(%dma_start3A_377 : memref<!tpu.dma_semaphore, #tpu.memory_space<semaphore_mem>>)
    } else {
    }
    %eq3A_149 = arith.constant 1 : i32
    %eq3A_150 = arith.cmpi eq, %arg0, %eq3A_149 : i32
    %convert_element_type3A_151 = arith.extui %eq3A_150 : i1 to i32
    %cond3A_152 = arith.constant 0 : i32
    %cond3A_153 = arith.cmpi ne, %convert_element_type3A_151, %cond3A_152 : i32
    scf.if %cond3A_153 {
      %dma_start3A_362 = arith.constant 2 : i32
      %dma_start3A_363 = arith.constant 0 : i32
      %dma_start3A_364 = arith.constant 2 : i32
      %dma_start3A_365 = arith.constant 2 : i32
      %dma_start3A_366 = arith.constant 0 : i32
      %dma_start3A_367 = arith.constant 0 : i32
      %dma_start3A_368 = tpu.memref_slice %arg8[%dma_start3A_364, %dma_start3A_366, %dma_start3A_367] : memref<3x128x128xf32, #tpu.memory_space<vmem>> -> memref<1x128x128xf32, #tpu.memory_space<vmem>>
      %dma_start3A_369 = tpu.memref_squeeze %dma_start3A_368 : memref<1x128x128xf32, #tpu.memory_space<vmem>> -> memref<128x128xf32, #tpu.memory_space<vmem>>
      %dma_start3A_370 = arith.constant 0 : i32
      %dma_start3A_371 = tpu.memref_slice %arg7[%dma_start3A_362, %dma_start3A_363, %dma_start3A_370] : memref<4x2x128xi32, #tpu.memory_space<vmem>> -> memref<1x1x128xi32, #tpu.memory_space<vmem>>
      %dma_start3A_372 = tpu.memref_squeeze %dma_start3A_371 : memref<1x1x128xi32, #tpu.memory_space<vmem>> -> memref<128xi32, #tpu.memory_space<vmem>>
      %dma_start3A_373 = arith.constant 0 : i32
      %dma_start3A_374 = arith.constant 0 : i32
      %dma_start3A_375 = tpu.memref_slice %arg4[%dma_start3A_373, %dma_start3A_374] : memref<10000x128xf32, #tpu.memory_space<hbm>> -> memref<10000x128xf32, #tpu.memory_space<hbm>>
      %dma_start3A_376 = tpu.memref_slice %arg11[%dma_start3A_365] : memref<3x!tpu.dma_semaphore, #tpu.memory_space<semaphore_mem>> -> memref<1x!tpu.dma_semaphore, #tpu.memory_space<semaphore_mem>>
      %dma_start3A_377 = tpu.memref_squeeze %dma_start3A_376 : memref<1x!tpu.dma_semaphore, #tpu.memory_space<semaphore_mem>> -> memref<!tpu.dma_semaphore, #tpu.memory_space<semaphore_mem>>
      tpu.enqueue_indirect_dma source(%dma_start3A_375 : memref<10000x128xf32, #tpu.memory_space<hbm>>) target(%dma_start3A_369 : memref<128x128xf32, #tpu.memory_space<vmem>>) offsets(%dma_start3A_372 : memref<128xi32, #tpu.memory_space<vmem>>) semaphore(%dma_start3A_377 : memref<!tpu.dma_semaphore, #tpu.memory_space<semaphore_mem>>)
    } else {
    }
    %dma_wait3A_154 = arith.constant 0 : i32
    %dma_wait3A_155 = tpu.memref_slice %arg9[%mul3A_17, %dma_wait3A_154] : memref<10112x128xf32, #tpu.memory_space<vmem_shared>> -> memref<632x128xf32, #tpu.memory_space<vmem_shared>>
    tpu.wait_dma2 semaphore(%arg13 : memref<!tpu.dma_semaphore, #tpu.memory_space<semaphore_mem>>) src(%arg5 : memref<632x128xf32, #tpu.memory_space<hbm>>) dst(%dma_wait3A_155 : memref<632x128xf32, #tpu.memory_space<vmem_shared>>)
    %barrier3A = arith.constant 0 : index
    tpu.barrier barrier_id(%barrier3A)
    %dma_wait3A_156 = arith.constant 0 : i32
    %dma_wait3A_157 = arith.constant 0 : i32
    %dma_wait3A_158 = arith.constant 0 : i32
    %dma_wait3A_159 = arith.constant 0 : i32
    %dma_wait3A_160 = arith.constant 0 : i32
    %dma_wait3A_161 = arith.constant 0 : i32
    %dma_wait3A_162 = tpu.memref_slice %arg8[%dma_wait3A_158, %dma_wait3A_160, %dma_wait3A_161] : memref<3x128x128xf32, #tpu.memory_space<vmem>> -> memref<1x128x128xf32, #tpu.memory_space<vmem>>
    %dma_wait3A_163 = tpu.memref_squeeze %dma_wait3A_162 : memref<1x128x128xf32, #tpu.memory_space<vmem>> -> memref<128x128xf32, #tpu.memory_space<vmem>>
    %dma_wait3A_164 = arith.constant 0 : i32
    %dma_wait3A_165 = tpu.memref_slice %arg7[%dma_wait3A_156, %dma_wait3A_157, %dma_wait3A_164] : memref<4x2x128xi32, #tpu.memory_space<vmem>> -> memref<1x1x128xi32, #tpu.memory_space<vmem>>
    %dma_wait3A_166 = tpu.memref_squeeze %dma_wait3A_165 : memref<1x1x128xi32, #tpu.memory_space<vmem>> -> memref<128xi32, #tpu.memory_space<vmem>>
    %dma_wait3A_167 = arith.constant 0 : i32
    %dma_wait3A_168 = arith.constant 0 : i32
    %dma_wait3A_169 = tpu.memref_slice %arg3[%dma_wait3A_167, %dma_wait3A_168] : memref<10000x128xf32, #tpu.memory_space<hbm>> -> memref<10000x128xf32, #tpu.memory_space<hbm>>
    %dma_wait3A_170 = tpu.memref_slice %arg11[%dma_wait3A_159] : memref<3x!tpu.dma_semaphore, #tpu.memory_space<semaphore_mem>> -> memref<1x!tpu.dma_semaphore, #tpu.memory_space<semaphore_mem>>
    %dma_wait3A_171 = tpu.memref_squeeze %dma_wait3A_170 : memref<1x!tpu.dma_semaphore, #tpu.memory_space<semaphore_mem>> -> memref<!tpu.dma_semaphore, #tpu.memory_space<semaphore_mem>>
    tpu.wait_indirect_dma semaphore(%dma_wait3A_171 : memref<!tpu.dma_semaphore, #tpu.memory_space<semaphore_mem>>) src(%dma_wait3A_169 : memref<10000x128xf32, #tpu.memory_space<hbm>>) dst(%dma_wait3A_163 : memref<128x128xf32, #tpu.memory_space<vmem>>)
    %dma_start3A_172 = arith.constant 0 : i32
    %dma_start3A_173 = arith.constant 0 : i32
    %dma_start3A_174 = arith.constant 1 : i32
    %dma_start3A_175 = arith.constant 0 : i32
    %dma_start3A_176 = arith.constant 0 : i32
    %dma_start3A_177 = tpu.memref_slice %arg8[%dma_start3A_172, %dma_start3A_175, %dma_start3A_176] : memref<3x128x128xf32, #tpu.memory_space<vmem>> -> memref<1x128x128xf32, #tpu.memory_space<vmem>>
    %dma_start3A_178 = tpu.memref_squeeze %dma_start3A_177 : memref<1x128x128xf32, #tpu.memory_space<vmem>> -> memref<128x128xf32, #tpu.memory_space<vmem>>
    %dma_start3A_179 = arith.constant 0 : i32
    %dma_start3A_180 = tpu.memref_slice %arg7[%dma_start3A_173, %dma_start3A_174, %dma_start3A_179] : memref<4x2x128xi32, #tpu.memory_space<vmem>> -> memref<1x1x128xi32, #tpu.memory_space<vmem>>
    %dma_start3A_181 = tpu.memref_squeeze %dma_start3A_180 : memref<1x1x128xi32, #tpu.memory_space<vmem>> -> memref<128xi32, #tpu.memory_space<vmem>>
    %dma_start3A_182 = arith.constant 0 : i32
    %dma_start3A_183 = arith.constant 0 : i32
    %dma_start3A_184 = tpu.memref_slice %arg9[%dma_start3A_182, %dma_start3A_183] : memref<10112x128xf32, #tpu.memory_space<vmem_shared>> -> memref<10112x128xf32, #tpu.memory_space<vmem_shared>>
    tpu.enqueue_indirect_dma source(%dma_start3A_178 : memref<128x128xf32, #tpu.memory_space<vmem>>) target(%dma_start3A_184 : memref<10112x128xf32, #tpu.memory_space<vmem_shared>>) offsets(%dma_start3A_181 : memref<128xi32, #tpu.memory_space<vmem>>) semaphore(%arg12 : memref<!tpu.dma_semaphore, #tpu.memory_space<semaphore_mem>>) {add = true}
    %scan3A = arith.constant 0 : i32
    %scan3A_185 = arith.constant 1 : i32
    %scan3A_186 = arith.constant 153 : i32
    %scan3A_187 = arith.addi %scan3A_185, %scan3A_186 : i32
    %scan3A_188 = arith.constant 1 : i32
    scf.for %scan3A_362 = %scan3A_185 to %scan3A_187 step %scan3A_188  : i32 {
      %rem3A = arith.constant 3 : i32
      %rem3A_363 = arith.remsi %scan3A_362, %rem3A : i32
      %dma_wait3A_364 = arith.constant 0 : i32
      %dma_wait3A_365 = arith.constant 0 : i32
      %dma_wait3A_366 = arith.constant 0 : i32
      %dma_wait3A_367 = arith.constant 0 : i32
      %dma_wait3A_368 = tpu.memref_slice %arg8[%rem3A_363, %dma_wait3A_366, %dma_wait3A_367] : memref<3x128x128xf32, #tpu.memory_space<vmem>> -> memref<1x128x128xf32, #tpu.memory_space<vmem>>
      %dma_wait3A_369 = tpu.memref_squeeze %dma_wait3A_368 : memref<1x128x128xf32, #tpu.memory_space<vmem>> -> memref<128x128xf32, #tpu.memory_space<vmem>>
      %dma_wait3A_370 = arith.constant 0 : i32
      %dma_wait3A_371 = tpu.memref_slice %arg7[%dma_wait3A_364, %dma_wait3A_365, %dma_wait3A_370] : memref<4x2x128xi32, #tpu.memory_space<vmem>> -> memref<1x1x128xi32, #tpu.memory_space<vmem>>
      %dma_wait3A_372 = tpu.memref_squeeze %dma_wait3A_371 : memref<1x1x128xi32, #tpu.memory_space<vmem>> -> memref<128xi32, #tpu.memory_space<vmem>>
      %dma_wait3A_373 = arith.constant 0 : i32
      %dma_wait3A_374 = arith.constant 0 : i32
      %dma_wait3A_375 = tpu.memref_slice %arg3[%dma_wait3A_373, %dma_wait3A_374] : memref<10000x128xf32, #tpu.memory_space<hbm>> -> memref<10000x128xf32, #tpu.memory_space<hbm>>
      %dma_wait3A_376 = tpu.memref_slice %arg11[%rem3A_363] : memref<3x!tpu.dma_semaphore, #tpu.memory_space<semaphore_mem>> -> memref<1x!tpu.dma_semaphore, #tpu.memory_space<semaphore_mem>>
      %dma_wait3A_377 = tpu.memref_squeeze %dma_wait3A_376 : memref<1x!tpu.dma_semaphore, #tpu.memory_space<semaphore_mem>> -> memref<!tpu.dma_semaphore, #tpu.memory_space<semaphore_mem>>
      tpu.wait_indirect_dma semaphore(%dma_wait3A_377 : memref<!tpu.dma_semaphore, #tpu.memory_space<semaphore_mem>>) src(%dma_wait3A_375 : memref<10000x128xf32, #tpu.memory_space<hbm>>) dst(%dma_wait3A_369 : memref<128x128xf32, #tpu.memory_space<vmem>>)
      %dma_wait3A_378 = arith.constant 0 : i32
      %dma_wait3A_379 = arith.constant 0 : i32
      %dma_wait3A_380 = arith.constant 1 : i32
      %dma_wait3A_381 = arith.constant 0 : i32
      %dma_wait3A_382 = arith.constant 0 : i32
      %dma_wait3A_383 = tpu.memref_slice %arg8[%dma_wait3A_378, %dma_wait3A_381, %dma_wait3A_382] : memref<3x128x128xf32, #tpu.memory_space<vmem>> -> memref<1x128x128xf32, #tpu.memory_space<vmem>>
      %dma_wait3A_384 = tpu.memref_squeeze %dma_wait3A_383 : memref<1x128x128xf32, #tpu.memory_space<vmem>> -> memref<128x128xf32, #tpu.memory_space<vmem>>
      %dma_wait3A_385 = arith.constant 0 : i32
      %dma_wait3A_386 = tpu.memref_slice %arg7[%dma_wait3A_379, %dma_wait3A_380, %dma_wait3A_385] : memref<4x2x128xi32, #tpu.memory_space<vmem>> -> memref<1x1x128xi32, #tpu.memory_space<vmem>>
      %dma_wait3A_387 = tpu.memref_squeeze %dma_wait3A_386 : memref<1x1x128xi32, #tpu.memory_space<vmem>> -> memref<128xi32, #tpu.memory_space<vmem>>
      %dma_wait3A_388 = arith.constant 0 : i32
      %dma_wait3A_389 = arith.constant 0 : i32
      %dma_wait3A_390 = tpu.memref_slice %arg9[%dma_wait3A_388, %dma_wait3A_389] : memref<10112x128xf32, #tpu.memory_space<vmem_shared>> -> memref<10112x128xf32, #tpu.memory_space<vmem_shared>>
      tpu.wait_indirect_dma semaphore(%arg12 : memref<!tpu.dma_semaphore, #tpu.memory_space<semaphore_mem>>) src(%dma_wait3A_384 : memref<128x128xf32, #tpu.memory_space<vmem>>) dst(%dma_wait3A_390 : memref<10112x128xf32, #tpu.memory_space<vmem_shared>>)
      %rem3A_391 = arith.constant 4 : i32
      %rem3A_392 = arith.remsi %scan3A_362, %rem3A_391 : i32
      %rem3A_393 = arith.constant 3 : i32
      %rem3A_394 = arith.remsi %scan3A_362, %rem3A_393 : i32
      %dma_start3A_395 = arith.constant 1 : i32
      %dma_start3A_396 = arith.constant 0 : i32
      %dma_start3A_397 = arith.constant 0 : i32
      %dma_start3A_398 = tpu.memref_slice %arg8[%rem3A_394, %dma_start3A_396, %dma_start3A_397] : memref<3x128x128xf32, #tpu.memory_space<vmem>> -> memref<1x128x128xf32, #tpu.memory_space<vmem>>
      %dma_start3A_399 = tpu.memref_squeeze %dma_start3A_398 : memref<1x128x128xf32, #tpu.memory_space<vmem>> -> memref<128x128xf32, #tpu.memory_space<vmem>>
      %dma_start3A_400 = arith.constant 0 : i32
      %dma_start3A_401 = tpu.memref_slice %arg7[%rem3A_392, %dma_start3A_395, %dma_start3A_400] : memref<4x2x128xi32, #tpu.memory_space<vmem>> -> memref<1x1x128xi32, #tpu.memory_space<vmem>>
      %dma_start3A_402 = tpu.memref_squeeze %dma_start3A_401 : memref<1x1x128xi32, #tpu.memory_space<vmem>> -> memref<128xi32, #tpu.memory_space<vmem>>
      %dma_start3A_403 = arith.constant 0 : i32
      %dma_start3A_404 = arith.constant 0 : i32
      %dma_start3A_405 = tpu.memref_slice %arg9[%dma_start3A_403, %dma_start3A_404] : memref<10112x128xf32, #tpu.memory_space<vmem_shared>> -> memref<10112x128xf32, #tpu.memory_space<vmem_shared>>
      tpu.enqueue_indirect_dma source(%dma_start3A_399 : memref<128x128xf32, #tpu.memory_space<vmem>>) target(%dma_start3A_405 : memref<10112x128xf32, #tpu.memory_space<vmem_shared>>) offsets(%dma_start3A_402 : memref<128xi32, #tpu.memory_space<vmem>>) semaphore(%arg12 : memref<!tpu.dma_semaphore, #tpu.memory_space<semaphore_mem>>) {add = true}
      %dma_wait3A_406 = arith.constant 0 : i32
      %dma_wait3A_407 = arith.constant 0 : i32
      %dma_wait3A_408 = arith.constant 0 : i32
      %dma_wait3A_409 = arith.constant 0 : i32
      %dma_wait3A_410 = tpu.memref_slice %arg7[%dma_wait3A_407, %dma_wait3A_408, %dma_wait3A_409] : memref<4x2x128xi32, #tpu.memory_space<vmem>> -> memref<1x2x128xi32, #tpu.memory_space<vmem>>
      %dma_wait3A_411 = tpu.memref_squeeze %dma_wait3A_410 : memref<1x2x128xi32, #tpu.memory_space<vmem>> -> memref<2x128xi32, #tpu.memory_space<vmem>>
      %dma_wait3A_412 = arith.constant 0 : i32
      %dma_wait3A_413 = arith.constant 0 : i32
      %dma_wait3A_414 = tpu.memref_slice %arg2[%arg1, %dma_wait3A_406, %dma_wait3A_412, %dma_wait3A_413] : memref<16x157x2x128xi32, #tpu.memory_space<hbm>> -> memref<1x1x2x128xi32, #tpu.memory_space<hbm>>
      %dma_wait3A_415 = tpu.memref_squeeze %dma_wait3A_414 : memref<1x1x2x128xi32, #tpu.memory_space<hbm>> -> memref<2x128xi32, #tpu.memory_space<hbm>>
      %dma_wait3A_416 = arith.constant 0 : i32
      %dma_wait3A_417 = arith.constant 0 : i32
      %dma_wait3A_418 = tpu.memref_slice %arg7[%dma_wait3A_407, %dma_wait3A_416, %dma_wait3A_417] : memref<4x2x128xi32, #tpu.memory_space<vmem>> -> memref<1x2x128xi32, #tpu.memory_space<vmem>>
      %dma_wait3A_419 = tpu.memref_squeeze %dma_wait3A_418 : memref<1x2x128xi32, #tpu.memory_space<vmem>> -> memref<2x128xi32, #tpu.memory_space<vmem>>
      %dma_wait3A_420 = arith.constant 0 : i32
      %dma_wait3A_421 = arith.constant 0 : i32
      %dma_wait3A_422 = tpu.memref_slice %arg2[%arg1, %dma_wait3A_406, %dma_wait3A_420, %dma_wait3A_421] : memref<16x157x2x128xi32, #tpu.memory_space<hbm>> -> memref<1x1x2x128xi32, #tpu.memory_space<hbm>>
      %dma_wait3A_423 = tpu.memref_squeeze %dma_wait3A_422 : memref<1x1x2x128xi32, #tpu.memory_space<hbm>> -> memref<2x128xi32, #tpu.memory_space<hbm>>
      tpu.wait_dma2 semaphore(%arg10 : memref<!tpu.dma_semaphore, #tpu.memory_space<semaphore_mem>>) src(%dma_wait3A_423 : memref<2x128xi32, #tpu.memory_space<hbm>>) dst(%dma_wait3A_419 : memref<2x128xi32, #tpu.memory_space<vmem>>)
      %add3A = arith.constant 2 : i32
      %add3A_424 = arith.addi %scan3A_362, %add3A : i32
      %rem3A_425 = arith.constant 4 : i32
      %rem3A_426 = arith.remsi %add3A_424, %rem3A_425 : i32
      %add3A_427 = arith.constant 2 : i32
      %add3A_428 = arith.addi %scan3A_362, %add3A_427 : i32
      %rem3A_429 = arith.constant 3 : i32
      %rem3A_430 = arith.remsi %add3A_428, %rem3A_429 : i32
      %eq3A_431 = arith.constant 0 : i32
      %eq3A_432 = arith.cmpi eq, %arg0, %eq3A_431 : i32
      %convert_element_type3A_433 = arith.extui %eq3A_432 : i1 to i32
      %cond3A_434 = arith.constant 0 : i32
      %cond3A_435 = arith.cmpi ne, %convert_element_type3A_433, %cond3A_434 : i32
      scf.if %cond3A_435 {
        %dma_start3A_463 = arith.constant 0 : i32
        %dma_start3A_464 = arith.constant 0 : i32
        %dma_start3A_465 = arith.constant 0 : i32
        %dma_start3A_466 = tpu.memref_slice %arg8[%rem3A_430, %dma_start3A_464, %dma_start3A_465] : memref<3x128x128xf32, #tpu.memory_space<vmem>> -> memref<1x128x128xf32, #tpu.memory_space<vmem>>
        %dma_start3A_467 = tpu.memref_squeeze %dma_start3A_466 : memref<1x128x128xf32, #tpu.memory_space<vmem>> -> memref<128x128xf32, #tpu.memory_space<vmem>>
        %dma_start3A_468 = arith.constant 0 : i32
        %dma_start3A_469 = tpu.memref_slice %arg7[%rem3A_426, %dma_start3A_463, %dma_start3A_468] : memref<4x2x128xi32, #tpu.memory_space<vmem>> -> memref<1x1x128xi32, #tpu.memory_space<vmem>>
        %dma_start3A_470 = tpu.memref_squeeze %dma_start3A_469 : memref<1x1x128xi32, #tpu.memory_space<vmem>> -> memref<128xi32, #tpu.memory_space<vmem>>
        %dma_start3A_471 = arith.constant 0 : i32
        %dma_start3A_472 = arith.constant 0 : i32
        %dma_start3A_473 = tpu.memref_slice %arg3[%dma_start3A_471, %dma_start3A_472] : memref<10000x128xf32, #tpu.memory_space<hbm>> -> memref<10000x128xf32, #tpu.memory_space<hbm>>
        %dma_start3A_474 = tpu.memref_slice %arg11[%rem3A_430] : memref<3x!tpu.dma_semaphore, #tpu.memory_space<semaphore_mem>> -> memref<1x!tpu.dma_semaphore, #tpu.memory_space<semaphore_mem>>
        %dma_start3A_475 = tpu.memref_squeeze %dma_start3A_474 : memref<1x!tpu.dma_semaphore, #tpu.memory_space<semaphore_mem>> -> memref<!tpu.dma_semaphore, #tpu.memory_space<semaphore_mem>>
        tpu.enqueue_indirect_dma source(%dma_start3A_473 : memref<10000x128xf32, #tpu.memory_space<hbm>>) target(%dma_start3A_467 : memref<128x128xf32, #tpu.memory_space<vmem>>) offsets(%dma_start3A_470 : memref<128xi32, #tpu.memory_space<vmem>>) semaphore(%dma_start3A_475 : memref<!tpu.dma_semaphore, #tpu.memory_space<semaphore_mem>>)
      } else {
      }
      %eq3A_436 = arith.constant 1 : i32
      %eq3A_437 = arith.cmpi eq, %arg0, %eq3A_436 : i32
      %convert_element_type3A_438 = arith.extui %eq3A_437 : i1 to i32
      %cond3A_439 = arith.constant 0 : i32
      %cond3A_440 = arith.cmpi ne, %convert_element_type3A_438, %cond3A_439 : i32
      scf.if %cond3A_440 {
        %dma_start3A_463 = arith.constant 0 : i32
        %dma_start3A_464 = arith.constant 0 : i32
        %dma_start3A_465 = arith.constant 0 : i32
        %dma_start3A_466 = tpu.memref_slice %arg8[%rem3A_430, %dma_start3A_464, %dma_start3A_465] : memref<3x128x128xf32, #tpu.memory_space<vmem>> -> memref<1x128x128xf32, #tpu.memory_space<vmem>>
        %dma_start3A_467 = tpu.memref_squeeze %dma_start3A_466 : memref<1x128x128xf32, #tpu.memory_space<vmem>> -> memref<128x128xf32, #tpu.memory_space<vmem>>
        %dma_start3A_468 = arith.constant 0 : i32
        %dma_start3A_469 = tpu.memref_slice %arg7[%rem3A_426, %dma_start3A_463, %dma_start3A_468] : memref<4x2x128xi32, #tpu.memory_space<vmem>> -> memref<1x1x128xi32, #tpu.memory_space<vmem>>
        %dma_start3A_470 = tpu.memref_squeeze %dma_start3A_469 : memref<1x1x128xi32, #tpu.memory_space<vmem>> -> memref<128xi32, #tpu.memory_space<vmem>>
        %dma_start3A_471 = arith.constant 0 : i32
        %dma_start3A_472 = arith.constant 0 : i32
        %dma_start3A_473 = tpu.memref_slice %arg4[%dma_start3A_471, %dma_start3A_472] : memref<10000x128xf32, #tpu.memory_space<hbm>> -> memref<10000x128xf32, #tpu.memory_space<hbm>>
        %dma_start3A_474 = tpu.memref_slice %arg11[%rem3A_430] : memref<3x!tpu.dma_semaphore, #tpu.memory_space<semaphore_mem>> -> memref<1x!tpu.dma_semaphore, #tpu.memory_space<semaphore_mem>>
        %dma_start3A_475 = tpu.memref_squeeze %dma_start3A_474 : memref<1x!tpu.dma_semaphore, #tpu.memory_space<semaphore_mem>> -> memref<!tpu.dma_semaphore, #tpu.memory_space<semaphore_mem>>
        tpu.enqueue_indirect_dma source(%dma_start3A_473 : memref<10000x128xf32, #tpu.memory_space<hbm>>) target(%dma_start3A_467 : memref<128x128xf32, #tpu.memory_space<vmem>>) offsets(%dma_start3A_470 : memref<128xi32, #tpu.memory_space<vmem>>) semaphore(%dma_start3A_475 : memref<!tpu.dma_semaphore, #tpu.memory_space<semaphore_mem>>)
      } else {
      }
      %add3A_441 = arith.constant 3 : i32
      %add3A_442 = arith.addi %scan3A_362, %add3A_441 : i32
      %add3A_443 = arith.constant 3 : i32
      %add3A_444 = arith.addi %scan3A_362, %add3A_443 : i32
      %rem3A_445 = arith.constant 4 : i32
      %rem3A_446 = arith.remsi %add3A_444, %rem3A_445 : i32
      %dma_start3A_447 = arith.constant 0 : i32
      %dma_start3A_448 = arith.constant 0 : i32
      %dma_start3A_449 = tpu.memref_slice %arg7[%rem3A_446, %dma_start3A_447, %dma_start3A_448] : memref<4x2x128xi32, #tpu.memory_space<vmem>> -> memref<1x2x128xi32, #tpu.memory_space<vmem>>
      %dma_start3A_450 = tpu.memref_squeeze %dma_start3A_449 : memref<1x2x128xi32, #tpu.memory_space<vmem>> -> memref<2x128xi32, #tpu.memory_space<vmem>>
      %dma_start3A_451 = arith.constant 0 : i32
      %dma_start3A_452 = arith.constant 0 : i32
      %dma_start3A_453 = tpu.memref_slice %arg2[%arg1, %add3A_442, %dma_start3A_451, %dma_start3A_452] : memref<16x157x2x128xi32, #tpu.memory_space<hbm>> -> memref<1x1x2x128xi32, #tpu.memory_space<hbm>>
      %dma_start3A_454 = tpu.memref_squeeze %dma_start3A_453 : memref<1x1x2x128xi32, #tpu.memory_space<hbm>> -> memref<2x128xi32, #tpu.memory_space<hbm>>
      %dma_start3A_455 = arith.constant 0 : i32
      %dma_start3A_456 = arith.constant 0 : i32
      %dma_start3A_457 = tpu.memref_slice %arg7[%rem3A_446, %dma_start3A_455, %dma_start3A_456] : memref<4x2x128xi32, #tpu.memory_space<vmem>> -> memref<1x2x128xi32, #tpu.memory_space<vmem>>
      %dma_start3A_458 = tpu.memref_squeeze %dma_start3A_457 : memref<1x2x128xi32, #tpu.memory_space<vmem>> -> memref<2x128xi32, #tpu.memory_space<vmem>>
      %dma_start3A_459 = arith.constant 0 : i32
      %dma_start3A_460 = arith.constant 0 : i32
      %dma_start3A_461 = tpu.memref_slice %arg2[%arg1, %add3A_442, %dma_start3A_459, %dma_start3A_460] : memref<16x157x2x128xi32, #tpu.memory_space<hbm>> -> memref<1x1x2x128xi32, #tpu.memory_space<hbm>>
      %dma_start3A_462 = tpu.memref_squeeze %dma_start3A_461 : memref<1x1x2x128xi32, #tpu.memory_space<hbm>> -> memref<2x128xi32, #tpu.memory_space<hbm>>
      tpu.enqueue_dma source(%dma_start3A_462 : memref<2x128xi32, #tpu.memory_space<hbm>>) target(%dma_start3A_458 : memref<2x128xi32, #tpu.memory_space<vmem>>) target_semaphore(%arg10 : memref<!tpu.dma_semaphore, #tpu.memory_space<semaphore_mem>>)
    }
    %scan3A_189 = arith.constant 153 : i32
    %dma_wait3A_190 = arith.constant 0 : i32
    %dma_wait3A_191 = arith.constant 0 : i32
    %dma_wait3A_192 = arith.constant 1 : i32
    %dma_wait3A_193 = arith.constant 1 : i32
    %dma_wait3A_194 = arith.constant 0 : i32
    %dma_wait3A_195 = arith.constant 0 : i32
    %dma_wait3A_196 = tpu.memref_slice %arg8[%dma_wait3A_192, %dma_wait3A_194, %dma_wait3A_195] : memref<3x128x128xf32, #tpu.memory_space<vmem>> -> memref<1x128x128xf32, #tpu.memory_space<vmem>>
    %dma_wait3A_197 = tpu.memref_squeeze %dma_wait3A_196 : memref<1x128x128xf32, #tpu.memory_space<vmem>> -> memref<128x128xf32, #tpu.memory_space<vmem>>
    %dma_wait3A_198 = arith.constant 0 : i32
    %dma_wait3A_199 = tpu.memref_slice %arg7[%dma_wait3A_190, %dma_wait3A_191, %dma_wait3A_198] : memref<4x2x128xi32, #tpu.memory_space<vmem>> -> memref<1x1x128xi32, #tpu.memory_space<vmem>>
    %dma_wait3A_200 = tpu.memref_squeeze %dma_wait3A_199 : memref<1x1x128xi32, #tpu.memory_space<vmem>> -> memref<128xi32, #tpu.memory_space<vmem>>
    %dma_wait3A_201 = arith.constant 0 : i32
    %dma_wait3A_202 = arith.constant 0 : i32
    %dma_wait3A_203 = tpu.memref_slice %arg3[%dma_wait3A_201, %dma_wait3A_202] : memref<10000x128xf32, #tpu.memory_space<hbm>> -> memref<10000x128xf32, #tpu.memory_space<hbm>>
    %dma_wait3A_204 = tpu.memref_slice %arg11[%dma_wait3A_193] : memref<3x!tpu.dma_semaphore, #tpu.memory_space<semaphore_mem>> -> memref<1x!tpu.dma_semaphore, #tpu.memory_space<semaphore_mem>>
    %dma_wait3A_205 = tpu.memref_squeeze %dma_wait3A_204 : memref<1x!tpu.dma_semaphore, #tpu.memory_space<semaphore_mem>> -> memref<!tpu.dma_semaphore, #tpu.memory_space<semaphore_mem>>
    tpu.wait_indirect_dma semaphore(%dma_wait3A_205 : memref<!tpu.dma_semaphore, #tpu.memory_space<semaphore_mem>>) src(%dma_wait3A_203 : memref<10000x128xf32, #tpu.memory_space<hbm>>) dst(%dma_wait3A_197 : memref<128x128xf32, #tpu.memory_space<vmem>>)
    %dma_wait3A_206 = arith.constant 0 : i32
    %dma_wait3A_207 = arith.constant 0 : i32
    %dma_wait3A_208 = arith.constant 1 : i32
    %dma_wait3A_209 = arith.constant 0 : i32
    %dma_wait3A_210 = arith.constant 0 : i32
    %dma_wait3A_211 = tpu.memref_slice %arg8[%dma_wait3A_206, %dma_wait3A_209, %dma_wait3A_210] : memref<3x128x128xf32, #tpu.memory_space<vmem>> -> memref<1x128x128xf32, #tpu.memory_space<vmem>>
    %dma_wait3A_212 = tpu.memref_squeeze %dma_wait3A_211 : memref<1x128x128xf32, #tpu.memory_space<vmem>> -> memref<128x128xf32, #tpu.memory_space<vmem>>
    %dma_wait3A_213 = arith.constant 0 : i32
    %dma_wait3A_214 = tpu.memref_slice %arg7[%dma_wait3A_207, %dma_wait3A_208, %dma_wait3A_213] : memref<4x2x128xi32, #tpu.memory_space<vmem>> -> memref<1x1x128xi32, #tpu.memory_space<vmem>>
    %dma_wait3A_215 = tpu.memref_squeeze %dma_wait3A_214 : memref<1x1x128xi32, #tpu.memory_space<vmem>> -> memref<128xi32, #tpu.memory_space<vmem>>
    %dma_wait3A_216 = arith.constant 0 : i32
    %dma_wait3A_217 = arith.constant 0 : i32
    %dma_wait3A_218 = tpu.memref_slice %arg9[%dma_wait3A_216, %dma_wait3A_217] : memref<10112x128xf32, #tpu.memory_space<vmem_shared>> -> memref<10112x128xf32, #tpu.memory_space<vmem_shared>>
    tpu.wait_indirect_dma semaphore(%arg12 : memref<!tpu.dma_semaphore, #tpu.memory_space<semaphore_mem>>) src(%dma_wait3A_212 : memref<128x128xf32, #tpu.memory_space<vmem>>) dst(%dma_wait3A_218 : memref<10112x128xf32, #tpu.memory_space<vmem_shared>>)
    %dma_start3A_219 = arith.constant 1 : i32
    %dma_start3A_220 = arith.constant 2 : i32
    %dma_start3A_221 = arith.constant 1 : i32
    %dma_start3A_222 = arith.constant 0 : i32
    %dma_start3A_223 = arith.constant 0 : i32
    %dma_start3A_224 = tpu.memref_slice %arg8[%dma_start3A_219, %dma_start3A_222, %dma_start3A_223] : memref<3x128x128xf32, #tpu.memory_space<vmem>> -> memref<1x128x128xf32, #tpu.memory_space<vmem>>
    %dma_start3A_225 = tpu.memref_squeeze %dma_start3A_224 : memref<1x128x128xf32, #tpu.memory_space<vmem>> -> memref<128x128xf32, #tpu.memory_space<vmem>>
    %dma_start3A_226 = arith.constant 0 : i32
    %dma_start3A_227 = tpu.memref_slice %arg7[%dma_start3A_220, %dma_start3A_221, %dma_start3A_226] : memref<4x2x128xi32, #tpu.memory_space<vmem>> -> memref<1x1x128xi32, #tpu.memory_space<vmem>>
    %dma_start3A_228 = tpu.memref_squeeze %dma_start3A_227 : memref<1x1x128xi32, #tpu.memory_space<vmem>> -> memref<128xi32, #tpu.memory_space<vmem>>
    %dma_start3A_229 = arith.constant 0 : i32
    %dma_start3A_230 = arith.constant 0 : i32
    %dma_start3A_231 = tpu.memref_slice %arg9[%dma_start3A_229, %dma_start3A_230] : memref<10112x128xf32, #tpu.memory_space<vmem_shared>> -> memref<10112x128xf32, #tpu.memory_space<vmem_shared>>
    tpu.enqueue_indirect_dma source(%dma_start3A_225 : memref<128x128xf32, #tpu.memory_space<vmem>>) target(%dma_start3A_231 : memref<10112x128xf32, #tpu.memory_space<vmem_shared>>) offsets(%dma_start3A_228 : memref<128xi32, #tpu.memory_space<vmem>>) semaphore(%arg12 : memref<!tpu.dma_semaphore, #tpu.memory_space<semaphore_mem>>) {add = true}
    %dma_wait3A_232 = arith.constant 0 : i32
    %dma_wait3A_233 = arith.constant 0 : i32
    %dma_wait3A_234 = arith.constant 0 : i32
    %dma_wait3A_235 = arith.constant 0 : i32
    %dma_wait3A_236 = tpu.memref_slice %arg7[%dma_wait3A_233, %dma_wait3A_234, %dma_wait3A_235] : memref<4x2x128xi32, #tpu.memory_space<vmem>> -> memref<1x2x128xi32, #tpu.memory_space<vmem>>
    %dma_wait3A_237 = tpu.memref_squeeze %dma_wait3A_236 : memref<1x2x128xi32, #tpu.memory_space<vmem>> -> memref<2x128xi32, #tpu.memory_space<vmem>>
    %dma_wait3A_238 = arith.constant 0 : i32
    %dma_wait3A_239 = arith.constant 0 : i32
    %dma_wait3A_240 = tpu.memref_slice %arg2[%arg1, %dma_wait3A_232, %dma_wait3A_238, %dma_wait3A_239] : memref<16x157x2x128xi32, #tpu.memory_space<hbm>> -> memref<1x1x2x128xi32, #tpu.memory_space<hbm>>
    %dma_wait3A_241 = tpu.memref_squeeze %dma_wait3A_240 : memref<1x1x2x128xi32, #tpu.memory_space<hbm>> -> memref<2x128xi32, #tpu.memory_space<hbm>>
    %dma_wait3A_242 = arith.constant 0 : i32
    %dma_wait3A_243 = arith.constant 0 : i32
    %dma_wait3A_244 = tpu.memref_slice %arg7[%dma_wait3A_233, %dma_wait3A_242, %dma_wait3A_243] : memref<4x2x128xi32, #tpu.memory_space<vmem>> -> memref<1x2x128xi32, #tpu.memory_space<vmem>>
    %dma_wait3A_245 = tpu.memref_squeeze %dma_wait3A_244 : memref<1x2x128xi32, #tpu.memory_space<vmem>> -> memref<2x128xi32, #tpu.memory_space<vmem>>
    %dma_wait3A_246 = arith.constant 0 : i32
    %dma_wait3A_247 = arith.constant 0 : i32
    %dma_wait3A_248 = tpu.memref_slice %arg2[%arg1, %dma_wait3A_232, %dma_wait3A_246, %dma_wait3A_247] : memref<16x157x2x128xi32, #tpu.memory_space<hbm>> -> memref<1x1x2x128xi32, #tpu.memory_space<hbm>>
    %dma_wait3A_249 = tpu.memref_squeeze %dma_wait3A_248 : memref<1x1x2x128xi32, #tpu.memory_space<hbm>> -> memref<2x128xi32, #tpu.memory_space<hbm>>
    tpu.wait_dma2 semaphore(%arg10 : memref<!tpu.dma_semaphore, #tpu.memory_space<semaphore_mem>>) src(%dma_wait3A_249 : memref<2x128xi32, #tpu.memory_space<hbm>>) dst(%dma_wait3A_245 : memref<2x128xi32, #tpu.memory_space<vmem>>)
    %eq3A_250 = arith.constant 0 : i32
    %eq3A_251 = arith.cmpi eq, %arg0, %eq3A_250 : i32
    %convert_element_type3A_252 = arith.extui %eq3A_251 : i1 to i32
    %cond3A_253 = arith.constant 0 : i32
    %cond3A_254 = arith.cmpi ne, %convert_element_type3A_252, %cond3A_253 : i32
    scf.if %cond3A_254 {
      %dma_start3A_362 = arith.constant 0 : i32
      %dma_start3A_363 = arith.constant 0 : i32
      %dma_start3A_364 = arith.constant 0 : i32
      %dma_start3A_365 = arith.constant 0 : i32
      %dma_start3A_366 = arith.constant 0 : i32
      %dma_start3A_367 = arith.constant 0 : i32
      %dma_start3A_368 = tpu.memref_slice %arg8[%dma_start3A_364, %dma_start3A_366, %dma_start3A_367] : memref<3x128x128xf32, #tpu.memory_space<vmem>> -> memref<1x128x128xf32, #tpu.memory_space<vmem>>
      %dma_start3A_369 = tpu.memref_squeeze %dma_start3A_368 : memref<1x128x128xf32, #tpu.memory_space<vmem>> -> memref<128x128xf32, #tpu.memory_space<vmem>>
      %dma_start3A_370 = arith.constant 0 : i32
      %dma_start3A_371 = tpu.memref_slice %arg7[%dma_start3A_362, %dma_start3A_363, %dma_start3A_370] : memref<4x2x128xi32, #tpu.memory_space<vmem>> -> memref<1x1x128xi32, #tpu.memory_space<vmem>>
      %dma_start3A_372 = tpu.memref_squeeze %dma_start3A_371 : memref<1x1x128xi32, #tpu.memory_space<vmem>> -> memref<128xi32, #tpu.memory_space<vmem>>
      %dma_start3A_373 = arith.constant 0 : i32
      %dma_start3A_374 = arith.constant 0 : i32
      %dma_start3A_375 = tpu.memref_slice %arg3[%dma_start3A_373, %dma_start3A_374] : memref<10000x128xf32, #tpu.memory_space<hbm>> -> memref<10000x128xf32, #tpu.memory_space<hbm>>
      %dma_start3A_376 = tpu.memref_slice %arg11[%dma_start3A_365] : memref<3x!tpu.dma_semaphore, #tpu.memory_space<semaphore_mem>> -> memref<1x!tpu.dma_semaphore, #tpu.memory_space<semaphore_mem>>
      %dma_start3A_377 = tpu.memref_squeeze %dma_start3A_376 : memref<1x!tpu.dma_semaphore, #tpu.memory_space<semaphore_mem>> -> memref<!tpu.dma_semaphore, #tpu.memory_space<semaphore_mem>>
      tpu.enqueue_indirect_dma source(%dma_start3A_375 : memref<10000x128xf32, #tpu.memory_space<hbm>>) target(%dma_start3A_369 : memref<128x128xf32, #tpu.memory_space<vmem>>) offsets(%dma_start3A_372 : memref<128xi32, #tpu.memory_space<vmem>>) semaphore(%dma_start3A_377 : memref<!tpu.dma_semaphore, #tpu.memory_space<semaphore_mem>>)
    } else {
    }
    %eq3A_255 = arith.constant 1 : i32
    %eq3A_256 = arith.cmpi eq, %arg0, %eq3A_255 : i32
    %convert_element_type3A_257 = arith.extui %eq3A_256 : i1 to i32
    %cond3A_258 = arith.constant 0 : i32
    %cond3A_259 = arith.cmpi ne, %convert_element_type3A_257, %cond3A_258 : i32
    scf.if %cond3A_259 {
      %dma_start3A_362 = arith.constant 0 : i32
      %dma_start3A_363 = arith.constant 0 : i32
      %dma_start3A_364 = arith.constant 0 : i32
      %dma_start3A_365 = arith.constant 0 : i32
      %dma_start3A_366 = arith.constant 0 : i32
      %dma_start3A_367 = arith.constant 0 : i32
      %dma_start3A_368 = tpu.memref_slice %arg8[%dma_start3A_364, %dma_start3A_366, %dma_start3A_367] : memref<3x128x128xf32, #tpu.memory_space<vmem>> -> memref<1x128x128xf32, #tpu.memory_space<vmem>>
      %dma_start3A_369 = tpu.memref_squeeze %dma_start3A_368 : memref<1x128x128xf32, #tpu.memory_space<vmem>> -> memref<128x128xf32, #tpu.memory_space<vmem>>
      %dma_start3A_370 = arith.constant 0 : i32
      %dma_start3A_371 = tpu.memref_slice %arg7[%dma_start3A_362, %dma_start3A_363, %dma_start3A_370] : memref<4x2x128xi32, #tpu.memory_space<vmem>> -> memref<1x1x128xi32, #tpu.memory_space<vmem>>
      %dma_start3A_372 = tpu.memref_squeeze %dma_start3A_371 : memref<1x1x128xi32, #tpu.memory_space<vmem>> -> memref<128xi32, #tpu.memory_space<vmem>>
      %dma_start3A_373 = arith.constant 0 : i32
      %dma_start3A_374 = arith.constant 0 : i32
      %dma_start3A_375 = tpu.memref_slice %arg4[%dma_start3A_373, %dma_start3A_374] : memref<10000x128xf32, #tpu.memory_space<hbm>> -> memref<10000x128xf32, #tpu.memory_space<hbm>>
      %dma_start3A_376 = tpu.memref_slice %arg11[%dma_start3A_365] : memref<3x!tpu.dma_semaphore, #tpu.memory_space<semaphore_mem>> -> memref<1x!tpu.dma_semaphore, #tpu.memory_space<semaphore_mem>>
      %dma_start3A_377 = tpu.memref_squeeze %dma_start3A_376 : memref<1x!tpu.dma_semaphore, #tpu.memory_space<semaphore_mem>> -> memref<!tpu.dma_semaphore, #tpu.memory_space<semaphore_mem>>
      tpu.enqueue_indirect_dma source(%dma_start3A_375 : memref<10000x128xf32, #tpu.memory_space<hbm>>) target(%dma_start3A_369 : memref<128x128xf32, #tpu.memory_space<vmem>>) offsets(%dma_start3A_372 : memref<128xi32, #tpu.memory_space<vmem>>) semaphore(%dma_start3A_377 : memref<!tpu.dma_semaphore, #tpu.memory_space<semaphore_mem>>)
    } else {
    }
    %dma_wait3A_260 = arith.constant 0 : i32
    %dma_wait3A_261 = arith.constant 0 : i32
    %dma_wait3A_262 = arith.constant 2 : i32
    %dma_wait3A_263 = arith.constant 2 : i32
    %dma_wait3A_264 = arith.constant 0 : i32
    %dma_wait3A_265 = arith.constant 0 : i32
    %dma_wait3A_266 = tpu.memref_slice %arg8[%dma_wait3A_262, %dma_wait3A_264, %dma_wait3A_265] : memref<3x128x128xf32, #tpu.memory_space<vmem>> -> memref<1x128x128xf32, #tpu.memory_space<vmem>>
    %dma_wait3A_267 = tpu.memref_squeeze %dma_wait3A_266 : memref<1x128x128xf32, #tpu.memory_space<vmem>> -> memref<128x128xf32, #tpu.memory_space<vmem>>
    %dma_wait3A_268 = arith.constant 0 : i32
    %dma_wait3A_269 = tpu.memref_slice %arg7[%dma_wait3A_260, %dma_wait3A_261, %dma_wait3A_268] : memref<4x2x128xi32, #tpu.memory_space<vmem>> -> memref<1x1x128xi32, #tpu.memory_space<vmem>>
    %dma_wait3A_270 = tpu.memref_squeeze %dma_wait3A_269 : memref<1x1x128xi32, #tpu.memory_space<vmem>> -> memref<128xi32, #tpu.memory_space<vmem>>
    %dma_wait3A_271 = arith.constant 0 : i32
    %dma_wait3A_272 = arith.constant 0 : i32
    %dma_wait3A_273 = tpu.memref_slice %arg3[%dma_wait3A_271, %dma_wait3A_272] : memref<10000x128xf32, #tpu.memory_space<hbm>> -> memref<10000x128xf32, #tpu.memory_space<hbm>>
    %dma_wait3A_274 = tpu.memref_slice %arg11[%dma_wait3A_263] : memref<3x!tpu.dma_semaphore, #tpu.memory_space<semaphore_mem>> -> memref<1x!tpu.dma_semaphore, #tpu.memory_space<semaphore_mem>>
    %dma_wait3A_275 = tpu.memref_squeeze %dma_wait3A_274 : memref<1x!tpu.dma_semaphore, #tpu.memory_space<semaphore_mem>> -> memref<!tpu.dma_semaphore, #tpu.memory_space<semaphore_mem>>
    tpu.wait_indirect_dma semaphore(%dma_wait3A_275 : memref<!tpu.dma_semaphore, #tpu.memory_space<semaphore_mem>>) src(%dma_wait3A_273 : memref<10000x128xf32, #tpu.memory_space<hbm>>) dst(%dma_wait3A_267 : memref<128x128xf32, #tpu.memory_space<vmem>>)
    %dma_wait3A_276 = arith.constant 0 : i32
    %dma_wait3A_277 = arith.constant 0 : i32
    %dma_wait3A_278 = arith.constant 1 : i32
    %dma_wait3A_279 = arith.constant 0 : i32
    %dma_wait3A_280 = arith.constant 0 : i32
    %dma_wait3A_281 = tpu.memref_slice %arg8[%dma_wait3A_276, %dma_wait3A_279, %dma_wait3A_280] : memref<3x128x128xf32, #tpu.memory_space<vmem>> -> memref<1x128x128xf32, #tpu.memory_space<vmem>>
    %dma_wait3A_282 = tpu.memref_squeeze %dma_wait3A_281 : memref<1x128x128xf32, #tpu.memory_space<vmem>> -> memref<128x128xf32, #tpu.memory_space<vmem>>
    %dma_wait3A_283 = arith.constant 0 : i32
    %dma_wait3A_284 = tpu.memref_slice %arg7[%dma_wait3A_277, %dma_wait3A_278, %dma_wait3A_283] : memref<4x2x128xi32, #tpu.memory_space<vmem>> -> memref<1x1x128xi32, #tpu.memory_space<vmem>>
    %dma_wait3A_285 = tpu.memref_squeeze %dma_wait3A_284 : memref<1x1x128xi32, #tpu.memory_space<vmem>> -> memref<128xi32, #tpu.memory_space<vmem>>
    %dma_wait3A_286 = arith.constant 0 : i32
    %dma_wait3A_287 = arith.constant 0 : i32
    %dma_wait3A_288 = tpu.memref_slice %arg9[%dma_wait3A_286, %dma_wait3A_287] : memref<10112x128xf32, #tpu.memory_space<vmem_shared>> -> memref<10112x128xf32, #tpu.memory_space<vmem_shared>>
    tpu.wait_indirect_dma semaphore(%arg12 : memref<!tpu.dma_semaphore, #tpu.memory_space<semaphore_mem>>) src(%dma_wait3A_282 : memref<128x128xf32, #tpu.memory_space<vmem>>) dst(%dma_wait3A_288 : memref<10112x128xf32, #tpu.memory_space<vmem_shared>>)
    %dma_start3A_289 = arith.constant 2 : i32
    %dma_start3A_290 = arith.constant 3 : i32
    %dma_start3A_291 = arith.constant 1 : i32
    %dma_start3A_292 = arith.constant 0 : i32
    %dma_start3A_293 = arith.constant 0 : i32
    %dma_start3A_294 = tpu.memref_slice %arg8[%dma_start3A_289, %dma_start3A_292, %dma_start3A_293] : memref<3x128x128xf32, #tpu.memory_space<vmem>> -> memref<1x128x128xf32, #tpu.memory_space<vmem>>
    %dma_start3A_295 = tpu.memref_squeeze %dma_start3A_294 : memref<1x128x128xf32, #tpu.memory_space<vmem>> -> memref<128x128xf32, #tpu.memory_space<vmem>>
    %dma_start3A_296 = arith.constant 0 : i32
    %dma_start3A_297 = tpu.memref_slice %arg7[%dma_start3A_290, %dma_start3A_291, %dma_start3A_296] : memref<4x2x128xi32, #tpu.memory_space<vmem>> -> memref<1x1x128xi32, #tpu.memory_space<vmem>>
    %dma_start3A_298 = tpu.memref_squeeze %dma_start3A_297 : memref<1x1x128xi32, #tpu.memory_space<vmem>> -> memref<128xi32, #tpu.memory_space<vmem>>
    %dma_start3A_299 = arith.constant 0 : i32
    %dma_start3A_300 = arith.constant 0 : i32
    %dma_start3A_301 = tpu.memref_slice %arg9[%dma_start3A_299, %dma_start3A_300] : memref<10112x128xf32, #tpu.memory_space<vmem_shared>> -> memref<10112x128xf32, #tpu.memory_space<vmem_shared>>
    tpu.enqueue_indirect_dma source(%dma_start3A_295 : memref<128x128xf32, #tpu.memory_space<vmem>>) target(%dma_start3A_301 : memref<10112x128xf32, #tpu.memory_space<vmem_shared>>) offsets(%dma_start3A_298 : memref<128xi32, #tpu.memory_space<vmem>>) semaphore(%arg12 : memref<!tpu.dma_semaphore, #tpu.memory_space<semaphore_mem>>) {add = true}
    %dma_wait3A_302 = arith.constant 0 : i32
    %dma_wait3A_303 = arith.constant 0 : i32
    %dma_wait3A_304 = arith.constant 0 : i32
    %dma_wait3A_305 = arith.constant 0 : i32
    %dma_wait3A_306 = arith.constant 0 : i32
    %dma_wait3A_307 = arith.constant 0 : i32
    %dma_wait3A_308 = tpu.memref_slice %arg8[%dma_wait3A_304, %dma_wait3A_306, %dma_wait3A_307] : memref<3x128x128xf32, #tpu.memory_space<vmem>> -> memref<1x128x128xf32, #tpu.memory_space<vmem>>
    %dma_wait3A_309 = tpu.memref_squeeze %dma_wait3A_308 : memref<1x128x128xf32, #tpu.memory_space<vmem>> -> memref<128x128xf32, #tpu.memory_space<vmem>>
    %dma_wait3A_310 = arith.constant 0 : i32
    %dma_wait3A_311 = tpu.memref_slice %arg7[%dma_wait3A_302, %dma_wait3A_303, %dma_wait3A_310] : memref<4x2x128xi32, #tpu.memory_space<vmem>> -> memref<1x1x128xi32, #tpu.memory_space<vmem>>
    %dma_wait3A_312 = tpu.memref_squeeze %dma_wait3A_311 : memref<1x1x128xi32, #tpu.memory_space<vmem>> -> memref<128xi32, #tpu.memory_space<vmem>>
    %dma_wait3A_313 = arith.constant 0 : i32
    %dma_wait3A_314 = arith.constant 0 : i32
    %dma_wait3A_315 = tpu.memref_slice %arg3[%dma_wait3A_313, %dma_wait3A_314] : memref<10000x128xf32, #tpu.memory_space<hbm>> -> memref<10000x128xf32, #tpu.memory_space<hbm>>
    %dma_wait3A_316 = tpu.memref_slice %arg11[%dma_wait3A_305] : memref<3x!tpu.dma_semaphore, #tpu.memory_space<semaphore_mem>> -> memref<1x!tpu.dma_semaphore, #tpu.memory_space<semaphore_mem>>
    %dma_wait3A_317 = tpu.memref_squeeze %dma_wait3A_316 : memref<1x!tpu.dma_semaphore, #tpu.memory_space<semaphore_mem>> -> memref<!tpu.dma_semaphore, #tpu.memory_space<semaphore_mem>>
    tpu.wait_indirect_dma semaphore(%dma_wait3A_317 : memref<!tpu.dma_semaphore, #tpu.memory_space<semaphore_mem>>) src(%dma_wait3A_315 : memref<10000x128xf32, #tpu.memory_space<hbm>>) dst(%dma_wait3A_309 : memref<128x128xf32, #tpu.memory_space<vmem>>)
    %dma_wait3A_318 = arith.constant 0 : i32
    %dma_wait3A_319 = arith.constant 0 : i32
    %dma_wait3A_320 = arith.constant 1 : i32
    %dma_wait3A_321 = arith.constant 0 : i32
    %dma_wait3A_322 = arith.constant 0 : i32
    %dma_wait3A_323 = tpu.memref_slice %arg8[%dma_wait3A_318, %dma_wait3A_321, %dma_wait3A_322] : memref<3x128x128xf32, #tpu.memory_space<vmem>> -> memref<1x128x128xf32, #tpu.memory_space<vmem>>
    %dma_wait3A_324 = tpu.memref_squeeze %dma_wait3A_323 : memref<1x128x128xf32, #tpu.memory_space<vmem>> -> memref<128x128xf32, #tpu.memory_space<vmem>>
    %dma_wait3A_325 = arith.constant 0 : i32
    %dma_wait3A_326 = tpu.memref_slice %arg7[%dma_wait3A_319, %dma_wait3A_320, %dma_wait3A_325] : memref<4x2x128xi32, #tpu.memory_space<vmem>> -> memref<1x1x128xi32, #tpu.memory_space<vmem>>
    %dma_wait3A_327 = tpu.memref_squeeze %dma_wait3A_326 : memref<1x1x128xi32, #tpu.memory_space<vmem>> -> memref<128xi32, #tpu.memory_space<vmem>>
    %dma_wait3A_328 = arith.constant 0 : i32
    %dma_wait3A_329 = arith.constant 0 : i32
    %dma_wait3A_330 = tpu.memref_slice %arg9[%dma_wait3A_328, %dma_wait3A_329] : memref<10112x128xf32, #tpu.memory_space<vmem_shared>> -> memref<10112x128xf32, #tpu.memory_space<vmem_shared>>
    tpu.wait_indirect_dma semaphore(%arg12 : memref<!tpu.dma_semaphore, #tpu.memory_space<semaphore_mem>>) src(%dma_wait3A_324 : memref<128x128xf32, #tpu.memory_space<vmem>>) dst(%dma_wait3A_330 : memref<10112x128xf32, #tpu.memory_space<vmem_shared>>)
    %dma_start3A_331 = arith.constant 0 : i32
    %dma_start3A_332 = arith.constant 0 : i32
    %dma_start3A_333 = arith.constant 1 : i32
    %dma_start3A_334 = arith.constant 0 : i32
    %dma_start3A_335 = arith.constant 0 : i32
    %dma_start3A_336 = tpu.memref_slice %arg8[%dma_start3A_331, %dma_start3A_334, %dma_start3A_335] : memref<3x128x128xf32, #tpu.memory_space<vmem>> -> memref<1x128x128xf32, #tpu.memory_space<vmem>>
    %dma_start3A_337 = tpu.memref_squeeze %dma_start3A_336 : memref<1x128x128xf32, #tpu.memory_space<vmem>> -> memref<128x128xf32, #tpu.memory_space<vmem>>
    %dma_start3A_338 = arith.constant 0 : i32
    %dma_start3A_339 = tpu.memref_slice %arg7[%dma_start3A_332, %dma_start3A_333, %dma_start3A_338] : memref<4x2x128xi32, #tpu.memory_space<vmem>> -> memref<1x1x128xi32, #tpu.memory_space<vmem>>
    %dma_start3A_340 = tpu.memref_squeeze %dma_start3A_339 : memref<1x1x128xi32, #tpu.memory_space<vmem>> -> memref<128xi32, #tpu.memory_space<vmem>>
    %dma_start3A_341 = arith.constant 0 : i32
    %dma_start3A_342 = arith.constant 0 : i32
    %dma_start3A_343 = tpu.memref_slice %arg9[%dma_start3A_341, %dma_start3A_342] : memref<10112x128xf32, #tpu.memory_space<vmem_shared>> -> memref<10112x128xf32, #tpu.memory_space<vmem_shared>>
    tpu.enqueue_indirect_dma source(%dma_start3A_337 : memref<128x128xf32, #tpu.memory_space<vmem>>) target(%dma_start3A_343 : memref<10112x128xf32, #tpu.memory_space<vmem_shared>>) offsets(%dma_start3A_340 : memref<128xi32, #tpu.memory_space<vmem>>) semaphore(%arg12 : memref<!tpu.dma_semaphore, #tpu.memory_space<semaphore_mem>>) {add = true}
    %dma_wait3A_344 = arith.constant 0 : i32
    %dma_wait3A_345 = arith.constant 0 : i32
    %dma_wait3A_346 = arith.constant 1 : i32
    %dma_wait3A_347 = arith.constant 0 : i32
    %dma_wait3A_348 = arith.constant 0 : i32
    %dma_wait3A_349 = tpu.memref_slice %arg8[%dma_wait3A_344, %dma_wait3A_347, %dma_wait3A_348] : memref<3x128x128xf32, #tpu.memory_space<vmem>> -> memref<1x128x128xf32, #tpu.memory_space<vmem>>
    %dma_wait3A_350 = tpu.memref_squeeze %dma_wait3A_349 : memref<1x128x128xf32, #tpu.memory_space<vmem>> -> memref<128x128xf32, #tpu.memory_space<vmem>>
    %dma_wait3A_351 = arith.constant 0 : i32
    %dma_wait3A_352 = tpu.memref_slice %arg7[%dma_wait3A_345, %dma_wait3A_346, %dma_wait3A_351] : memref<4x2x128xi32, #tpu.memory_space<vmem>> -> memref<1x1x128xi32, #tpu.memory_space<vmem>>
    %dma_wait3A_353 = tpu.memref_squeeze %dma_wait3A_352 : memref<1x1x128xi32, #tpu.memory_space<vmem>> -> memref<128xi32, #tpu.memory_space<vmem>>
    %dma_wait3A_354 = arith.constant 0 : i32
    %dma_wait3A_355 = arith.constant 0 : i32
    %dma_wait3A_356 = tpu.memref_slice %arg9[%dma_wait3A_354, %dma_wait3A_355] : memref<10112x128xf32, #tpu.memory_space<vmem_shared>> -> memref<10112x128xf32, #tpu.memory_space<vmem_shared>>
    tpu.wait_indirect_dma semaphore(%arg12 : memref<!tpu.dma_semaphore, #tpu.memory_space<semaphore_mem>>) src(%dma_wait3A_350 : memref<128x128xf32, #tpu.memory_space<vmem>>) dst(%dma_wait3A_356 : memref<10112x128xf32, #tpu.memory_space<vmem_shared>>)
    %barrier3A_357 = arith.constant 0 : index
    tpu.barrier barrier_id(%barrier3A_357)
    %mul3A_358 = arith.constant 632 : i32
    %mul3A_359 = arith.muli %arg1, %mul3A_358 : i32
    %mul3A_360 = arith.constant 632 : i32
    %mul3A_361 = arith.muli %arg1, %mul3A_360 : i32
    "tpu.region"() ({
      %run_scoped3A = tpu.sem_alloc : memref<!tpu.dma_semaphore, #tpu.memory_space<semaphore_mem>>
      %dma_start3A_362 = arith.constant 0 : i32
      %dma_start3A_363 = tpu.memref_slice %arg6[%arg0, %mul3A_361, %dma_start3A_362] : memref<2x10112x128xf32, #tpu.memory_space<hbm>> -> memref<1x632x128xf32, #tpu.memory_space<hbm>>
      %dma_start3A_364 = tpu.memref_squeeze %dma_start3A_363 : memref<1x632x128xf32, #tpu.memory_space<hbm>> -> memref<632x128xf32, #tpu.memory_space<hbm>>
      %dma_start3A_365 = arith.constant 0 : i32
      %dma_start3A_366 = tpu.memref_slice %arg9[%mul3A_359, %dma_start3A_365] : memref<10112x128xf32, #tpu.memory_space<vmem_shared>> -> memref<632x128xf32, #tpu.memory_space<vmem_shared>>
      tpu.enqueue_dma source(%dma_start3A_366 : memref<632x128xf32, #tpu.memory_space<vmem_shared>>) target(%dma_start3A_364 : memref<632x128xf32, #tpu.memory_space<hbm>>) target_semaphore(%run_scoped3A : memref<!tpu.dma_semaphore, #tpu.memory_space<semaphore_mem>>)
      %dma_wait3A_367 = arith.constant 0 : i32
      %dma_wait3A_368 = tpu.memref_slice %arg6[%arg0, %mul3A_361, %dma_wait3A_367] : memref<2x10112x128xf32, #tpu.memory_space<hbm>> -> memref<1x632x128xf32, #tpu.memory_space<hbm>>
      %dma_wait3A_369 = tpu.memref_squeeze %dma_wait3A_368 : memref<1x632x128xf32, #tpu.memory_space<hbm>> -> memref<632x128xf32, #tpu.memory_space<hbm>>
      %dma_wait3A_370 = arith.constant 0 : i32
      %dma_wait3A_371 = tpu.memref_slice %arg9[%mul3A_359, %dma_wait3A_370] : memref<10112x128xf32, #tpu.memory_space<vmem_shared>> -> memref<632x128xf32, #tpu.memory_space<vmem_shared>>
      tpu.wait_dma2 semaphore(%run_scoped3A : memref<!tpu.dma_semaphore, #tpu.memory_space<semaphore_mem>>) src(%dma_wait3A_371 : memref<632x128xf32, #tpu.memory_space<vmem_shared>>) dst(%dma_wait3A_369 : memref<632x128xf32, #tpu.memory_space<hbm>>)
      tpu.yield
    }) : () -> ()
    return
  }
}

module attributes {stable_mosaic.version = 14 : i64} {
  func.func @body(%arg0: i32, %arg1: memref<2x1000x128xf32, #tpu.memory_space<vmem>>, %arg2: memref<1000x128xf32, #tpu.memory_space<vmem>>, %arg3: memref<256x128xf32, #tpu.memory_space<vmem>>, %arg4: memref<1x256xf32, #tpu.memory_space<vmem>>, %arg5: memref<256x128xf32, #tpu.memory_space<vmem>>, %arg6: memref<1000x128xf32, #tpu.memory_space<vmem>>, %arg7: memref<1000x128xf32, #tpu.memory_space<vmem>>) attributes {dimension_semantics = [#tpu.dimension_semantics<arbitrary>], iteration_bounds = array<i64: 10>, scalar_prefetch = 0 : i64, scratch_operands = 0 : i64, tpu.core_type = #tpu.core_type<tc>, window_params = [{transform_indices = @transform_0, window_bounds = array<i64: 2, 1000, 128>}, {transform_indices = @transform_1, window_bounds = array<i64: 1000, 128>}, {pipeline_mode = #tpu.pipeline_mode<synchronous>, transform_indices = @transform_2, window_bounds = array<i64: 256, 128>}, {pipeline_mode = #tpu.pipeline_mode<synchronous>, transform_indices = @transform_3, window_bounds = array<i64: 1, 256>}, {pipeline_mode = #tpu.pipeline_mode<synchronous>, transform_indices = @transform_4, window_bounds = array<i64: 256, 128>}, {transform_indices = @transform_5, window_bounds = array<i64: 1000, 128>}, {transform_indices = @transform_6, window_bounds = array<i64: 1000, 128>}]} {
    %get3A = arith.constant 0 : index
    %get3A_0 = arith.constant 0 : index
    %get3A_1 = arith.constant 0 : index
    %get3A_2 = vector.load %arg1[%get3A, %get3A_0, %get3A_1] : memref<2x1000x128xf32, #tpu.memory_space<vmem>>, vector<1x1000x128xf32>
    %get3A_3 = vector.shape_cast %get3A_2 : vector<1x1000x128xf32> to vector<1000x128xf32>
    %get3A_4 = arith.constant 1 : index
    %get3A_5 = arith.constant 0 : index
    %get3A_6 = arith.constant 0 : index
    %get3A_7 = vector.load %arg1[%get3A_4, %get3A_5, %get3A_6] : memref<2x1000x128xf32, #tpu.memory_space<vmem>>, vector<1x1000x128xf32>
    %get3A_8 = vector.shape_cast %get3A_7 : vector<1x1000x128xf32> to vector<1000x128xf32>
    %add3A = arith.addf %get3A_3, %get3A_8 : vector<1000x128xf32>
    %get3A_9 = arith.constant 0 : index
    %get3A_10 = arith.constant 0 : index
    %get3A_11 = vector.load %arg3[%get3A_9, %get3A_10] : memref<256x128xf32, #tpu.memory_space<vmem>>, vector<256x128xf32>
    %dot_general3A = arith.constant dense<0.000000e+00> : vector<1000x256xf32>
    %dot_general3A_12 = tpu.matmul %add3A, %get3A_11, %dot_general3A {dimension_numbers = #tpu.dot_dimension_numbers<[1], [1], [0], [0], [0, 0, 1, 0], [], []>, transpose_lhs_hint = false} : vector<1000x128xf32>, vector<256x128xf32>, vector<1000x256xf32> -> vector<1000x256xf32>
    %get3A_13 = arith.constant 0 : index
    %get3A_14 = arith.constant 0 : index
    %get3A_15 = vector.load %arg2[%get3A_13, %get3A_14] : memref<1000x128xf32, #tpu.memory_space<vmem>>, vector<1000x128xf32>
    %get3A_16 = arith.constant 0 : index
    %get3A_17 = arith.constant 0 : index
    %get3A_18 = vector.load %arg5[%get3A_16, %get3A_17] : memref<256x128xf32, #tpu.memory_space<vmem>>, vector<256x128xf32>
    %dot_general3A_19 = arith.constant dense<0.000000e+00> : vector<1000x256xf32>
    %dot_general3A_20 = tpu.matmul %get3A_15, %get3A_18, %dot_general3A_19 {dimension_numbers = #tpu.dot_dimension_numbers<[1], [1], [0], [0], [0, 0, 1, 0], [], []>, transpose_lhs_hint = false} : vector<1000x128xf32>, vector<256x128xf32>, vector<1000x256xf32> -> vector<1000x256xf32>
    %add3A_21 = arith.addf %dot_general3A_12, %dot_general3A_20 : vector<1000x256xf32>
    %get3A_22 = arith.constant 0 : index
    %get3A_23 = arith.constant 0 : index
    %get3A_24 = vector.load %arg4[%get3A_22, %get3A_23] : memref<1x256xf32, #tpu.memory_space<vmem>>, vector<1x256xf32>
    %add3A_25 = vector.broadcast %get3A_24 : vector<1x256xf32> to vector<1000x256xf32>
    %add3A_26 = arith.addf %add3A_21, %add3A_25 : vector<1000x256xf32>
    %max3A = arith.constant 0.000000e+00 : f32
    %max3A_27 = vector.broadcast %max3A : f32 to vector<1000x256xf32>
    %max3A_28 = arith.maximumf %add3A_26, %max3A_27 : vector<1000x256xf32>
    %slice3A = vector.extract_strided_slice %max3A_28 {offsets = [0, 0], sizes = [1000, 128], strides = [1, 1]} : vector<1000x256xf32> to vector<1000x128xf32>
    %swap3A = arith.constant 0 : index
    %swap3A_29 = arith.constant 0 : index
    %swap3A_30 = vector.load %arg6[%swap3A, %swap3A_29] : memref<1000x128xf32, #tpu.memory_space<vmem>>, vector<1000x128xf32>
    tpu.vector_store %arg6[%swap3A, %swap3A_29], %slice3A {strides = array<i32>} : memref<1000x128xf32, #tpu.memory_space<vmem>>, vector<1000x128xf32>,
    %slice3A_31 = vector.extract_strided_slice %max3A_28 {offsets = [0, 128], sizes = [1000, 128], strides = [1, 1]} : vector<1000x256xf32> to vector<1000x128xf32>
    %swap3A_32 = arith.constant 0 : index
    %swap3A_33 = arith.constant 0 : index
    %swap3A_34 = vector.load %arg7[%swap3A_32, %swap3A_33] : memref<1000x128xf32, #tpu.memory_space<vmem>>, vector<1000x128xf32>
    tpu.vector_store %arg7[%swap3A_32, %swap3A_33], %slice3A_31 {strides = array<i32>} : memref<1000x128xf32, #tpu.memory_space<vmem>>, vector<1000x128xf32>,
    return
  }
  func.func @transform_0(%arg0: i32) -> (i32, i32, i32) {
    %c0_i32 = arith.constant 0 : i32
    %c0_i32_0 = arith.constant 0 : i32
    %c0_i32_1 = arith.constant 0 : i32
    return %c0_i32, %arg0, %c0_i32_0 : i32, i32, i32
  }
  func.func @transform_1(%arg0: i32) -> (i32, i32) {
    %c0_i32 = arith.constant 0 : i32
    %c0_i32_0 = arith.constant 0 : i32
    return %arg0, %c0_i32 : i32, i32
  }
  func.func @transform_2(%arg0: i32) -> (i32, i32) {
    %c0_i32 = arith.constant 0 : i32
    %c0_i32_0 = arith.constant 0 : i32
    %c0_i32_1 = arith.constant 0 : i32
    return %c0_i32, %c0_i32_0 : i32, i32
  }
  func.func @transform_3(%arg0: i32) -> (i32, i32) {
    %c0_i32 = arith.constant 0 : i32
    %c0_i32_0 = arith.constant 0 : i32
    %c0_i32_1 = arith.constant 0 : i32
    return %c0_i32, %c0_i32_0 : i32, i32
  }
  func.func @transform_4(%arg0: i32) -> (i32, i32) {
    %c0_i32 = arith.constant 0 : i32
    %c0_i32_0 = arith.constant 0 : i32
    %c0_i32_1 = arith.constant 0 : i32
    return %c0_i32, %c0_i32_0 : i32, i32
  }
  func.func @transform_5(%arg0: i32) -> (i32, i32) {
    %c0_i32 = arith.constant 0 : i32
    %c0_i32_0 = arith.constant 0 : i32
    return %arg0, %c0_i32 : i32, i32
  }
  func.func @transform_6(%arg0: i32) -> (i32, i32) {
    %c0_i32 = arith.constant 0 : i32
    %c0_i32_0 = arith.constant 0 : i32
    return %arg0, %c0_i32 : i32, i32
  }
}

module attributes {stable_mosaic.version = 14 : i64} {
  func.func @body(%arg0: i32, %arg1: memref<2x1000x128xf32, #tpu.memory_space<vmem>>, %arg2: memref<1000x128xf32, #tpu.memory_space<vmem>>, %arg3: memref<1000x128xf32, #tpu.memory_space<vmem>>, %arg4: memref<256x256xf32, #tpu.memory_space<vmem>>, %arg5: memref<1x256xf32, #tpu.memory_space<vmem>>, %arg6: memref<256x256xf32, #tpu.memory_space<vmem>>, %arg7: memref<1000x128xf32, #tpu.memory_space<vmem>>, %arg8: memref<1000x128xf32, #tpu.memory_space<vmem>>) attributes {dimension_semantics = [#tpu.dimension_semantics<arbitrary>], iteration_bounds = array<i64: 10>, scalar_prefetch = 0 : i64, scratch_operands = 0 : i64, tpu.core_type = #tpu.core_type<tc>, window_params = [{transform_indices = @transform_0, window_bounds = array<i64: 2, 1000, 128>}, {transform_indices = @transform_1, window_bounds = array<i64: 1000, 128>}, {transform_indices = @transform_2, window_bounds = array<i64: 1000, 128>}, {pipeline_mode = #tpu.pipeline_mode<synchronous>, transform_indices = @transform_3, window_bounds = array<i64: 256, 256>}, {pipeline_mode = #tpu.pipeline_mode<synchronous>, transform_indices = @transform_4, window_bounds = array<i64: 1, 256>}, {pipeline_mode = #tpu.pipeline_mode<synchronous>, transform_indices = @transform_5, window_bounds = array<i64: 256, 256>}, {transform_indices = @transform_6, window_bounds = array<i64: 1000, 128>}, {transform_indices = @transform_7, window_bounds = array<i64: 1000, 128>}]} {
    %get3A = arith.constant 0 : index
    %get3A_0 = arith.constant 0 : index
    %get3A_1 = arith.constant 0 : index
    %get3A_2 = vector.load %arg1[%get3A, %get3A_0, %get3A_1] : memref<2x1000x128xf32, #tpu.memory_space<vmem>>, vector<1x1000x128xf32>
    %get3A_3 = vector.shape_cast %get3A_2 : vector<1x1000x128xf32> to vector<1000x128xf32>
    %get3A_4 = arith.constant 1 : index
    %get3A_5 = arith.constant 0 : index
    %get3A_6 = arith.constant 0 : index
    %get3A_7 = vector.load %arg1[%get3A_4, %get3A_5, %get3A_6] : memref<2x1000x128xf32, #tpu.memory_space<vmem>>, vector<1x1000x128xf32>
    %get3A_8 = vector.shape_cast %get3A_7 : vector<1x1000x128xf32> to vector<1000x128xf32>
    %concatenate3A = tpu.concatenate %get3A_3, %get3A_8 in 1 : vector<1000x128xf32>, vector<1000x128xf32> -> vector<1000x256xf32>
    %get3A_9 = arith.constant 0 : index
    %get3A_10 = arith.constant 0 : index
    %get3A_11 = vector.load %arg2[%get3A_9, %get3A_10] : memref<1000x128xf32, #tpu.memory_space<vmem>>, vector<1000x128xf32>
    %get3A_12 = arith.constant 0 : index
    %get3A_13 = arith.constant 0 : index
    %get3A_14 = vector.load %arg3[%get3A_12, %get3A_13] : memref<1000x128xf32, #tpu.memory_space<vmem>>, vector<1000x128xf32>
    %concatenate3A_15 = tpu.concatenate %get3A_11, %get3A_14 in 1 : vector<1000x128xf32>, vector<1000x128xf32> -> vector<1000x256xf32>
    %get3A_16 = arith.constant 0 : index
    %get3A_17 = arith.constant 0 : index
    %get3A_18 = vector.load %arg4[%get3A_16, %get3A_17] : memref<256x256xf32, #tpu.memory_space<vmem>>, vector<256x256xf32>
    %dot_general3A = arith.constant dense<0.000000e+00> : vector<1000x256xf32>
    %dot_general3A_19 = tpu.matmul %concatenate3A, %get3A_18, %dot_general3A {dimension_numbers = #tpu.dot_dimension_numbers<[1], [1], [0], [0], [0, 0, 1, 0], [], []>, transpose_lhs_hint = false} : vector<1000x256xf32>, vector<256x256xf32>, vector<1000x256xf32> -> vector<1000x256xf32>
    %get3A_20 = arith.constant 0 : index
    %get3A_21 = arith.constant 0 : index
    %get3A_22 = vector.load %arg6[%get3A_20, %get3A_21] : memref<256x256xf32, #tpu.memory_space<vmem>>, vector<256x256xf32>
    %dot_general3A_23 = arith.constant dense<0.000000e+00> : vector<1000x256xf32>
    %dot_general3A_24 = tpu.matmul %concatenate3A_15, %get3A_22, %dot_general3A_23 {dimension_numbers = #tpu.dot_dimension_numbers<[1], [1], [0], [0], [0, 0, 1, 0], [], []>, transpose_lhs_hint = false} : vector<1000x256xf32>, vector<256x256xf32>, vector<1000x256xf32> -> vector<1000x256xf32>
    %add3A = arith.addf %dot_general3A_19, %dot_general3A_24 : vector<1000x256xf32>
    %get3A_25 = arith.constant 0 : index
    %get3A_26 = arith.constant 0 : index
    %get3A_27 = vector.load %arg5[%get3A_25, %get3A_26] : memref<1x256xf32, #tpu.memory_space<vmem>>, vector<1x256xf32>
    %add3A_28 = vector.broadcast %get3A_27 : vector<1x256xf32> to vector<1000x256xf32>
    %add3A_29 = arith.addf %add3A, %add3A_28 : vector<1000x256xf32>
    %max3A = arith.constant 0.000000e+00 : f32
    %max3A_30 = vector.broadcast %max3A : f32 to vector<1000x256xf32>
    %max3A_31 = arith.maximumf %add3A_29, %max3A_30 : vector<1000x256xf32>
    %slice3A = vector.extract_strided_slice %max3A_31 {offsets = [0, 0], sizes = [1000, 128], strides = [1, 1]} : vector<1000x256xf32> to vector<1000x128xf32>
    %swap3A = arith.constant 0 : index
    %swap3A_32 = arith.constant 0 : index
    %swap3A_33 = vector.load %arg7[%swap3A, %swap3A_32] : memref<1000x128xf32, #tpu.memory_space<vmem>>, vector<1000x128xf32>
    tpu.vector_store %arg7[%swap3A, %swap3A_32], %slice3A {strides = array<i32>} : memref<1000x128xf32, #tpu.memory_space<vmem>>, vector<1000x128xf32>,
    %slice3A_34 = vector.extract_strided_slice %max3A_31 {offsets = [0, 128], sizes = [1000, 128], strides = [1, 1]} : vector<1000x256xf32> to vector<1000x128xf32>
    %swap3A_35 = arith.constant 0 : index
    %swap3A_36 = arith.constant 0 : index
    %swap3A_37 = vector.load %arg8[%swap3A_35, %swap3A_36] : memref<1000x128xf32, #tpu.memory_space<vmem>>, vector<1000x128xf32>
    tpu.vector_store %arg8[%swap3A_35, %swap3A_36], %slice3A_34 {strides = array<i32>} : memref<1000x128xf32, #tpu.memory_space<vmem>>, vector<1000x128xf32>,
    return
  }
  func.func @transform_0(%arg0: i32) -> (i32, i32, i32) {
    %c0_i32 = arith.constant 0 : i32
    %c0_i32_0 = arith.constant 0 : i32
    %c0_i32_1 = arith.constant 0 : i32
    return %c0_i32, %arg0, %c0_i32_0 : i32, i32, i32
  }
  func.func @transform_1(%arg0: i32) -> (i32, i32) {
    %c0_i32 = arith.constant 0 : i32
    %c0_i32_0 = arith.constant 0 : i32
    return %arg0, %c0_i32 : i32, i32
  }
  func.func @transform_2(%arg0: i32) -> (i32, i32) {
    %c0_i32 = arith.constant 0 : i32
    %c0_i32_0 = arith.constant 0 : i32
    return %arg0, %c0_i32 : i32, i32
  }
  func.func @transform_3(%arg0: i32) -> (i32, i32) {
    %c0_i32 = arith.constant 0 : i32
    %c0_i32_0 = arith.constant 0 : i32
    %c0_i32_1 = arith.constant 0 : i32
    return %c0_i32, %c0_i32_0 : i32, i32
  }
  func.func @transform_4(%arg0: i32) -> (i32, i32) {
    %c0_i32 = arith.constant 0 : i32
    %c0_i32_0 = arith.constant 0 : i32
    %c0_i32_1 = arith.constant 0 : i32
    return %c0_i32, %c0_i32_0 : i32, i32
  }
  func.func @transform_5(%arg0: i32) -> (i32, i32) {
    %c0_i32 = arith.constant 0 : i32
    %c0_i32_0 = arith.constant 0 : i32
    %c0_i32_1 = arith.constant 0 : i32
    return %c0_i32, %c0_i32_0 : i32, i32
  }
  func.func @transform_6(%arg0: i32) -> (i32, i32) {
    %c0_i32 = arith.constant 0 : i32
    %c0_i32_0 = arith.constant 0 : i32
    return %arg0, %c0_i32 : i32, i32
  }
  func.func @transform_7(%arg0: i32) -> (i32, i32) {
    %c0_i32 = arith.constant 0 : i32
    %c0_i32_0 = arith.constant 0 : i32
    return %arg0, %c0_i32 : i32, i32
  }
}

module attributes {stable_mosaic.version = 14 : i64} {
  func.func @body(%arg0: i32, %arg1: memref<2x1000x128xf32, #tpu.memory_space<vmem>>, %arg2: memref<1000x128xf32, #tpu.memory_space<vmem>>, %arg3: memref<1000x128xf32, #tpu.memory_space<vmem>>, %arg4: memref<256x256xf32, #tpu.memory_space<vmem>>, %arg5: memref<1x256xf32, #tpu.memory_space<vmem>>, %arg6: memref<256x256xf32, #tpu.memory_space<vmem>>, %arg7: memref<16x256xf32, #tpu.memory_space<vmem>>, %arg8: memref<1x16xf32, #tpu.memory_space<vmem>>, %arg9: memref<1000x16xf32, #tpu.memory_space<vmem>>) attributes {dimension_semantics = [#tpu.dimension_semantics<arbitrary>], iteration_bounds = array<i64: 10>, scalar_prefetch = 0 : i64, scratch_operands = 0 : i64, tpu.core_type = #tpu.core_type<tc>, window_params = [{transform_indices = @transform_0, window_bounds = array<i64: 2, 1000, 128>}, {transform_indices = @transform_1, window_bounds = array<i64: 1000, 128>}, {transform_indices = @transform_2, window_bounds = array<i64: 1000, 128>}, {pipeline_mode = #tpu.pipeline_mode<synchronous>, transform_indices = @transform_3, window_bounds = array<i64: 256, 256>}, {pipeline_mode = #tpu.pipeline_mode<synchronous>, transform_indices = @transform_4, window_bounds = array<i64: 1, 256>}, {pipeline_mode = #tpu.pipeline_mode<synchronous>, transform_indices = @transform_5, window_bounds = array<i64: 256, 256>}, {pipeline_mode = #tpu.pipeline_mode<synchronous>, transform_indices = @transform_6, window_bounds = array<i64: 16, 256>}, {pipeline_mode = #tpu.pipeline_mode<synchronous>, transform_indices = @transform_7, window_bounds = array<i64: 1, 16>}, {transform_indices = @transform_8, window_bounds = array<i64: 1000, 16>}]} {
    %get3A = arith.constant 0 : index
    %get3A_0 = arith.constant 0 : index
    %get3A_1 = arith.constant 0 : index
    %get3A_2 = vector.load %arg1[%get3A, %get3A_0, %get3A_1] : memref<2x1000x128xf32, #tpu.memory_space<vmem>>, vector<1x1000x128xf32>
    %get3A_3 = vector.shape_cast %get3A_2 : vector<1x1000x128xf32> to vector<1000x128xf32>
    %get3A_4 = arith.constant 1 : index
    %get3A_5 = arith.constant 0 : index
    %get3A_6 = arith.constant 0 : index
    %get3A_7 = vector.load %arg1[%get3A_4, %get3A_5, %get3A_6] : memref<2x1000x128xf32, #tpu.memory_space<vmem>>, vector<1x1000x128xf32>
    %get3A_8 = vector.shape_cast %get3A_7 : vector<1x1000x128xf32> to vector<1000x128xf32>
    %concatenate3A = tpu.concatenate %get3A_3, %get3A_8 in 1 : vector<1000x128xf32>, vector<1000x128xf32> -> vector<1000x256xf32>
    %get3A_9 = arith.constant 0 : index
    %get3A_10 = arith.constant 0 : index
    %get3A_11 = vector.load %arg2[%get3A_9, %get3A_10] : memref<1000x128xf32, #tpu.memory_space<vmem>>, vector<1000x128xf32>
    %get3A_12 = arith.constant 0 : index
    %get3A_13 = arith.constant 0 : index
    %get3A_14 = vector.load %arg3[%get3A_12, %get3A_13] : memref<1000x128xf32, #tpu.memory_space<vmem>>, vector<1000x128xf32>
    %concatenate3A_15 = tpu.concatenate %get3A_11, %get3A_14 in 1 : vector<1000x128xf32>, vector<1000x128xf32> -> vector<1000x256xf32>
    %get3A_16 = arith.constant 0 : index
    %get3A_17 = arith.constant 0 : index
    %get3A_18 = vector.load %arg4[%get3A_16, %get3A_17] : memref<256x256xf32, #tpu.memory_space<vmem>>, vector<256x256xf32>
    %dot_general3A = arith.constant dense<0.000000e+00> : vector<1000x256xf32>
    %dot_general3A_19 = tpu.matmul %concatenate3A, %get3A_18, %dot_general3A {dimension_numbers = #tpu.dot_dimension_numbers<[1], [1], [0], [0], [0, 0, 1, 0], [], []>, transpose_lhs_hint = false} : vector<1000x256xf32>, vector<256x256xf32>, vector<1000x256xf32> -> vector<1000x256xf32>
    %get3A_20 = arith.constant 0 : index
    %get3A_21 = arith.constant 0 : index
    %get3A_22 = vector.load %arg6[%get3A_20, %get3A_21] : memref<256x256xf32, #tpu.memory_space<vmem>>, vector<256x256xf32>
    %dot_general3A_23 = arith.constant dense<0.000000e+00> : vector<1000x256xf32>
    %dot_general3A_24 = tpu.matmul %concatenate3A_15, %get3A_22, %dot_general3A_23 {dimension_numbers = #tpu.dot_dimension_numbers<[1], [1], [0], [0], [0, 0, 1, 0], [], []>, transpose_lhs_hint = false} : vector<1000x256xf32>, vector<256x256xf32>, vector<1000x256xf32> -> vector<1000x256xf32>
    %add3A = arith.addf %dot_general3A_19, %dot_general3A_24 : vector<1000x256xf32>
    %get3A_25 = arith.constant 0 : index
    %get3A_26 = arith.constant 0 : index
    %get3A_27 = vector.load %arg5[%get3A_25, %get3A_26] : memref<1x256xf32, #tpu.memory_space<vmem>>, vector<1x256xf32>
    %add3A_28 = vector.broadcast %get3A_27 : vector<1x256xf32> to vector<1000x256xf32>
    %add3A_29 = arith.addf %add3A, %add3A_28 : vector<1000x256xf32>
    %max3A = arith.constant 0.000000e+00 : f32
    %max3A_30 = vector.broadcast %max3A : f32 to vector<1000x256xf32>
    %max3A_31 = arith.maximumf %add3A_29, %max3A_30 : vector<1000x256xf32>
    %get3A_32 = arith.constant 0 : index
    %get3A_33 = arith.constant 0 : index
    %get3A_34 = vector.load %arg7[%get3A_32, %get3A_33] : memref<16x256xf32, #tpu.memory_space<vmem>>, vector<16x256xf32>
    %dot_general3A_35 = arith.constant dense<0.000000e+00> : vector<1000x16xf32>
    %dot_general3A_36 = tpu.matmul %max3A_31, %get3A_34, %dot_general3A_35 {dimension_numbers = #tpu.dot_dimension_numbers<[1], [1], [0], [0], [0, 0, 1, 0], [], []>, transpose_lhs_hint = false} : vector<1000x256xf32>, vector<16x256xf32>, vector<1000x16xf32> -> vector<1000x16xf32>
    %get3A_37 = arith.constant 0 : index
    %get3A_38 = arith.constant 0 : index
    %get3A_39 = vector.load %arg8[%get3A_37, %get3A_38] : memref<1x16xf32, #tpu.memory_space<vmem>>, vector<1x16xf32>
    %add3A_40 = vector.broadcast %get3A_39 : vector<1x16xf32> to vector<1000x16xf32>
    %add3A_41 = arith.addf %dot_general3A_36, %add3A_40 : vector<1000x16xf32>
    %swap3A = arith.constant 0 : index
    %swap3A_42 = arith.constant 0 : index
    %swap3A_43 = vector.load %arg9[%swap3A, %swap3A_42] : memref<1000x16xf32, #tpu.memory_space<vmem>>, vector<1000x16xf32>
    tpu.vector_store %arg9[%swap3A, %swap3A_42], %add3A_41 {strides = array<i32>} : memref<1000x16xf32, #tpu.memory_space<vmem>>, vector<1000x16xf32>,
    return
  }
  func.func @transform_0(%arg0: i32) -> (i32, i32, i32) {
    %c0_i32 = arith.constant 0 : i32
    %c0_i32_0 = arith.constant 0 : i32
    %c0_i32_1 = arith.constant 0 : i32
    return %c0_i32, %arg0, %c0_i32_0 : i32, i32, i32
  }
  func.func @transform_1(%arg0: i32) -> (i32, i32) {
    %c0_i32 = arith.constant 0 : i32
    %c0_i32_0 = arith.constant 0 : i32
    return %arg0, %c0_i32 : i32, i32
  }
  func.func @transform_2(%arg0: i32) -> (i32, i32) {
    %c0_i32 = arith.constant 0 : i32
    %c0_i32_0 = arith.constant 0 : i32
    return %arg0, %c0_i32 : i32, i32
  }
  func.func @transform_3(%arg0: i32) -> (i32, i32) {
    %c0_i32 = arith.constant 0 : i32
    %c0_i32_0 = arith.constant 0 : i32
    %c0_i32_1 = arith.constant 0 : i32
    return %c0_i32, %c0_i32_0 : i32, i32
  }
  func.func @transform_4(%arg0: i32) -> (i32, i32) {
    %c0_i32 = arith.constant 0 : i32
    %c0_i32_0 = arith.constant 0 : i32
    %c0_i32_1 = arith.constant 0 : i32
    return %c0_i32, %c0_i32_0 : i32, i32
  }
  func.func @transform_5(%arg0: i32) -> (i32, i32) {
    %c0_i32 = arith.constant 0 : i32
    %c0_i32_0 = arith.constant 0 : i32
    %c0_i32_1 = arith.constant 0 : i32
    return %c0_i32, %c0_i32_0 : i32, i32
  }
  func.func @transform_6(%arg0: i32) -> (i32, i32) {
    %c0_i32 = arith.constant 0 : i32
    %c0_i32_0 = arith.constant 0 : i32
    %c0_i32_1 = arith.constant 0 : i32
    return %c0_i32, %c0_i32_0 : i32, i32
  }
  func.func @transform_7(%arg0: i32) -> (i32, i32) {
    %c0_i32 = arith.constant 0 : i32
    %c0_i32_0 = arith.constant 0 : i32
    %c0_i32_1 = arith.constant 0 : i32
    return %c0_i32, %c0_i32_0 : i32, i32
  }
  func.func @transform_8(%arg0: i32) -> (i32, i32) {
    %c0_i32 = arith.constant 0 : i32
    %c0_i32_0 = arith.constant 0 : i32
    return %arg0, %c0_i32 : i32, i32
  }
}

</mosaic_0001>

<sc_bundles>
// kernel: kernel.11.cloned.1.call-start
scs
__scs_entry_jumppad:
0x0: {  	(pc) =	sbr.rel $0x88, $3  }
0x1: {  	(tag) =	ssettag $0x0;
	lr =	simm.s32 $0x1  }
0x2: {  	[smem:$0x3F94] =	sst lr;
	_ =	strace $0xD0000000  }
0x3: {  	_ = 	snop  }
0x4: {  	_ = 	snop  }
0x5: {  	_ = 	snop  }
0x6: {  	_ = 	snop  }
0x7: {  	_ = 	snop  }
__scs_overlays_trampoline_lowered:
0x8: {  	[smem:$0x3FA3] =	sst s0  }
0x9: {  	[smem:$0x3FA4] =	sst s1  }
0xa: {  	[smem:$0x3FA5] =	sst s2  }
0xb: {  	[smem:$0x3FA6] =	sst s3  }
0xc: {  	[smem:$0x3FA7] =	sst s4  }
0xd: {  	[smem:$0x3FA8] =	sst s5  }
0xe: {  	[smem:$0x3FA9] =	sst s6  }
0xf: {  	[smem:$0x3FAA] =	sst s7  }
0x10: {  	[smem:$0x3FAB] =	sst s8  }
0x11: {  	[smem:$0x3FAC] =	sst s9;
	s0 =	simm.s32 @!p0 $0x0  }
0x12: {  	s1 =	sld [smem:$0x3F92];
	s0 =	simm.s32 @p0 $0x1  }
0x13: {  	[smem:$0x3FAD] =	sst s0;
	s0 =	simm.s32 @!p1 $0x0  }
0x14: {  	s2 =	sld [smem:$0x3F91];
	s0 =	simm.s32 @p1 $0x1  }
0x15: {  	[smem:$0x3FAE] =	sst s0;
	s0 =	simm.s32 @!p2 $0x0  }
0x16: {  	s3 =	sld [smem:$0x3FDB];
	s0 =	simm.s32 @p2 $0x1  }
0x17: {  	s4 =	simm.s32 $0x1BF5;
	[smem:$0x3FB0] =	sst s0  }
0x18: {  	s0 =	sld [smem:$0x3F93];
	_ =	swait.ge [sflag:s4], $0x0  }
0x19: {  	s7 =	sld [smem:$0x3F94]  }
0x1a: {  	s8 =	sadd.s32 $0xFFFFE003, lr  }
0x1b: {  	s9 =	sadd.s32 $0xFFFFFEF7, lr;
	s5 =	simm.s32 $0xFFFFFFFF;
	p2 =	slt.u32 s8, $0xFFFFF086  }
0x1c: {  	p1 =	slt.u32 s9, $0xF7A;
	s5 =	simm.s32 @!p2 $0x0  }
0x1d: {  	s5 =	simm.s32 @p1 $0x1;
	p0 =	seq.s32 s7, s2  }
0x1e: {  	s7 =	smul.u32 @!p0 $0xF7A, s2;
	p2 =	seq.s32 @!p0 s5, $0x0  }
0x1f: {  	s9 =	smul.u32 $0xF7A, s1;
	s8 =	simm.s32 @!p0 $0x1BF5;
	p2 =	por !p2, p0  }
0x20: {  	[sflag:s8] =	ssyncset.s32 @!p0 $0xFFFFF086;
	s6 =	sadd.s32 @!p0 s3, s7;
	s7 =	simm.s32 @!p0 $0x108  }
0x21: {  	s3 =	sadd.s32 s3, s9;
	s6 =	sadd.s32 @!p0 $0x88, s6;
	s7 =	simm.s32 @p2 $0x1082  }
0x22: {  	[simem:s7], [sflag:s8] =	dma.local @!p0 [hbm:s6], $0xF7A  }
0x23: {  	s9 =	sor.u32 $0xD0000000, s2;
	s6 =	simm.s32 $0x108;
	_ =	swait.ge @!p0 [sflag:s8], $0x0  }
0x24: {  	s3 =	sadd.s32 $0x88, s3;
	s6 =	simm.s32 @!p1 $0x1082;
	[sflag:s4] =	ssyncset.s32 $0xFFFFF086  }
0x25: {  	[simem:s6], [sflag:s4] =	dma.local [hbm:s3], $0xF7A  }
0x26: {  	[smem:$0x3F94] =	sst s1;
	(tag) =	ssettag s2;
	_ =	strace s9  }
0x27: {  	s1 =	sld [smem:$0x3FA4]  }
0x28: {  	s2 =	sld [smem:$0x3FA5]  }
0x29: {  	s4 =	sld [smem:$0x3FA7]  }
0x2a: {  	p0 =	seq.s32 s5, $0x0;
	s5 =	sld [smem:$0x3FA8]  }
0x2b: {  	s6 =	sld [smem:$0x3FA9]  }
0x2c: {  	s7 =	sld [smem:$0x3FAA]  }
0x2d: {  	s3 =	simm.s32 $0x108;
	s8 =	sld [smem:$0x3FAB]  }
0x2e: {  	s3 =	simm.s32 @!p0 $0x1082;
	s9 =	sld [smem:$0x3FAC]  }
0x2f: {  	lr =	sadd.s32 s0, s3;
	s0 =	sld [smem:$0x3FA3]  }
0x30: {  	s3 =	sld [smem:$0x3FA6]  }
0x31: {  	[smem:$0x3FAF] =	sst s10  }
0x32: {  	s10 =	sld [smem:$0x3FAD];
	_ =	sdelay $0x3  }
0x33: {  	p0 =	seq.s32 s10, $0x1;
	s10 =	sld [smem:$0x3FAF];
	_ =	sdelay $0x3  }
0x34: {  	[smem:$0x3FAF] =	sst s10  }
0x35: {  	s10 =	sld [smem:$0x3FAE];
	_ =	sdelay $0x3  }
0x36: {  	p1 =	seq.s32 s10, $0x1;
	s10 =	sld [smem:$0x3FAF];
	_ =	sdelay $0x3  }
0x37: {  	[smem:$0x3FAF] =	sst s10  }
0x38: {  	s10 =	sld [smem:$0x3FB0]  }
0x39: {  	_ = 	snop;
	(pc) =	sbr.ind lr, $3  }
0x3a: {  	_ = 	snop  }
0x3b: {  	_ = 	snop  }
0x3c: {  	p2 =	seq.s32 s10, $0x1;
	s10 =	sld [smem:$0x3FAF]  }
0x3d: {  	_ =	shalt  }
0x3e: {  	_ =	shalt  }
0x3f: {  	_ =	shalt  }
0x40: {  	_ =	shalt  }
0x41: {  	_ =	shalt  }
0x42: {  	_ =	shalt  }
0x43: {  	_ =	shalt  }
0x44: {  	_ =	shalt  }
0x45: {  	_ =	shalt  }
0x46: {  	_ =	shalt  }
0x47: {  	_ =	shalt  }
0x48: {  	_ =	shalt  }
0x49: {  	_ =	shalt  }
0x4a: {  	_ =	shalt  }
0x4b: {  	_ =	shalt  }
0x4c: {  	_ =	shalt  }
0x4d: {  	_ =	shalt  }
0x4e: {  	_ =	shalt  }
0x4f: {  	_ =	shalt  }
0x50: {  	_ =	shalt  }
0x51: {  	_ =	shalt  }
0x52: {  	_ =	shalt  }
0x53: {  	_ =	shalt  }
0x54: {  	_ =	shalt  }
0x55: {  	_ =	shalt  }
0x56: {  	_ =	shalt  }
0x57: {  	_ =	shalt  }
0x58: {  	_ =	shalt  }
0x59: {  	_ =	shalt  }
0x5a: {  	_ =	shalt  }
0x5b: {  	_ =	shalt  }
0x5c: {  	_ =	shalt  }
0x5d: {  	_ =	shalt  }
0x5e: {  	_ =	shalt  }
0x5f: {  	_ =	shalt  }
0x60: {  	_ =	shalt  }
0x61: {  	_ =	shalt  }
0x62: {  	_ =	shalt  }
0x63: {  	_ =	shalt  }
0x64: {  	_ =	shalt  }
0x65: {  	_ =	shalt  }
0x66: {  	_ =	shalt  }
0x67: {  	_ =	shalt  }
0x68: {  	_ =	shalt  }
0x69: {  	_ =	shalt  }
0x6a: {  	_ =	shalt  }
0x6b: {  	_ =	shalt  }
0x6c: {  	_ =	shalt  }
0x6d: {  	_ =	shalt  }
0x6e: {  	_ =	shalt  }
0x6f: {  	_ =	shalt  }
0x70: {  	_ =	shalt  }
0x71: {  	_ =	shalt  }
0x72: {  	_ =	shalt  }
0x73: {  	_ =	shalt  }
0x74: {  	_ =	shalt  }
0x75: {  	_ =	shalt  }
0x76: {  	_ =	shalt  }
0x77: {  	_ =	shalt  }
0x78: {  	_ =	shalt  }
0x79: {  	_ =	shalt  }
0x7a: {  	_ =	shalt  }
0x7b: {  	_ =	shalt  }
0x7c: {  	_ =	shalt  }
0x7d: {  	_ =	shalt  }
0x7e: {  	_ =	shalt  }
0x7f: {  	_ =	shalt  }
0x80: {  	_ =	shalt  }
0x81: {  	_ =	shalt  }
0x82: {  	_ =	shalt  }
0x83: {  	_ =	shalt  }
0x84: {  	_ =	shalt  }
0x85: {  	_ =	shalt  }
0x86: {  	_ =	shalt  }
0x87: {  	_ =	shalt  }
.Lfunc_end0:
.L_simem_size_0:
called_computation.1_lowered:
.L_overlay_start_0:
0x88: {  	s2 =	sld [smem:$0x3FD9]  }
0x89: {  	s3 =	sld [smem:$0x3FFE];
	_ =	sdelay $0x1  }
0x8a: {  	s1 =	srdreg.scid  }
0x8b: {  	s0 =	sand.u32 $0x1, s1  }
0x8c: {  	s17 =	sshll.u32 s0, $0xA;
	s2 =	sadd.s32 s3, s2  }
0x8d: {  	s2 =	sadd.s32 s2, s17  }
0x8e: {  	[smem:$0x3FBB] =	sst s2  }
0x8f: {  	_ = 	snop  }
0x90: {  	s2 =	sld [smem:$0x3FD0];
	(tm) =	ssettm $0x1  }
0x91: {  	s18 =	sld [smem:$0x3FFB];
	_ =	sdelay $0x3  }
0x92: {  	_ =	strace s18  }
0x93: {  	s3 =	sld [smem:$0x3FFC];
	_ =	sdelay $0x3  }
0x94: {  	_ =	strace s3  }
0x95: {  	s3 =	sld [smem:$0x3FFD];
	_ =	sdelay $0x3  }
0x96: {  	_ =	strace s3  }
0x97: {  	_ =	strace $0x8FFFFFFF  }
0x98: {  	s19 =	sld [smem:$0x3FDB];
	_ =	sdelay $0x1  }
0x99: {  	s4 =	simm.s32 $_scs_section_size  }
0x9a: {  	s5 =	simm.s32 $_size__tile_overlayer_lowered;
	s6 =	simm.s32 $_tile_overlayer_lowered  }
0x9b: {  	s22 =	simm.s32 $0x1BFF;
	s21 =	sshll.u32 s6, $0x1;
	s3 =	sadd.s32 s4, s19  }
0x9c: {  	s7 =	simm.s32 $0x0;
	s20 =	sshll.u32 s5, $0x1;
	s5 =	sadd.s32 s21, s3  }
0x9d: {  	[timem:s7], [sflag:s22] =	dma.local [hbm:s5], s20  }
0x9e: {  	_ =	swait.ge [sflag:s22], s20  }
0x9f: {  	s4 =	ssub.s32 $0x0, s20;
	[sflag:s22] =	ssyncset.done $0x0  }
0xa0: {  	[sflag:s22] =	ssyncadd.s32 s4;
	_ =	sdelay $0x1  }
0xa1: {  	s23 =	simm.s32 $0x1B8B  }
0xa2: {  	_ =	swait.ge [sflag:s23], $0x1  }
0xa3: {  	[sflag:s23] =	ssyncset.done $0x0  }
0xa4: {  	s25 =	simm.s32 $0x1B8E;
	s24 =	sld [smem:$0x3FFE];
	[sflag:s23] =	ssyncadd.s32 $0xFFFFFFFF  }
0xa5: {  	s26 =	simm.s32 $execute0_lowered;
	[smem:$0x3FD2] =	sst s25  }
0xa6: {  	s5 =	sshll.u32 s26, $0x1;
	_ =	strace $0x80000049;
	[dreg:$0x1] =	wrdreg $0xFFFFFFFF  }
0xa7: {  	s28 =	simm.s32 $_size_execute0_lowered;
	s3 =	sadd.s32 s3, s5;
	[dreg:$0x0] =	wrdreg $0x0  }
0xa8: {  	s5 =	sshll.u32 s28, $0x1;
	[dreg:$0x2] =	wrdreg s3  }
0xa9: {  	[dreg:$0x3] =	wrdreg s5  }
0xaa: {  	[dreg:$0x4] =	wrdreg $0xC0  }
0xab: {  	_ =	task [dreg:s7], $0x5FFFF  }
0xac: {  	[dreg:$0x1] =	wrdreg $0xFFFFFFFF  }
0xad: {  	[dreg:$0x0] =	wrdreg $0x60  }
0xae: {  	[dreg:$0x2] =	wrdreg s24  }
0xaf: {  	[dreg:$0x3] =	wrdreg s2  }
0xb0: {  	[dreg:$0x4] =	wrdreg $0xC4000  }
0xb1: {  	[dreg:$0x5] =	wrdreg $0x9  }
0xb2: {  	_ =	task.clear_ibuf [dreg:s7], $0x6FFFF;
	_ =	strace $0x90000049  }
0xb3: {  	s29 =	simm.s32 $0x9;
	_ =	strace $0x8000004B  }
0xb4: {  	_ =	swait.ge [sflag:s29], $0x1  }
0xb5: {  	[sflag:s29] =	ssyncadd.s32 $0xFFFFFFFF  }
0xb6: {  	_ =	strace $0x9000004B  }
0xb7: {  	_ =	sfence  }
0xb8: {  	s30 =	sld [smem:$0x0];
	_ =	sdelay $0x2  }
0xb9: {  	s31 =	sshll.u32 s1, $0xD;
	s1 =	sshrl.u32 s1, $0x2  }
0xba: {  	s3 =	sand.u32 $0x4000, s31;
	s1 =	sadd.s32 s1, s30  }
0xbb: {  	s0 =	sor.u32 s3, s0;
	s1 =	sshll.u32 s1, $0x11  }
0xbc: {  	s0 =	sor.u32 s1, s0  }
0xbd: {  	s0 =	sadd.s32 $0x8F2B, s0  }
0xbe: {  	[sflag:s0] =	ssyncadd.remote.s32 $0x1  }
0xbf: {  	_ =	sfence.sel $0xFFFF  }
0xc0: {  	[dreg:$0x0] =	wrdreg $0xFFFFFFFF;
	(pc) =	sbr.abs _section_cstart, $3  }
0xc1: {  	[dreg:$0x1] =	wrdreg $0xFFFFFFFF  }
0xc2: {  	_ =	task.clear_ibuf [dreg:s7], $0x2FFFF;
	_ =	strace $0x9FFFFFFF  }
0xc3: {  	(tm) =	ssettm $0x7FFFFFFF  }
tec
execute0_lowered:
.L_overlay_start_1:
0x0: {  	(tag) =	ssettag $0x1  }
0x1: {  	s0 =	rddreg [dreg:$0x0]  }
0x2: {  	s2 =	rddreg [dreg:$0x2];
	s1 =	srdreg.scid;
	s4 =	simm.s32 $0x0  }
0x3: {  	s10 =	stileid.u32;
	s16 =	simm.s32 $0x1;
	s18 =	simm.s32 $0x80  }
0x4: {  	s19 =	simm.s32 $0x400;
	s20 =	simm.s32 $0x200;
	s5 =	smul.u32 $0x13C00, s10  }
0x5: {  	s28 =	simm.s32 $0x3;
	s30 =	simm.s32 $0x4;
	s6 =	smul.u32 $0x9D00, s10  }
0x6: {  	s1 =	sand.u32 $0x1, s1;
	[smem:$0x7FF] =	sst s4;
	s8 =	smul.u32 $0x4F000, s10  }
0x7: {  	s9 =	sadd.s32 $0x67E00, s0;
	s11 =	sshll.u32 s10, $0x6;
	s25 =	smul.u32 $0x13A0, s10  }
0x8: {  	s3 =	smul.u32 $0x13C000, s1;
	_ =	strace $0x8000004A;
	s21 =	ssub.s32 $0x2, s1  }
0x9: {  	[dreg:$0x4] =	wrdreg s11;
	s23 =	sor.u32 $0x1C06, s11;
	p0 =	seq.s32 s1, $0x0  }
0xa: {  	s7 =	sshrl.u32 s21, $0x1;
	s6 =	sshrl.u32 s6, $0x3;
	s22 =	sshrl.u32 s8, $0x2  }
0xb: {  	[dreg:$0x5] =	wrdreg s23;
	s1 =	sadd.s32 s25, s9;
	s23 =	simm.s32 $0x8400  }
0xc: {  	s25 =	simm.s32 $0x2;
	s3 =	sadd.s32 s5, s3;
	s5 =	ssub.s32 s21, s7  }
0xd: {  	s6 =	sadd.s32 s9, s6;
	s8 =	sadd.s32 s22, s2;
	s7 =	simm.s32 $0x5200  }
0xe: {  	s21 =	simm.s32 $0x4400;
	s3 =	sshrl.u32 s3, $0x3;
	s24 =	sadd.s32 $0x20, s6  }
0xf: {  	s26 =	sadd.s32 $0x40, s6;
	s29 =	sadd.s32 $0x60, s6;
	[dreg:$0x6] =	wrdreg s24  }
0x10: {  	s7 =	simm.s32 @!p0 $0x2C400;
	s31 =	smax.u32 s5, $0x1;
	[dreg:$0x7] =	wrdreg s26  }
0x11: {  	s15 =	sshrl.u32 s8, $0x3;
	s3 =	sadd.s32 s3, s0;
	[dreg:$0x8] =	wrdreg s29  }
0x12: {  	[dreg:$0xa] =	wrdreg s31;
	s13 =	sadd.s32 s7, s0;
	s7 =	sadd.s32 $0x80, s1  }
0x13: {  	s24 =	simm.s32 $0x6;
	s26 =	simm.s32 $0x5;
	s3 =	sadd.s32 $0x7B800, s3  }
0x14: {  	s0 =	simm.s32 $0x7;
	[dreg:$0x9] =	wrdreg s3;
	s3 =	simm.s32 $0x0  }
.LBB2_1:
0x15: {  	[tilespmem:s4], [sflag:$0x1] =	stream.linear.gather [hbm4b:s6+s4], $0x100, $0x38;
	v63 =	vld [tilespmem:$0x0]  }
0x16: {  	s1 =	rddreg [dreg:$0x1]  }
0x17: {  	s5 =	rddreg [dreg:$0x5]  }
0x18: {  	[spmem:s15], [sflag:s5] =	dma.local [hbm:s1], $0x2780  }
0x19: {  	_ =	swait.ge [sflag:s16], $0x100  }
0x1a: {  	[sflag:s16] =	ssyncset.done $0x0  }
0x1b: {  	s9 =	simm.s32 $0x100;
	s8 =	rddreg [dreg:$0x6];
	[sflag:s16] =	ssyncadd.s32 $0xFFFFFF00  }
0x1c: {  	[tilespmem:s9], [sflag:$0x1] =	stream.linear.gather [hbm4b:s8+s4], $0x100, $0x38;
	v63 =	vld [tilespmem:$0x0]  }
0x1d: {  	_ = 	snop  }
0x1e: {  	[tilespmem:s19], [sflag:$0x2] =	stream.indirect.gather [hbm4b:s13+s18], $0x80, s4, s18, $0xb8;
	v63 =	vld [tilespmem:$0x0]  }
0x1f: {  	_ =	swait.ge [sflag:s16], $0x100  }
0x20: {  	[sflag:s16] =	ssyncset.done $0x0  }
0x21: {  	s10 =	rddreg [dreg:$0x7];
	[sflag:s16] =	ssyncadd.s32 $0xFFFFFF00  }
0x22: {  	[tilespmem:s20], [sflag:$0x1] =	stream.linear.gather [hbm4b:s10+s4], $0x100, $0x38;
	v63 =	vld [tilespmem:$0x0]  }
0x23: {  	_ = 	snop  }
0x24: {  	[tilespmem:s21], [sflag:$0x3] =	stream.indirect.gather [hbm4b:s13+s18], $0x80, s9, s18, $0xb8;
	v63 =	vld [tilespmem:$0x0]  }
0x25: {  	_ =	swait.ge [sflag:s16], $0x100  }
0x26: {  	s12 =	simm.s32 $0x300;
	[sflag:s16] =	ssyncset.done $0x0  }
0x27: {  	s14 =	simm.s32 $0x1;
	s11 =	rddreg [dreg:$0x8];
	[sflag:s16] =	ssyncadd.s32 $0xFFFFFF00  }
0x28: {  	[tilespmem:s12], [sflag:$0x1] =	stream.linear.gather [hbm4b:s11+s4], $0x100, $0x38;
	v63 =	vld [tilespmem:$0x0]  }
0x29: {  	s1 =	smul.u32 $0xAB, s14  }
0x2a: {  	[tilespmem:s23], [sflag:$0x4] =	stream.indirect.gather [hbm4b:s13+s18], $0x80, s20, s18, $0xb8;
	v63 =	vld [tilespmem:$0x0]  }
0x2b: {  	s1 =	sshrl.u32 s1, $0x9;
	_ =	swait.ge [sflag:s24], $0x2780  }
0x2c: {  	s1 =	sand.u32 $0x7F, s1;
	[sflag:s24] =	ssyncset.done $0x0  }
0x2d: {  	s1 =	smul.u32 $0x3, s1;
	[sflag:s24] =	ssyncadd.s32 $0xFFFFD880  }
0x2e: {  	s17 =	simm.s32 $0x1000;
	[bflag:$0x0] =	sbarrier.arrive $0xFFFF  }
0x2f: {  	s29 =	simm.s32 $0x4;
	s1 =	ssub.s32 $0x1, s1;
	_ =	swait.ge [sflag:s25], $0x4000  }
0x30: {  	s22 =	sadd.s32 $0x20, s7;
	s8 =	sand.u32 $0xFF, s1;
	[sflag:s25] =	ssyncset.done $0x0  }
0x31: {  	s10 =	sshll.u32 s8, $0xE;
	s8 =	sadd.s32 $0x2, s8;
	[sflag:s25] =	ssyncadd.s32 $0xFFFFC000  }
0x32: {  	[spmem:s2] =	stream.indirect.scatter.add.f32 [tilespmem:s19], [sflag:$0x5], $0x80, s18, s18, $0xb8;
	v63 =	vld [tilespmem:$0x0]  }
0x33: {  	s31 =	sand.u32 $0xC00, s17;
	s11 =	sand.u32 $0xFF, s28;
	_ =	swait.ge [sflag:s8], $0x4000  }
0x34: {  	s1 =	simm.s32 $0x1400;
	s11 =	smul.u32 $0xAB, s11;
	[sflag:s8] =	ssyncset.done $0x0  }
0x35: {  	s10 =	sor.u32 $0x400, s10;
	s9 =	simm.s32 $0x5;
	[sflag:s8] =	ssyncadd.s32 $0xFFFFC000  }
0x36: {  	s14 =	sshrl.u32 s11, $0x9;
	s8 =	simm.s32 $0x400;
	_ =	swait.ge [sflag:s26], $0x4000  }
0x37: {  	s5 =	sand.u32 $0xC00, s8;
	s8 =	smul.u32 $0x3, s14;
	[sflag:s26] =	ssyncset.done $0x0  }
0x38: {  	s12 =	simm.s32 $0xC00;
	s5 =	sshrl.u32 s5, $0x2;
	[sflag:s26] =	ssyncadd.s32 $0xFFFFC000  }
0x39: {  	s5 =	sor.u32 $0x80, s5;
	s17 =	ssub.s32 $0x3, s8;
	s8 =	simm.s32 $0x2  }
0x3a: {  	[spmem:s2] =	stream.indirect.scatter.add.f32 [tilespmem:s10], [sflag:$0x5], $0x80, s5, s18, $0xb8;
	v63 =	vld [tilespmem:$0x0]  }
0x3b: {  	s14 =	sand.u32 $0xFF, s17;
	s10 =	smul.u32 $0xAB, s8;
	s17 =	sand.u32 $0xC00, s12  }
0x3c: {  	_ =	swait.ge [sflag:s16], $0x100;
	s11 =	sshll.u32 s14, $0xE;
	s12 =	sadd.s32 $0x2, s14  }
0x3d: {  	s14 =	smov.u32 s7;
	[sflag:s16] =	ssyncset.done $0x0;
	s5 =	sor.u32 $0x400, s11  }
0x3e: {  	s10 =	sshrl.u32 s10, $0x9;
	s11 =	sshrl.u32 s17, $0x2;
	[sflag:s16] =	ssyncadd.s32 $0xFFFFFF00  }
.LBB2_2:
0x3f: {  	[tilespmem:s5], [sflag:s12] =	stream.indirect.gather [hbm4b:s13+s18], $0x80, s11, s18, $0xb8;
	v63 =	vld [tilespmem:$0x0]  }
0x40: {  	s5 =	smov.u32 s29;
	s29 =	smov.u32 s9;
	s11 =	smov.u32 s1  }
0x41: {  	s17 =	sadd.s32 $0x1, s9;
	s10 =	sand.u32 $0x7F, s10;
	s12 =	sshrl.u32 s31, $0x2  }
0x42: {  	p0 =	sne.s32 s9, $0x9B;
	s9 =	smul.u32 $0x3, s10  }
0x43: {  	[tilespmem:s12], [sflag:$0x1] =	stream.linear.gather [hbm4b:s14+s4], $0x100, $0x38;
	v63 =	vld [tilespmem:$0x0]  }
0x44: {  	s8 =	ssub.s32 s8, s9;
	s14 =	smov.u32 s22  }
0x45: {  	s1 =	sadd.s32 $0x400, s1;
	s8 =	sand.u32 $0xFF, s8  }
0x46: {  	s10 =	sand.u32 $0xFF, s5;
	s9 =	sshll.u32 s8, $0xE;
	s8 =	sadd.s32 $0x2, s8  }
0x47: {  	s10 =	smul.u32 $0xAB, s10;
	s22 =	sadd.s32 $0x20, s22;
	_ =	swait.ge [sflag:s8], $0x4000  }
0x48: {  	s31 =	sand.u32 $0xC00, s11;
	s12 =	sadd.s32 $0xFFFFFC00, s11;
	[sflag:s8] =	ssyncset.done $0x0  }
0x49: {  	s10 =	sshrl.u32 s10, $0x9;
	[sflag:s8] =	ssyncadd.s32 $0xFFFFC000;
	s8 =	sadd.s32 $0xFFFFF400, s11  }
0x4a: {  	s10 =	smul.u32 $0x3, s10;
	_ =	swait.ge [sflag:s26], $0x4000;
	s8 =	sand.u32 $0xC00, s8  }
0x4b: {  	s9 =	sor.u32 $0x400, s9;
	[sflag:s26] =	ssyncset.done $0x0;
	s8 =	sshrl.u32 s8, $0x2  }
0x4c: {  	s5 =	ssub.s32 s5, s10;
	[sflag:s26] =	ssyncadd.s32 $0xFFFFC000;
	s8 =	sor.u32 $0x80, s8  }
0x4d: {  	[spmem:s2] =	stream.indirect.scatter.add.f32 [tilespmem:s9], [sflag:$0x5], $0x80, s8, s18, $0xb8;
	v63 =	vld [tilespmem:$0x0]  }
.Ltmp0:
0x4e: {  	s11 =	sand.u32 $0xC00, s12;
	(pc) =	sbr.rel @p0 .LBB2_2-.Ltmp0, $4  }
0x4f: {  	s8 =	sadd.s32 $0xFFFFFFFE, s29;
	s9 =	sand.u32 $0xFF, s5;
	_ =	swait.ge [sflag:s16], $0x100  }
0x50: {  	s10 =	smul.u32 $0xAB, s8;
	s5 =	sshll.u32 s9, $0xE;
	[sflag:s16] =	ssyncset.done $0x0  }
0x51: {  	s11 =	sshrl.u32 s11, $0x2;
	s5 =	sor.u32 $0x400, s5;
	[sflag:s16] =	ssyncadd.s32 $0xFFFFFF00  }
0x52: {  	s12 =	sadd.s32 $0x2, s9;
	s9 =	smov.u32 s17;
	s10 =	sshrl.u32 s10, $0x9  }
0x53: {  	[tilespmem:s5], [sflag:s12] =	stream.indirect.gather [hbm4b:s13+s18], $0x80, s11, s18, $0xb8;
	v63 =	vld [tilespmem:$0x0]  }
0x54: {  	s12 =	sand.u32 $0x7F, s10  }
0x55: {  	s9 =	sshrl.u32 s31, $0x2;
	s5 =	smul.u32 $0x3, s12  }
0x56: {  	[tilespmem:s9], [sflag:$0x1] =	stream.linear.gather [hbm4b:s14+s4], $0x100, $0x38;
	v63 =	vld [tilespmem:$0x0]  }
0x57: {  	s5 =	ssub.s32 s8, s5  }
0x58: {  	s5 =	sand.u32 $0xFF, s5  }
0x59: {  	s17 =	sand.u32 $0xFF, s29;
	s14 =	sadd.s32 $0x2, s5  }
0x5a: {  	s31 =	sadd.s32 $0xFFFFF400, s1;
	s9 =	smul.u32 $0xAB, s17;
	_ =	swait.ge [sflag:s14], $0x4000  }
0x5b: {  	s10 =	sadd.s32 $0xFFFFFC00, s1;
	s12 =	sand.u32 $0xC00, s1;
	[sflag:s14] =	ssyncset.done $0x0  }
0x5c: {  	s8 =	sand.u32 $0xC00, s31;
	s9 =	sshrl.u32 s9, $0x9;
	[sflag:s14] =	ssyncadd.s32 $0xFFFFC000  }
0x5d: {  	s8 =	sshrl.u32 s8, $0x2;
	s9 =	smul.u32 $0x3, s9;
	_ =	swait.ge [sflag:s26], $0x4000  }
0x5e: {  	s5 =	sshll.u32 s5, $0xE;
	s8 =	sor.u32 $0x80, s8;
	[sflag:s26] =	ssyncset.done $0x0  }
0x5f: {  	s5 =	sor.u32 $0x400, s5;
	s9 =	ssub.s32 s29, s9;
	[sflag:s26] =	ssyncadd.s32 $0xFFFFC000  }
0x60: {  	[spmem:s2] =	stream.indirect.scatter.add.f32 [tilespmem:s5], [sflag:$0x5], $0x80, s8, s18, $0xb8;
	v63 =	vld [tilespmem:$0x0]  }
0x61: {  	s5 =	sand.u32 $0xFF, s9;
	s8 =	sand.u32 $0xC00, s10;
	_ =	swait.ge [sflag:s16], $0x100  }
0x62: {  	s11 =	sshll.u32 s5, $0xE;
	s8 =	sshrl.u32 s8, $0x2;
	[sflag:s16] =	ssyncset.done $0x0  }
0x63: {  	s5 =	sadd.s32 $0x2, s5;
	s9 =	sor.u32 $0x400, s11;
	[sflag:s16] =	ssyncadd.s32 $0xFFFFFF00  }
0x64: {  	[tilespmem:s9], [sflag:s5] =	stream.indirect.gather [hbm4b:s13+s18], $0x80, s8, s18, $0xb8;
	v63 =	vld [tilespmem:$0x0]  }
0x65: {  	s1 =	sshrl.u32 s12, $0x2  }
0x66: {  	[tilespmem:s1], [sflag:$0x1] =	stream.linear.gather [hbm4b:s22+s4], $0x100, $0x38;
	v63 =	vld [tilespmem:$0x0]  }
0x67: {  	_ =	swait.ge [sflag:s28], $0x4000  }
0x68: {  	[sflag:s28] =	ssyncset.done $0x0  }
0x69: {  	[sflag:s28] =	ssyncadd.s32 $0xFFFFC000  }
0x6a: {  	_ =	swait.ge [sflag:s26], $0x4000  }
0x6b: {  	[sflag:s26] =	ssyncset.done $0x0  }
0x6c: {  	s14 =	simm.s32 $0x280;
	[sflag:s26] =	ssyncadd.s32 $0xFFFFC000  }
0x6d: {  	[spmem:s2] =	stream.indirect.scatter.add.f32 [tilespmem:s21], [sflag:$0x5], $0x80, s14, s18, $0xb8;
	v63 =	vld [tilespmem:$0x0]  }
0x6e: {  	_ =	swait.ge [sflag:s16], $0x100  }
0x6f: {  	[sflag:s16] =	ssyncset.done $0x0  }
0x70: {  	[sflag:s16] =	ssyncadd.s32 $0xFFFFFF00  }
0x71: {  	[tilespmem:s19], [sflag:$0x2] =	stream.indirect.gather [hbm4b:s13+s18], $0x80, s4, s18, $0xb8;
	v63 =	vld [tilespmem:$0x0]  }
0x72: {  	_ =	swait.ge [sflag:s30], $0x4000  }
0x73: {  	[sflag:s30] =	ssyncset.done $0x0  }
0x74: {  	[sflag:s30] =	ssyncadd.s32 $0xFFFFC000  }
0x75: {  	_ =	swait.ge [sflag:s26], $0x4000  }
0x76: {  	[sflag:s26] =	ssyncset.done $0x0  }
0x77: {  	s17 =	simm.s32 $0x380;
	[sflag:s26] =	ssyncadd.s32 $0xFFFFC000  }
0x78: {  	[spmem:s2] =	stream.indirect.scatter.add.f32 [tilespmem:s23], [sflag:$0x5], $0x80, s17, s18, $0xb8;
	v63 =	vld [tilespmem:$0x0]  }
0x79: {  	_ =	swait.ge [sflag:s25], $0x4000  }
0x7a: {  	[sflag:s25] =	ssyncset.done $0x0  }
0x7b: {  	[sflag:s25] =	ssyncadd.s32 $0xFFFFC000  }
0x7c: {  	_ =	swait.ge [sflag:s26], $0x4000  }
0x7d: {  	[sflag:s26] =	ssyncset.done $0x0  }
0x7e: {  	[sflag:s26] =	ssyncadd.s32 $0xFFFFC000  }
0x7f: {  	[spmem:s2] =	stream.indirect.scatter.add.f32 [tilespmem:s19], [sflag:$0x5], $0x80, s18, s18, $0xb8;
	v63 =	vld [tilespmem:$0x0]  }
0x80: {  	_ =	swait.ge [sflag:s26], $0x4000  }
0x81: {  	[sflag:s26] =	ssyncset.done $0x0  }
0x82: {  	[sflag:s26] =	ssyncadd.s32 $0xFFFFC000  }
0x83: {  	[bflag:$0x0] =	sbarrier.arrive $0xFFFF  }
0x84: {  	s22 =	rddreg [dreg:$0x4]  }
0x85: {  	s29 =	rddreg [dreg:$0x9];
	s1 =	sor.u32 $0x1C07, s22  }
0x86: {  	[hbm:s29], [sflag:s1] =	dma.local [spmem:s15], $0x2780  }
0x87: {  	_ =	swait.ge [sflag:s0], $0x2780  }
0x88: {  	s3 =	sadd.s32 $0x1, s3;
	s31 =	rddreg [dreg:$0xa]  }
0x89: {  	p0 =	sne.s32 s3, s31  }
.Ltmp1:
0x8a: {  	_ = 	snop;
	(pc) =	sbr.rel @p0 .LBB2_1-.Ltmp1, $3  }
0x8b: {  	_ =	sdelay $0x1  }
0x8c: {  	[sflag:s0] =	ssyncset.done $0x0  }
0x8d: {  	[sflag:s0] =	ssyncadd.s32 $0xFFFFD880  }
0x8e: {  	_ =	sfence.sel $0x180000  }
0x8f: {  	[bflag:$0x0] =	sbarrier.arrive $0xFFFF  }
0x90: {  	_ =	strace $0x9000004A  }
0x91: {  	s0 =	stileid.u32;
	[bflag:$0x2] =	sbarrier.arrive $0xFFFF  }
0x92: {  	p0 =	sne.s32 s0, $0x0;
	s0 =	rddreg [dreg:$0x3]  }
0x93: {  	s0 =	sadd.s32 @!p0 $0x100000, s0  }
0x94: {  	[sflag:s0] =	ssyncadd.tile.s32 @!p0 $0x1;
	_ =	shalt  }
.Lfunc_end2:
_tile_overlayer_lowered:
.L_overlay_start_2:
0x95: {  	(tag) =	ssettag $0x2  }
0x96: {  	s0 =	rddreg [dreg:$0x0];
	s2 =	stileid.u32  }
0x97: {  	s1 =	rddreg [dreg:$0x1];
	p0 =	sne.s32 s2, $0x0  }
0x98: {  	s3 =	rddreg [dreg:$0x2];
	[bflag:$0x3] =	sbarrier.arrive $0xFFFF;
	s2 =	simm.s32 @!p0 $0x1C07  }
0x99: {  	[timem:s3], [sflag:s2] =	dma.local @!p0 [hbm:s0], s1  }
0x9a: {  	s0 =	simm.s32 @!p0 $0x7  }
0x9b: {  	_ =	swait.ge @!p0 [sflag:s0], s1  }
0x9c: {  	s1 =	ssub.s32 @!p0 $0x0, s1;
	[sflag:s0] =	ssyncset.done @!p0 $0x0  }
0x9d: {  	[sflag:s0] =	ssyncadd.s32 @!p0 s1  }
0x9e: {  	[bflag:$0x3] =	sbarrier.arrive $0xFFFF  }
0x9f: {  	_ =	shalt  }

// kernel: kernel.14.cloned.1.call-start
scs
__scs_entry_jumppad:
0x0: {  	(pc) =	sbr.rel $0x88, $3  }
0x1: {  	(tag) =	ssettag $0x0;
	lr =	simm.s32 $0x1  }
0x2: {  	[smem:$0x3F94] =	sst lr;
	_ =	strace $0xD0000000  }
0x3: {  	_ = 	snop  }
0x4: {  	_ = 	snop  }
0x5: {  	_ = 	snop  }
0x6: {  	_ = 	snop  }
0x7: {  	_ = 	snop  }
__scs_overlays_trampoline_lowered:
0x8: {  	[smem:$0x3FA3] =	sst s0  }
0x9: {  	[smem:$0x3FA4] =	sst s1  }
0xa: {  	[smem:$0x3FA5] =	sst s2  }
0xb: {  	[smem:$0x3FA6] =	sst s3  }
0xc: {  	[smem:$0x3FA7] =	sst s4  }
0xd: {  	[smem:$0x3FA8] =	sst s5  }
0xe: {  	[smem:$0x3FA9] =	sst s6  }
0xf: {  	[smem:$0x3FAA] =	sst s7  }
0x10: {  	[smem:$0x3FAB] =	sst s8  }
0x11: {  	[smem:$0x3FAC] =	sst s9;
	s0 =	simm.s32 @!p0 $0x0  }
0x12: {  	s1 =	sld [smem:$0x3F92];
	s0 =	simm.s32 @p0 $0x1  }
0x13: {  	[smem:$0x3FAD] =	sst s0;
	s0 =	simm.s32 @!p1 $0x0  }
0x14: {  	s2 =	sld [smem:$0x3F91];
	s0 =	simm.s32 @p1 $0x1  }
0x15: {  	[smem:$0x3FAE] =	sst s0;
	s0 =	simm.s32 @!p2 $0x0  }
0x16: {  	s3 =	sld [smem:$0x3FDB];
	s0 =	simm.s32 @p2 $0x1  }
0x17: {  	s4 =	simm.s32 $0x1BF5;
	[smem:$0x3FB0] =	sst s0  }
0x18: {  	s0 =	sld [smem:$0x3F93];
	_ =	swait.ge [sflag:s4], $0x0  }
0x19: {  	s7 =	sld [smem:$0x3F94]  }
0x1a: {  	s8 =	sadd.s32 $0xFFFFE003, lr  }
0x1b: {  	s9 =	sadd.s32 $0xFFFFFEF7, lr;
	s5 =	simm.s32 $0xFFFFFFFF;
	p2 =	slt.u32 s8, $0xFFFFF086  }
0x1c: {  	p1 =	slt.u32 s9, $0xF7A;
	s5 =	simm.s32 @!p2 $0x0  }
0x1d: {  	s5 =	simm.s32 @p1 $0x1;
	p0 =	seq.s32 s7, s2  }
0x1e: {  	s7 =	smul.u32 @!p0 $0xF7A, s2;
	p2 =	seq.s32 @!p0 s5, $0x0  }
0x1f: {  	s9 =	smul.u32 $0xF7A, s1;
	s8 =	simm.s32 @!p0 $0x1BF5;
	p2 =	por !p2, p0  }
0x20: {  	[sflag:s8] =	ssyncset.s32 @!p0 $0xFFFFF086;
	s6 =	sadd.s32 @!p0 s3, s7;
	s7 =	simm.s32 @!p0 $0x108  }
0x21: {  	s3 =	sadd.s32 s3, s9;
	s6 =	sadd.s32 @!p0 $0x88, s6;
	s7 =	simm.s32 @p2 $0x1082  }
0x22: {  	[simem:s7], [sflag:s8] =	dma.local @!p0 [hbm:s6], $0xF7A  }
0x23: {  	s9 =	sor.u32 $0xD0000000, s2;
	s6 =	simm.s32 $0x108;
	_ =	swait.ge @!p0 [sflag:s8], $0x0  }
0x24: {  	s3 =	sadd.s32 $0x88, s3;
	s6 =	simm.s32 @!p1 $0x1082;
	[sflag:s4] =	ssyncset.s32 $0xFFFFF086  }
0x25: {  	[simem:s6], [sflag:s4] =	dma.local [hbm:s3], $0xF7A  }
0x26: {  	[smem:$0x3F94] =	sst s1;
	(tag) =	ssettag s2;
	_ =	strace s9  }
0x27: {  	s1 =	sld [smem:$0x3FA4]  }
0x28: {  	s2 =	sld [smem:$0x3FA5]  }
0x29: {  	s4 =	sld [smem:$0x3FA7]  }
0x2a: {  	p0 =	seq.s32 s5, $0x0;
	s5 =	sld [smem:$0x3FA8]  }
0x2b: {  	s6 =	sld [smem:$0x3FA9]  }
0x2c: {  	s7 =	sld [smem:$0x3FAA]  }
0x2d: {  	s3 =	simm.s32 $0x108;
	s8 =	sld [smem:$0x3FAB]  }
0x2e: {  	s3 =	simm.s32 @!p0 $0x1082;
	s9 =	sld [smem:$0x3FAC]  }
0x2f: {  	lr =	sadd.s32 s0, s3;
	s0 =	sld [smem:$0x3FA3]  }
0x30: {  	s3 =	sld [smem:$0x3FA6]  }
0x31: {  	[smem:$0x3FAF] =	sst s10  }
0x32: {  	s10 =	sld [smem:$0x3FAD];
	_ =	sdelay $0x3  }
0x33: {  	p0 =	seq.s32 s10, $0x1;
	s10 =	sld [smem:$0x3FAF];
	_ =	sdelay $0x3  }
0x34: {  	[smem:$0x3FAF] =	sst s10  }
0x35: {  	s10 =	sld [smem:$0x3FAE];
	_ =	sdelay $0x3  }
0x36: {  	p1 =	seq.s32 s10, $0x1;
	s10 =	sld [smem:$0x3FAF];
	_ =	sdelay $0x3  }
0x37: {  	[smem:$0x3FAF] =	sst s10  }
0x38: {  	s10 =	sld [smem:$0x3FB0]  }
0x39: {  	_ = 	snop;
	(pc) =	sbr.ind lr, $3  }
0x3a: {  	_ = 	snop  }
0x3b: {  	_ = 	snop  }
0x3c: {  	p2 =	seq.s32 s10, $0x1;
	s10 =	sld [smem:$0x3FAF]  }
0x3d: {  	_ =	shalt  }
0x3e: {  	_ =	shalt  }
0x3f: {  	_ =	shalt  }
0x40: {  	_ =	shalt  }
0x41: {  	_ =	shalt  }
0x42: {  	_ =	shalt  }
0x43: {  	_ =	shalt  }
0x44: {  	_ =	shalt  }
0x45: {  	_ =	shalt  }
0x46: {  	_ =	shalt  }
0x47: {  	_ =	shalt  }
0x48: {  	_ =	shalt  }
0x49: {  	_ =	shalt  }
0x4a: {  	_ =	shalt  }
0x4b: {  	_ =	shalt  }
0x4c: {  	_ =	shalt  }
0x4d: {  	_ =	shalt  }
0x4e: {  	_ =	shalt  }
0x4f: {  	_ =	shalt  }
0x50: {  	_ =	shalt  }
0x51: {  	_ =	shalt  }
0x52: {  	_ =	shalt  }
0x53: {  	_ =	shalt  }
0x54: {  	_ =	shalt  }
0x55: {  	_ =	shalt  }
0x56: {  	_ =	shalt  }
0x57: {  	_ =	shalt  }
0x58: {  	_ =	shalt  }
0x59: {  	_ =	shalt  }
0x5a: {  	_ =	shalt  }
0x5b: {  	_ =	shalt  }
0x5c: {  	_ =	shalt  }
0x5d: {  	_ =	shalt  }
0x5e: {  	_ =	shalt  }
0x5f: {  	_ =	shalt  }
0x60: {  	_ =	shalt  }
0x61: {  	_ =	shalt  }
0x62: {  	_ =	shalt  }
0x63: {  	_ =	shalt  }
0x64: {  	_ =	shalt  }
0x65: {  	_ =	shalt  }
0x66: {  	_ =	shalt  }
0x67: {  	_ =	shalt  }
0x68: {  	_ =	shalt  }
0x69: {  	_ =	shalt  }
0x6a: {  	_ =	shalt  }
0x6b: {  	_ =	shalt  }
0x6c: {  	_ =	shalt  }
0x6d: {  	_ =	shalt  }
0x6e: {  	_ =	shalt  }
0x6f: {  	_ =	shalt  }
0x70: {  	_ =	shalt  }
0x71: {  	_ =	shalt  }
0x72: {  	_ =	shalt  }
0x73: {  	_ =	shalt  }
0x74: {  	_ =	shalt  }
0x75: {  	_ =	shalt  }
0x76: {  	_ =	shalt  }
0x77: {  	_ =	shalt  }
0x78: {  	_ =	shalt  }
0x79: {  	_ =	shalt  }
0x7a: {  	_ =	shalt  }
0x7b: {  	_ =	shalt  }
0x7c: {  	_ =	shalt  }
0x7d: {  	_ =	shalt  }
0x7e: {  	_ =	shalt  }
0x7f: {  	_ =	shalt  }
0x80: {  	_ =	shalt  }
0x81: {  	_ =	shalt  }
0x82: {  	_ =	shalt  }
0x83: {  	_ =	shalt  }
0x84: {  	_ =	shalt  }
0x85: {  	_ =	shalt  }
0x86: {  	_ =	shalt  }
0x87: {  	_ =	shalt  }
.Lfunc_end0:
.L_simem_size_0:
called_computation.2_lowered:
.L_overlay_start_0:
0x88: {  	s2 =	sld [smem:$0x3FD9]  }
0x89: {  	s3 =	sld [smem:$0x3FFE];
	_ =	sdelay $0x1  }
0x8a: {  	s1 =	srdreg.scid  }
0x8b: {  	s0 =	sand.u32 $0x1, s1  }
0x8c: {  	s17 =	sshll.u32 s0, $0xA;
	s2 =	sadd.s32 s3, s2  }
0x8d: {  	s2 =	sadd.s32 s2, s17  }
0x8e: {  	[smem:$0x3FBB] =	sst s2  }
0x8f: {  	_ = 	snop  }
0x90: {  	s2 =	sld [smem:$0x3FD0];
	(tm) =	ssettm $0x1  }
0x91: {  	s18 =	sld [smem:$0x3FFB];
	_ =	sdelay $0x3  }
0x92: {  	_ =	strace s18  }
0x93: {  	s3 =	sld [smem:$0x3FFC];
	_ =	sdelay $0x3  }
0x94: {  	_ =	strace s3  }
0x95: {  	s3 =	sld [smem:$0x3FFD];
	_ =	sdelay $0x3  }
0x96: {  	_ =	strace s3  }
0x97: {  	_ =	strace $0x8FFFFFFF  }
0x98: {  	s19 =	sld [smem:$0x3FDB];
	_ =	sdelay $0x1  }
0x99: {  	s4 =	simm.s32 $_scs_section_size  }
0x9a: {  	s5 =	simm.s32 $_size__tile_overlayer_lowered;
	s6 =	simm.s32 $_tile_overlayer_lowered  }
0x9b: {  	s22 =	simm.s32 $0x1BFF;
	s21 =	sshll.u32 s6, $0x1;
	s3 =	sadd.s32 s4, s19  }
0x9c: {  	s7 =	simm.s32 $0x0;
	s20 =	sshll.u32 s5, $0x1;
	s5 =	sadd.s32 s21, s3  }
0x9d: {  	[timem:s7], [sflag:s22] =	dma.local [hbm:s5], s20  }
0x9e: {  	_ =	swait.ge [sflag:s22], s20  }
0x9f: {  	s4 =	ssub.s32 $0x0, s20;
	[sflag:s22] =	ssyncset.done $0x0  }
0xa0: {  	[sflag:s22] =	ssyncadd.s32 s4;
	_ =	sdelay $0x1  }
0xa1: {  	s23 =	simm.s32 $0x1B8B  }
0xa2: {  	_ =	swait.ge [sflag:s23], $0x1  }
0xa3: {  	[sflag:s23] =	ssyncset.done $0x0  }
0xa4: {  	s25 =	simm.s32 $0x1B8E;
	s24 =	sld [smem:$0x3FFE];
	[sflag:s23] =	ssyncadd.s32 $0xFFFFFFFF  }
0xa5: {  	s26 =	simm.s32 $execute0_lowered;
	[smem:$0x3FD2] =	sst s25  }
0xa6: {  	s5 =	sshll.u32 s26, $0x1;
	_ =	strace $0x8000004C;
	[dreg:$0x1] =	wrdreg $0xFFFFFFFF  }
0xa7: {  	s28 =	simm.s32 $_size_execute0_lowered;
	s3 =	sadd.s32 s3, s5;
	[dreg:$0x0] =	wrdreg $0x0  }
0xa8: {  	s5 =	sshll.u32 s28, $0x1;
	[dreg:$0x2] =	wrdreg s3  }
0xa9: {  	[dreg:$0x3] =	wrdreg s5  }
0xaa: {  	[dreg:$0x4] =	wrdreg $0xC0  }
0xab: {  	_ =	task [dreg:s7], $0x5FFFF  }
0xac: {  	[dreg:$0x1] =	wrdreg $0xFFFFFFFF  }
0xad: {  	[dreg:$0x0] =	wrdreg $0x60  }
0xae: {  	[dreg:$0x2] =	wrdreg s24  }
0xaf: {  	[dreg:$0x3] =	wrdreg s2  }
0xb0: {  	[dreg:$0x4] =	wrdreg $0xC4000  }
0xb1: {  	[dreg:$0x5] =	wrdreg $0x9  }
0xb2: {  	_ =	task.clear_ibuf [dreg:s7], $0x6FFFF;
	_ =	strace $0x9000004C  }
0xb3: {  	s29 =	simm.s32 $0x9;
	_ =	strace $0x8000004E  }
0xb4: {  	_ =	swait.ge [sflag:s29], $0x1  }
0xb5: {  	[sflag:s29] =	ssyncadd.s32 $0xFFFFFFFF  }
0xb6: {  	_ =	strace $0x9000004E  }
0xb7: {  	_ =	sfence  }
0xb8: {  	s30 =	sld [smem:$0x0];
	_ =	sdelay $0x2  }
0xb9: {  	s31 =	sshll.u32 s1, $0xD;
	s1 =	sshrl.u32 s1, $0x2  }
0xba: {  	s3 =	sand.u32 $0x4000, s31;
	s1 =	sadd.s32 s1, s30  }
0xbb: {  	s0 =	sor.u32 s3, s0;
	s1 =	sshll.u32 s1, $0x11  }
0xbc: {  	s0 =	sor.u32 s1, s0  }
0xbd: {  	s0 =	sadd.s32 $0x8F2B, s0  }
0xbe: {  	[sflag:s0] =	ssyncadd.remote.s32 $0x1  }
0xbf: {  	_ =	sfence.sel $0xFFFF  }
0xc0: {  	[dreg:$0x0] =	wrdreg $0xFFFFFFFF;
	(pc) =	sbr.abs _section_cstart, $3  }
0xc1: {  	[dreg:$0x1] =	wrdreg $0xFFFFFFFF  }
0xc2: {  	_ =	task.clear_ibuf [dreg:s7], $0x2FFFF;
	_ =	strace $0x9FFFFFFF  }
0xc3: {  	(tm) =	ssettm $0x7FFFFFFF  }
tec
execute0_lowered:
.L_overlay_start_1:
0x0: {  	(tag) =	ssettag $0x1  }
0x1: {  	s0 =	rddreg [dreg:$0x0]  }
0x2: {  	s2 =	rddreg [dreg:$0x2];
	s1 =	srdreg.scid;
	s4 =	simm.s32 $0x0  }
0x3: {  	s10 =	stileid.u32;
	s16 =	simm.s32 $0x1;
	s18 =	simm.s32 $0x80  }
0x4: {  	s19 =	simm.s32 $0x400;
	s20 =	simm.s32 $0x200;
	s5 =	smul.u32 $0x13C00, s10  }
0x5: {  	s28 =	simm.s32 $0x3;
	s30 =	simm.s32 $0x4;
	s6 =	smul.u32 $0x9D00, s10  }
0x6: {  	s1 =	sand.u32 $0x1, s1;
	[smem:$0x7FF] =	sst s4;
	s8 =	smul.u32 $0x4F000, s10  }
0x7: {  	s9 =	sadd.s32 $0x67E00, s0;
	s11 =	sshll.u32 s10, $0x6;
	s25 =	smul.u32 $0x13A0, s10  }
0x8: {  	s3 =	smul.u32 $0x13C000, s1;
	_ =	strace $0x8000004D;
	s21 =	ssub.s32 $0x2, s1  }
0x9: {  	[dreg:$0x4] =	wrdreg s11;
	s23 =	sor.u32 $0x1C06, s11;
	p0 =	seq.s32 s1, $0x0  }
0xa: {  	s7 =	sshrl.u32 s21, $0x1;
	s6 =	sshrl.u32 s6, $0x3;
	s22 =	sshrl.u32 s8, $0x2  }
0xb: {  	[dreg:$0x5] =	wrdreg s23;
	s1 =	sadd.s32 s25, s9;
	s23 =	simm.s32 $0x8400  }
0xc: {  	s25 =	simm.s32 $0x2;
	s3 =	sadd.s32 s5, s3;
	s5 =	ssub.s32 s21, s7  }
0xd: {  	s6 =	sadd.s32 s9, s6;
	s8 =	sadd.s32 s22, s2;
	s7 =	simm.s32 $0x5200  }
0xe: {  	s21 =	simm.s32 $0x4400;
	s3 =	sshrl.u32 s3, $0x3;
	s24 =	sadd.s32 $0x20, s6  }
0xf: {  	s26 =	sadd.s32 $0x40, s6;
	s29 =	sadd.s32 $0x60, s6;
	[dreg:$0x6] =	wrdreg s24  }
0x10: {  	s7 =	simm.s32 @!p0 $0x2C400;
	s31 =	smax.u32 s5, $0x1;
	[dreg:$0x7] =	wrdreg s26  }
0x11: {  	s15 =	sshrl.u32 s8, $0x3;
	s3 =	sadd.s32 s3, s0;
	[dreg:$0x8] =	wrdreg s29  }
0x12: {  	[dreg:$0xa] =	wrdreg s31;
	s13 =	sadd.s32 s7, s0;
	s7 =	sadd.s32 $0x80, s1  }
0x13: {  	s24 =	simm.s32 $0x6;
	s26 =	simm.s32 $0x5;
	s3 =	sadd.s32 $0x7B800, s3  }
0x14: {  	s0 =	simm.s32 $0x7;
	[dreg:$0x9] =	wrdreg s3;
	s3 =	simm.s32 $0x0  }
.LBB2_1:
0x15: {  	[tilespmem:s4], [sflag:$0x1] =	stream.linear.gather [hbm4b:s6+s4], $0x100, $0x38;
	v63 =	vld [tilespmem:$0x0]  }
0x16: {  	s1 =	rddreg [dreg:$0x1]  }
0x17: {  	s5 =	rddreg [dreg:$0x5]  }
0x18: {  	[spmem:s15], [sflag:s5] =	dma.local [hbm:s1], $0x2780  }
0x19: {  	_ =	swait.ge [sflag:s16], $0x100  }
0x1a: {  	[sflag:s16] =	ssyncset.done $0x0  }
0x1b: {  	s9 =	simm.s32 $0x100;
	s8 =	rddreg [dreg:$0x6];
	[sflag:s16] =	ssyncadd.s32 $0xFFFFFF00  }
0x1c: {  	[tilespmem:s9], [sflag:$0x1] =	stream.linear.gather [hbm4b:s8+s4], $0x100, $0x38;
	v63 =	vld [tilespmem:$0x0]  }
0x1d: {  	_ = 	snop  }
0x1e: {  	[tilespmem:s19], [sflag:$0x2] =	stream.indirect.gather [hbm4b:s13+s18], $0x80, s4, s18, $0xb8;
	v63 =	vld [tilespmem:$0x0]  }
0x1f: {  	_ =	swait.ge [sflag:s16], $0x100  }
0x20: {  	[sflag:s16] =	ssyncset.done $0x0  }
0x21: {  	s10 =	rddreg [dreg:$0x7];
	[sflag:s16] =	ssyncadd.s32 $0xFFFFFF00  }
0x22: {  	[tilespmem:s20], [sflag:$0x1] =	stream.linear.gather [hbm4b:s10+s4], $0x100, $0x38;
	v63 =	vld [tilespmem:$0x0]  }
0x23: {  	_ = 	snop  }
0x24: {  	[tilespmem:s21], [sflag:$0x3] =	stream.indirect.gather [hbm4b:s13+s18], $0x80, s9, s18, $0xb8;
	v63 =	vld [tilespmem:$0x0]  }
0x25: {  	_ =	swait.ge [sflag:s16], $0x100  }
0x26: {  	s12 =	simm.s32 $0x300;
	[sflag:s16] =	ssyncset.done $0x0  }
0x27: {  	s14 =	simm.s32 $0x1;
	s11 =	rddreg [dreg:$0x8];
	[sflag:s16] =	ssyncadd.s32 $0xFFFFFF00  }
0x28: {  	[tilespmem:s12], [sflag:$0x1] =	stream.linear.gather [hbm4b:s11+s4], $0x100, $0x38;
	v63 =	vld [tilespmem:$0x0]  }
0x29: {  	s1 =	smul.u32 $0xAB, s14  }
0x2a: {  	[tilespmem:s23], [sflag:$0x4] =	stream.indirect.gather [hbm4b:s13+s18], $0x80, s20, s18, $0xb8;
	v63 =	vld [tilespmem:$0x0]  }
0x2b: {  	s1 =	sshrl.u32 s1, $0x9;
	_ =	swait.ge [sflag:s24], $0x2780  }
0x2c: {  	s1 =	sand.u32 $0x7F, s1;
	[sflag:s24] =	ssyncset.done $0x0  }
0x2d: {  	s1 =	smul.u32 $0x3, s1;
	[sflag:s24] =	ssyncadd.s32 $0xFFFFD880  }
0x2e: {  	s17 =	simm.s32 $0x1000;
	[bflag:$0x0] =	sbarrier.arrive $0xFFFF  }
0x2f: {  	s29 =	simm.s32 $0x4;
	s1 =	ssub.s32 $0x1, s1;
	_ =	swait.ge [sflag:s25], $0x4000  }
0x30: {  	s22 =	sadd.s32 $0x20, s7;
	s8 =	sand.u32 $0xFF, s1;
	[sflag:s25] =	ssyncset.done $0x0  }
0x31: {  	s10 =	sshll.u32 s8, $0xE;
	s8 =	sadd.s32 $0x2, s8;
	[sflag:s25] =	ssyncadd.s32 $0xFFFFC000  }
0x32: {  	[spmem:s2] =	stream.indirect.scatter.add.f32 [tilespmem:s19], [sflag:$0x5], $0x80, s18, s18, $0xb8;
	v63 =	vld [tilespmem:$0x0]  }
0x33: {  	s31 =	sand.u32 $0xC00, s17;
	s11 =	sand.u32 $0xFF, s28;
	_ =	swait.ge [sflag:s8], $0x4000  }
0x34: {  	s1 =	simm.s32 $0x1400;
	s11 =	smul.u32 $0xAB, s11;
	[sflag:s8] =	ssyncset.done $0x0  }
0x35: {  	s10 =	sor.u32 $0x400, s10;
	s9 =	simm.s32 $0x5;
	[sflag:s8] =	ssyncadd.s32 $0xFFFFC000  }
0x36: {  	s14 =	sshrl.u32 s11, $0x9;
	s8 =	simm.s32 $0x400;
	_ =	swait.ge [sflag:s26], $0x4000  }
0x37: {  	s5 =	sand.u32 $0xC00, s8;
	s8 =	smul.u32 $0x3, s14;
	[sflag:s26] =	ssyncset.done $0x0  }
0x38: {  	s12 =	simm.s32 $0xC00;
	s5 =	sshrl.u32 s5, $0x2;
	[sflag:s26] =	ssyncadd.s32 $0xFFFFC000  }
0x39: {  	s5 =	sor.u32 $0x80, s5;
	s17 =	ssub.s32 $0x3, s8;
	s8 =	simm.s32 $0x2  }
0x3a: {  	[spmem:s2] =	stream.indirect.scatter.add.f32 [tilespmem:s10], [sflag:$0x5], $0x80, s5, s18, $0xb8;
	v63 =	vld [tilespmem:$0x0]  }
0x3b: {  	s14 =	sand.u32 $0xFF, s17;
	s10 =	smul.u32 $0xAB, s8;
	s17 =	sand.u32 $0xC00, s12  }
0x3c: {  	_ =	swait.ge [sflag:s16], $0x100;
	s11 =	sshll.u32 s14, $0xE;
	s12 =	sadd.s32 $0x2, s14  }
0x3d: {  	s14 =	smov.u32 s7;
	[sflag:s16] =	ssyncset.done $0x0;
	s5 =	sor.u32 $0x400, s11  }
0x3e: {  	s10 =	sshrl.u32 s10, $0x9;
	s11 =	sshrl.u32 s17, $0x2;
	[sflag:s16] =	ssyncadd.s32 $0xFFFFFF00  }
.LBB2_2:
0x3f: {  	[tilespmem:s5], [sflag:s12] =	stream.indirect.gather [hbm4b:s13+s18], $0x80, s11, s18, $0xb8;
	v63 =	vld [tilespmem:$0x0]  }
0x40: {  	s5 =	smov.u32 s29;
	s29 =	smov.u32 s9;
	s11 =	smov.u32 s1  }
0x41: {  	s17 =	sadd.s32 $0x1, s9;
	s10 =	sand.u32 $0x7F, s10;
	s12 =	sshrl.u32 s31, $0x2  }
0x42: {  	p0 =	sne.s32 s9, $0x9B;
	s9 =	smul.u32 $0x3, s10  }
0x43: {  	[tilespmem:s12], [sflag:$0x1] =	stream.linear.gather [hbm4b:s14+s4], $0x100, $0x38;
	v63 =	vld [tilespmem:$0x0]  }
0x44: {  	s8 =	ssub.s32 s8, s9;
	s14 =	smov.u32 s22  }
0x45: {  	s1 =	sadd.s32 $0x400, s1;
	s8 =	sand.u32 $0xFF, s8  }
0x46: {  	s10 =	sand.u32 $0xFF, s5;
	s9 =	sshll.u32 s8, $0xE;
	s8 =	sadd.s32 $0x2, s8  }
0x47: {  	s10 =	smul.u32 $0xAB, s10;
	s22 =	sadd.s32 $0x20, s22;
	_ =	swait.ge [sflag:s8], $0x4000  }
0x48: {  	s31 =	sand.u32 $0xC00, s11;
	s12 =	sadd.s32 $0xFFFFFC00, s11;
	[sflag:s8] =	ssyncset.done $0x0  }
0x49: {  	s10 =	sshrl.u32 s10, $0x9;
	[sflag:s8] =	ssyncadd.s32 $0xFFFFC000;
	s8 =	sadd.s32 $0xFFFFF400, s11  }
0x4a: {  	s10 =	smul.u32 $0x3, s10;
	_ =	swait.ge [sflag:s26], $0x4000;
	s8 =	sand.u32 $0xC00, s8  }
0x4b: {  	s9 =	sor.u32 $0x400, s9;
	[sflag:s26] =	ssyncset.done $0x0;
	s8 =	sshrl.u32 s8, $0x2  }
0x4c: {  	s5 =	ssub.s32 s5, s10;
	[sflag:s26] =	ssyncadd.s32 $0xFFFFC000;
	s8 =	sor.u32 $0x80, s8  }
0x4d: {  	[spmem:s2] =	stream.indirect.scatter.add.f32 [tilespmem:s9], [sflag:$0x5], $0x80, s8, s18, $0xb8;
	v63 =	vld [tilespmem:$0x0]  }
.Ltmp0:
0x4e: {  	s11 =	sand.u32 $0xC00, s12;
	(pc) =	sbr.rel @p0 .LBB2_2-.Ltmp0, $4  }
0x4f: {  	s8 =	sadd.s32 $0xFFFFFFFE, s29;
	s9 =	sand.u32 $0xFF, s5;
	_ =	swait.ge [sflag:s16], $0x100  }
0x50: {  	s10 =	smul.u32 $0xAB, s8;
	s5 =	sshll.u32 s9, $0xE;
	[sflag:s16] =	ssyncset.done $0x0  }
0x51: {  	s11 =	sshrl.u32 s11, $0x2;
	s5 =	sor.u32 $0x400, s5;
	[sflag:s16] =	ssyncadd.s32 $0xFFFFFF00  }
0x52: {  	s12 =	sadd.s32 $0x2, s9;
	s9 =	smov.u32 s17;
	s10 =	sshrl.u32 s10, $0x9  }
0x53: {  	[tilespmem:s5], [sflag:s12] =	stream.indirect.gather [hbm4b:s13+s18], $0x80, s11, s18, $0xb8;
	v63 =	vld [tilespmem:$0x0]  }
0x54: {  	s12 =	sand.u32 $0x7F, s10  }
0x55: {  	s9 =	sshrl.u32 s31, $0x2;
	s5 =	smul.u32 $0x3, s12  }
0x56: {  	[tilespmem:s9], [sflag:$0x1] =	stream.linear.gather [hbm4b:s14+s4], $0x100, $0x38;
	v63 =	vld [tilespmem:$0x0]  }
0x57: {  	s5 =	ssub.s32 s8, s5  }
0x58: {  	s5 =	sand.u32 $0xFF, s5  }
0x59: {  	s17 =	sand.u32 $0xFF, s29;
	s14 =	sadd.s32 $0x2, s5  }
0x5a: {  	s31 =	sadd.s32 $0xFFFFF400, s1;
	s9 =	smul.u32 $0xAB, s17;
	_ =	swait.ge [sflag:s14], $0x4000  }
0x5b: {  	s10 =	sadd.s32 $0xFFFFFC00, s1;
	s12 =	sand.u32 $0xC00, s1;
	[sflag:s14] =	ssyncset.done $0x0  }
0x5c: {  	s8 =	sand.u32 $0xC00, s31;
	s9 =	sshrl.u32 s9, $0x9;
	[sflag:s14] =	ssyncadd.s32 $0xFFFFC000  }
0x5d: {  	s8 =	sshrl.u32 s8, $0x2;
	s9 =	smul.u32 $0x3, s9;
	_ =	swait.ge [sflag:s26], $0x4000  }
0x5e: {  	s5 =	sshll.u32 s5, $0xE;
	s8 =	sor.u32 $0x80, s8;
	[sflag:s26] =	ssyncset.done $0x0  }
0x5f: {  	s5 =	sor.u32 $0x400, s5;
	s9 =	ssub.s32 s29, s9;
	[sflag:s26] =	ssyncadd.s32 $0xFFFFC000  }
0x60: {  	[spmem:s2] =	stream.indirect.scatter.add.f32 [tilespmem:s5], [sflag:$0x5], $0x80, s8, s18, $0xb8;
	v63 =	vld [tilespmem:$0x0]  }
0x61: {  	s5 =	sand.u32 $0xFF, s9;
	s8 =	sand.u32 $0xC00, s10;
	_ =	swait.ge [sflag:s16], $0x100  }
0x62: {  	s11 =	sshll.u32 s5, $0xE;
	s8 =	sshrl.u32 s8, $0x2;
	[sflag:s16] =	ssyncset.done $0x0  }
0x63: {  	s5 =	sadd.s32 $0x2, s5;
	s9 =	sor.u32 $0x400, s11;
	[sflag:s16] =	ssyncadd.s32 $0xFFFFFF00  }
0x64: {  	[tilespmem:s9], [sflag:s5] =	stream.indirect.gather [hbm4b:s13+s18], $0x80, s8, s18, $0xb8;
	v63 =	vld [tilespmem:$0x0]  }
0x65: {  	s1 =	sshrl.u32 s12, $0x2  }
0x66: {  	[tilespmem:s1], [sflag:$0x1] =	stream.linear.gather [hbm4b:s22+s4], $0x100, $0x38;
	v63 =	vld [tilespmem:$0x0]  }
0x67: {  	_ =	swait.ge [sflag:s28], $0x4000  }
0x68: {  	[sflag:s28] =	ssyncset.done $0x0  }
0x69: {  	[sflag:s28] =	ssyncadd.s32 $0xFFFFC000  }
0x6a: {  	_ =	swait.ge [sflag:s26], $0x4000  }
0x6b: {  	[sflag:s26] =	ssyncset.done $0x0  }
0x6c: {  	s14 =	simm.s32 $0x280;
	[sflag:s26] =	ssyncadd.s32 $0xFFFFC000  }
0x6d: {  	[spmem:s2] =	stream.indirect.scatter.add.f32 [tilespmem:s21], [sflag:$0x5], $0x80, s14, s18, $0xb8;
	v63 =	vld [tilespmem:$0x0]  }
0x6e: {  	_ =	swait.ge [sflag:s16], $0x100  }
0x6f: {  	[sflag:s16] =	ssyncset.done $0x0  }
0x70: {  	[sflag:s16] =	ssyncadd.s32 $0xFFFFFF00  }
0x71: {  	[tilespmem:s19], [sflag:$0x2] =	stream.indirect.gather [hbm4b:s13+s18], $0x80, s4, s18, $0xb8;
	v63 =	vld [tilespmem:$0x0]  }
0x72: {  	_ =	swait.ge [sflag:s30], $0x4000  }
0x73: {  	[sflag:s30] =	ssyncset.done $0x0  }
0x74: {  	[sflag:s30] =	ssyncadd.s32 $0xFFFFC000  }
0x75: {  	_ =	swait.ge [sflag:s26], $0x4000  }
0x76: {  	[sflag:s26] =	ssyncset.done $0x0  }
0x77: {  	s17 =	simm.s32 $0x380;
	[sflag:s26] =	ssyncadd.s32 $0xFFFFC000  }
0x78: {  	[spmem:s2] =	stream.indirect.scatter.add.f32 [tilespmem:s23], [sflag:$0x5], $0x80, s17, s18, $0xb8;
	v63 =	vld [tilespmem:$0x0]  }
0x79: {  	_ =	swait.ge [sflag:s25], $0x4000  }
0x7a: {  	[sflag:s25] =	ssyncset.done $0x0  }
0x7b: {  	[sflag:s25] =	ssyncadd.s32 $0xFFFFC000  }
0x7c: {  	_ =	swait.ge [sflag:s26], $0x4000  }
0x7d: {  	[sflag:s26] =	ssyncset.done $0x0  }
0x7e: {  	[sflag:s26] =	ssyncadd.s32 $0xFFFFC000  }
0x7f: {  	[spmem:s2] =	stream.indirect.scatter.add.f32 [tilespmem:s19], [sflag:$0x5], $0x80, s18, s18, $0xb8;
	v63 =	vld [tilespmem:$0x0]  }
0x80: {  	_ =	swait.ge [sflag:s26], $0x4000  }
0x81: {  	[sflag:s26] =	ssyncset.done $0x0  }
0x82: {  	[sflag:s26] =	ssyncadd.s32 $0xFFFFC000  }
0x83: {  	[bflag:$0x0] =	sbarrier.arrive $0xFFFF  }
0x84: {  	s22 =	rddreg [dreg:$0x4]  }
0x85: {  	s29 =	rddreg [dreg:$0x9];
	s1 =	sor.u32 $0x1C07, s22  }
0x86: {  	[hbm:s29], [sflag:s1] =	dma.local [spmem:s15], $0x2780  }
0x87: {  	_ =	swait.ge [sflag:s0], $0x2780  }
0x88: {  	s3 =	sadd.s32 $0x1, s3;
	s31 =	rddreg [dreg:$0xa]  }
0x89: {  	p0 =	sne.s32 s3, s31  }
.Ltmp1:
0x8a: {  	_ = 	snop;
	(pc) =	sbr.rel @p0 .LBB2_1-.Ltmp1, $3  }
0x8b: {  	_ =	sdelay $0x1  }
0x8c: {  	[sflag:s0] =	ssyncset.done $0x0  }
0x8d: {  	[sflag:s0] =	ssyncadd.s32 $0xFFFFD880  }
0x8e: {  	_ =	sfence.sel $0x180000  }
0x8f: {  	[bflag:$0x0] =	sbarrier.arrive $0xFFFF  }
0x90: {  	_ =	strace $0x9000004D  }
0x91: {  	s0 =	stileid.u32;
	[bflag:$0x2] =	sbarrier.arrive $0xFFFF  }
0x92: {  	p0 =	sne.s32 s0, $0x0;
	s0 =	rddreg [dreg:$0x3]  }
0x93: {  	s0 =	sadd.s32 @!p0 $0x100000, s0  }
0x94: {  	[sflag:s0] =	ssyncadd.tile.s32 @!p0 $0x1;
	_ =	shalt  }
.Lfunc_end2:
_tile_overlayer_lowered:
.L_overlay_start_2:
0x95: {  	(tag) =	ssettag $0x2  }
0x96: {  	s0 =	rddreg [dreg:$0x0];
	s2 =	stileid.u32  }
0x97: {  	s1 =	rddreg [dreg:$0x1];
	p0 =	sne.s32 s2, $0x0  }
0x98: {  	s3 =	rddreg [dreg:$0x2];
	[bflag:$0x3] =	sbarrier.arrive $0xFFFF;
	s2 =	simm.s32 @!p0 $0x1C07  }
0x99: {  	[timem:s3], [sflag:s2] =	dma.local @!p0 [hbm:s0], s1  }
0x9a: {  	s0 =	simm.s32 @!p0 $0x7  }
0x9b: {  	_ =	swait.ge @!p0 [sflag:s0], s1  }
0x9c: {  	s1 =	ssub.s32 @!p0 $0x0, s1;
	[sflag:s0] =	ssyncset.done @!p0 $0x0  }
0x9d: {  	[sflag:s0] =	ssyncadd.s32 @!p0 s1  }
0x9e: {  	[bflag:$0x3] =	sbarrier.arrive $0xFFFF  }
0x9f: {  	_ =	shalt  }

// kernel: kernel.8.cloned.1.call-start
scs
__scs_entry_jumppad:
0x0: {  	(pc) =	sbr.rel $0x88, $3  }
0x1: {  	(tag) =	ssettag $0x0;
	lr =	simm.s32 $0x1  }
0x2: {  	[smem:$0x3F94] =	sst lr;
	_ =	strace $0xD0000000  }
0x3: {  	_ = 	snop  }
0x4: {  	_ = 	snop  }
0x5: {  	_ = 	snop  }
0x6: {  	_ = 	snop  }
0x7: {  	_ = 	snop  }
__scs_overlays_trampoline_lowered:
0x8: {  	[smem:$0x3FA3] =	sst s0  }
0x9: {  	[smem:$0x3FA4] =	sst s1  }
0xa: {  	[smem:$0x3FA5] =	sst s2  }
0xb: {  	[smem:$0x3FA6] =	sst s3  }
0xc: {  	[smem:$0x3FA7] =	sst s4  }
0xd: {  	[smem:$0x3FA8] =	sst s5  }
0xe: {  	[smem:$0x3FA9] =	sst s6  }
0xf: {  	[smem:$0x3FAA] =	sst s7  }
0x10: {  	[smem:$0x3FAB] =	sst s8  }
0x11: {  	[smem:$0x3FAC] =	sst s9;
	s0 =	simm.s32 @!p0 $0x0  }
0x12: {  	s1 =	sld [smem:$0x3F92];
	s0 =	simm.s32 @p0 $0x1  }
0x13: {  	[smem:$0x3FAD] =	sst s0;
	s0 =	simm.s32 @!p1 $0x0  }
0x14: {  	s2 =	sld [smem:$0x3F91];
	s0 =	simm.s32 @p1 $0x1  }
0x15: {  	[smem:$0x3FAE] =	sst s0;
	s0 =	simm.s32 @!p2 $0x0  }
0x16: {  	s3 =	sld [smem:$0x3FDB];
	s0 =	simm.s32 @p2 $0x1  }
0x17: {  	s4 =	simm.s32 $0x1BF5;
	[smem:$0x3FB0] =	sst s0  }
0x18: {  	s0 =	sld [smem:$0x3F93];
	_ =	swait.ge [sflag:s4], $0x0  }
0x19: {  	s7 =	sld [smem:$0x3F94]  }
0x1a: {  	s8 =	sadd.s32 $0xFFFFE003, lr  }
0x1b: {  	s9 =	sadd.s32 $0xFFFFFEF7, lr;
	s5 =	simm.s32 $0xFFFFFFFF;
	p2 =	slt.u32 s8, $0xFFFFF086  }
0x1c: {  	p1 =	slt.u32 s9, $0xF7A;
	s5 =	simm.s32 @!p2 $0x0  }
0x1d: {  	s5 =	simm.s32 @p1 $0x1;
	p0 =	seq.s32 s7, s2  }
0x1e: {  	s7 =	smul.u32 @!p0 $0xF7A, s2;
	p2 =	seq.s32 @!p0 s5, $0x0  }
0x1f: {  	s9 =	smul.u32 $0xF7A, s1;
	s8 =	simm.s32 @!p0 $0x1BF5;
	p2 =	por !p2, p0  }
0x20: {  	[sflag:s8] =	ssyncset.s32 @!p0 $0xFFFFF086;
	s6 =	sadd.s32 @!p0 s3, s7;
	s7 =	simm.s32 @!p0 $0x108  }
0x21: {  	s3 =	sadd.s32 s3, s9;
	s6 =	sadd.s32 @!p0 $0x88, s6;
	s7 =	simm.s32 @p2 $0x1082  }
0x22: {  	[simem:s7], [sflag:s8] =	dma.local @!p0 [hbm:s6], $0xF7A  }
0x23: {  	s9 =	sor.u32 $0xD0000000, s2;
	s6 =	simm.s32 $0x108;
	_ =	swait.ge @!p0 [sflag:s8], $0x0  }
0x24: {  	s3 =	sadd.s32 $0x88, s3;
	s6 =	simm.s32 @!p1 $0x1082;
	[sflag:s4] =	ssyncset.s32 $0xFFFFF086  }
0x25: {  	[simem:s6], [sflag:s4] =	dma.local [hbm:s3], $0xF7A  }
0x26: {  	[smem:$0x3F94] =	sst s1;
	(tag) =	ssettag s2;
	_ =	strace s9  }
0x27: {  	s1 =	sld [smem:$0x3FA4]  }
0x28: {  	s2 =	sld [smem:$0x3FA5]  }
0x29: {  	s4 =	sld [smem:$0x3FA7]  }
0x2a: {  	p0 =	seq.s32 s5, $0x0;
	s5 =	sld [smem:$0x3FA8]  }
0x2b: {  	s6 =	sld [smem:$0x3FA9]  }
0x2c: {  	s7 =	sld [smem:$0x3FAA]  }
0x2d: {  	s3 =	simm.s32 $0x108;
	s8 =	sld [smem:$0x3FAB]  }
0x2e: {  	s3 =	simm.s32 @!p0 $0x1082;
	s9 =	sld [smem:$0x3FAC]  }
0x2f: {  	lr =	sadd.s32 s0, s3;
	s0 =	sld [smem:$0x3FA3]  }
0x30: {  	s3 =	sld [smem:$0x3FA6]  }
0x31: {  	[smem:$0x3FAF] =	sst s10  }
0x32: {  	s10 =	sld [smem:$0x3FAD];
	_ =	sdelay $0x3  }
0x33: {  	p0 =	seq.s32 s10, $0x1;
	s10 =	sld [smem:$0x3FAF];
	_ =	sdelay $0x3  }
0x34: {  	[smem:$0x3FAF] =	sst s10  }
0x35: {  	s10 =	sld [smem:$0x3FAE];
	_ =	sdelay $0x3  }
0x36: {  	p1 =	seq.s32 s10, $0x1;
	s10 =	sld [smem:$0x3FAF];
	_ =	sdelay $0x3  }
0x37: {  	[smem:$0x3FAF] =	sst s10  }
0x38: {  	s10 =	sld [smem:$0x3FB0]  }
0x39: {  	_ = 	snop;
	(pc) =	sbr.ind lr, $3  }
0x3a: {  	_ = 	snop  }
0x3b: {  	_ = 	snop  }
0x3c: {  	p2 =	seq.s32 s10, $0x1;
	s10 =	sld [smem:$0x3FAF]  }
0x3d: {  	_ =	shalt  }
0x3e: {  	_ =	shalt  }
0x3f: {  	_ =	shalt  }
0x40: {  	_ =	shalt  }
0x41: {  	_ =	shalt  }
0x42: {  	_ =	shalt  }
0x43: {  	_ =	shalt  }
0x44: {  	_ =	shalt  }
0x45: {  	_ =	shalt  }
0x46: {  	_ =	shalt  }
0x47: {  	_ =	shalt  }
0x48: {  	_ =	shalt  }
0x49: {  	_ =	shalt  }
0x4a: {  	_ =	shalt  }
0x4b: {  	_ =	shalt  }
0x4c: {  	_ =	shalt  }
0x4d: {  	_ =	shalt  }
0x4e: {  	_ =	shalt  }
0x4f: {  	_ =	shalt  }
0x50: {  	_ =	shalt  }
0x51: {  	_ =	shalt  }
0x52: {  	_ =	shalt  }
0x53: {  	_ =	shalt  }
0x54: {  	_ =	shalt  }
0x55: {  	_ =	shalt  }
0x56: {  	_ =	shalt  }
0x57: {  	_ =	shalt  }
0x58: {  	_ =	shalt  }
0x59: {  	_ =	shalt  }
0x5a: {  	_ =	shalt  }
0x5b: {  	_ =	shalt  }
0x5c: {  	_ =	shalt  }
0x5d: {  	_ =	shalt  }
0x5e: {  	_ =	shalt  }
0x5f: {  	_ =	shalt  }
0x60: {  	_ =	shalt  }
0x61: {  	_ =	shalt  }
0x62: {  	_ =	shalt  }
0x63: {  	_ =	shalt  }
0x64: {  	_ =	shalt  }
0x65: {  	_ =	shalt  }
0x66: {  	_ =	shalt  }
0x67: {  	_ =	shalt  }
0x68: {  	_ =	shalt  }
0x69: {  	_ =	shalt  }
0x6a: {  	_ =	shalt  }
0x6b: {  	_ =	shalt  }
0x6c: {  	_ =	shalt  }
0x6d: {  	_ =	shalt  }
0x6e: {  	_ =	shalt  }
0x6f: {  	_ =	shalt  }
0x70: {  	_ =	shalt  }
0x71: {  	_ =	shalt  }
0x72: {  	_ =	shalt  }
0x73: {  	_ =	shalt  }
0x74: {  	_ =	shalt  }
0x75: {  	_ =	shalt  }
0x76: {  	_ =	shalt  }
0x77: {  	_ =	shalt  }
0x78: {  	_ =	shalt  }
0x79: {  	_ =	shalt  }
0x7a: {  	_ =	shalt  }
0x7b: {  	_ =	shalt  }
0x7c: {  	_ =	shalt  }
0x7d: {  	_ =	shalt  }
0x7e: {  	_ =	shalt  }
0x7f: {  	_ =	shalt  }
0x80: {  	_ =	shalt  }
0x81: {  	_ =	shalt  }
0x82: {  	_ =	shalt  }
0x83: {  	_ =	shalt  }
0x84: {  	_ =	shalt  }
0x85: {  	_ =	shalt  }
0x86: {  	_ =	shalt  }
0x87: {  	_ =	shalt  }
.Lfunc_end0:
.L_simem_size_0:
called_computation_lowered:
.L_overlay_start_0:
0x88: {  	s2 =	sld [smem:$0x3FD9]  }
0x89: {  	s3 =	sld [smem:$0x3FFE];
	_ =	sdelay $0x1  }
0x8a: {  	s1 =	srdreg.scid  }
0x8b: {  	s0 =	sand.u32 $0x1, s1  }
0x8c: {  	s17 =	sshll.u32 s0, $0xA;
	s2 =	sadd.s32 s3, s2  }
0x8d: {  	s2 =	sadd.s32 s2, s17  }
0x8e: {  	[smem:$0x3FBB] =	sst s2  }
0x8f: {  	_ = 	snop  }
0x90: {  	s2 =	sld [smem:$0x3FC9]  }
0x91: {  	s18 =	sld [smem:$0x3FD0];
	(tm) =	ssettm $0x1  }
0x92: {  	s4 =	sld [smem:$0x3FFB];
	_ =	sdelay $0x3  }
0x93: {  	_ =	strace s4  }
0x94: {  	s4 =	sld [smem:$0x3FFC];
	_ =	sdelay $0x3  }
0x95: {  	_ =	strace s4  }
0x96: {  	s4 =	sld [smem:$0x3FFD];
	_ =	sdelay $0x3  }
0x97: {  	_ =	strace s4  }
0x98: {  	_ =	strace $0x8FFFFFFF  }
0x99: {  	s19 =	sld [smem:$0x3FDB];
	_ =	sdelay $0x1  }
0x9a: {  	s5 =	simm.s32 $_scs_section_size  }
0x9b: {  	s6 =	simm.s32 $_size__tile_overlayer_lowered;
	s7 =	simm.s32 $_tile_overlayer_lowered  }
0x9c: {  	s22 =	simm.s32 $0x1BFF;
	s21 =	sshll.u32 s7, $0x1;
	s4 =	sadd.s32 s5, s19  }
0x9d: {  	s8 =	simm.s32 $0x0;
	s20 =	sshll.u32 s6, $0x1;
	s6 =	sadd.s32 s21, s4  }
0x9e: {  	[timem:s8], [sflag:s22] =	dma.local [hbm:s6], s20  }
0x9f: {  	_ =	swait.ge [sflag:s22], s20  }
0xa0: {  	s5 =	ssub.s32 $0x0, s20;
	[sflag:s22] =	ssyncset.done $0x0  }
0xa1: {  	[sflag:s22] =	ssyncadd.s32 s5;
	_ =	sdelay $0x1  }
0xa2: {  	s23 =	simm.s32 $0x1B8B  }
0xa3: {  	_ =	swait.ge [sflag:s23], $0x1  }
0xa4: {  	[sflag:s23] =	ssyncset.done $0x0  }
0xa5: {  	s25 =	simm.s32 $0x1B8E;
	s24 =	sld [smem:$0x3FFE];
	[sflag:s23] =	ssyncadd.s32 $0xFFFFFFFF  }
0xa6: {  	s26 =	simm.s32 $execute0_lowered;
	[smem:$0x3FD2] =	sst s25  }
0xa7: {  	s6 =	sshll.u32 s26, $0x1;
	_ =	strace $0x80000046;
	[dreg:$0x1] =	wrdreg $0xFFFFFFFF  }
0xa8: {  	s28 =	simm.s32 $_size_execute0_lowered;
	s4 =	sadd.s32 s4, s6;
	[dreg:$0x0] =	wrdreg $0x0  }
0xa9: {  	s6 =	sshll.u32 s28, $0x1;
	[dreg:$0x2] =	wrdreg s4  }
0xaa: {  	[dreg:$0x3] =	wrdreg s6  }
0xab: {  	[dreg:$0x4] =	wrdreg $0xC0  }
0xac: {  	_ =	task [dreg:s8], $0x5FFFF  }
0xad: {  	[dreg:$0x1] =	wrdreg $0xFFFFFFFF  }
0xae: {  	[dreg:$0x0] =	wrdreg $0x60  }
0xaf: {  	[dreg:$0x2] =	wrdreg s24  }
0xb0: {  	[dreg:$0x3] =	wrdreg s2  }
0xb1: {  	[dreg:$0x4] =	wrdreg s18  }
0xb2: {  	[dreg:$0x5] =	wrdreg $0xC4000  }
0xb3: {  	[dreg:$0x6] =	wrdreg $0x9  }
0xb4: {  	_ =	task.clear_ibuf [dreg:s8], $0x7FFFF;
	_ =	strace $0x90000046  }
0xb5: {  	s29 =	simm.s32 $0x9;
	_ =	strace $0x80000048  }
0xb6: {  	_ =	swait.ge [sflag:s29], $0x1  }
0xb7: {  	[sflag:s29] =	ssyncadd.s32 $0xFFFFFFFF  }
0xb8: {  	_ =	strace $0x90000048  }
0xb9: {  	_ =	sfence  }
0xba: {  	s30 =	sld [smem:$0x0];
	_ =	sdelay $0x2  }
0xbb: {  	s31 =	sshll.u32 s1, $0xD;
	s1 =	sshrl.u32 s1, $0x2  }
0xbc: {  	s3 =	sand.u32 $0x4000, s31;
	s1 =	sadd.s32 s1, s30  }
0xbd: {  	s0 =	sor.u32 s3, s0;
	s1 =	sshll.u32 s1, $0x11  }
0xbe: {  	s0 =	sor.u32 s1, s0  }
0xbf: {  	s0 =	sadd.s32 $0x8F2B, s0  }
0xc0: {  	[sflag:s0] =	ssyncadd.remote.s32 $0x1  }
0xc1: {  	_ =	sfence.sel $0xFFFF  }
0xc2: {  	[dreg:$0x0] =	wrdreg $0xFFFFFFFF;
	(pc) =	sbr.abs _section_cstart, $3  }
0xc3: {  	[dreg:$0x1] =	wrdreg $0xFFFFFFFF  }
0xc4: {  	_ =	task.clear_ibuf [dreg:s8], $0x2FFFF;
	_ =	strace $0x9FFFFFFF  }
0xc5: {  	(tm) =	ssettm $0x7FFFFFFF  }
tec
execute0_lowered:
.L_overlay_start_1:
0x0: {  	(tag) =	ssettag $0x1  }
0x1: {  	s0 =	rddreg [dreg:$0x0]  }
0x2: {  	s1 =	rddreg [dreg:$0x1]  }
0x3: {  	s3 =	rddreg [dreg:$0x3]  }
0x4: {  	s2 =	srdreg.scid;
	s5 =	simm.s32 $0x0;
	s11 =	stileid.u32  }
0x5: {  	s16 =	simm.s32 $0x1;
	s28 =	simm.s32 $0x3;
	s6 =	smul.u32 $0x13C00, s11  }
0x6: {  	s29 =	simm.s32 $0x4;
	s2 =	sand.u32 $0x1, s2;
	s18 =	smul.u32 $0x4F00, s11  }
0x7: {  	[smem:$0x7FF] =	sst s5;
	s8 =	sadd.s32 $0x5200, s0;
	s9 =	smul.u32 $0x4F000, s11  }
0x8: {  	s23 =	sshll.u32 s11, $0x6;
	s4 =	smul.u32 $0x13C000, s2;
	_ =	strace $0x80000047  }
0x9: {  	s7 =	smul.u32 $0x4F000, s2;
	s2 =	ssub.s32 $0x2, s2;
	[dreg:$0x5] =	wrdreg s23  }
0xa: {  	s19 =	sshrl.u32 s2, $0x1;
	s21 =	sshrl.u32 s9, $0x2;
	s4 =	sadd.s32 s6, s4  }
0xb: {  	s10 =	sadd.s32 s18, s7;
	s2 =	ssub.s32 s2, s19;
	s22 =	sadd.s32 s21, s3  }
0xc: {  	s7 =	sor.u32 $0x1C06, s23;
	s18 =	simm.s32 $0x80;
	s19 =	simm.s32 $0x400  }
0xd: {  	s4 =	sshrl.u32 s4, $0x3;
	s20 =	sshrl.u32 s10, $0x3;
	[dreg:$0x6] =	wrdreg s7  }
0xe: {  	s25 =	sadd.s32 $0x400, s10;
	s31 =	smax.u32 s2, $0x1;
	s15 =	sshrl.u32 s22, $0x3  }
0xf: {  	s10 =	simm.s32 $0x8400;
	s0 =	sadd.s32 s4, s0;
	s6 =	sadd.s32 s8, s20  }
0x10: {  	s9 =	sshrl.u32 s25, $0x3;
	[dreg:$0xb] =	wrdreg s31;
	s24 =	sadd.s32 $0x20, s6  }
0x11: {  	s20 =	simm.s32 $0x200;
	s26 =	sadd.s32 $0x40, s6;
	[dreg:$0x7] =	wrdreg s24  }
0x12: {  	s25 =	simm.s32 $0x2;
	s30 =	sadd.s32 $0x60, s6;
	[dreg:$0x8] =	wrdreg s26  }
0x13: {  	s4 =	simm.s32 $0x0;
	s0 =	sadd.s32 $0x18E00, s0;
	[dreg:$0x9] =	wrdreg s30  }
0x14: {  	s9 =	sadd.s32 s9, s8;
	s8 =	simm.s32 $0x4400;
	[dreg:$0xa] =	wrdreg s0  }
0x15: {  	s24 =	simm.s32 $0x6;
	s26 =	simm.s32 $0x5;
	s0 =	simm.s32 $0x7  }
.LBB2_1:
0x16: {  	[tilespmem:s5], [sflag:$0x1] =	stream.linear.gather [hbm4b:s6+s5], $0x100, $0x38;
	v63 =	vld [tilespmem:$0x0]  }
0x17: {  	s2 =	rddreg [dreg:$0x2]  }
0x18: {  	s7 =	rddreg [dreg:$0x6]  }
0x19: {  	[spmem:s15], [sflag:s7] =	dma.local [hbm:s2], $0x2780  }
0x1a: {  	_ =	swait.ge [sflag:s16], $0x100  }
0x1b: {  	[sflag:s16] =	ssyncset.done $0x0  }
0x1c: {  	s11 =	simm.s32 $0x100;
	s7 =	rddreg [dreg:$0x7];
	[sflag:s16] =	ssyncadd.s32 $0xFFFFFF00  }
0x1d: {  	[tilespmem:s11], [sflag:$0x1] =	stream.linear.gather [hbm4b:s7+s5], $0x100, $0x38;
	v63 =	vld [tilespmem:$0x0]  }
0x1e: {  	_ = 	snop  }
0x1f: {  	[tilespmem:s19], [sflag:$0x2] =	stream.indirect.gather [hbm4b:s1+s18], $0x80, s5, s18, $0xb8;
	v63 =	vld [tilespmem:$0x0]  }
0x20: {  	_ =	swait.ge [sflag:s16], $0x100  }
0x21: {  	[sflag:s16] =	ssyncset.done $0x0  }
0x22: {  	s12 =	rddreg [dreg:$0x8];
	[sflag:s16] =	ssyncadd.s32 $0xFFFFFF00  }
0x23: {  	[tilespmem:s20], [sflag:$0x1] =	stream.linear.gather [hbm4b:s12+s5], $0x100, $0x38;
	v63 =	vld [tilespmem:$0x0]  }
0x24: {  	s17 =	smul.u32 $0xAB, s28  }
0x25: {  	[tilespmem:s8], [sflag:$0x3] =	stream.indirect.gather [hbm4b:s1+s18], $0x80, s11, s18, $0xb8;
	v63 =	vld [tilespmem:$0x0]  }
0x26: {  	_ =	swait.ge [sflag:s16], $0x100  }
0x27: {  	s14 =	simm.s32 $0x300;
	s21 =	sadd.s32 $0xFFFFFEAA, s17;
	[sflag:s16] =	ssyncset.done $0x0  }
0x28: {  	s2 =	sshrl.u32 s17, $0x9;
	s13 =	rddreg [dreg:$0x9];
	[sflag:s16] =	ssyncadd.s32 $0xFFFFFF00  }
0x29: {  	[tilespmem:s14], [sflag:$0x1] =	stream.linear.gather [hbm4b:s13+s5], $0x100, $0x38;
	v63 =	vld [tilespmem:$0x0]  }
0x2a: {  	s2 =	sand.u32 $0x7F, s2;
	s8 =	sshrl.u32 s21, $0x9  }
0x2b: {  	[tilespmem:s10], [sflag:$0x4] =	stream.indirect.gather [hbm4b:s1+s18], $0x80, s20, s18, $0xb8;
	v63 =	vld [tilespmem:$0x0]  }
0x2c: {  	s2 =	smul.u32 $0x3, s2;
	s8 =	sand.u32 $0x7F, s8;
	_ =	swait.ge [sflag:s24], $0x2780  }
0x2d: {  	s30 =	simm.s32 $0x4;
	s8 =	smul.u32 $0x3, s8;
	[sflag:s24] =	ssyncset.done $0x0  }
0x2e: {  	s17 =	smul.u32 $0xAB, s30;
	s2 =	ssub.s32 $0x3, s2;
	[sflag:s24] =	ssyncadd.s32 $0xFFFFD880  }
0x2f: {  	s11 =	simm.s32 $0x1000;
	s8 =	ssub.s32 $0x3, s8;
	[bflag:$0x0] =	sbarrier.arrive $0xFFFF  }
0x30: {  	s21 =	simm.s32 $0x400;
	s8 =	sadd.s32 $0xFFFFFFFE, s8;
	_ =	swait.ge [sflag:s25], $0x4000  }
0x31: {  	s23 =	sand.u32 $0xC00, s11;
	s22 =	sand.u32 $0xFF, s8;
	[sflag:s25] =	ssyncset.done $0x0  }
0x32: {  	s13 =	sand.u32 $0xFF, s2;
	s12 =	sadd.s32 $0x2, s22;
	[sflag:s25] =	ssyncadd.s32 $0xFFFFC000  }
0x33: {  	[spmem:s3] =	stream.indirect.scatter.add.f32 [tilespmem:s19], [sflag:$0x5], $0x80, s18, s18, $0xb8;
	v63 =	vld [tilespmem:$0x0]  }
0x34: {  	s2 =	simm.s32 $0x1400;
	s14 =	simm.s32 $0xC00;
	_ =	swait.ge [sflag:s12], $0x4000  }
0x35: {  	s31 =	sshll.u32 s13, $0xE;
	s10 =	simm.s32 $0x5;
	[sflag:s12] =	ssyncset.done $0x0  }
0x36: {  	s8 =	sshrl.u32 s23, $0x2;
	s23 =	sadd.s32 $0xFFFFFEAA, s17;
	[sflag:s12] =	ssyncadd.s32 $0xFFFFC000  }
0x37: {  	s7 =	sshll.u32 s22, $0xE;
	s22 =	sand.u32 $0xC00, s21;
	_ =	swait.ge [sflag:s26], $0x4000  }
0x38: {  	s17 =	sshrl.u32 s17, $0x9;
	s12 =	sshrl.u32 s22, $0x2;
	[sflag:s26] =	ssyncset.done $0x0  }
0x39: {  	s11 =	sor.u32 $0x400, s7;
	s12 =	sor.u32 $0x80, s12;
	[sflag:s26] =	ssyncadd.s32 $0xFFFFC000  }
0x3a: {  	[spmem:s3] =	stream.indirect.scatter.add.f32 [tilespmem:s11], [sflag:$0x5], $0x80, s12, s18, $0xb8;
	v63 =	vld [tilespmem:$0x0]  }
0x3b: {  	s17 =	sand.u32 $0x7F, s17;
	s22 =	sadd.s32 $0x20, s9;
	s12 =	sand.u32 $0xC00, s14  }
0x3c: {  	s11 =	sadd.s32 $0x2, s13;
	s13 =	sshrl.u32 s23, $0x9;
	s14 =	smov.u32 s9  }
.LBB2_2:
0x3d: {  	s13 =	sand.u32 $0x7F, s13;
	s17 =	smul.u32 $0x3, s17  }
0x3e: {  	s7 =	smov.u32 s10;
	s21 =	sadd.s32 $0x1, s10;
	s23 =	smov.u32 s2  }
0x3f: {  	s31 =	sor.u32 $0x400, s31;
	s13 =	smul.u32 $0x3, s13;
	_ =	swait.ge [sflag:s16], $0x100  }
0x40: {  	s12 =	sshrl.u32 s12, $0x2;
	s17 =	ssub.s32 s30, s17;
	[sflag:s16] =	ssyncset.done $0x0  }
0x41: {  	s13 =	ssub.s32 s30, s13;
	s17 =	sand.u32 $0xFF, s17;
	[sflag:s16] =	ssyncadd.s32 $0xFFFFFF00  }
0x42: {  	[tilespmem:s31], [sflag:s11] =	stream.indirect.gather [hbm4b:s1+s18], $0x80, s12, s18, $0xb8;
	v63 =	vld [tilespmem:$0x0]  }
0x43: {  	s11 =	sadd.s32 $0xFFFFFFFE, s13;
	s31 =	sshll.u32 s17, $0xE;
	s12 =	sand.u32 $0xC00, s2  }
0x44: {  	[tilespmem:s8], [sflag:$0x1] =	stream.linear.gather [hbm4b:s14+s5], $0x100, $0x38;
	v63 =	vld [tilespmem:$0x0]  }
0x45: {  	p0 =	sne.s32 s10, $0x4D;
	s30 =	smov.u32 s7;
	s8 =	sand.u32 $0xFF, s11  }
0x46: {  	s14 =	smov.u32 s22;
	s7 =	sshll.u32 s8, $0xE;
	s10 =	sadd.s32 $0x2, s8  }
0x47: {  	s13 =	smul.u32 $0xAB, s30;
	_ =	swait.ge [sflag:s10], $0x4000  }
0x48: {  	s11 =	sadd.s32 $0xFFFFF400, s2;
	s8 =	sshrl.u32 s12, $0x2;
	[sflag:s10] =	ssyncset.done $0x0  }
0x49: {  	s2 =	sadd.s32 $0x400, s2;
	[sflag:s10] =	ssyncadd.s32 $0xFFFFC000;
	s10 =	sand.u32 $0xC00, s11  }
0x4a: {  	s22 =	sadd.s32 $0x20, s22;
	s11 =	sadd.s32 $0xFFFFFC00, s23;
	s10 =	sshrl.u32 s10, $0x2  }
0x4b: {  	s7 =	sor.u32 $0x400, s7;
	s12 =	sand.u32 $0xC00, s11;
	s11 =	sadd.s32 $0x2, s17  }
.Ltmp0:
0x4c: {  	s10 =	sor.u32 $0x80, s10;
	_ =	swait.ge [sflag:s26], $0x4000;
	(pc) =	sbr.rel @p0 .LBB2_2-.Ltmp0, $4  }
0x4d: {  	s23 =	sshrl.u32 s13, $0x9;
	s17 =	sadd.s32 $0xFFFFFEAA, s13;
	[sflag:s26] =	ssyncset.done $0x0  }
0x4e: {  	s13 =	sshrl.u32 s17, $0x9;
	s17 =	sand.u32 $0x7F, s23;
	[sflag:s26] =	ssyncadd.s32 $0xFFFFC000  }
0x4f: {  	[spmem:s3] =	stream.indirect.scatter.add.f32 [tilespmem:s7], [sflag:$0x5], $0x80, s10, s18, $0xb8;
	v63 =	vld [tilespmem:$0x0]  }
0x50: {  	s10 =	smov.u32 s21  }
0x51: {  	_ =	swait.ge [sflag:s16], $0x100  }
0x52: {  	s7 =	sor.u32 $0x400, s31;
	[sflag:s16] =	ssyncset.done $0x0  }
0x53: {  	s10 =	sshrl.u32 s12, $0x2;
	s23 =	sand.u32 $0x7F, s13;
	[sflag:s16] =	ssyncadd.s32 $0xFFFFFF00  }
0x54: {  	[tilespmem:s7], [sflag:s11] =	stream.indirect.gather [hbm4b:s1+s18], $0x80, s10, s18, $0xb8;
	v63 =	vld [tilespmem:$0x0]  }
0x55: {  	s7 =	smul.u32 $0x3, s23  }
0x56: {  	[tilespmem:s8], [sflag:$0x1] =	stream.linear.gather [hbm4b:s14+s5], $0x100, $0x38;
	v63 =	vld [tilespmem:$0x0]  }
0x57: {  	s7 =	ssub.s32 s30, s7  }
0x58: {  	s7 =	sadd.s32 $0xFFFFFFFE, s7  }
0x59: {  	s7 =	sand.u32 $0xFF, s7  }
0x5a: {  	s31 =	sadd.s32 $0x2, s7  }
0x5b: {  	s11 =	smul.u32 $0x3, s17;
	_ =	swait.ge [sflag:s31], $0x4000  }
0x5c: {  	s12 =	sadd.s32 $0xFFFFF400, s2;
	[sflag:s31] =	ssyncset.done $0x0  }
0x5d: {  	s17 =	sand.u32 $0xC00, s2;
	s10 =	ssub.s32 s30, s11;
	[sflag:s31] =	ssyncadd.s32 $0xFFFFC000  }
0x5e: {  	s8 =	sand.u32 $0xC00, s12;
	s10 =	sand.u32 $0xFF, s10;
	_ =	swait.ge [sflag:s26], $0x4000  }
0x5f: {  	s8 =	sshrl.u32 s8, $0x2;
	s7 =	sshll.u32 s7, $0xE;
	[sflag:s26] =	ssyncset.done $0x0  }
0x60: {  	s8 =	sor.u32 $0x80, s8;
	s7 =	sor.u32 $0x400, s7;
	[sflag:s26] =	ssyncadd.s32 $0xFFFFC000  }
0x61: {  	[spmem:s3] =	stream.indirect.scatter.add.f32 [tilespmem:s7], [sflag:$0x5], $0x80, s8, s18, $0xb8;
	v63 =	vld [tilespmem:$0x0]  }
0x62: {  	s14 =	sadd.s32 $0xFFFFFC00, s2;
	s13 =	sshll.u32 s10, $0xE;
	_ =	swait.ge [sflag:s16], $0x100  }
0x63: {  	s10 =	sadd.s32 $0x2, s10;
	s8 =	sand.u32 $0xC00, s14;
	[sflag:s16] =	ssyncset.done $0x0  }
0x64: {  	s7 =	sor.u32 $0x400, s13;
	s8 =	sshrl.u32 s8, $0x2;
	[sflag:s16] =	ssyncadd.s32 $0xFFFFFF00  }
0x65: {  	[tilespmem:s7], [sflag:s10] =	stream.indirect.gather [hbm4b:s1+s18], $0x80, s8, s18, $0xb8;
	v63 =	vld [tilespmem:$0x0]  }
0x66: {  	s2 =	sshrl.u32 s17, $0x2  }
0x67: {  	[tilespmem:s2], [sflag:$0x1] =	stream.linear.gather [hbm4b:s22+s5], $0x100, $0x38;
	v63 =	vld [tilespmem:$0x0]  }
0x68: {  	_ =	swait.ge [sflag:s28], $0x4000  }
0x69: {  	[sflag:s28] =	ssyncset.done $0x0  }
0x6a: {  	[sflag:s28] =	ssyncadd.s32 $0xFFFFC000  }
0x6b: {  	_ =	swait.ge [sflag:s26], $0x4000  }
0x6c: {  	[sflag:s26] =	ssyncset.done $0x0  }
0x6d: {  	s8 =	simm.s32 $0x4400;
	[sflag:s26] =	ssyncadd.s32 $0xFFFFC000  }
0x6e: {  	[spmem:s3] =	stream.indirect.scatter.add.f32 [tilespmem:s8], [sflag:$0x5], $0x80, s18, s18, $0xb8;
	v63 =	vld [tilespmem:$0x0]  }
0x6f: {  	_ =	swait.ge [sflag:s16], $0x100  }
0x70: {  	[sflag:s16] =	ssyncset.done $0x0  }
0x71: {  	[sflag:s16] =	ssyncadd.s32 $0xFFFFFF00  }
0x72: {  	[tilespmem:s19], [sflag:$0x2] =	stream.indirect.gather [hbm4b:s1+s18], $0x80, s20, s18, $0xb8;
	v63 =	vld [tilespmem:$0x0]  }
0x73: {  	_ =	swait.ge [sflag:s29], $0x4000  }
0x74: {  	[sflag:s29] =	ssyncset.done $0x0  }
0x75: {  	[sflag:s29] =	ssyncadd.s32 $0xFFFFC000  }
0x76: {  	_ =	swait.ge [sflag:s26], $0x4000  }
0x77: {  	[sflag:s26] =	ssyncset.done $0x0  }
0x78: {  	s21 =	simm.s32 $0x180;
	s10 =	simm.s32 $0x8400;
	[sflag:s26] =	ssyncadd.s32 $0xFFFFC000  }
0x79: {  	[spmem:s3] =	stream.indirect.scatter.add.f32 [tilespmem:s10], [sflag:$0x5], $0x80, s21, s18, $0xb8;
	v63 =	vld [tilespmem:$0x0]  }
0x7a: {  	_ =	swait.ge [sflag:s25], $0x4000  }
0x7b: {  	[sflag:s25] =	ssyncset.done $0x0  }
0x7c: {  	[sflag:s25] =	ssyncadd.s32 $0xFFFFC000  }
0x7d: {  	_ =	swait.ge [sflag:s26], $0x4000  }
0x7e: {  	[sflag:s26] =	ssyncset.done $0x0  }
0x7f: {  	s22 =	simm.s32 $0x280;
	[sflag:s26] =	ssyncadd.s32 $0xFFFFC000  }
0x80: {  	[spmem:s3] =	stream.indirect.scatter.add.f32 [tilespmem:s19], [sflag:$0x5], $0x80, s22, s18, $0xb8;
	v63 =	vld [tilespmem:$0x0]  }
0x81: {  	_ =	swait.ge [sflag:s26], $0x4000  }
0x82: {  	[sflag:s26] =	ssyncset.done $0x0  }
0x83: {  	[sflag:s26] =	ssyncadd.s32 $0xFFFFC000  }
0x84: {  	[bflag:$0x0] =	sbarrier.arrive $0xFFFF  }
0x85: {  	s23 =	rddreg [dreg:$0x5]  }
0x86: {  	s30 =	rddreg [dreg:$0xa];
	s2 =	sor.u32 $0x1C07, s23  }
0x87: {  	[hbm:s30], [sflag:s2] =	dma.local [spmem:s15], $0x2780  }
0x88: {  	_ =	swait.ge [sflag:s0], $0x2780  }
0x89: {  	s4 =	sadd.s32 $0x1, s4;
	s31 =	rddreg [dreg:$0xb]  }
0x8a: {  	p0 =	sne.s32 s4, s31  }
.Ltmp1:
0x8b: {  	_ = 	snop;
	(pc) =	sbr.rel @p0 .LBB2_1-.Ltmp1, $3  }
0x8c: {  	_ =	sdelay $0x1  }
0x8d: {  	[sflag:s0] =	ssyncset.done $0x0  }
0x8e: {  	[sflag:s0] =	ssyncadd.s32 $0xFFFFD880  }
0x8f: {  	_ =	sfence.sel $0x180000  }
0x90: {  	[bflag:$0x0] =	sbarrier.arrive $0xFFFF  }
0x91: {  	_ =	strace $0x90000047  }
0x92: {  	s0 =	stileid.u32;
	[bflag:$0x2] =	sbarrier.arrive $0xFFFF  }
0x93: {  	p0 =	sne.s32 s0, $0x0;
	s0 =	rddreg [dreg:$0x4]  }
0x94: {  	s0 =	sadd.s32 @!p0 $0x100000, s0  }
0x95: {  	[sflag:s0] =	ssyncadd.tile.s32 @!p0 $0x1;
	_ =	shalt  }
.Lfunc_end2:
_tile_overlayer_lowered:
.L_overlay_start_2:
0x96: {  	(tag) =	ssettag $0x2  }
0x97: {  	s0 =	rddreg [dreg:$0x0];
	s2 =	stileid.u32  }
0x98: {  	s1 =	rddreg [dreg:$0x1];
	p0 =	sne.s32 s2, $0x0  }
0x99: {  	s3 =	rddreg [dreg:$0x2];
	[bflag:$0x3] =	sbarrier.arrive $0xFFFF;
	s2 =	simm.s32 @!p0 $0x1C07  }
0x9a: {  	[timem:s3], [sflag:s2] =	dma.local @!p0 [hbm:s0], s1  }
0x9b: {  	s0 =	simm.s32 @!p0 $0x7  }
0x9c: {  	_ =	swait.ge @!p0 [sflag:s0], s1  }
0x9d: {  	s1 =	ssub.s32 @!p0 $0x0, s1;
	[sflag:s0] =	ssyncset.done @!p0 $0x0  }
0x9e: {  	[sflag:s0] =	ssyncadd.s32 @!p0 s1  }
0x9f: {  	[bflag:$0x3] =	sbarrier.arrive $0xFFFF  }
0xa0: {  	_ =	shalt  }

</sc_bundles>
